<compile_context>
chip_gen: v7x
topology: tpu7x:2x2x1
jax: 0.10.2.dev20260603
libtpu: 0.0.44.dev20260713+nightly
codegen_flags: <defaults>
</compile_context>

<pallas_src>
import functools

import jax
import jax.numpy as jnp
from jax import lax
from jax.experimental import pallas as pl
from jax.experimental.pallas import tpu as pltpu
from jax.experimental.pallas import tpu_sc as plsc

D = 64
DE = 32
DX = 3
NH = 4
N = 512
EDGES = 32768

EB = 2048
NB = EDGES // EB
IB = 32
F32 = jnp.float32


def _dot(a, b):
    return lax.dot_general(a, b, (((1,), (0,)), ((), ())),
                           preferred_element_type=F32)


def _dot_t(a, b):
    return lax.dot_general(a, b, (((0,), (0,)), ((), ())),
                           preferred_element_type=F32)


def _silu(x):
    return x * jax.nn.sigmoid(x)


def _gather_b(btab, idxs):
    info = plsc.get_sparse_core_info()
    nc, ns = info.num_cores, info.num_subcores
    nw = nc * ns
    per_w = EDGES // nw
    ch = per_w // 128

    mesh = plsc.VectorSubcoreMesh(core_axis_name="c", subcore_axis_name="s")

    @functools.partial(
        pl.kernel, mesh=mesh,
        out_type=[jax.ShapeDtypeStruct((EDGES, 128), F32)] * NH,
        scratch_types=[
            pltpu.VMEM((ch, 128), jnp.int32),
            pltpu.VMEM((128, 128), F32),
            pltpu.SemaphoreType.DMA,
        ],
    )
    def k(btab_hbm, idx_hbm, o0, o1, o2, o3, idx_v, rows_v, sem):
        wid = lax.axis_index("s") * nc + lax.axis_index("c")
        base = wid * per_w
        for g, out_hbm in enumerate((o0, o1, o2, o3)):
            pltpu.sync_copy(idx_hbm.at[g, wid], idx_v)
            for c in range(ch):
                pltpu.async_copy(btab_hbm.at[idx_v.at[c]], rows_v, sem).wait()
                pltpu.sync_copy(rows_v, out_hbm.at[pl.ds(base + c * 128, 128)])

    return k(btab, idxs)


def _bias_body(zt_ref, pw1t, pb1, pw2t, pb2, o0, o1, o2, o3):
    w1t = pw1t[...]
    w2t = pw2t[...]
    b1 = pb1[...]
    b2 = pb2[...]
    for i in range(IB):
        h = _silu(_dot(w1t, zt_ref[i]) + b1)
        bt = _dot(w2t, h) + b2
        o0[i, :] = bt[0]
        o1[i, :] = bt[1]
        o2[i, :] = bt[2]
        o3[i, :] = bt[3]


def _node_body(h_ref, qw1, qb1, qw2, qb2, kw1d, kb1, lw1, lb1, lw2, lb2,
               rw1, rb1, rw2, rb2, ew1s, ew1d,
               qn_ref, akv_ref, lz_ref, rz_ref, hsp_ref, hdp_ref):
    h = h_ref[...]
    qn_ref[...] = _dot(_silu(_dot(h, qw1[...]) + qb1[...]), qw2[...]) + qb2[...]
    akv_ref[...] = _dot(h, kw1d[...]) + kb1[...]
    lz_ref[...] = _dot(_silu(_dot(h, lw1[...]) + lb1[...]), lw2[...]) + lb2[...]
    rz_ref[...] = _dot(_silu(_dot(h, rw1[...]) + rb1[...]), rw2[...]) + rb2[...]
    hsp_ref[...] = _dot(h, ew1s[...])
    hdp_ref[...] = _dot(h, ew1d[...])


def _edge1_body(src_ref, dst_ref, tsrc_ref, tdst_ref,
                bg0, bg1, bg2, bg3, e_ref,
                w1r, kb1, kw2, kb2,
                gw1, gb1, gw2, gb2, xw1, xb1, xw2, xb2,
                v_ref, aux_ref, den_ref):
    src = src_ref[0, 0, :]
    dst = dst_ref[0, 0, :]
    iota_n = lax.broadcasted_iota(jnp.int32, (EB, N), 1)
    s_s = (src[:, None] == iota_n).astype(F32)
    s_d = (dst[:, None] == iota_n).astype(F32)

    gs = _dot(s_s, tsrc_ref[...])
    gd = _dot(s_d, tdst_ref[...])
    xs, qe = gs[:, :DX], gs[:, DX:]
    xd, ae = gd[:, :DX], gd[:, DX:]

    rel = xs - xd
    rdist = jnp.sum(rel * rel, axis=1, keepdims=True)

    h_kv = _silu(ae + rdist * w1r[...] + kb1[...])
    kv = _dot(h_kv, kw2[...]) + kb2[...]
    k = kv[:, :NH * D]
    v = kv[:, NH * D:]

    qk = qe * k
    scores = jnp.concatenate(
        [jnp.sum(qk[:, h * D:(h + 1) * D], axis=1, keepdims=True)
         for h in range(NH)], axis=1) * (1.0 / 8.0)

    lane = jnp.bitwise_and(dst, 127)
    ohl = (lane[:, None] ==
           lax.broadcasted_iota(jnp.int32, (EB, 128), 1)).astype(F32)
    bv = jnp.concatenate(
        [jnp.sum(bg[...] * ohl, axis=1, keepdims=True)
         for bg in (bg0, bg1, bg2, bg3)], axis=1)
    scores = scores + bv
    ex = jnp.exp(scores)

    hg = _silu(_dot(e_ref[...], gw1[...]) + gb1[...])
    gate = jax.nn.sigmoid(_dot(hg, gw2[...]) + gb2[...])

    hx = _silu(_dot(v, xw1[...]) + xb1[...])
    cw = jnp.clip(_dot(hx, xw2[...]) + xb2[...], -10.0, 10.0)

    xrn = rel / (1.0 + jnp.sqrt(rdist + 1e-8))

    v_ref[...] = v
    aux_ref[...] = jnp.concatenate([gate * ex, xrn, cw], axis=1)

    @pl.when(pl.program_id(0) == 0)
    def _():
        den_ref[...] = jnp.zeros_like(den_ref)
    den_ref[...] += _dot_t(s_s, ex)


def _edge2_body(src_ref, dst_ref, den_ref, hsp_ref, hdp_ref, v_ref, aux_ref,
                e_ref, ew1a, ew1x, eb1, ew2, eb2,
                eout_ref, acc_ref):
    src = src_ref[0, 0, :]
    dst = dst_ref[0, 0, :]
    iota_n = lax.broadcasted_iota(jnp.int32, (EB, N), 1)
    s_s = (src[:, None] == iota_n).astype(F32)
    s_d = (dst[:, None] == iota_n).astype(F32)

    rd = 1.0 / (den_ref[...] + 1e-16)
    aux = aux_ref[...]
    gex, xrn, cw = aux[:, :NH], aux[:, NH:NH + DX], aux[:, NH + DX:]
    alpha_ij = gex * _dot(s_s, rd)

    v = v_ref[...]
    u = jnp.concatenate(
        [alpha_ij[:, h:h + 1] * v[:, h * D:(h + 1) * D] for h in range(NH)],
        axis=1)
    am = jnp.sum(alpha_ij, axis=1, keepdims=True) * (1.0 / NH)
    xu = am * xrn * cw
    p = jnp.concatenate([u, xu, am], axis=1)

    @pl.when(pl.program_id(0) == 0)
    def _():
        acc_ref[...] = jnp.zeros_like(acc_ref)
    acc_ref[...] += _dot_t(s_d, p)

    he = _silu(_dot(alpha_ij, ew1a[...]) + _dot(xrn, ew1x[...])
               + _dot(s_s, hsp_ref[...]) + _dot(s_d, hdp_ref[...]) + eb1[...])
    eout_ref[...] = e_ref[...] + _dot(he, ew2[...]) + eb2[...]


def _final_body(h_ref, x_ref, attn_ref, xup_ref, hw1, hb1, hw2, hb2,
                hout_ref, xout_ref):
    hh = _silu(_dot(attn_ref[...], hw1[...]) + hb1[...])
    hout_ref[...] = h_ref[...] + _dot(hh, hw2[...]) + hb2[...]
    xout_ref[...] = x_ref[...] + xup_ref[...]


def _z_body(zt_ref, lz_ref, rz_ref, alpha_ref, jw1, jb1, jw2, jb2,
            zout_ref):
    ar = alpha_ref[...] * rz_ref[...]
    lb = lz_ref[...]
    m = (lb[:, None, :] * ar[None, :, :]).reshape(IB * N, D)
    h = _silu(_dot(m, jw1[...]) + jb1[...])
    g = (_dot(h, jw2[...]) + jb2[...]).reshape(IB, N, D)
    zout_ref[...] = zt_ref[...] + jnp.swapaxes(g, 1, 2)


def _row(x):
    return x.reshape(1, -1)


def kernel(batch, X, H, E, E_idx, Z, params):
    src = E_idx[0]
    dst = E_idx[1]

    p_q, p_kv = params["Q"], params["KV"]
    p_g = params["gate"]
    p_ph, p_px = params["phi_h"], params["phi_x"]
    p_l, p_r, p_j = params["left_z"], params["right_z"], params["joint_z"]
    p_e = params["phi_e"]

    node_out = pl.pallas_call(
        _node_body,
        out_shape=[
            jax.ShapeDtypeStruct((N, NH * D), F32),
            jax.ShapeDtypeStruct((N, 2 * D), F32),
            jax.ShapeDtypeStruct((N, D), F32),
            jax.ShapeDtypeStruct((N, D), F32),
            jax.ShapeDtypeStruct((N, DE), F32),
            jax.ShapeDtypeStruct((N, DE), F32),
        ],
    )(H, p_q["W1"], _row(p_q["b1"]), p_q["W2"], _row(p_q["b2"]),
      p_kv["W1"][1:], _row(p_kv["b1"]),
      p_l["W1"], _row(p_l["b1"]), p_l["W2"], _row(p_l["b2"]),
      p_r["W1"], _row(p_r["b1"]), p_r["W2"], _row(p_r["b2"]),
      p_e["W1"][NH + DX:NH + DX + D], p_e["W1"][NH + DX + D:])
    qn, akv, lz, rz, hsp, hdp = node_out

    tsrc = jnp.concatenate([X, qn], axis=1)
    tdst = jnp.concatenate([X, akv], axis=1)
    src3 = src.reshape(NB, 1, EB)
    dst3 = dst.reshape(NB, 1, EB)

    eblk = lambda w: pl.BlockSpec((EB, w), lambda i: (i, 0))
    iblk = pl.BlockSpec((1, 1, EB), lambda i: (i, 0, 0))
    const = lambda s: pl.BlockSpec(s, lambda i: (0,) * len(s))

    zt = jnp.transpose(Z, (0, 2, 1))
    p_pb_ = params["pair_bias"]
    btabs = pl.pallas_call(
        _bias_body,
        grid=(N // IB,),
        in_specs=[pl.BlockSpec((IB, D, N), lambda i: (i, 0, 0)),
                  const((D, D)), const((D, 1)), const((NH, D)),
                  const((NH, 1))],
        out_specs=[pl.BlockSpec((IB, N), lambda i: (i, 0))] * NH,
        out_shape=[jax.ShapeDtypeStruct((N, N), F32)] * NH,
    )(zt, p_pb_["W1"].T, p_pb_["b1"].reshape(D, 1),
      p_pb_["W2"].T, p_pb_["b2"].reshape(NH, 1))
    btab = jnp.concatenate(btabs, axis=0).reshape(NH * N * N // 128, 128)
    row0 = (src * (N // 128) + lax.shift_right_logical(dst, 7)).astype(jnp.int32)
    idxs = jnp.stack(
        [row0 + g * (N * N // 128) for g in range(NH)], axis=0
    ).reshape(NH, 32, -1, 128)
    bgs = _gather_b(btab, idxs)

    v_e, aux, den = pl.pallas_call(
        _edge1_body,
        grid=(NB,),
        in_specs=[iblk, iblk,
                  const((N, DX + NH * D)), const((N, DX + 2 * D)),
                  eblk(128), eblk(128), eblk(128), eblk(128), eblk(DE),
                  const((1, 2 * D)), const((1, 2 * D)), const((2 * D, 8 * D)),
                  const((1, 8 * D)),
                  const((DE, DE)), const((1, DE)), const((DE, NH)),
                  const((1, NH)),
                  const((NH * D, D)), const((1, D)), const((D, 1)),
                  const((1, 1))],
        out_specs=[eblk(NH * D), eblk(8), const((N, NH))],
        out_shape=[
            jax.ShapeDtypeStruct((EDGES, NH * D), F32),
            jax.ShapeDtypeStruct((EDGES, 8), F32),
            jax.ShapeDtypeStruct((N, NH), F32),
        ],
    )(src3, dst3, tsrc, tdst, bgs[0], bgs[1], bgs[2], bgs[3], E,
      _row(p_kv["W1"][0]), _row(p_kv["b1"]), p_kv["W2"], _row(p_kv["b2"]),
      p_g["W1"], _row(p_g["b1"]), p_g["W2"], _row(p_g["b2"]),
      p_px["W1"], _row(p_px["b1"]), p_px["W2"], _row(p_px["b2"]))

    e_out, acc = pl.pallas_call(
        _edge2_body,
        grid=(NB,),
        in_specs=[iblk, iblk, const((N, NH)), const((N, DE)), const((N, DE)),
                  eblk(NH * D), eblk(8), eblk(DE),
                  const((NH, DE)), const((DX, DE)), const((1, DE)),
                  const((DE, DE)), const((1, DE))],
        out_specs=[eblk(DE), const((N, NH * D + DX + 1))],
        out_shape=[
            jax.ShapeDtypeStruct((EDGES, DE), F32),
            jax.ShapeDtypeStruct((N, NH * D + DX + 1), F32),
        ],
    )(src3, dst3, den, hsp, hdp, v_e, aux, E,
      p_e["W1"][:NH], p_e["W1"][NH:NH + DX], _row(p_e["b1"]),
      p_e["W2"], _row(p_e["b2"]))

    attn_out = acc[:, :NH * D]
    x_up = acc[:, NH * D:NH * D + DX]
    alpha = acc[:, NH * D + DX:]

    h_out, x_out = pl.pallas_call(
        _final_body,
        out_shape=[jax.ShapeDtypeStruct((N, D), F32),
                   jax.ShapeDtypeStruct((N, DX), F32)],
    )(H, X, attn_out, x_up,
      p_ph["W1"], _row(p_ph["b1"]), p_ph["W2"], _row(p_ph["b2"]))

    zt = jnp.transpose(Z, (0, 2, 1))
    zt_out = pl.pallas_call(
        _z_body,
        grid=(N // IB,),
        in_specs=[pl.BlockSpec((IB, D, N), lambda i: (i, 0, 0)),
                  pl.BlockSpec((IB, D), lambda i: (i, 0)),
                  const((N, D)), const((N, 1)),
                  const((D, D)), const((1, D)), const((D, D)), const((1, D))],
        out_specs=pl.BlockSpec((IB, D, N), lambda i: (i, 0, 0)),
        out_shape=jax.ShapeDtypeStruct((N, D, N), F32),
    )(zt, lz, rz, alpha,
      p_j["W1"], _row(p_j["b1"]), p_j["W2"], _row(p_j["b2"]))
    z_out = jnp.transpose(zt_out, (0, 2, 1))

    return (h_out, x_out, z_out, e_out)

# --- scband reference (transcript-rebuilt; emitter-appended) ---
"""Pipeline reference for scband-attention-layer-42803644072573 (READ-ONLY COPY).

The authoritative reference and input builder live on the scoring server;
editing this copy changes nothing except your own understanding.
"""

import jax, jax.numpy as jnp
import numpy as np

D = 64      # invariant_node_feat_dim
DE = 32     # invariant_edge_feat_dim
DX = 3      # equivariant_node_feature_dim
NH = 4      # num_heads
N = 512     # num_nodes
EDGES = 32768


def _mk_mlp(key, din, dh, dout):
    k1, k2 = jax.random.split(key)
    return {
        "W1": jax.random.normal(k1, (din, dh), jnp.float32) * 0.05,
        "b1": jnp.zeros((dh,), jnp.float32),
        "W2": jax.random.normal(k2, (dh, dout), jnp.float32) * 0.05,
        "b2": jnp.zeros((dout,), jnp.float32),
    }


def _mlp(p, x, last_sigmoid=False):
    h = jax.nn.silu(x @ p["W1"] + p["b1"])
    o = h @ p["W2"] + p["b2"]
    return jax.nn.sigmoid(o) if last_sigmoid else o


def _make_params(key):
    ks = jax.random.split(key, 10)
    return {
        "KV": _mk_mlp(ks[0], D + 1, 2 * D, 2 * D * NH),
        "Q": _mk_mlp(ks[1], D, D, D * NH),
        "pair_bias": _mk_mlp(ks[2], D, D, NH),
        "gate": _mk_mlp(ks[3], DE, DE, NH),
        "phi_h": _mk_mlp(ks[4], D * NH, D, D),
        "phi_x": _mk_mlp(ks[5], D * NH, D, 1),
        "left_z": _mk_mlp(ks[6], D, D, D),
        "right_z": _mk_mlp(ks[7], D, D, D),
        "joint_z": _mk_mlp(ks[8], D, D, D),
        "phi_e": _mk_mlp(ks[9], 2 * D + DX + NH, DE, DE),
    }


def setup_inputs(seed: int = 0):
    key = jax.random.key(seed)
    ks = jax.random.split(key, 6)
    batch = jnp.zeros((N,), jnp.int32)
    X = jax.random.normal(ks[0], (N, DX), jnp.float32)
    H = jax.random.normal(ks[1], (N, D), jnp.float32)
    E = jax.random.normal(ks[2], (EDGES, DE), jnp.float32)
    E_idx = jax.random.randint(ks[3], (2, EDGES), 0, N, jnp.int32)
    Z = jax.random.normal(ks[4], (N, N, D), jnp.float32) * 0.1
    params = _make_params(ks[5])
    return {"batch": batch, "X": X, "H": H, "E": E, "E_idx": E_idx, "Z": Z, "params": params}


def _scatter_softmax(scores, index, num_segments):
    smax = jax.ops.segment_max(scores, index, num_segments=num_segments)
    smax = jnp.where(jnp.isfinite(smax), smax, 0.0)
    ex = jnp.exp(scores - smax[index])
    denom = jax.ops.segment_sum(ex, index, num_segments=num_segments)
    return ex / (denom[index] + 1e-16)


def _forward(params, X, H, E, Z, E_idx):
    src, dst = E_idx[0], E_idx[1]
    num_nodes = H.shape[0]
    num_edges = E.shape[0]
    head_dim = D
    Q = _mlp(params["Q"], H[src]).reshape(num_edges, NH, head_dim)
    rel_dist = jnp.sum((X[src] - X[dst]) ** 2, axis=-1, keepdims=True)
    kv = _mlp(params["KV"], jnp.concatenate([rel_dist, H[dst]], axis=-1))
    K, V = jnp.split(kv, 2, axis=-1)
    K = K.reshape(num_edges, NH, head_dim)
    V = V.reshape(num_edges, NH, head_dim)
    Bmat = _mlp(params["pair_bias"], Z).reshape(num_nodes, num_nodes, NH, 1)
    scores = jnp.sum(Q * K, axis=-1) / (head_dim ** 0.5)
    scores = scores + Bmat[src, dst][..., 0]
    attn = _scatter_softmax(scores, src, num_nodes)
    alpha_ij = _mlp(params["gate"], E, last_sigmoid=True) * attn
    attn_out = jnp.zeros((num_nodes, NH, head_dim), jnp.float32).at[dst].add(alpha_ij[..., None] * V)
    H_out = H + _mlp(params["phi_h"], attn_out.reshape(num_nodes, -1))
    coor_wij = jnp.clip(_mlp(params["phi_x"], V.reshape(num_edges, -1)), -10.0, 10.0)
    rel_coors = X[src] - X[dst]
    X_rel_norm = rel_coors / (1.0 + jnp.sqrt(rel_dist + 1e-8))
    x_update = jnp.zeros_like(X).at[dst].add(jnp.mean(alpha_ij, axis=1, keepdims=True) * X_rel_norm * coor_wij)
    X_out = X + x_update
    alpha = jax.ops.segment_sum(jnp.mean(alpha_ij, axis=1), dst, num_segments=num_nodes)[:, None]
    outer = jnp.einsum('ik,jk->ijk', _mlp(params["left_z"], H), _mlp(params["right_z"], H))
    z_update = _mlp(params["joint_z"], alpha * outer)
    Z_out = Z + z_update
    e_inputs = jnp.concatenate([alpha_ij, X_rel_norm, H[src], H[dst]], axis=-1)
    E_out = E + _mlp(params["phi_e"], e_inputs)
    return (H_out, X_out, Z_out, E_out)


def reference(batch, X, H, E, E_idx, Z, params):
    return _forward(params, X, H, E, Z, E_idx)

if __name__ == "__main__":
    import jax
    _d = setup_inputs()
    print(jax.jit(kernel)(*tuple(_d.values())))

</pallas_src>

<mosaic_0001>
#map = affine_map<(d0, d1) -> (0, 0)>
#map1 = affine_map<(d0, d1) -> (0, 0, 0, 0)>
module attributes {stable_mosaic.version = 14 : i64} {
  func.func @k(%arg0: i32, %arg1: i32, %arg2: memref<8192x128xf32, #tpu.memory_space<hbm>>, %arg3: memref<4x32x8x128xi32, #tpu.memory_space<hbm>>, %arg4: memref<32768x128xf32, #tpu.memory_space<hbm>>, %arg5: memref<32768x128xf32, #tpu.memory_space<hbm>>, %arg6: memref<32768x128xf32, #tpu.memory_space<hbm>>, %arg7: memref<32768x128xf32, #tpu.memory_space<hbm>>, %arg8: memref<8x128xi32, #tpu.memory_space<vmem>>, %arg9: memref<128x128xf32, #tpu.memory_space<vmem>>, %arg10: memref<!tpu.dma_semaphore, #tpu.memory_space<semaphore_mem>>) attributes {dimension_semantics = [#tpu.dimension_semantics<core_parallel>, #tpu.dimension_semantics<subcore_parallel>], iteration_bounds = array<i64: 2, 16>, scalar_prefetch = 0 : i64, scratch_operands = 3 : i64, tpu.core_type = #tpu.core_type<sc_vector_subcore>, window_params = [{transform_indices = #map}, {transform_indices = #map1}, {transform_indices = #map}, {transform_indices = #map}, {transform_indices = #map}, {transform_indices = #map}]} {
    %mul3A = arith.constant 2 : i32
    %mul3A_0 = arith.muli %arg1, %mul3A : i32
    %add3A = arith.addi %mul3A_0, %arg0 : i32
    %mul3A_1 = arith.constant 1024 : i32
    %mul3A_2 = arith.muli %add3A, %mul3A_1 : i32
    %run_scoped3A = arith.constant 0 : i32
    "tpu.region"() ({
      %run_scoped3A_516 = tpu.sem_alloc : memref<!tpu.dma_semaphore, #tpu.memory_space<semaphore_mem>>
      %dma_start3A_517 = arith.constant 0 : i32
      %dma_start3A_518 = arith.constant 0 : i32
      %dma_start3A_519 = tpu.memref_slice %arg3[%run_scoped3A, %add3A, %dma_start3A_517, %dma_start3A_518] : memref<4x32x8x128xi32, #tpu.memory_space<hbm>> -> memref<1x1x8x128xi32, #tpu.memory_space<hbm>>
      %dma_start3A_520 = tpu.memref_squeeze %dma_start3A_519 : memref<1x1x8x128xi32, #tpu.memory_space<hbm>> -> memref<8x128xi32, #tpu.memory_space<hbm>>
      %dma_start3A_521 = arith.constant 0 : i32
      %dma_start3A_522 = arith.constant 0 : i32
      %dma_start3A_523 = tpu.memref_slice %arg3[%run_scoped3A, %add3A, %dma_start3A_521, %dma_start3A_522] : memref<4x32x8x128xi32, #tpu.memory_space<hbm>> -> memref<1x1x8x128xi32, #tpu.memory_space<hbm>>
      %dma_start3A_524 = tpu.memref_squeeze %dma_start3A_523 : memref<1x1x8x128xi32, #tpu.memory_space<hbm>> -> memref<8x128xi32, #tpu.memory_space<hbm>>
      tpu.enqueue_dma source(%dma_start3A_524 : memref<8x128xi32, #tpu.memory_space<hbm>>) target(%arg8 : memref<8x128xi32, #tpu.memory_space<vmem>>) target_semaphore(%run_scoped3A_516 : memref<!tpu.dma_semaphore, #tpu.memory_space<semaphore_mem>>)
      %dma_wait3A_525 = arith.constant 0 : i32
      %dma_wait3A_526 = arith.constant 0 : i32
      %dma_wait3A_527 = tpu.memref_slice %arg3[%run_scoped3A, %add3A, %dma_wait3A_525, %dma_wait3A_526] : memref<4x32x8x128xi32, #tpu.memory_space<hbm>> -> memref<1x1x8x128xi32, #tpu.memory_space<hbm>>
      %dma_wait3A_528 = tpu.memref_squeeze %dma_wait3A_527 : memref<1x1x8x128xi32, #tpu.memory_space<hbm>> -> memref<8x128xi32, #tpu.memory_space<hbm>>
      %dma_wait3A_529 = arith.constant 0 : i32
      %dma_wait3A_530 = arith.constant 0 : i32
      %dma_wait3A_531 = tpu.memref_slice %arg3[%run_scoped3A, %add3A, %dma_wait3A_529, %dma_wait3A_530] : memref<4x32x8x128xi32, #tpu.memory_space<hbm>> -> memref<1x1x8x128xi32, #tpu.memory_space<hbm>>
      %dma_wait3A_532 = tpu.memref_squeeze %dma_wait3A_531 : memref<1x1x8x128xi32, #tpu.memory_space<hbm>> -> memref<8x128xi32, #tpu.memory_space<hbm>>
      tpu.wait_dma2 semaphore(%run_scoped3A_516 : memref<!tpu.dma_semaphore, #tpu.memory_space<semaphore_mem>>) src(%dma_wait3A_532 : memref<8x128xi32, #tpu.memory_space<hbm>>) dst(%arg8 : memref<8x128xi32, #tpu.memory_space<vmem>>)
      tpu.yield
    }) : () -> ()
    %dma_start3A = arith.constant 0 : i32
    %dma_start3A_3 = arith.constant 0 : i32
    %dma_start3A_4 = tpu.memref_slice %arg8[%dma_start3A, %dma_start3A_3] : memref<8x128xi32, #tpu.memory_space<vmem>> -> memref<1x128xi32, #tpu.memory_space<vmem>>
    %dma_start3A_5 = tpu.memref_squeeze %dma_start3A_4 : memref<1x128xi32, #tpu.memory_space<vmem>> -> memref<128xi32, #tpu.memory_space<vmem>>
    %dma_start3A_6 = arith.constant 0 : i32
    %dma_start3A_7 = arith.constant 0 : i32
    %dma_start3A_8 = tpu.memref_slice %arg2[%dma_start3A_6, %dma_start3A_7] : memref<8192x128xf32, #tpu.memory_space<hbm>> -> memref<8192x128xf32, #tpu.memory_space<hbm>>
    tpu.enqueue_indirect_dma source(%dma_start3A_8 : memref<8192x128xf32, #tpu.memory_space<hbm>>) target(%arg9 : memref<128x128xf32, #tpu.memory_space<vmem>>) offsets(%dma_start3A_5 : memref<128xi32, #tpu.memory_space<vmem>>) semaphore(%arg10 : memref<!tpu.dma_semaphore, #tpu.memory_space<semaphore_mem>>)
    %dma_wait3A = arith.constant 0 : i32
    %dma_wait3A_9 = arith.constant 0 : i32
    %dma_wait3A_10 = tpu.memref_slice %arg8[%dma_wait3A, %dma_wait3A_9] : memref<8x128xi32, #tpu.memory_space<vmem>> -> memref<1x128xi32, #tpu.memory_space<vmem>>
    %dma_wait3A_11 = tpu.memref_squeeze %dma_wait3A_10 : memref<1x128xi32, #tpu.memory_space<vmem>> -> memref<128xi32, #tpu.memory_space<vmem>>
    %dma_wait3A_12 = arith.constant 0 : i32
    %dma_wait3A_13 = arith.constant 0 : i32
    %dma_wait3A_14 = tpu.memref_slice %arg2[%dma_wait3A_12, %dma_wait3A_13] : memref<8192x128xf32, #tpu.memory_space<hbm>> -> memref<8192x128xf32, #tpu.memory_space<hbm>>
    tpu.wait_indirect_dma semaphore(%arg10 : memref<!tpu.dma_semaphore, #tpu.memory_space<semaphore_mem>>) src(%dma_wait3A_14 : memref<8192x128xf32, #tpu.memory_space<hbm>>) dst(%arg9 : memref<128x128xf32, #tpu.memory_space<vmem>>)
    %add3A_15 = arith.constant 0 : i32
    %add3A_16 = arith.addi %mul3A_2, %add3A_15 : i32
    "tpu.region"() ({
      %run_scoped3A_516 = tpu.sem_alloc : memref<!tpu.dma_semaphore, #tpu.memory_space<semaphore_mem>>
      %dma_start3A_517 = arith.constant 0 : i32
      %dma_start3A_518 = tpu.memref_slice %arg4[%add3A_16, %dma_start3A_517] : memref<32768x128xf32, #tpu.memory_space<hbm>> -> memref<128x128xf32, #tpu.memory_space<hbm>>
      %dma_start3A_519 = arith.constant 0 : i32
      %dma_start3A_520 = tpu.memref_slice %arg4[%add3A_16, %dma_start3A_519] : memref<32768x128xf32, #tpu.memory_space<hbm>> -> memref<128x128xf32, #tpu.memory_space<hbm>>
      tpu.enqueue_dma source(%arg9 : memref<128x128xf32, #tpu.memory_space<vmem>>) target(%dma_start3A_520 : memref<128x128xf32, #tpu.memory_space<hbm>>) target_semaphore(%run_scoped3A_516 : memref<!tpu.dma_semaphore, #tpu.memory_space<semaphore_mem>>)
      %dma_wait3A_521 = arith.constant 0 : i32
      %dma_wait3A_522 = tpu.memref_slice %arg4[%add3A_16, %dma_wait3A_521] : memref<32768x128xf32, #tpu.memory_space<hbm>> -> memref<128x128xf32, #tpu.memory_space<hbm>>
      %dma_wait3A_523 = arith.constant 0 : i32
      %dma_wait3A_524 = tpu.memref_slice %arg4[%add3A_16, %dma_wait3A_523] : memref<32768x128xf32, #tpu.memory_space<hbm>> -> memref<128x128xf32, #tpu.memory_space<hbm>>
      tpu.wait_dma2 semaphore(%run_scoped3A_516 : memref<!tpu.dma_semaphore, #tpu.memory_space<semaphore_mem>>) src(%arg9 : memref<128x128xf32, #tpu.memory_space<vmem>>) dst(%dma_wait3A_524 : memref<128x128xf32, #tpu.memory_space<hbm>>)
      tpu.yield
    }) : () -> ()
    %dma_start3A_17 = arith.constant 1 : i32
    %dma_start3A_18 = arith.constant 0 : i32
    %dma_start3A_19 = tpu.memref_slice %arg8[%dma_start3A_17, %dma_start3A_18] : memref<8x128xi32, #tpu.memory_space<vmem>> -> memref<1x128xi32, #tpu.memory_space<vmem>>
    %dma_start3A_20 = tpu.memref_squeeze %dma_start3A_19 : memref<1x128xi32, #tpu.memory_space<vmem>> -> memref<128xi32, #tpu.memory_space<vmem>>
    %dma_start3A_21 = arith.constant 0 : i32
    %dma_start3A_22 = arith.constant 0 : i32
    %dma_start3A_23 = tpu.memref_slice %arg2[%dma_start3A_21, %dma_start3A_22] : memref<8192x128xf32, #tpu.memory_space<hbm>> -> memref<8192x128xf32, #tpu.memory_space<hbm>>
    tpu.enqueue_indirect_dma source(%dma_start3A_23 : memref<8192x128xf32, #tpu.memory_space<hbm>>) target(%arg9 : memref<128x128xf32, #tpu.memory_space<vmem>>) offsets(%dma_start3A_20 : memref<128xi32, #tpu.memory_space<vmem>>) semaphore(%arg10 : memref<!tpu.dma_semaphore, #tpu.memory_space<semaphore_mem>>)
    %dma_wait3A_24 = arith.constant 1 : i32
    %dma_wait3A_25 = arith.constant 0 : i32
    %dma_wait3A_26 = tpu.memref_slice %arg8[%dma_wait3A_24, %dma_wait3A_25] : memref<8x128xi32, #tpu.memory_space<vmem>> -> memref<1x128xi32, #tpu.memory_space<vmem>>
    %dma_wait3A_27 = tpu.memref_squeeze %dma_wait3A_26 : memref<1x128xi32, #tpu.memory_space<vmem>> -> memref<128xi32, #tpu.memory_space<vmem>>
    %dma_wait3A_28 = arith.constant 0 : i32
    %dma_wait3A_29 = arith.constant 0 : i32
    %dma_wait3A_30 = tpu.memref_slice %arg2[%dma_wait3A_28, %dma_wait3A_29] : memref<8192x128xf32, #tpu.memory_space<hbm>> -> memref<8192x128xf32, #tpu.memory_space<hbm>>
    tpu.wait_indirect_dma semaphore(%arg10 : memref<!tpu.dma_semaphore, #tpu.memory_space<semaphore_mem>>) src(%dma_wait3A_30 : memref<8192x128xf32, #tpu.memory_space<hbm>>) dst(%arg9 : memref<128x128xf32, #tpu.memory_space<vmem>>)
    %add3A_31 = arith.constant 128 : i32
    %add3A_32 = arith.addi %mul3A_2, %add3A_31 : i32
    "tpu.region"() ({
      %run_scoped3A_516 = tpu.sem_alloc : memref<!tpu.dma_semaphore, #tpu.memory_space<semaphore_mem>>
      %dma_start3A_517 = arith.constant 0 : i32
      %dma_start3A_518 = tpu.memref_slice %arg4[%add3A_32, %dma_start3A_517] : memref<32768x128xf32, #tpu.memory_space<hbm>> -> memref<128x128xf32, #tpu.memory_space<hbm>>
      %dma_start3A_519 = arith.constant 0 : i32
      %dma_start3A_520 = tpu.memref_slice %arg4[%add3A_32, %dma_start3A_519] : memref<32768x128xf32, #tpu.memory_space<hbm>> -> memref<128x128xf32, #tpu.memory_space<hbm>>
      tpu.enqueue_dma source(%arg9 : memref<128x128xf32, #tpu.memory_space<vmem>>) target(%dma_start3A_520 : memref<128x128xf32, #tpu.memory_space<hbm>>) target_semaphore(%run_scoped3A_516 : memref<!tpu.dma_semaphore, #tpu.memory_space<semaphore_mem>>)
      %dma_wait3A_521 = arith.constant 0 : i32
      %dma_wait3A_522 = tpu.memref_slice %arg4[%add3A_32, %dma_wait3A_521] : memref<32768x128xf32, #tpu.memory_space<hbm>> -> memref<128x128xf32, #tpu.memory_space<hbm>>
      %dma_wait3A_523 = arith.constant 0 : i32
      %dma_wait3A_524 = tpu.memref_slice %arg4[%add3A_32, %dma_wait3A_523] : memref<32768x128xf32, #tpu.memory_space<hbm>> -> memref<128x128xf32, #tpu.memory_space<hbm>>
      tpu.wait_dma2 semaphore(%run_scoped3A_516 : memref<!tpu.dma_semaphore, #tpu.memory_space<semaphore_mem>>) src(%arg9 : memref<128x128xf32, #tpu.memory_space<vmem>>) dst(%dma_wait3A_524 : memref<128x128xf32, #tpu.memory_space<hbm>>)
      tpu.yield
    }) : () -> ()
    %dma_start3A_33 = arith.constant 2 : i32
    %dma_start3A_34 = arith.constant 0 : i32
    %dma_start3A_35 = tpu.memref_slice %arg8[%dma_start3A_33, %dma_start3A_34] : memref<8x128xi32, #tpu.memory_space<vmem>> -> memref<1x128xi32, #tpu.memory_space<vmem>>
    %dma_start3A_36 = tpu.memref_squeeze %dma_start3A_35 : memref<1x128xi32, #tpu.memory_space<vmem>> -> memref<128xi32, #tpu.memory_space<vmem>>
    %dma_start3A_37 = arith.constant 0 : i32
    %dma_start3A_38 = arith.constant 0 : i32
    %dma_start3A_39 = tpu.memref_slice %arg2[%dma_start3A_37, %dma_start3A_38] : memref<8192x128xf32, #tpu.memory_space<hbm>> -> memref<8192x128xf32, #tpu.memory_space<hbm>>
    tpu.enqueue_indirect_dma source(%dma_start3A_39 : memref<8192x128xf32, #tpu.memory_space<hbm>>) target(%arg9 : memref<128x128xf32, #tpu.memory_space<vmem>>) offsets(%dma_start3A_36 : memref<128xi32, #tpu.memory_space<vmem>>) semaphore(%arg10 : memref<!tpu.dma_semaphore, #tpu.memory_space<semaphore_mem>>)
    %dma_wait3A_40 = arith.constant 2 : i32
    %dma_wait3A_41 = arith.constant 0 : i32
    %dma_wait3A_42 = tpu.memref_slice %arg8[%dma_wait3A_40, %dma_wait3A_41] : memref<8x128xi32, #tpu.memory_space<vmem>> -> memref<1x128xi32, #tpu.memory_space<vmem>>
    %dma_wait3A_43 = tpu.memref_squeeze %dma_wait3A_42 : memref<1x128xi32, #tpu.memory_space<vmem>> -> memref<128xi32, #tpu.memory_space<vmem>>
    %dma_wait3A_44 = arith.constant 0 : i32
    %dma_wait3A_45 = arith.constant 0 : i32
    %dma_wait3A_46 = tpu.memref_slice %arg2[%dma_wait3A_44, %dma_wait3A_45] : memref<8192x128xf32, #tpu.memory_space<hbm>> -> memref<8192x128xf32, #tpu.memory_space<hbm>>
    tpu.wait_indirect_dma semaphore(%arg10 : memref<!tpu.dma_semaphore, #tpu.memory_space<semaphore_mem>>) src(%dma_wait3A_46 : memref<8192x128xf32, #tpu.memory_space<hbm>>) dst(%arg9 : memref<128x128xf32, #tpu.memory_space<vmem>>)
    %add3A_47 = arith.constant 256 : i32
    %add3A_48 = arith.addi %mul3A_2, %add3A_47 : i32
    "tpu.region"() ({
      %run_scoped3A_516 = tpu.sem_alloc : memref<!tpu.dma_semaphore, #tpu.memory_space<semaphore_mem>>
      %dma_start3A_517 = arith.constant 0 : i32
      %dma_start3A_518 = tpu.memref_slice %arg4[%add3A_48, %dma_start3A_517] : memref<32768x128xf32, #tpu.memory_space<hbm>> -> memref<128x128xf32, #tpu.memory_space<hbm>>
      %dma_start3A_519 = arith.constant 0 : i32
      %dma_start3A_520 = tpu.memref_slice %arg4[%add3A_48, %dma_start3A_519] : memref<32768x128xf32, #tpu.memory_space<hbm>> -> memref<128x128xf32, #tpu.memory_space<hbm>>
      tpu.enqueue_dma source(%arg9 : memref<128x128xf32, #tpu.memory_space<vmem>>) target(%dma_start3A_520 : memref<128x128xf32, #tpu.memory_space<hbm>>) target_semaphore(%run_scoped3A_516 : memref<!tpu.dma_semaphore, #tpu.memory_space<semaphore_mem>>)
      %dma_wait3A_521 = arith.constant 0 : i32
      %dma_wait3A_522 = tpu.memref_slice %arg4[%add3A_48, %dma_wait3A_521] : memref<32768x128xf32, #tpu.memory_space<hbm>> -> memref<128x128xf32, #tpu.memory_space<hbm>>
      %dma_wait3A_523 = arith.constant 0 : i32
      %dma_wait3A_524 = tpu.memref_slice %arg4[%add3A_48, %dma_wait3A_523] : memref<32768x128xf32, #tpu.memory_space<hbm>> -> memref<128x128xf32, #tpu.memory_space<hbm>>
      tpu.wait_dma2 semaphore(%run_scoped3A_516 : memref<!tpu.dma_semaphore, #tpu.memory_space<semaphore_mem>>) src(%arg9 : memref<128x128xf32, #tpu.memory_space<vmem>>) dst(%dma_wait3A_524 : memref<128x128xf32, #tpu.memory_space<hbm>>)
      tpu.yield
    }) : () -> ()
    %dma_start3A_49 = arith.constant 3 : i32
    %dma_start3A_50 = arith.constant 0 : i32
    %dma_start3A_51 = tpu.memref_slice %arg8[%dma_start3A_49, %dma_start3A_50] : memref<8x128xi32, #tpu.memory_space<vmem>> -> memref<1x128xi32, #tpu.memory_space<vmem>>
    %dma_start3A_52 = tpu.memref_squeeze %dma_start3A_51 : memref<1x128xi32, #tpu.memory_space<vmem>> -> memref<128xi32, #tpu.memory_space<vmem>>
    %dma_start3A_53 = arith.constant 0 : i32
    %dma_start3A_54 = arith.constant 0 : i32
    %dma_start3A_55 = tpu.memref_slice %arg2[%dma_start3A_53, %dma_start3A_54] : memref<8192x128xf32, #tpu.memory_space<hbm>> -> memref<8192x128xf32, #tpu.memory_space<hbm>>
    tpu.enqueue_indirect_dma source(%dma_start3A_55 : memref<8192x128xf32, #tpu.memory_space<hbm>>) target(%arg9 : memref<128x128xf32, #tpu.memory_space<vmem>>) offsets(%dma_start3A_52 : memref<128xi32, #tpu.memory_space<vmem>>) semaphore(%arg10 : memref<!tpu.dma_semaphore, #tpu.memory_space<semaphore_mem>>)
    %dma_wait3A_56 = arith.constant 3 : i32
    %dma_wait3A_57 = arith.constant 0 : i32
    %dma_wait3A_58 = tpu.memref_slice %arg8[%dma_wait3A_56, %dma_wait3A_57] : memref<8x128xi32, #tpu.memory_space<vmem>> -> memref<1x128xi32, #tpu.memory_space<vmem>>
    %dma_wait3A_59 = tpu.memref_squeeze %dma_wait3A_58 : memref<1x128xi32, #tpu.memory_space<vmem>> -> memref<128xi32, #tpu.memory_space<vmem>>
    %dma_wait3A_60 = arith.constant 0 : i32
    %dma_wait3A_61 = arith.constant 0 : i32
    %dma_wait3A_62 = tpu.memref_slice %arg2[%dma_wait3A_60, %dma_wait3A_61] : memref<8192x128xf32, #tpu.memory_space<hbm>> -> memref<8192x128xf32, #tpu.memory_space<hbm>>
    tpu.wait_indirect_dma semaphore(%arg10 : memref<!tpu.dma_semaphore, #tpu.memory_space<semaphore_mem>>) src(%dma_wait3A_62 : memref<8192x128xf32, #tpu.memory_space<hbm>>) dst(%arg9 : memref<128x128xf32, #tpu.memory_space<vmem>>)
    %add3A_63 = arith.constant 384 : i32
    %add3A_64 = arith.addi %mul3A_2, %add3A_63 : i32
    "tpu.region"() ({
      %run_scoped3A_516 = tpu.sem_alloc : memref<!tpu.dma_semaphore, #tpu.memory_space<semaphore_mem>>
      %dma_start3A_517 = arith.constant 0 : i32
      %dma_start3A_518 = tpu.memref_slice %arg4[%add3A_64, %dma_start3A_517] : memref<32768x128xf32, #tpu.memory_space<hbm>> -> memref<128x128xf32, #tpu.memory_space<hbm>>
      %dma_start3A_519 = arith.constant 0 : i32
      %dma_start3A_520 = tpu.memref_slice %arg4[%add3A_64, %dma_start3A_519] : memref<32768x128xf32, #tpu.memory_space<hbm>> -> memref<128x128xf32, #tpu.memory_space<hbm>>
      tpu.enqueue_dma source(%arg9 : memref<128x128xf32, #tpu.memory_space<vmem>>) target(%dma_start3A_520 : memref<128x128xf32, #tpu.memory_space<hbm>>) target_semaphore(%run_scoped3A_516 : memref<!tpu.dma_semaphore, #tpu.memory_space<semaphore_mem>>)
      %dma_wait3A_521 = arith.constant 0 : i32
      %dma_wait3A_522 = tpu.memref_slice %arg4[%add3A_64, %dma_wait3A_521] : memref<32768x128xf32, #tpu.memory_space<hbm>> -> memref<128x128xf32, #tpu.memory_space<hbm>>
      %dma_wait3A_523 = arith.constant 0 : i32
      %dma_wait3A_524 = tpu.memref_slice %arg4[%add3A_64, %dma_wait3A_523] : memref<32768x128xf32, #tpu.memory_space<hbm>> -> memref<128x128xf32, #tpu.memory_space<hbm>>
      tpu.wait_dma2 semaphore(%run_scoped3A_516 : memref<!tpu.dma_semaphore, #tpu.memory_space<semaphore_mem>>) src(%arg9 : memref<128x128xf32, #tpu.memory_space<vmem>>) dst(%dma_wait3A_524 : memref<128x128xf32, #tpu.memory_space<hbm>>)
      tpu.yield
    }) : () -> ()
    %dma_start3A_65 = arith.constant 4 : i32
    %dma_start3A_66 = arith.constant 0 : i32
    %dma_start3A_67 = tpu.memref_slice %arg8[%dma_start3A_65, %dma_start3A_66] : memref<8x128xi32, #tpu.memory_space<vmem>> -> memref<1x128xi32, #tpu.memory_space<vmem>>
    %dma_start3A_68 = tpu.memref_squeeze %dma_start3A_67 : memref<1x128xi32, #tpu.memory_space<vmem>> -> memref<128xi32, #tpu.memory_space<vmem>>
    %dma_start3A_69 = arith.constant 0 : i32
    %dma_start3A_70 = arith.constant 0 : i32
    %dma_start3A_71 = tpu.memref_slice %arg2[%dma_start3A_69, %dma_start3A_70] : memref<8192x128xf32, #tpu.memory_space<hbm>> -> memref<8192x128xf32, #tpu.memory_space<hbm>>
    tpu.enqueue_indirect_dma source(%dma_start3A_71 : memref<8192x128xf32, #tpu.memory_space<hbm>>) target(%arg9 : memref<128x128xf32, #tpu.memory_space<vmem>>) offsets(%dma_start3A_68 : memref<128xi32, #tpu.memory_space<vmem>>) semaphore(%arg10 : memref<!tpu.dma_semaphore, #tpu.memory_space<semaphore_mem>>)
    %dma_wait3A_72 = arith.constant 4 : i32
    %dma_wait3A_73 = arith.constant 0 : i32
    %dma_wait3A_74 = tpu.memref_slice %arg8[%dma_wait3A_72, %dma_wait3A_73] : memref<8x128xi32, #tpu.memory_space<vmem>> -> memref<1x128xi32, #tpu.memory_space<vmem>>
    %dma_wait3A_75 = tpu.memref_squeeze %dma_wait3A_74 : memref<1x128xi32, #tpu.memory_space<vmem>> -> memref<128xi32, #tpu.memory_space<vmem>>
    %dma_wait3A_76 = arith.constant 0 : i32
    %dma_wait3A_77 = arith.constant 0 : i32
    %dma_wait3A_78 = tpu.memref_slice %arg2[%dma_wait3A_76, %dma_wait3A_77] : memref<8192x128xf32, #tpu.memory_space<hbm>> -> memref<8192x128xf32, #tpu.memory_space<hbm>>
    tpu.wait_indirect_dma semaphore(%arg10 : memref<!tpu.dma_semaphore, #tpu.memory_space<semaphore_mem>>) src(%dma_wait3A_78 : memref<8192x128xf32, #tpu.memory_space<hbm>>) dst(%arg9 : memref<128x128xf32, #tpu.memory_space<vmem>>)
    %add3A_79 = arith.constant 512 : i32
    %add3A_80 = arith.addi %mul3A_2, %add3A_79 : i32
    "tpu.region"() ({
      %run_scoped3A_516 = tpu.sem_alloc : memref<!tpu.dma_semaphore, #tpu.memory_space<semaphore_mem>>
      %dma_start3A_517 = arith.constant 0 : i32
      %dma_start3A_518 = tpu.memref_slice %arg4[%add3A_80, %dma_start3A_517] : memref<32768x128xf32, #tpu.memory_space<hbm>> -> memref<128x128xf32, #tpu.memory_space<hbm>>
      %dma_start3A_519 = arith.constant 0 : i32
      %dma_start3A_520 = tpu.memref_slice %arg4[%add3A_80, %dma_start3A_519] : memref<32768x128xf32, #tpu.memory_space<hbm>> -> memref<128x128xf32, #tpu.memory_space<hbm>>
      tpu.enqueue_dma source(%arg9 : memref<128x128xf32, #tpu.memory_space<vmem>>) target(%dma_start3A_520 : memref<128x128xf32, #tpu.memory_space<hbm>>) target_semaphore(%run_scoped3A_516 : memref<!tpu.dma_semaphore, #tpu.memory_space<semaphore_mem>>)
      %dma_wait3A_521 = arith.constant 0 : i32
      %dma_wait3A_522 = tpu.memref_slice %arg4[%add3A_80, %dma_wait3A_521] : memref<32768x128xf32, #tpu.memory_space<hbm>> -> memref<128x128xf32, #tpu.memory_space<hbm>>
      %dma_wait3A_523 = arith.constant 0 : i32
      %dma_wait3A_524 = tpu.memref_slice %arg4[%add3A_80, %dma_wait3A_523] : memref<32768x128xf32, #tpu.memory_space<hbm>> -> memref<128x128xf32, #tpu.memory_space<hbm>>
      tpu.wait_dma2 semaphore(%run_scoped3A_516 : memref<!tpu.dma_semaphore, #tpu.memory_space<semaphore_mem>>) src(%arg9 : memref<128x128xf32, #tpu.memory_space<vmem>>) dst(%dma_wait3A_524 : memref<128x128xf32, #tpu.memory_space<hbm>>)
      tpu.yield
    }) : () -> ()
    %dma_start3A_81 = arith.constant 5 : i32
    %dma_start3A_82 = arith.constant 0 : i32
    %dma_start3A_83 = tpu.memref_slice %arg8[%dma_start3A_81, %dma_start3A_82] : memref<8x128xi32, #tpu.memory_space<vmem>> -> memref<1x128xi32, #tpu.memory_space<vmem>>
    %dma_start3A_84 = tpu.memref_squeeze %dma_start3A_83 : memref<1x128xi32, #tpu.memory_space<vmem>> -> memref<128xi32, #tpu.memory_space<vmem>>
    %dma_start3A_85 = arith.constant 0 : i32
    %dma_start3A_86 = arith.constant 0 : i32
    %dma_start3A_87 = tpu.memref_slice %arg2[%dma_start3A_85, %dma_start3A_86] : memref<8192x128xf32, #tpu.memory_space<hbm>> -> memref<8192x128xf32, #tpu.memory_space<hbm>>
    tpu.enqueue_indirect_dma source(%dma_start3A_87 : memref<8192x128xf32, #tpu.memory_space<hbm>>) target(%arg9 : memref<128x128xf32, #tpu.memory_space<vmem>>) offsets(%dma_start3A_84 : memref<128xi32, #tpu.memory_space<vmem>>) semaphore(%arg10 : memref<!tpu.dma_semaphore, #tpu.memory_space<semaphore_mem>>)
    %dma_wait3A_88 = arith.constant 5 : i32
    %dma_wait3A_89 = arith.constant 0 : i32
    %dma_wait3A_90 = tpu.memref_slice %arg8[%dma_wait3A_88, %dma_wait3A_89] : memref<8x128xi32, #tpu.memory_space<vmem>> -> memref<1x128xi32, #tpu.memory_space<vmem>>
    %dma_wait3A_91 = tpu.memref_squeeze %dma_wait3A_90 : memref<1x128xi32, #tpu.memory_space<vmem>> -> memref<128xi32, #tpu.memory_space<vmem>>
    %dma_wait3A_92 = arith.constant 0 : i32
    %dma_wait3A_93 = arith.constant 0 : i32
    %dma_wait3A_94 = tpu.memref_slice %arg2[%dma_wait3A_92, %dma_wait3A_93] : memref<8192x128xf32, #tpu.memory_space<hbm>> -> memref<8192x128xf32, #tpu.memory_space<hbm>>
    tpu.wait_indirect_dma semaphore(%arg10 : memref<!tpu.dma_semaphore, #tpu.memory_space<semaphore_mem>>) src(%dma_wait3A_94 : memref<8192x128xf32, #tpu.memory_space<hbm>>) dst(%arg9 : memref<128x128xf32, #tpu.memory_space<vmem>>)
    %add3A_95 = arith.constant 640 : i32
    %add3A_96 = arith.addi %mul3A_2, %add3A_95 : i32
    "tpu.region"() ({
      %run_scoped3A_516 = tpu.sem_alloc : memref<!tpu.dma_semaphore, #tpu.memory_space<semaphore_mem>>
      %dma_start3A_517 = arith.constant 0 : i32
      %dma_start3A_518 = tpu.memref_slice %arg4[%add3A_96, %dma_start3A_517] : memref<32768x128xf32, #tpu.memory_space<hbm>> -> memref<128x128xf32, #tpu.memory_space<hbm>>
      %dma_start3A_519 = arith.constant 0 : i32
      %dma_start3A_520 = tpu.memref_slice %arg4[%add3A_96, %dma_start3A_519] : memref<32768x128xf32, #tpu.memory_space<hbm>> -> memref<128x128xf32, #tpu.memory_space<hbm>>
      tpu.enqueue_dma source(%arg9 : memref<128x128xf32, #tpu.memory_space<vmem>>) target(%dma_start3A_520 : memref<128x128xf32, #tpu.memory_space<hbm>>) target_semaphore(%run_scoped3A_516 : memref<!tpu.dma_semaphore, #tpu.memory_space<semaphore_mem>>)
      %dma_wait3A_521 = arith.constant 0 : i32
      %dma_wait3A_522 = tpu.memref_slice %arg4[%add3A_96, %dma_wait3A_521] : memref<32768x128xf32, #tpu.memory_space<hbm>> -> memref<128x128xf32, #tpu.memory_space<hbm>>
      %dma_wait3A_523 = arith.constant 0 : i32
      %dma_wait3A_524 = tpu.memref_slice %arg4[%add3A_96, %dma_wait3A_523] : memref<32768x128xf32, #tpu.memory_space<hbm>> -> memref<128x128xf32, #tpu.memory_space<hbm>>
      tpu.wait_dma2 semaphore(%run_scoped3A_516 : memref<!tpu.dma_semaphore, #tpu.memory_space<semaphore_mem>>) src(%arg9 : memref<128x128xf32, #tpu.memory_space<vmem>>) dst(%dma_wait3A_524 : memref<128x128xf32, #tpu.memory_space<hbm>>)
      tpu.yield
    }) : () -> ()
    %dma_start3A_97 = arith.constant 6 : i32
    %dma_start3A_98 = arith.constant 0 : i32
    %dma_start3A_99 = tpu.memref_slice %arg8[%dma_start3A_97, %dma_start3A_98] : memref<8x128xi32, #tpu.memory_space<vmem>> -> memref<1x128xi32, #tpu.memory_space<vmem>>
    %dma_start3A_100 = tpu.memref_squeeze %dma_start3A_99 : memref<1x128xi32, #tpu.memory_space<vmem>> -> memref<128xi32, #tpu.memory_space<vmem>>
    %dma_start3A_101 = arith.constant 0 : i32
    %dma_start3A_102 = arith.constant 0 : i32
    %dma_start3A_103 = tpu.memref_slice %arg2[%dma_start3A_101, %dma_start3A_102] : memref<8192x128xf32, #tpu.memory_space<hbm>> -> memref<8192x128xf32, #tpu.memory_space<hbm>>
    tpu.enqueue_indirect_dma source(%dma_start3A_103 : memref<8192x128xf32, #tpu.memory_space<hbm>>) target(%arg9 : memref<128x128xf32, #tpu.memory_space<vmem>>) offsets(%dma_start3A_100 : memref<128xi32, #tpu.memory_space<vmem>>) semaphore(%arg10 : memref<!tpu.dma_semaphore, #tpu.memory_space<semaphore_mem>>)
    %dma_wait3A_104 = arith.constant 6 : i32
    %dma_wait3A_105 = arith.constant 0 : i32
    %dma_wait3A_106 = tpu.memref_slice %arg8[%dma_wait3A_104, %dma_wait3A_105] : memref<8x128xi32, #tpu.memory_space<vmem>> -> memref<1x128xi32, #tpu.memory_space<vmem>>
    %dma_wait3A_107 = tpu.memref_squeeze %dma_wait3A_106 : memref<1x128xi32, #tpu.memory_space<vmem>> -> memref<128xi32, #tpu.memory_space<vmem>>
    %dma_wait3A_108 = arith.constant 0 : i32
    %dma_wait3A_109 = arith.constant 0 : i32
    %dma_wait3A_110 = tpu.memref_slice %arg2[%dma_wait3A_108, %dma_wait3A_109] : memref<8192x128xf32, #tpu.memory_space<hbm>> -> memref<8192x128xf32, #tpu.memory_space<hbm>>
    tpu.wait_indirect_dma semaphore(%arg10 : memref<!tpu.dma_semaphore, #tpu.memory_space<semaphore_mem>>) src(%dma_wait3A_110 : memref<8192x128xf32, #tpu.memory_space<hbm>>) dst(%arg9 : memref<128x128xf32, #tpu.memory_space<vmem>>)
    %add3A_111 = arith.constant 768 : i32
    %add3A_112 = arith.addi %mul3A_2, %add3A_111 : i32
    "tpu.region"() ({
      %run_scoped3A_516 = tpu.sem_alloc : memref<!tpu.dma_semaphore, #tpu.memory_space<semaphore_mem>>
      %dma_start3A_517 = arith.constant 0 : i32
      %dma_start3A_518 = tpu.memref_slice %arg4[%add3A_112, %dma_start3A_517] : memref<32768x128xf32, #tpu.memory_space<hbm>> -> memref<128x128xf32, #tpu.memory_space<hbm>>
      %dma_start3A_519 = arith.constant 0 : i32
      %dma_start3A_520 = tpu.memref_slice %arg4[%add3A_112, %dma_start3A_519] : memref<32768x128xf32, #tpu.memory_space<hbm>> -> memref<128x128xf32, #tpu.memory_space<hbm>>
      tpu.enqueue_dma source(%arg9 : memref<128x128xf32, #tpu.memory_space<vmem>>) target(%dma_start3A_520 : memref<128x128xf32, #tpu.memory_space<hbm>>) target_semaphore(%run_scoped3A_516 : memref<!tpu.dma_semaphore, #tpu.memory_space<semaphore_mem>>)
      %dma_wait3A_521 = arith.constant 0 : i32
      %dma_wait3A_522 = tpu.memref_slice %arg4[%add3A_112, %dma_wait3A_521] : memref<32768x128xf32, #tpu.memory_space<hbm>> -> memref<128x128xf32, #tpu.memory_space<hbm>>
      %dma_wait3A_523 = arith.constant 0 : i32
      %dma_wait3A_524 = tpu.memref_slice %arg4[%add3A_112, %dma_wait3A_523] : memref<32768x128xf32, #tpu.memory_space<hbm>> -> memref<128x128xf32, #tpu.memory_space<hbm>>
      tpu.wait_dma2 semaphore(%run_scoped3A_516 : memref<!tpu.dma_semaphore, #tpu.memory_space<semaphore_mem>>) src(%arg9 : memref<128x128xf32, #tpu.memory_space<vmem>>) dst(%dma_wait3A_524 : memref<128x128xf32, #tpu.memory_space<hbm>>)
      tpu.yield
    }) : () -> ()
    %dma_start3A_113 = arith.constant 7 : i32
    %dma_start3A_114 = arith.constant 0 : i32
    %dma_start3A_115 = tpu.memref_slice %arg8[%dma_start3A_113, %dma_start3A_114] : memref<8x128xi32, #tpu.memory_space<vmem>> -> memref<1x128xi32, #tpu.memory_space<vmem>>
    %dma_start3A_116 = tpu.memref_squeeze %dma_start3A_115 : memref<1x128xi32, #tpu.memory_space<vmem>> -> memref<128xi32, #tpu.memory_space<vmem>>
    %dma_start3A_117 = arith.constant 0 : i32
    %dma_start3A_118 = arith.constant 0 : i32
    %dma_start3A_119 = tpu.memref_slice %arg2[%dma_start3A_117, %dma_start3A_118] : memref<8192x128xf32, #tpu.memory_space<hbm>> -> memref<8192x128xf32, #tpu.memory_space<hbm>>
    tpu.enqueue_indirect_dma source(%dma_start3A_119 : memref<8192x128xf32, #tpu.memory_space<hbm>>) target(%arg9 : memref<128x128xf32, #tpu.memory_space<vmem>>) offsets(%dma_start3A_116 : memref<128xi32, #tpu.memory_space<vmem>>) semaphore(%arg10 : memref<!tpu.dma_semaphore, #tpu.memory_space<semaphore_mem>>)
    %dma_wait3A_120 = arith.constant 7 : i32
    %dma_wait3A_121 = arith.constant 0 : i32
    %dma_wait3A_122 = tpu.memref_slice %arg8[%dma_wait3A_120, %dma_wait3A_121] : memref<8x128xi32, #tpu.memory_space<vmem>> -> memref<1x128xi32, #tpu.memory_space<vmem>>
    %dma_wait3A_123 = tpu.memref_squeeze %dma_wait3A_122 : memref<1x128xi32, #tpu.memory_space<vmem>> -> memref<128xi32, #tpu.memory_space<vmem>>
    %dma_wait3A_124 = arith.constant 0 : i32
    %dma_wait3A_125 = arith.constant 0 : i32
    %dma_wait3A_126 = tpu.memref_slice %arg2[%dma_wait3A_124, %dma_wait3A_125] : memref<8192x128xf32, #tpu.memory_space<hbm>> -> memref<8192x128xf32, #tpu.memory_space<hbm>>
    tpu.wait_indirect_dma semaphore(%arg10 : memref<!tpu.dma_semaphore, #tpu.memory_space<semaphore_mem>>) src(%dma_wait3A_126 : memref<8192x128xf32, #tpu.memory_space<hbm>>) dst(%arg9 : memref<128x128xf32, #tpu.memory_space<vmem>>)
    %add3A_127 = arith.constant 896 : i32
    %add3A_128 = arith.addi %mul3A_2, %add3A_127 : i32
    "tpu.region"() ({
      %run_scoped3A_516 = tpu.sem_alloc : memref<!tpu.dma_semaphore, #tpu.memory_space<semaphore_mem>>
      %dma_start3A_517 = arith.constant 0 : i32
      %dma_start3A_518 = tpu.memref_slice %arg4[%add3A_128, %dma_start3A_517] : memref<32768x128xf32, #tpu.memory_space<hbm>> -> memref<128x128xf32, #tpu.memory_space<hbm>>
      %dma_start3A_519 = arith.constant 0 : i32
      %dma_start3A_520 = tpu.memref_slice %arg4[%add3A_128, %dma_start3A_519] : memref<32768x128xf32, #tpu.memory_space<hbm>> -> memref<128x128xf32, #tpu.memory_space<hbm>>
      tpu.enqueue_dma source(%arg9 : memref<128x128xf32, #tpu.memory_space<vmem>>) target(%dma_start3A_520 : memref<128x128xf32, #tpu.memory_space<hbm>>) target_semaphore(%run_scoped3A_516 : memref<!tpu.dma_semaphore, #tpu.memory_space<semaphore_mem>>)
      %dma_wait3A_521 = arith.constant 0 : i32
      %dma_wait3A_522 = tpu.memref_slice %arg4[%add3A_128, %dma_wait3A_521] : memref<32768x128xf32, #tpu.memory_space<hbm>> -> memref<128x128xf32, #tpu.memory_space<hbm>>
      %dma_wait3A_523 = arith.constant 0 : i32
      %dma_wait3A_524 = tpu.memref_slice %arg4[%add3A_128, %dma_wait3A_523] : memref<32768x128xf32, #tpu.memory_space<hbm>> -> memref<128x128xf32, #tpu.memory_space<hbm>>
      tpu.wait_dma2 semaphore(%run_scoped3A_516 : memref<!tpu.dma_semaphore, #tpu.memory_space<semaphore_mem>>) src(%arg9 : memref<128x128xf32, #tpu.memory_space<vmem>>) dst(%dma_wait3A_524 : memref<128x128xf32, #tpu.memory_space<hbm>>)
      tpu.yield
    }) : () -> ()
    %run_scoped3A_129 = arith.constant 1 : i32
    "tpu.region"() ({
      %run_scoped3A_516 = tpu.sem_alloc : memref<!tpu.dma_semaphore, #tpu.memory_space<semaphore_mem>>
      %dma_start3A_517 = arith.constant 0 : i32
      %dma_start3A_518 = arith.constant 0 : i32
      %dma_start3A_519 = tpu.memref_slice %arg3[%run_scoped3A_129, %add3A, %dma_start3A_517, %dma_start3A_518] : memref<4x32x8x128xi32, #tpu.memory_space<hbm>> -> memref<1x1x8x128xi32, #tpu.memory_space<hbm>>
      %dma_start3A_520 = tpu.memref_squeeze %dma_start3A_519 : memref<1x1x8x128xi32, #tpu.memory_space<hbm>> -> memref<8x128xi32, #tpu.memory_space<hbm>>
      %dma_start3A_521 = arith.constant 0 : i32
      %dma_start3A_522 = arith.constant 0 : i32
      %dma_start3A_523 = tpu.memref_slice %arg3[%run_scoped3A_129, %add3A, %dma_start3A_521, %dma_start3A_522] : memref<4x32x8x128xi32, #tpu.memory_space<hbm>> -> memref<1x1x8x128xi32, #tpu.memory_space<hbm>>
      %dma_start3A_524 = tpu.memref_squeeze %dma_start3A_523 : memref<1x1x8x128xi32, #tpu.memory_space<hbm>> -> memref<8x128xi32, #tpu.memory_space<hbm>>
      tpu.enqueue_dma source(%dma_start3A_524 : memref<8x128xi32, #tpu.memory_space<hbm>>) target(%arg8 : memref<8x128xi32, #tpu.memory_space<vmem>>) target_semaphore(%run_scoped3A_516 : memref<!tpu.dma_semaphore, #tpu.memory_space<semaphore_mem>>)
      %dma_wait3A_525 = arith.constant 0 : i32
      %dma_wait3A_526 = arith.constant 0 : i32
      %dma_wait3A_527 = tpu.memref_slice %arg3[%run_scoped3A_129, %add3A, %dma_wait3A_525, %dma_wait3A_526] : memref<4x32x8x128xi32, #tpu.memory_space<hbm>> -> memref<1x1x8x128xi32, #tpu.memory_space<hbm>>
      %dma_wait3A_528 = tpu.memref_squeeze %dma_wait3A_527 : memref<1x1x8x128xi32, #tpu.memory_space<hbm>> -> memref<8x128xi32, #tpu.memory_space<hbm>>
      %dma_wait3A_529 = arith.constant 0 : i32
      %dma_wait3A_530 = arith.constant 0 : i32
      %dma_wait3A_531 = tpu.memref_slice %arg3[%run_scoped3A_129, %add3A, %dma_wait3A_529, %dma_wait3A_530] : memref<4x32x8x128xi32, #tpu.memory_space<hbm>> -> memref<1x1x8x128xi32, #tpu.memory_space<hbm>>
      %dma_wait3A_532 = tpu.memref_squeeze %dma_wait3A_531 : memref<1x1x8x128xi32, #tpu.memory_space<hbm>> -> memref<8x128xi32, #tpu.memory_space<hbm>>
      tpu.wait_dma2 semaphore(%run_scoped3A_516 : memref<!tpu.dma_semaphore, #tpu.memory_space<semaphore_mem>>) src(%dma_wait3A_532 : memref<8x128xi32, #tpu.memory_space<hbm>>) dst(%arg8 : memref<8x128xi32, #tpu.memory_space<vmem>>)
      tpu.yield
    }) : () -> ()
    %dma_start3A_130 = arith.constant 0 : i32
    %dma_start3A_131 = arith.constant 0 : i32
    %dma_start3A_132 = tpu.memref_slice %arg8[%dma_start3A_130, %dma_start3A_131] : memref<8x128xi32, #tpu.memory_space<vmem>> -> memref<1x128xi32, #tpu.memory_space<vmem>>
    %dma_start3A_133 = tpu.memref_squeeze %dma_start3A_132 : memref<1x128xi32, #tpu.memory_space<vmem>> -> memref<128xi32, #tpu.memory_space<vmem>>
    %dma_start3A_134 = arith.constant 0 : i32
    %dma_start3A_135 = arith.constant 0 : i32
    %dma_start3A_136 = tpu.memref_slice %arg2[%dma_start3A_134, %dma_start3A_135] : memref<8192x128xf32, #tpu.memory_space<hbm>> -> memref<8192x128xf32, #tpu.memory_space<hbm>>
    tpu.enqueue_indirect_dma source(%dma_start3A_136 : memref<8192x128xf32, #tpu.memory_space<hbm>>) target(%arg9 : memref<128x128xf32, #tpu.memory_space<vmem>>) offsets(%dma_start3A_133 : memref<128xi32, #tpu.memory_space<vmem>>) semaphore(%arg10 : memref<!tpu.dma_semaphore, #tpu.memory_space<semaphore_mem>>)
    %dma_wait3A_137 = arith.constant 0 : i32
    %dma_wait3A_138 = arith.constant 0 : i32
    %dma_wait3A_139 = tpu.memref_slice %arg8[%dma_wait3A_137, %dma_wait3A_138] : memref<8x128xi32, #tpu.memory_space<vmem>> -> memref<1x128xi32, #tpu.memory_space<vmem>>
    %dma_wait3A_140 = tpu.memref_squeeze %dma_wait3A_139 : memref<1x128xi32, #tpu.memory_space<vmem>> -> memref<128xi32, #tpu.memory_space<vmem>>
    %dma_wait3A_141 = arith.constant 0 : i32
    %dma_wait3A_142 = arith.constant 0 : i32
    %dma_wait3A_143 = tpu.memref_slice %arg2[%dma_wait3A_141, %dma_wait3A_142] : memref<8192x128xf32, #tpu.memory_space<hbm>> -> memref<8192x128xf32, #tpu.memory_space<hbm>>
    tpu.wait_indirect_dma semaphore(%arg10 : memref<!tpu.dma_semaphore, #tpu.memory_space<semaphore_mem>>) src(%dma_wait3A_143 : memref<8192x128xf32, #tpu.memory_space<hbm>>) dst(%arg9 : memref<128x128xf32, #tpu.memory_space<vmem>>)
    %add3A_144 = arith.constant 0 : i32
    %add3A_145 = arith.addi %mul3A_2, %add3A_144 : i32
    "tpu.region"() ({
      %run_scoped3A_516 = tpu.sem_alloc : memref<!tpu.dma_semaphore, #tpu.memory_space<semaphore_mem>>
      %dma_start3A_517 = arith.constant 0 : i32
      %dma_start3A_518 = tpu.memref_slice %arg5[%add3A_145, %dma_start3A_517] : memref<32768x128xf32, #tpu.memory_space<hbm>> -> memref<128x128xf32, #tpu.memory_space<hbm>>
      %dma_start3A_519 = arith.constant 0 : i32
      %dma_start3A_520 = tpu.memref_slice %arg5[%add3A_145, %dma_start3A_519] : memref<32768x128xf32, #tpu.memory_space<hbm>> -> memref<128x128xf32, #tpu.memory_space<hbm>>
      tpu.enqueue_dma source(%arg9 : memref<128x128xf32, #tpu.memory_space<vmem>>) target(%dma_start3A_520 : memref<128x128xf32, #tpu.memory_space<hbm>>) target_semaphore(%run_scoped3A_516 : memref<!tpu.dma_semaphore, #tpu.memory_space<semaphore_mem>>)
      %dma_wait3A_521 = arith.constant 0 : i32
      %dma_wait3A_522 = tpu.memref_slice %arg5[%add3A_145, %dma_wait3A_521] : memref<32768x128xf32, #tpu.memory_space<hbm>> -> memref<128x128xf32, #tpu.memory_space<hbm>>
      %dma_wait3A_523 = arith.constant 0 : i32
      %dma_wait3A_524 = tpu.memref_slice %arg5[%add3A_145, %dma_wait3A_523] : memref<32768x128xf32, #tpu.memory_space<hbm>> -> memref<128x128xf32, #tpu.memory_space<hbm>>
      tpu.wait_dma2 semaphore(%run_scoped3A_516 : memref<!tpu.dma_semaphore, #tpu.memory_space<semaphore_mem>>) src(%arg9 : memref<128x128xf32, #tpu.memory_space<vmem>>) dst(%dma_wait3A_524 : memref<128x128xf32, #tpu.memory_space<hbm>>)
      tpu.yield
    }) : () -> ()
    %dma_start3A_146 = arith.constant 1 : i32
    %dma_start3A_147 = arith.constant 0 : i32
    %dma_start3A_148 = tpu.memref_slice %arg8[%dma_start3A_146, %dma_start3A_147] : memref<8x128xi32, #tpu.memory_space<vmem>> -> memref<1x128xi32, #tpu.memory_space<vmem>>
    %dma_start3A_149 = tpu.memref_squeeze %dma_start3A_148 : memref<1x128xi32, #tpu.memory_space<vmem>> -> memref<128xi32, #tpu.memory_space<vmem>>
    %dma_start3A_150 = arith.constant 0 : i32
    %dma_start3A_151 = arith.constant 0 : i32
    %dma_start3A_152 = tpu.memref_slice %arg2[%dma_start3A_150, %dma_start3A_151] : memref<8192x128xf32, #tpu.memory_space<hbm>> -> memref<8192x128xf32, #tpu.memory_space<hbm>>
    tpu.enqueue_indirect_dma source(%dma_start3A_152 : memref<8192x128xf32, #tpu.memory_space<hbm>>) target(%arg9 : memref<128x128xf32, #tpu.memory_space<vmem>>) offsets(%dma_start3A_149 : memref<128xi32, #tpu.memory_space<vmem>>) semaphore(%arg10 : memref<!tpu.dma_semaphore, #tpu.memory_space<semaphore_mem>>)
    %dma_wait3A_153 = arith.constant 1 : i32
    %dma_wait3A_154 = arith.constant 0 : i32
    %dma_wait3A_155 = tpu.memref_slice %arg8[%dma_wait3A_153, %dma_wait3A_154] : memref<8x128xi32, #tpu.memory_space<vmem>> -> memref<1x128xi32, #tpu.memory_space<vmem>>
    %dma_wait3A_156 = tpu.memref_squeeze %dma_wait3A_155 : memref<1x128xi32, #tpu.memory_space<vmem>> -> memref<128xi32, #tpu.memory_space<vmem>>
    %dma_wait3A_157 = arith.constant 0 : i32
    %dma_wait3A_158 = arith.constant 0 : i32
    %dma_wait3A_159 = tpu.memref_slice %arg2[%dma_wait3A_157, %dma_wait3A_158] : memref<8192x128xf32, #tpu.memory_space<hbm>> -> memref<8192x128xf32, #tpu.memory_space<hbm>>
    tpu.wait_indirect_dma semaphore(%arg10 : memref<!tpu.dma_semaphore, #tpu.memory_space<semaphore_mem>>) src(%dma_wait3A_159 : memref<8192x128xf32, #tpu.memory_space<hbm>>) dst(%arg9 : memref<128x128xf32, #tpu.memory_space<vmem>>)
    %add3A_160 = arith.constant 128 : i32
    %add3A_161 = arith.addi %mul3A_2, %add3A_160 : i32
    "tpu.region"() ({
      %run_scoped3A_516 = tpu.sem_alloc : memref<!tpu.dma_semaphore, #tpu.memory_space<semaphore_mem>>
      %dma_start3A_517 = arith.constant 0 : i32
      %dma_start3A_518 = tpu.memref_slice %arg5[%add3A_161, %dma_start3A_517] : memref<32768x128xf32, #tpu.memory_space<hbm>> -> memref<128x128xf32, #tpu.memory_space<hbm>>
      %dma_start3A_519 = arith.constant 0 : i32
      %dma_start3A_520 = tpu.memref_slice %arg5[%add3A_161, %dma_start3A_519] : memref<32768x128xf32, #tpu.memory_space<hbm>> -> memref<128x128xf32, #tpu.memory_space<hbm>>
      tpu.enqueue_dma source(%arg9 : memref<128x128xf32, #tpu.memory_space<vmem>>) target(%dma_start3A_520 : memref<128x128xf32, #tpu.memory_space<hbm>>) target_semaphore(%run_scoped3A_516 : memref<!tpu.dma_semaphore, #tpu.memory_space<semaphore_mem>>)
      %dma_wait3A_521 = arith.constant 0 : i32
      %dma_wait3A_522 = tpu.memref_slice %arg5[%add3A_161, %dma_wait3A_521] : memref<32768x128xf32, #tpu.memory_space<hbm>> -> memref<128x128xf32, #tpu.memory_space<hbm>>
      %dma_wait3A_523 = arith.constant 0 : i32
      %dma_wait3A_524 = tpu.memref_slice %arg5[%add3A_161, %dma_wait3A_523] : memref<32768x128xf32, #tpu.memory_space<hbm>> -> memref<128x128xf32, #tpu.memory_space<hbm>>
      tpu.wait_dma2 semaphore(%run_scoped3A_516 : memref<!tpu.dma_semaphore, #tpu.memory_space<semaphore_mem>>) src(%arg9 : memref<128x128xf32, #tpu.memory_space<vmem>>) dst(%dma_wait3A_524 : memref<128x128xf32, #tpu.memory_space<hbm>>)
      tpu.yield
    }) : () -> ()
    %dma_start3A_162 = arith.constant 2 : i32
    %dma_start3A_163 = arith.constant 0 : i32
    %dma_start3A_164 = tpu.memref_slice %arg8[%dma_start3A_162, %dma_start3A_163] : memref<8x128xi32, #tpu.memory_space<vmem>> -> memref<1x128xi32, #tpu.memory_space<vmem>>
    %dma_start3A_165 = tpu.memref_squeeze %dma_start3A_164 : memref<1x128xi32, #tpu.memory_space<vmem>> -> memref<128xi32, #tpu.memory_space<vmem>>
    %dma_start3A_166 = arith.constant 0 : i32
    %dma_start3A_167 = arith.constant 0 : i32
    %dma_start3A_168 = tpu.memref_slice %arg2[%dma_start3A_166, %dma_start3A_167] : memref<8192x128xf32, #tpu.memory_space<hbm>> -> memref<8192x128xf32, #tpu.memory_space<hbm>>
    tpu.enqueue_indirect_dma source(%dma_start3A_168 : memref<8192x128xf32, #tpu.memory_space<hbm>>) target(%arg9 : memref<128x128xf32, #tpu.memory_space<vmem>>) offsets(%dma_start3A_165 : memref<128xi32, #tpu.memory_space<vmem>>) semaphore(%arg10 : memref<!tpu.dma_semaphore, #tpu.memory_space<semaphore_mem>>)
    %dma_wait3A_169 = arith.constant 2 : i32
    %dma_wait3A_170 = arith.constant 0 : i32
    %dma_wait3A_171 = tpu.memref_slice %arg8[%dma_wait3A_169, %dma_wait3A_170] : memref<8x128xi32, #tpu.memory_space<vmem>> -> memref<1x128xi32, #tpu.memory_space<vmem>>
    %dma_wait3A_172 = tpu.memref_squeeze %dma_wait3A_171 : memref<1x128xi32, #tpu.memory_space<vmem>> -> memref<128xi32, #tpu.memory_space<vmem>>
    %dma_wait3A_173 = arith.constant 0 : i32
    %dma_wait3A_174 = arith.constant 0 : i32
    %dma_wait3A_175 = tpu.memref_slice %arg2[%dma_wait3A_173, %dma_wait3A_174] : memref<8192x128xf32, #tpu.memory_space<hbm>> -> memref<8192x128xf32, #tpu.memory_space<hbm>>
    tpu.wait_indirect_dma semaphore(%arg10 : memref<!tpu.dma_semaphore, #tpu.memory_space<semaphore_mem>>) src(%dma_wait3A_175 : memref<8192x128xf32, #tpu.memory_space<hbm>>) dst(%arg9 : memref<128x128xf32, #tpu.memory_space<vmem>>)
    %add3A_176 = arith.constant 256 : i32
    %add3A_177 = arith.addi %mul3A_2, %add3A_176 : i32
    "tpu.region"() ({
      %run_scoped3A_516 = tpu.sem_alloc : memref<!tpu.dma_semaphore, #tpu.memory_space<semaphore_mem>>
      %dma_start3A_517 = arith.constant 0 : i32
      %dma_start3A_518 = tpu.memref_slice %arg5[%add3A_177, %dma_start3A_517] : memref<32768x128xf32, #tpu.memory_space<hbm>> -> memref<128x128xf32, #tpu.memory_space<hbm>>
      %dma_start3A_519 = arith.constant 0 : i32
      %dma_start3A_520 = tpu.memref_slice %arg5[%add3A_177, %dma_start3A_519] : memref<32768x128xf32, #tpu.memory_space<hbm>> -> memref<128x128xf32, #tpu.memory_space<hbm>>
      tpu.enqueue_dma source(%arg9 : memref<128x128xf32, #tpu.memory_space<vmem>>) target(%dma_start3A_520 : memref<128x128xf32, #tpu.memory_space<hbm>>) target_semaphore(%run_scoped3A_516 : memref<!tpu.dma_semaphore, #tpu.memory_space<semaphore_mem>>)
      %dma_wait3A_521 = arith.constant 0 : i32
      %dma_wait3A_522 = tpu.memref_slice %arg5[%add3A_177, %dma_wait3A_521] : memref<32768x128xf32, #tpu.memory_space<hbm>> -> memref<128x128xf32, #tpu.memory_space<hbm>>
      %dma_wait3A_523 = arith.constant 0 : i32
      %dma_wait3A_524 = tpu.memref_slice %arg5[%add3A_177, %dma_wait3A_523] : memref<32768x128xf32, #tpu.memory_space<hbm>> -> memref<128x128xf32, #tpu.memory_space<hbm>>
      tpu.wait_dma2 semaphore(%run_scoped3A_516 : memref<!tpu.dma_semaphore, #tpu.memory_space<semaphore_mem>>) src(%arg9 : memref<128x128xf32, #tpu.memory_space<vmem>>) dst(%dma_wait3A_524 : memref<128x128xf32, #tpu.memory_space<hbm>>)
      tpu.yield
    }) : () -> ()
    %dma_start3A_178 = arith.constant 3 : i32
    %dma_start3A_179 = arith.constant 0 : i32
    %dma_start3A_180 = tpu.memref_slice %arg8[%dma_start3A_178, %dma_start3A_179] : memref<8x128xi32, #tpu.memory_space<vmem>> -> memref<1x128xi32, #tpu.memory_space<vmem>>
    %dma_start3A_181 = tpu.memref_squeeze %dma_start3A_180 : memref<1x128xi32, #tpu.memory_space<vmem>> -> memref<128xi32, #tpu.memory_space<vmem>>
    %dma_start3A_182 = arith.constant 0 : i32
    %dma_start3A_183 = arith.constant 0 : i32
    %dma_start3A_184 = tpu.memref_slice %arg2[%dma_start3A_182, %dma_start3A_183] : memref<8192x128xf32, #tpu.memory_space<hbm>> -> memref<8192x128xf32, #tpu.memory_space<hbm>>
    tpu.enqueue_indirect_dma source(%dma_start3A_184 : memref<8192x128xf32, #tpu.memory_space<hbm>>) target(%arg9 : memref<128x128xf32, #tpu.memory_space<vmem>>) offsets(%dma_start3A_181 : memref<128xi32, #tpu.memory_space<vmem>>) semaphore(%arg10 : memref<!tpu.dma_semaphore, #tpu.memory_space<semaphore_mem>>)
    %dma_wait3A_185 = arith.constant 3 : i32
    %dma_wait3A_186 = arith.constant 0 : i32
    %dma_wait3A_187 = tpu.memref_slice %arg8[%dma_wait3A_185, %dma_wait3A_186] : memref<8x128xi32, #tpu.memory_space<vmem>> -> memref<1x128xi32, #tpu.memory_space<vmem>>
    %dma_wait3A_188 = tpu.memref_squeeze %dma_wait3A_187 : memref<1x128xi32, #tpu.memory_space<vmem>> -> memref<128xi32, #tpu.memory_space<vmem>>
    %dma_wait3A_189 = arith.constant 0 : i32
    %dma_wait3A_190 = arith.constant 0 : i32
    %dma_wait3A_191 = tpu.memref_slice %arg2[%dma_wait3A_189, %dma_wait3A_190] : memref<8192x128xf32, #tpu.memory_space<hbm>> -> memref<8192x128xf32, #tpu.memory_space<hbm>>
    tpu.wait_indirect_dma semaphore(%arg10 : memref<!tpu.dma_semaphore, #tpu.memory_space<semaphore_mem>>) src(%dma_wait3A_191 : memref<8192x128xf32, #tpu.memory_space<hbm>>) dst(%arg9 : memref<128x128xf32, #tpu.memory_space<vmem>>)
    %add3A_192 = arith.constant 384 : i32
    %add3A_193 = arith.addi %mul3A_2, %add3A_192 : i32
    "tpu.region"() ({
      %run_scoped3A_516 = tpu.sem_alloc : memref<!tpu.dma_semaphore, #tpu.memory_space<semaphore_mem>>
      %dma_start3A_517 = arith.constant 0 : i32
      %dma_start3A_518 = tpu.memref_slice %arg5[%add3A_193, %dma_start3A_517] : memref<32768x128xf32, #tpu.memory_space<hbm>> -> memref<128x128xf32, #tpu.memory_space<hbm>>
      %dma_start3A_519 = arith.constant 0 : i32
      %dma_start3A_520 = tpu.memref_slice %arg5[%add3A_193, %dma_start3A_519] : memref<32768x128xf32, #tpu.memory_space<hbm>> -> memref<128x128xf32, #tpu.memory_space<hbm>>
      tpu.enqueue_dma source(%arg9 : memref<128x128xf32, #tpu.memory_space<vmem>>) target(%dma_start3A_520 : memref<128x128xf32, #tpu.memory_space<hbm>>) target_semaphore(%run_scoped3A_516 : memref<!tpu.dma_semaphore, #tpu.memory_space<semaphore_mem>>)
      %dma_wait3A_521 = arith.constant 0 : i32
      %dma_wait3A_522 = tpu.memref_slice %arg5[%add3A_193, %dma_wait3A_521] : memref<32768x128xf32, #tpu.memory_space<hbm>> -> memref<128x128xf32, #tpu.memory_space<hbm>>
      %dma_wait3A_523 = arith.constant 0 : i32
      %dma_wait3A_524 = tpu.memref_slice %arg5[%add3A_193, %dma_wait3A_523] : memref<32768x128xf32, #tpu.memory_space<hbm>> -> memref<128x128xf32, #tpu.memory_space<hbm>>
      tpu.wait_dma2 semaphore(%run_scoped3A_516 : memref<!tpu.dma_semaphore, #tpu.memory_space<semaphore_mem>>) src(%arg9 : memref<128x128xf32, #tpu.memory_space<vmem>>) dst(%dma_wait3A_524 : memref<128x128xf32, #tpu.memory_space<hbm>>)
      tpu.yield
    }) : () -> ()
    %dma_start3A_194 = arith.constant 4 : i32
    %dma_start3A_195 = arith.constant 0 : i32
    %dma_start3A_196 = tpu.memref_slice %arg8[%dma_start3A_194, %dma_start3A_195] : memref<8x128xi32, #tpu.memory_space<vmem>> -> memref<1x128xi32, #tpu.memory_space<vmem>>
    %dma_start3A_197 = tpu.memref_squeeze %dma_start3A_196 : memref<1x128xi32, #tpu.memory_space<vmem>> -> memref<128xi32, #tpu.memory_space<vmem>>
    %dma_start3A_198 = arith.constant 0 : i32
    %dma_start3A_199 = arith.constant 0 : i32
    %dma_start3A_200 = tpu.memref_slice %arg2[%dma_start3A_198, %dma_start3A_199] : memref<8192x128xf32, #tpu.memory_space<hbm>> -> memref<8192x128xf32, #tpu.memory_space<hbm>>
    tpu.enqueue_indirect_dma source(%dma_start3A_200 : memref<8192x128xf32, #tpu.memory_space<hbm>>) target(%arg9 : memref<128x128xf32, #tpu.memory_space<vmem>>) offsets(%dma_start3A_197 : memref<128xi32, #tpu.memory_space<vmem>>) semaphore(%arg10 : memref<!tpu.dma_semaphore, #tpu.memory_space<semaphore_mem>>)
    %dma_wait3A_201 = arith.constant 4 : i32
    %dma_wait3A_202 = arith.constant 0 : i32
    %dma_wait3A_203 = tpu.memref_slice %arg8[%dma_wait3A_201, %dma_wait3A_202] : memref<8x128xi32, #tpu.memory_space<vmem>> -> memref<1x128xi32, #tpu.memory_space<vmem>>
    %dma_wait3A_204 = tpu.memref_squeeze %dma_wait3A_203 : memref<1x128xi32, #tpu.memory_space<vmem>> -> memref<128xi32, #tpu.memory_space<vmem>>
    %dma_wait3A_205 = arith.constant 0 : i32
    %dma_wait3A_206 = arith.constant 0 : i32
    %dma_wait3A_207 = tpu.memref_slice %arg2[%dma_wait3A_205, %dma_wait3A_206] : memref<8192x128xf32, #tpu.memory_space<hbm>> -> memref<8192x128xf32, #tpu.memory_space<hbm>>
    tpu.wait_indirect_dma semaphore(%arg10 : memref<!tpu.dma_semaphore, #tpu.memory_space<semaphore_mem>>) src(%dma_wait3A_207 : memref<8192x128xf32, #tpu.memory_space<hbm>>) dst(%arg9 : memref<128x128xf32, #tpu.memory_space<vmem>>)
    %add3A_208 = arith.constant 512 : i32
    %add3A_209 = arith.addi %mul3A_2, %add3A_208 : i32
    "tpu.region"() ({
      %run_scoped3A_516 = tpu.sem_alloc : memref<!tpu.dma_semaphore, #tpu.memory_space<semaphore_mem>>
      %dma_start3A_517 = arith.constant 0 : i32
      %dma_start3A_518 = tpu.memref_slice %arg5[%add3A_209, %dma_start3A_517] : memref<32768x128xf32, #tpu.memory_space<hbm>> -> memref<128x128xf32, #tpu.memory_space<hbm>>
      %dma_start3A_519 = arith.constant 0 : i32
      %dma_start3A_520 = tpu.memref_slice %arg5[%add3A_209, %dma_start3A_519] : memref<32768x128xf32, #tpu.memory_space<hbm>> -> memref<128x128xf32, #tpu.memory_space<hbm>>
      tpu.enqueue_dma source(%arg9 : memref<128x128xf32, #tpu.memory_space<vmem>>) target(%dma_start3A_520 : memref<128x128xf32, #tpu.memory_space<hbm>>) target_semaphore(%run_scoped3A_516 : memref<!tpu.dma_semaphore, #tpu.memory_space<semaphore_mem>>)
      %dma_wait3A_521 = arith.constant 0 : i32
      %dma_wait3A_522 = tpu.memref_slice %arg5[%add3A_209, %dma_wait3A_521] : memref<32768x128xf32, #tpu.memory_space<hbm>> -> memref<128x128xf32, #tpu.memory_space<hbm>>
      %dma_wait3A_523 = arith.constant 0 : i32
      %dma_wait3A_524 = tpu.memref_slice %arg5[%add3A_209, %dma_wait3A_523] : memref<32768x128xf32, #tpu.memory_space<hbm>> -> memref<128x128xf32, #tpu.memory_space<hbm>>
      tpu.wait_dma2 semaphore(%run_scoped3A_516 : memref<!tpu.dma_semaphore, #tpu.memory_space<semaphore_mem>>) src(%arg9 : memref<128x128xf32, #tpu.memory_space<vmem>>) dst(%dma_wait3A_524 : memref<128x128xf32, #tpu.memory_space<hbm>>)
      tpu.yield
    }) : () -> ()
    %dma_start3A_210 = arith.constant 5 : i32
    %dma_start3A_211 = arith.constant 0 : i32
    %dma_start3A_212 = tpu.memref_slice %arg8[%dma_start3A_210, %dma_start3A_211] : memref<8x128xi32, #tpu.memory_space<vmem>> -> memref<1x128xi32, #tpu.memory_space<vmem>>
    %dma_start3A_213 = tpu.memref_squeeze %dma_start3A_212 : memref<1x128xi32, #tpu.memory_space<vmem>> -> memref<128xi32, #tpu.memory_space<vmem>>
    %dma_start3A_214 = arith.constant 0 : i32
    %dma_start3A_215 = arith.constant 0 : i32
    %dma_start3A_216 = tpu.memref_slice %arg2[%dma_start3A_214, %dma_start3A_215] : memref<8192x128xf32, #tpu.memory_space<hbm>> -> memref<8192x128xf32, #tpu.memory_space<hbm>>
    tpu.enqueue_indirect_dma source(%dma_start3A_216 : memref<8192x128xf32, #tpu.memory_space<hbm>>) target(%arg9 : memref<128x128xf32, #tpu.memory_space<vmem>>) offsets(%dma_start3A_213 : memref<128xi32, #tpu.memory_space<vmem>>) semaphore(%arg10 : memref<!tpu.dma_semaphore, #tpu.memory_space<semaphore_mem>>)
    %dma_wait3A_217 = arith.constant 5 : i32
    %dma_wait3A_218 = arith.constant 0 : i32
    %dma_wait3A_219 = tpu.memref_slice %arg8[%dma_wait3A_217, %dma_wait3A_218] : memref<8x128xi32, #tpu.memory_space<vmem>> -> memref<1x128xi32, #tpu.memory_space<vmem>>
    %dma_wait3A_220 = tpu.memref_squeeze %dma_wait3A_219 : memref<1x128xi32, #tpu.memory_space<vmem>> -> memref<128xi32, #tpu.memory_space<vmem>>
    %dma_wait3A_221 = arith.constant 0 : i32
    %dma_wait3A_222 = arith.constant 0 : i32
    %dma_wait3A_223 = tpu.memref_slice %arg2[%dma_wait3A_221, %dma_wait3A_222] : memref<8192x128xf32, #tpu.memory_space<hbm>> -> memref<8192x128xf32, #tpu.memory_space<hbm>>
    tpu.wait_indirect_dma semaphore(%arg10 : memref<!tpu.dma_semaphore, #tpu.memory_space<semaphore_mem>>) src(%dma_wait3A_223 : memref<8192x128xf32, #tpu.memory_space<hbm>>) dst(%arg9 : memref<128x128xf32, #tpu.memory_space<vmem>>)
    %add3A_224 = arith.constant 640 : i32
    %add3A_225 = arith.addi %mul3A_2, %add3A_224 : i32
    "tpu.region"() ({
      %run_scoped3A_516 = tpu.sem_alloc : memref<!tpu.dma_semaphore, #tpu.memory_space<semaphore_mem>>
      %dma_start3A_517 = arith.constant 0 : i32
      %dma_start3A_518 = tpu.memref_slice %arg5[%add3A_225, %dma_start3A_517] : memref<32768x128xf32, #tpu.memory_space<hbm>> -> memref<128x128xf32, #tpu.memory_space<hbm>>
      %dma_start3A_519 = arith.constant 0 : i32
      %dma_start3A_520 = tpu.memref_slice %arg5[%add3A_225, %dma_start3A_519] : memref<32768x128xf32, #tpu.memory_space<hbm>> -> memref<128x128xf32, #tpu.memory_space<hbm>>
      tpu.enqueue_dma source(%arg9 : memref<128x128xf32, #tpu.memory_space<vmem>>) target(%dma_start3A_520 : memref<128x128xf32, #tpu.memory_space<hbm>>) target_semaphore(%run_scoped3A_516 : memref<!tpu.dma_semaphore, #tpu.memory_space<semaphore_mem>>)
      %dma_wait3A_521 = arith.constant 0 : i32
      %dma_wait3A_522 = tpu.memref_slice %arg5[%add3A_225, %dma_wait3A_521] : memref<32768x128xf32, #tpu.memory_space<hbm>> -> memref<128x128xf32, #tpu.memory_space<hbm>>
      %dma_wait3A_523 = arith.constant 0 : i32
      %dma_wait3A_524 = tpu.memref_slice %arg5[%add3A_225, %dma_wait3A_523] : memref<32768x128xf32, #tpu.memory_space<hbm>> -> memref<128x128xf32, #tpu.memory_space<hbm>>
      tpu.wait_dma2 semaphore(%run_scoped3A_516 : memref<!tpu.dma_semaphore, #tpu.memory_space<semaphore_mem>>) src(%arg9 : memref<128x128xf32, #tpu.memory_space<vmem>>) dst(%dma_wait3A_524 : memref<128x128xf32, #tpu.memory_space<hbm>>)
      tpu.yield
    }) : () -> ()
    %dma_start3A_226 = arith.constant 6 : i32
    %dma_start3A_227 = arith.constant 0 : i32
    %dma_start3A_228 = tpu.memref_slice %arg8[%dma_start3A_226, %dma_start3A_227] : memref<8x128xi32, #tpu.memory_space<vmem>> -> memref<1x128xi32, #tpu.memory_space<vmem>>
    %dma_start3A_229 = tpu.memref_squeeze %dma_start3A_228 : memref<1x128xi32, #tpu.memory_space<vmem>> -> memref<128xi32, #tpu.memory_space<vmem>>
    %dma_start3A_230 = arith.constant 0 : i32
    %dma_start3A_231 = arith.constant 0 : i32
    %dma_start3A_232 = tpu.memref_slice %arg2[%dma_start3A_230, %dma_start3A_231] : memref<8192x128xf32, #tpu.memory_space<hbm>> -> memref<8192x128xf32, #tpu.memory_space<hbm>>
    tpu.enqueue_indirect_dma source(%dma_start3A_232 : memref<8192x128xf32, #tpu.memory_space<hbm>>) target(%arg9 : memref<128x128xf32, #tpu.memory_space<vmem>>) offsets(%dma_start3A_229 : memref<128xi32, #tpu.memory_space<vmem>>) semaphore(%arg10 : memref<!tpu.dma_semaphore, #tpu.memory_space<semaphore_mem>>)
    %dma_wait3A_233 = arith.constant 6 : i32
    %dma_wait3A_234 = arith.constant 0 : i32
    %dma_wait3A_235 = tpu.memref_slice %arg8[%dma_wait3A_233, %dma_wait3A_234] : memref<8x128xi32, #tpu.memory_space<vmem>> -> memref<1x128xi32, #tpu.memory_space<vmem>>
    %dma_wait3A_236 = tpu.memref_squeeze %dma_wait3A_235 : memref<1x128xi32, #tpu.memory_space<vmem>> -> memref<128xi32, #tpu.memory_space<vmem>>
    %dma_wait3A_237 = arith.constant 0 : i32
    %dma_wait3A_238 = arith.constant 0 : i32
    %dma_wait3A_239 = tpu.memref_slice %arg2[%dma_wait3A_237, %dma_wait3A_238] : memref<8192x128xf32, #tpu.memory_space<hbm>> -> memref<8192x128xf32, #tpu.memory_space<hbm>>
    tpu.wait_indirect_dma semaphore(%arg10 : memref<!tpu.dma_semaphore, #tpu.memory_space<semaphore_mem>>) src(%dma_wait3A_239 : memref<8192x128xf32, #tpu.memory_space<hbm>>) dst(%arg9 : memref<128x128xf32, #tpu.memory_space<vmem>>)
    %add3A_240 = arith.constant 768 : i32
    %add3A_241 = arith.addi %mul3A_2, %add3A_240 : i32
    "tpu.region"() ({
      %run_scoped3A_516 = tpu.sem_alloc : memref<!tpu.dma_semaphore, #tpu.memory_space<semaphore_mem>>
      %dma_start3A_517 = arith.constant 0 : i32
      %dma_start3A_518 = tpu.memref_slice %arg5[%add3A_241, %dma_start3A_517] : memref<32768x128xf32, #tpu.memory_space<hbm>> -> memref<128x128xf32, #tpu.memory_space<hbm>>
      %dma_start3A_519 = arith.constant 0 : i32
      %dma_start3A_520 = tpu.memref_slice %arg5[%add3A_241, %dma_start3A_519] : memref<32768x128xf32, #tpu.memory_space<hbm>> -> memref<128x128xf32, #tpu.memory_space<hbm>>
      tpu.enqueue_dma source(%arg9 : memref<128x128xf32, #tpu.memory_space<vmem>>) target(%dma_start3A_520 : memref<128x128xf32, #tpu.memory_space<hbm>>) target_semaphore(%run_scoped3A_516 : memref<!tpu.dma_semaphore, #tpu.memory_space<semaphore_mem>>)
      %dma_wait3A_521 = arith.constant 0 : i32
      %dma_wait3A_522 = tpu.memref_slice %arg5[%add3A_241, %dma_wait3A_521] : memref<32768x128xf32, #tpu.memory_space<hbm>> -> memref<128x128xf32, #tpu.memory_space<hbm>>
      %dma_wait3A_523 = arith.constant 0 : i32
      %dma_wait3A_524 = tpu.memref_slice %arg5[%add3A_241, %dma_wait3A_523] : memref<32768x128xf32, #tpu.memory_space<hbm>> -> memref<128x128xf32, #tpu.memory_space<hbm>>
      tpu.wait_dma2 semaphore(%run_scoped3A_516 : memref<!tpu.dma_semaphore, #tpu.memory_space<semaphore_mem>>) src(%arg9 : memref<128x128xf32, #tpu.memory_space<vmem>>) dst(%dma_wait3A_524 : memref<128x128xf32, #tpu.memory_space<hbm>>)
      tpu.yield
    }) : () -> ()
    %dma_start3A_242 = arith.constant 7 : i32
    %dma_start3A_243 = arith.constant 0 : i32
    %dma_start3A_244 = tpu.memref_slice %arg8[%dma_start3A_242, %dma_start3A_243] : memref<8x128xi32, #tpu.memory_space<vmem>> -> memref<1x128xi32, #tpu.memory_space<vmem>>
    %dma_start3A_245 = tpu.memref_squeeze %dma_start3A_244 : memref<1x128xi32, #tpu.memory_space<vmem>> -> memref<128xi32, #tpu.memory_space<vmem>>
    %dma_start3A_246 = arith.constant 0 : i32
    %dma_start3A_247 = arith.constant 0 : i32
    %dma_start3A_248 = tpu.memref_slice %arg2[%dma_start3A_246, %dma_start3A_247] : memref<8192x128xf32, #tpu.memory_space<hbm>> -> memref<8192x128xf32, #tpu.memory_space<hbm>>
    tpu.enqueue_indirect_dma source(%dma_start3A_248 : memref<8192x128xf32, #tpu.memory_space<hbm>>) target(%arg9 : memref<128x128xf32, #tpu.memory_space<vmem>>) offsets(%dma_start3A_245 : memref<128xi32, #tpu.memory_space<vmem>>) semaphore(%arg10 : memref<!tpu.dma_semaphore, #tpu.memory_space<semaphore_mem>>)
    %dma_wait3A_249 = arith.constant 7 : i32
    %dma_wait3A_250 = arith.constant 0 : i32
    %dma_wait3A_251 = tpu.memref_slice %arg8[%dma_wait3A_249, %dma_wait3A_250] : memref<8x128xi32, #tpu.memory_space<vmem>> -> memref<1x128xi32, #tpu.memory_space<vmem>>
    %dma_wait3A_252 = tpu.memref_squeeze %dma_wait3A_251 : memref<1x128xi32, #tpu.memory_space<vmem>> -> memref<128xi32, #tpu.memory_space<vmem>>
    %dma_wait3A_253 = arith.constant 0 : i32
    %dma_wait3A_254 = arith.constant 0 : i32
    %dma_wait3A_255 = tpu.memref_slice %arg2[%dma_wait3A_253, %dma_wait3A_254] : memref<8192x128xf32, #tpu.memory_space<hbm>> -> memref<8192x128xf32, #tpu.memory_space<hbm>>
    tpu.wait_indirect_dma semaphore(%arg10 : memref<!tpu.dma_semaphore, #tpu.memory_space<semaphore_mem>>) src(%dma_wait3A_255 : memref<8192x128xf32, #tpu.memory_space<hbm>>) dst(%arg9 : memref<128x128xf32, #tpu.memory_space<vmem>>)
    %add3A_256 = arith.constant 896 : i32
    %add3A_257 = arith.addi %mul3A_2, %add3A_256 : i32
    "tpu.region"() ({
      %run_scoped3A_516 = tpu.sem_alloc : memref<!tpu.dma_semaphore, #tpu.memory_space<semaphore_mem>>
      %dma_start3A_517 = arith.constant 0 : i32
      %dma_start3A_518 = tpu.memref_slice %arg5[%add3A_257, %dma_start3A_517] : memref<32768x128xf32, #tpu.memory_space<hbm>> -> memref<128x128xf32, #tpu.memory_space<hbm>>
      %dma_start3A_519 = arith.constant 0 : i32
      %dma_start3A_520 = tpu.memref_slice %arg5[%add3A_257, %dma_start3A_519] : memref<32768x128xf32, #tpu.memory_space<hbm>> -> memref<128x128xf32, #tpu.memory_space<hbm>>
      tpu.enqueue_dma source(%arg9 : memref<128x128xf32, #tpu.memory_space<vmem>>) target(%dma_start3A_520 : memref<128x128xf32, #tpu.memory_space<hbm>>) target_semaphore(%run_scoped3A_516 : memref<!tpu.dma_semaphore, #tpu.memory_space<semaphore_mem>>)
      %dma_wait3A_521 = arith.constant 0 : i32
      %dma_wait3A_522 = tpu.memref_slice %arg5[%add3A_257, %dma_wait3A_521] : memref<32768x128xf32, #tpu.memory_space<hbm>> -> memref<128x128xf32, #tpu.memory_space<hbm>>
      %dma_wait3A_523 = arith.constant 0 : i32
      %dma_wait3A_524 = tpu.memref_slice %arg5[%add3A_257, %dma_wait3A_523] : memref<32768x128xf32, #tpu.memory_space<hbm>> -> memref<128x128xf32, #tpu.memory_space<hbm>>
      tpu.wait_dma2 semaphore(%run_scoped3A_516 : memref<!tpu.dma_semaphore, #tpu.memory_space<semaphore_mem>>) src(%arg9 : memref<128x128xf32, #tpu.memory_space<vmem>>) dst(%dma_wait3A_524 : memref<128x128xf32, #tpu.memory_space<hbm>>)
      tpu.yield
    }) : () -> ()
    %run_scoped3A_258 = arith.constant 2 : i32
    "tpu.region"() ({
      %run_scoped3A_516 = tpu.sem_alloc : memref<!tpu.dma_semaphore, #tpu.memory_space<semaphore_mem>>
      %dma_start3A_517 = arith.constant 0 : i32
      %dma_start3A_518 = arith.constant 0 : i32
      %dma_start3A_519 = tpu.memref_slice %arg3[%run_scoped3A_258, %add3A, %dma_start3A_517, %dma_start3A_518] : memref<4x32x8x128xi32, #tpu.memory_space<hbm>> -> memref<1x1x8x128xi32, #tpu.memory_space<hbm>>
      %dma_start3A_520 = tpu.memref_squeeze %dma_start3A_519 : memref<1x1x8x128xi32, #tpu.memory_space<hbm>> -> memref<8x128xi32, #tpu.memory_space<hbm>>
      %dma_start3A_521 = arith.constant 0 : i32
      %dma_start3A_522 = arith.constant 0 : i32
      %dma_start3A_523 = tpu.memref_slice %arg3[%run_scoped3A_258, %add3A, %dma_start3A_521, %dma_start3A_522] : memref<4x32x8x128xi32, #tpu.memory_space<hbm>> -> memref<1x1x8x128xi32, #tpu.memory_space<hbm>>
      %dma_start3A_524 = tpu.memref_squeeze %dma_start3A_523 : memref<1x1x8x128xi32, #tpu.memory_space<hbm>> -> memref<8x128xi32, #tpu.memory_space<hbm>>
      tpu.enqueue_dma source(%dma_start3A_524 : memref<8x128xi32, #tpu.memory_space<hbm>>) target(%arg8 : memref<8x128xi32, #tpu.memory_space<vmem>>) target_semaphore(%run_scoped3A_516 : memref<!tpu.dma_semaphore, #tpu.memory_space<semaphore_mem>>)
      %dma_wait3A_525 = arith.constant 0 : i32
      %dma_wait3A_526 = arith.constant 0 : i32
      %dma_wait3A_527 = tpu.memref_slice %arg3[%run_scoped3A_258, %add3A, %dma_wait3A_525, %dma_wait3A_526] : memref<4x32x8x128xi32, #tpu.memory_space<hbm>> -> memref<1x1x8x128xi32, #tpu.memory_space<hbm>>
      %dma_wait3A_528 = tpu.memref_squeeze %dma_wait3A_527 : memref<1x1x8x128xi32, #tpu.memory_space<hbm>> -> memref<8x128xi32, #tpu.memory_space<hbm>>
      %dma_wait3A_529 = arith.constant 0 : i32
      %dma_wait3A_530 = arith.constant 0 : i32
      %dma_wait3A_531 = tpu.memref_slice %arg3[%run_scoped3A_258, %add3A, %dma_wait3A_529, %dma_wait3A_530] : memref<4x32x8x128xi32, #tpu.memory_space<hbm>> -> memref<1x1x8x128xi32, #tpu.memory_space<hbm>>
      %dma_wait3A_532 = tpu.memref_squeeze %dma_wait3A_531 : memref<1x1x8x128xi32, #tpu.memory_space<hbm>> -> memref<8x128xi32, #tpu.memory_space<hbm>>
      tpu.wait_dma2 semaphore(%run_scoped3A_516 : memref<!tpu.dma_semaphore, #tpu.memory_space<semaphore_mem>>) src(%dma_wait3A_532 : memref<8x128xi32, #tpu.memory_space<hbm>>) dst(%arg8 : memref<8x128xi32, #tpu.memory_space<vmem>>)
      tpu.yield
    }) : () -> ()
    %dma_start3A_259 = arith.constant 0 : i32
    %dma_start3A_260 = arith.constant 0 : i32
    %dma_start3A_261 = tpu.memref_slice %arg8[%dma_start3A_259, %dma_start3A_260] : memref<8x128xi32, #tpu.memory_space<vmem>> -> memref<1x128xi32, #tpu.memory_space<vmem>>
    %dma_start3A_262 = tpu.memref_squeeze %dma_start3A_261 : memref<1x128xi32, #tpu.memory_space<vmem>> -> memref<128xi32, #tpu.memory_space<vmem>>
    %dma_start3A_263 = arith.constant 0 : i32
    %dma_start3A_264 = arith.constant 0 : i32
    %dma_start3A_265 = tpu.memref_slice %arg2[%dma_start3A_263, %dma_start3A_264] : memref<8192x128xf32, #tpu.memory_space<hbm>> -> memref<8192x128xf32, #tpu.memory_space<hbm>>
    tpu.enqueue_indirect_dma source(%dma_start3A_265 : memref<8192x128xf32, #tpu.memory_space<hbm>>) target(%arg9 : memref<128x128xf32, #tpu.memory_space<vmem>>) offsets(%dma_start3A_262 : memref<128xi32, #tpu.memory_space<vmem>>) semaphore(%arg10 : memref<!tpu.dma_semaphore, #tpu.memory_space<semaphore_mem>>)
    %dma_wait3A_266 = arith.constant 0 : i32
    %dma_wait3A_267 = arith.constant 0 : i32
    %dma_wait3A_268 = tpu.memref_slice %arg8[%dma_wait3A_266, %dma_wait3A_267] : memref<8x128xi32, #tpu.memory_space<vmem>> -> memref<1x128xi32, #tpu.memory_space<vmem>>
    %dma_wait3A_269 = tpu.memref_squeeze %dma_wait3A_268 : memref<1x128xi32, #tpu.memory_space<vmem>> -> memref<128xi32, #tpu.memory_space<vmem>>
    %dma_wait3A_270 = arith.constant 0 : i32
    %dma_wait3A_271 = arith.constant 0 : i32
    %dma_wait3A_272 = tpu.memref_slice %arg2[%dma_wait3A_270, %dma_wait3A_271] : memref<8192x128xf32, #tpu.memory_space<hbm>> -> memref<8192x128xf32, #tpu.memory_space<hbm>>
    tpu.wait_indirect_dma semaphore(%arg10 : memref<!tpu.dma_semaphore, #tpu.memory_space<semaphore_mem>>) src(%dma_wait3A_272 : memref<8192x128xf32, #tpu.memory_space<hbm>>) dst(%arg9 : memref<128x128xf32, #tpu.memory_space<vmem>>)
    %add3A_273 = arith.constant 0 : i32
    %add3A_274 = arith.addi %mul3A_2, %add3A_273 : i32
    "tpu.region"() ({
      %run_scoped3A_516 = tpu.sem_alloc : memref<!tpu.dma_semaphore, #tpu.memory_space<semaphore_mem>>
      %dma_start3A_517 = arith.constant 0 : i32
      %dma_start3A_518 = tpu.memref_slice %arg6[%add3A_274, %dma_start3A_517] : memref<32768x128xf32, #tpu.memory_space<hbm>> -> memref<128x128xf32, #tpu.memory_space<hbm>>
      %dma_start3A_519 = arith.constant 0 : i32
      %dma_start3A_520 = tpu.memref_slice %arg6[%add3A_274, %dma_start3A_519] : memref<32768x128xf32, #tpu.memory_space<hbm>> -> memref<128x128xf32, #tpu.memory_space<hbm>>
      tpu.enqueue_dma source(%arg9 : memref<128x128xf32, #tpu.memory_space<vmem>>) target(%dma_start3A_520 : memref<128x128xf32, #tpu.memory_space<hbm>>) target_semaphore(%run_scoped3A_516 : memref<!tpu.dma_semaphore, #tpu.memory_space<semaphore_mem>>)
      %dma_wait3A_521 = arith.constant 0 : i32
      %dma_wait3A_522 = tpu.memref_slice %arg6[%add3A_274, %dma_wait3A_521] : memref<32768x128xf32, #tpu.memory_space<hbm>> -> memref<128x128xf32, #tpu.memory_space<hbm>>
      %dma_wait3A_523 = arith.constant 0 : i32
      %dma_wait3A_524 = tpu.memref_slice %arg6[%add3A_274, %dma_wait3A_523] : memref<32768x128xf32, #tpu.memory_space<hbm>> -> memref<128x128xf32, #tpu.memory_space<hbm>>
      tpu.wait_dma2 semaphore(%run_scoped3A_516 : memref<!tpu.dma_semaphore, #tpu.memory_space<semaphore_mem>>) src(%arg9 : memref<128x128xf32, #tpu.memory_space<vmem>>) dst(%dma_wait3A_524 : memref<128x128xf32, #tpu.memory_space<hbm>>)
      tpu.yield
    }) : () -> ()
    %dma_start3A_275 = arith.constant 1 : i32
    %dma_start3A_276 = arith.constant 0 : i32
    %dma_start3A_277 = tpu.memref_slice %arg8[%dma_start3A_275, %dma_start3A_276] : memref<8x128xi32, #tpu.memory_space<vmem>> -> memref<1x128xi32, #tpu.memory_space<vmem>>
    %dma_start3A_278 = tpu.memref_squeeze %dma_start3A_277 : memref<1x128xi32, #tpu.memory_space<vmem>> -> memref<128xi32, #tpu.memory_space<vmem>>
    %dma_start3A_279 = arith.constant 0 : i32
    %dma_start3A_280 = arith.constant 0 : i32
    %dma_start3A_281 = tpu.memref_slice %arg2[%dma_start3A_279, %dma_start3A_280] : memref<8192x128xf32, #tpu.memory_space<hbm>> -> memref<8192x128xf32, #tpu.memory_space<hbm>>
    tpu.enqueue_indirect_dma source(%dma_start3A_281 : memref<8192x128xf32, #tpu.memory_space<hbm>>) target(%arg9 : memref<128x128xf32, #tpu.memory_space<vmem>>) offsets(%dma_start3A_278 : memref<128xi32, #tpu.memory_space<vmem>>) semaphore(%arg10 : memref<!tpu.dma_semaphore, #tpu.memory_space<semaphore_mem>>)
    %dma_wait3A_282 = arith.constant 1 : i32
    %dma_wait3A_283 = arith.constant 0 : i32
    %dma_wait3A_284 = tpu.memref_slice %arg8[%dma_wait3A_282, %dma_wait3A_283] : memref<8x128xi32, #tpu.memory_space<vmem>> -> memref<1x128xi32, #tpu.memory_space<vmem>>
    %dma_wait3A_285 = tpu.memref_squeeze %dma_wait3A_284 : memref<1x128xi32, #tpu.memory_space<vmem>> -> memref<128xi32, #tpu.memory_space<vmem>>
    %dma_wait3A_286 = arith.constant 0 : i32
    %dma_wait3A_287 = arith.constant 0 : i32
    %dma_wait3A_288 = tpu.memref_slice %arg2[%dma_wait3A_286, %dma_wait3A_287] : memref<8192x128xf32, #tpu.memory_space<hbm>> -> memref<8192x128xf32, #tpu.memory_space<hbm>>
    tpu.wait_indirect_dma semaphore(%arg10 : memref<!tpu.dma_semaphore, #tpu.memory_space<semaphore_mem>>) src(%dma_wait3A_288 : memref<8192x128xf32, #tpu.memory_space<hbm>>) dst(%arg9 : memref<128x128xf32, #tpu.memory_space<vmem>>)
    %add3A_289 = arith.constant 128 : i32
    %add3A_290 = arith.addi %mul3A_2, %add3A_289 : i32
    "tpu.region"() ({
      %run_scoped3A_516 = tpu.sem_alloc : memref<!tpu.dma_semaphore, #tpu.memory_space<semaphore_mem>>
      %dma_start3A_517 = arith.constant 0 : i32
      %dma_start3A_518 = tpu.memref_slice %arg6[%add3A_290, %dma_start3A_517] : memref<32768x128xf32, #tpu.memory_space<hbm>> -> memref<128x128xf32, #tpu.memory_space<hbm>>
      %dma_start3A_519 = arith.constant 0 : i32
      %dma_start3A_520 = tpu.memref_slice %arg6[%add3A_290, %dma_start3A_519] : memref<32768x128xf32, #tpu.memory_space<hbm>> -> memref<128x128xf32, #tpu.memory_space<hbm>>
      tpu.enqueue_dma source(%arg9 : memref<128x128xf32, #tpu.memory_space<vmem>>) target(%dma_start3A_520 : memref<128x128xf32, #tpu.memory_space<hbm>>) target_semaphore(%run_scoped3A_516 : memref<!tpu.dma_semaphore, #tpu.memory_space<semaphore_mem>>)
      %dma_wait3A_521 = arith.constant 0 : i32
      %dma_wait3A_522 = tpu.memref_slice %arg6[%add3A_290, %dma_wait3A_521] : memref<32768x128xf32, #tpu.memory_space<hbm>> -> memref<128x128xf32, #tpu.memory_space<hbm>>
      %dma_wait3A_523 = arith.constant 0 : i32
      %dma_wait3A_524 = tpu.memref_slice %arg6[%add3A_290, %dma_wait3A_523] : memref<32768x128xf32, #tpu.memory_space<hbm>> -> memref<128x128xf32, #tpu.memory_space<hbm>>
      tpu.wait_dma2 semaphore(%run_scoped3A_516 : memref<!tpu.dma_semaphore, #tpu.memory_space<semaphore_mem>>) src(%arg9 : memref<128x128xf32, #tpu.memory_space<vmem>>) dst(%dma_wait3A_524 : memref<128x128xf32, #tpu.memory_space<hbm>>)
      tpu.yield
    }) : () -> ()
    %dma_start3A_291 = arith.constant 2 : i32
    %dma_start3A_292 = arith.constant 0 : i32
    %dma_start3A_293 = tpu.memref_slice %arg8[%dma_start3A_291, %dma_start3A_292] : memref<8x128xi32, #tpu.memory_space<vmem>> -> memref<1x128xi32, #tpu.memory_space<vmem>>
    %dma_start3A_294 = tpu.memref_squeeze %dma_start3A_293 : memref<1x128xi32, #tpu.memory_space<vmem>> -> memref<128xi32, #tpu.memory_space<vmem>>
    %dma_start3A_295 = arith.constant 0 : i32
    %dma_start3A_296 = arith.constant 0 : i32
    %dma_start3A_297 = tpu.memref_slice %arg2[%dma_start3A_295, %dma_start3A_296] : memref<8192x128xf32, #tpu.memory_space<hbm>> -> memref<8192x128xf32, #tpu.memory_space<hbm>>
    tpu.enqueue_indirect_dma source(%dma_start3A_297 : memref<8192x128xf32, #tpu.memory_space<hbm>>) target(%arg9 : memref<128x128xf32, #tpu.memory_space<vmem>>) offsets(%dma_start3A_294 : memref<128xi32, #tpu.memory_space<vmem>>) semaphore(%arg10 : memref<!tpu.dma_semaphore, #tpu.memory_space<semaphore_mem>>)
    %dma_wait3A_298 = arith.constant 2 : i32
    %dma_wait3A_299 = arith.constant 0 : i32
    %dma_wait3A_300 = tpu.memref_slice %arg8[%dma_wait3A_298, %dma_wait3A_299] : memref<8x128xi32, #tpu.memory_space<vmem>> -> memref<1x128xi32, #tpu.memory_space<vmem>>
    %dma_wait3A_301 = tpu.memref_squeeze %dma_wait3A_300 : memref<1x128xi32, #tpu.memory_space<vmem>> -> memref<128xi32, #tpu.memory_space<vmem>>
    %dma_wait3A_302 = arith.constant 0 : i32
    %dma_wait3A_303 = arith.constant 0 : i32
    %dma_wait3A_304 = tpu.memref_slice %arg2[%dma_wait3A_302, %dma_wait3A_303] : memref<8192x128xf32, #tpu.memory_space<hbm>> -> memref<8192x128xf32, #tpu.memory_space<hbm>>
    tpu.wait_indirect_dma semaphore(%arg10 : memref<!tpu.dma_semaphore, #tpu.memory_space<semaphore_mem>>) src(%dma_wait3A_304 : memref<8192x128xf32, #tpu.memory_space<hbm>>) dst(%arg9 : memref<128x128xf32, #tpu.memory_space<vmem>>)
    %add3A_305 = arith.constant 256 : i32
    %add3A_306 = arith.addi %mul3A_2, %add3A_305 : i32
    "tpu.region"() ({
      %run_scoped3A_516 = tpu.sem_alloc : memref<!tpu.dma_semaphore, #tpu.memory_space<semaphore_mem>>
      %dma_start3A_517 = arith.constant 0 : i32
      %dma_start3A_518 = tpu.memref_slice %arg6[%add3A_306, %dma_start3A_517] : memref<32768x128xf32, #tpu.memory_space<hbm>> -> memref<128x128xf32, #tpu.memory_space<hbm>>
      %dma_start3A_519 = arith.constant 0 : i32
      %dma_start3A_520 = tpu.memref_slice %arg6[%add3A_306, %dma_start3A_519] : memref<32768x128xf32, #tpu.memory_space<hbm>> -> memref<128x128xf32, #tpu.memory_space<hbm>>
      tpu.enqueue_dma source(%arg9 : memref<128x128xf32, #tpu.memory_space<vmem>>) target(%dma_start3A_520 : memref<128x128xf32, #tpu.memory_space<hbm>>) target_semaphore(%run_scoped3A_516 : memref<!tpu.dma_semaphore, #tpu.memory_space<semaphore_mem>>)
      %dma_wait3A_521 = arith.constant 0 : i32
      %dma_wait3A_522 = tpu.memref_slice %arg6[%add3A_306, %dma_wait3A_521] : memref<32768x128xf32, #tpu.memory_space<hbm>> -> memref<128x128xf32, #tpu.memory_space<hbm>>
      %dma_wait3A_523 = arith.constant 0 : i32
      %dma_wait3A_524 = tpu.memref_slice %arg6[%add3A_306, %dma_wait3A_523] : memref<32768x128xf32, #tpu.memory_space<hbm>> -> memref<128x128xf32, #tpu.memory_space<hbm>>
      tpu.wait_dma2 semaphore(%run_scoped3A_516 : memref<!tpu.dma_semaphore, #tpu.memory_space<semaphore_mem>>) src(%arg9 : memref<128x128xf32, #tpu.memory_space<vmem>>) dst(%dma_wait3A_524 : memref<128x128xf32, #tpu.memory_space<hbm>>)
      tpu.yield
    }) : () -> ()
    %dma_start3A_307 = arith.constant 3 : i32
    %dma_start3A_308 = arith.constant 0 : i32
    %dma_start3A_309 = tpu.memref_slice %arg8[%dma_start3A_307, %dma_start3A_308] : memref<8x128xi32, #tpu.memory_space<vmem>> -> memref<1x128xi32, #tpu.memory_space<vmem>>
    %dma_start3A_310 = tpu.memref_squeeze %dma_start3A_309 : memref<1x128xi32, #tpu.memory_space<vmem>> -> memref<128xi32, #tpu.memory_space<vmem>>
    %dma_start3A_311 = arith.constant 0 : i32
    %dma_start3A_312 = arith.constant 0 : i32
    %dma_start3A_313 = tpu.memref_slice %arg2[%dma_start3A_311, %dma_start3A_312] : memref<8192x128xf32, #tpu.memory_space<hbm>> -> memref<8192x128xf32, #tpu.memory_space<hbm>>
    tpu.enqueue_indirect_dma source(%dma_start3A_313 : memref<8192x128xf32, #tpu.memory_space<hbm>>) target(%arg9 : memref<128x128xf32, #tpu.memory_space<vmem>>) offsets(%dma_start3A_310 : memref<128xi32, #tpu.memory_space<vmem>>) semaphore(%arg10 : memref<!tpu.dma_semaphore, #tpu.memory_space<semaphore_mem>>)
    %dma_wait3A_314 = arith.constant 3 : i32
    %dma_wait3A_315 = arith.constant 0 : i32
    %dma_wait3A_316 = tpu.memref_slice %arg8[%dma_wait3A_314, %dma_wait3A_315] : memref<8x128xi32, #tpu.memory_space<vmem>> -> memref<1x128xi32, #tpu.memory_space<vmem>>
    %dma_wait3A_317 = tpu.memref_squeeze %dma_wait3A_316 : memref<1x128xi32, #tpu.memory_space<vmem>> -> memref<128xi32, #tpu.memory_space<vmem>>
    %dma_wait3A_318 = arith.constant 0 : i32
    %dma_wait3A_319 = arith.constant 0 : i32
    %dma_wait3A_320 = tpu.memref_slice %arg2[%dma_wait3A_318, %dma_wait3A_319] : memref<8192x128xf32, #tpu.memory_space<hbm>> -> memref<8192x128xf32, #tpu.memory_space<hbm>>
    tpu.wait_indirect_dma semaphore(%arg10 : memref<!tpu.dma_semaphore, #tpu.memory_space<semaphore_mem>>) src(%dma_wait3A_320 : memref<8192x128xf32, #tpu.memory_space<hbm>>) dst(%arg9 : memref<128x128xf32, #tpu.memory_space<vmem>>)
    %add3A_321 = arith.constant 384 : i32
    %add3A_322 = arith.addi %mul3A_2, %add3A_321 : i32
    "tpu.region"() ({
      %run_scoped3A_516 = tpu.sem_alloc : memref<!tpu.dma_semaphore, #tpu.memory_space<semaphore_mem>>
      %dma_start3A_517 = arith.constant 0 : i32
      %dma_start3A_518 = tpu.memref_slice %arg6[%add3A_322, %dma_start3A_517] : memref<32768x128xf32, #tpu.memory_space<hbm>> -> memref<128x128xf32, #tpu.memory_space<hbm>>
      %dma_start3A_519 = arith.constant 0 : i32
      %dma_start3A_520 = tpu.memref_slice %arg6[%add3A_322, %dma_start3A_519] : memref<32768x128xf32, #tpu.memory_space<hbm>> -> memref<128x128xf32, #tpu.memory_space<hbm>>
      tpu.enqueue_dma source(%arg9 : memref<128x128xf32, #tpu.memory_space<vmem>>) target(%dma_start3A_520 : memref<128x128xf32, #tpu.memory_space<hbm>>) target_semaphore(%run_scoped3A_516 : memref<!tpu.dma_semaphore, #tpu.memory_space<semaphore_mem>>)
      %dma_wait3A_521 = arith.constant 0 : i32
      %dma_wait3A_522 = tpu.memref_slice %arg6[%add3A_322, %dma_wait3A_521] : memref<32768x128xf32, #tpu.memory_space<hbm>> -> memref<128x128xf32, #tpu.memory_space<hbm>>
      %dma_wait3A_523 = arith.constant 0 : i32
      %dma_wait3A_524 = tpu.memref_slice %arg6[%add3A_322, %dma_wait3A_523] : memref<32768x128xf32, #tpu.memory_space<hbm>> -> memref<128x128xf32, #tpu.memory_space<hbm>>
      tpu.wait_dma2 semaphore(%run_scoped3A_516 : memref<!tpu.dma_semaphore, #tpu.memory_space<semaphore_mem>>) src(%arg9 : memref<128x128xf32, #tpu.memory_space<vmem>>) dst(%dma_wait3A_524 : memref<128x128xf32, #tpu.memory_space<hbm>>)
      tpu.yield
    }) : () -> ()
    %dma_start3A_323 = arith.constant 4 : i32
    %dma_start3A_324 = arith.constant 0 : i32
    %dma_start3A_325 = tpu.memref_slice %arg8[%dma_start3A_323, %dma_start3A_324] : memref<8x128xi32, #tpu.memory_space<vmem>> -> memref<1x128xi32, #tpu.memory_space<vmem>>
    %dma_start3A_326 = tpu.memref_squeeze %dma_start3A_325 : memref<1x128xi32, #tpu.memory_space<vmem>> -> memref<128xi32, #tpu.memory_space<vmem>>
    %dma_start3A_327 = arith.constant 0 : i32
    %dma_start3A_328 = arith.constant 0 : i32
    %dma_start3A_329 = tpu.memref_slice %arg2[%dma_start3A_327, %dma_start3A_328] : memref<8192x128xf32, #tpu.memory_space<hbm>> -> memref<8192x128xf32, #tpu.memory_space<hbm>>
    tpu.enqueue_indirect_dma source(%dma_start3A_329 : memref<8192x128xf32, #tpu.memory_space<hbm>>) target(%arg9 : memref<128x128xf32, #tpu.memory_space<vmem>>) offsets(%dma_start3A_326 : memref<128xi32, #tpu.memory_space<vmem>>) semaphore(%arg10 : memref<!tpu.dma_semaphore, #tpu.memory_space<semaphore_mem>>)
    %dma_wait3A_330 = arith.constant 4 : i32
    %dma_wait3A_331 = arith.constant 0 : i32
    %dma_wait3A_332 = tpu.memref_slice %arg8[%dma_wait3A_330, %dma_wait3A_331] : memref<8x128xi32, #tpu.memory_space<vmem>> -> memref<1x128xi32, #tpu.memory_space<vmem>>
    %dma_wait3A_333 = tpu.memref_squeeze %dma_wait3A_332 : memref<1x128xi32, #tpu.memory_space<vmem>> -> memref<128xi32, #tpu.memory_space<vmem>>
    %dma_wait3A_334 = arith.constant 0 : i32
    %dma_wait3A_335 = arith.constant 0 : i32
    %dma_wait3A_336 = tpu.memref_slice %arg2[%dma_wait3A_334, %dma_wait3A_335] : memref<8192x128xf32, #tpu.memory_space<hbm>> -> memref<8192x128xf32, #tpu.memory_space<hbm>>
    tpu.wait_indirect_dma semaphore(%arg10 : memref<!tpu.dma_semaphore, #tpu.memory_space<semaphore_mem>>) src(%dma_wait3A_336 : memref<8192x128xf32, #tpu.memory_space<hbm>>) dst(%arg9 : memref<128x128xf32, #tpu.memory_space<vmem>>)
    %add3A_337 = arith.constant 512 : i32
    %add3A_338 = arith.addi %mul3A_2, %add3A_337 : i32
    "tpu.region"() ({
      %run_scoped3A_516 = tpu.sem_alloc : memref<!tpu.dma_semaphore, #tpu.memory_space<semaphore_mem>>
      %dma_start3A_517 = arith.constant 0 : i32
      %dma_start3A_518 = tpu.memref_slice %arg6[%add3A_338, %dma_start3A_517] : memref<32768x128xf32, #tpu.memory_space<hbm>> -> memref<128x128xf32, #tpu.memory_space<hbm>>
      %dma_start3A_519 = arith.constant 0 : i32
      %dma_start3A_520 = tpu.memref_slice %arg6[%add3A_338, %dma_start3A_519] : memref<32768x128xf32, #tpu.memory_space<hbm>> -> memref<128x128xf32, #tpu.memory_space<hbm>>
      tpu.enqueue_dma source(%arg9 : memref<128x128xf32, #tpu.memory_space<vmem>>) target(%dma_start3A_520 : memref<128x128xf32, #tpu.memory_space<hbm>>) target_semaphore(%run_scoped3A_516 : memref<!tpu.dma_semaphore, #tpu.memory_space<semaphore_mem>>)
      %dma_wait3A_521 = arith.constant 0 : i32
      %dma_wait3A_522 = tpu.memref_slice %arg6[%add3A_338, %dma_wait3A_521] : memref<32768x128xf32, #tpu.memory_space<hbm>> -> memref<128x128xf32, #tpu.memory_space<hbm>>
      %dma_wait3A_523 = arith.constant 0 : i32
      %dma_wait3A_524 = tpu.memref_slice %arg6[%add3A_338, %dma_wait3A_523] : memref<32768x128xf32, #tpu.memory_space<hbm>> -> memref<128x128xf32, #tpu.memory_space<hbm>>
      tpu.wait_dma2 semaphore(%run_scoped3A_516 : memref<!tpu.dma_semaphore, #tpu.memory_space<semaphore_mem>>) src(%arg9 : memref<128x128xf32, #tpu.memory_space<vmem>>) dst(%dma_wait3A_524 : memref<128x128xf32, #tpu.memory_space<hbm>>)
      tpu.yield
    }) : () -> ()
    %dma_start3A_339 = arith.constant 5 : i32
    %dma_start3A_340 = arith.constant 0 : i32
    %dma_start3A_341 = tpu.memref_slice %arg8[%dma_start3A_339, %dma_start3A_340] : memref<8x128xi32, #tpu.memory_space<vmem>> -> memref<1x128xi32, #tpu.memory_space<vmem>>
    %dma_start3A_342 = tpu.memref_squeeze %dma_start3A_341 : memref<1x128xi32, #tpu.memory_space<vmem>> -> memref<128xi32, #tpu.memory_space<vmem>>
    %dma_start3A_343 = arith.constant 0 : i32
    %dma_start3A_344 = arith.constant 0 : i32
    %dma_start3A_345 = tpu.memref_slice %arg2[%dma_start3A_343, %dma_start3A_344] : memref<8192x128xf32, #tpu.memory_space<hbm>> -> memref<8192x128xf32, #tpu.memory_space<hbm>>
    tpu.enqueue_indirect_dma source(%dma_start3A_345 : memref<8192x128xf32, #tpu.memory_space<hbm>>) target(%arg9 : memref<128x128xf32, #tpu.memory_space<vmem>>) offsets(%dma_start3A_342 : memref<128xi32, #tpu.memory_space<vmem>>) semaphore(%arg10 : memref<!tpu.dma_semaphore, #tpu.memory_space<semaphore_mem>>)
    %dma_wait3A_346 = arith.constant 5 : i32
    %dma_wait3A_347 = arith.constant 0 : i32
    %dma_wait3A_348 = tpu.memref_slice %arg8[%dma_wait3A_346, %dma_wait3A_347] : memref<8x128xi32, #tpu.memory_space<vmem>> -> memref<1x128xi32, #tpu.memory_space<vmem>>
    %dma_wait3A_349 = tpu.memref_squeeze %dma_wait3A_348 : memref<1x128xi32, #tpu.memory_space<vmem>> -> memref<128xi32, #tpu.memory_space<vmem>>
    %dma_wait3A_350 = arith.constant 0 : i32
    %dma_wait3A_351 = arith.constant 0 : i32
    %dma_wait3A_352 = tpu.memref_slice %arg2[%dma_wait3A_350, %dma_wait3A_351] : memref<8192x128xf32, #tpu.memory_space<hbm>> -> memref<8192x128xf32, #tpu.memory_space<hbm>>
    tpu.wait_indirect_dma semaphore(%arg10 : memref<!tpu.dma_semaphore, #tpu.memory_space<semaphore_mem>>) src(%dma_wait3A_352 : memref<8192x128xf32, #tpu.memory_space<hbm>>) dst(%arg9 : memref<128x128xf32, #tpu.memory_space<vmem>>)
    %add3A_353 = arith.constant 640 : i32
    %add3A_354 = arith.addi %mul3A_2, %add3A_353 : i32
    "tpu.region"() ({
      %run_scoped3A_516 = tpu.sem_alloc : memref<!tpu.dma_semaphore, #tpu.memory_space<semaphore_mem>>
      %dma_start3A_517 = arith.constant 0 : i32
      %dma_start3A_518 = tpu.memref_slice %arg6[%add3A_354, %dma_start3A_517] : memref<32768x128xf32, #tpu.memory_space<hbm>> -> memref<128x128xf32, #tpu.memory_space<hbm>>
      %dma_start3A_519 = arith.constant 0 : i32
      %dma_start3A_520 = tpu.memref_slice %arg6[%add3A_354, %dma_start3A_519] : memref<32768x128xf32, #tpu.memory_space<hbm>> -> memref<128x128xf32, #tpu.memory_space<hbm>>
      tpu.enqueue_dma source(%arg9 : memref<128x128xf32, #tpu.memory_space<vmem>>) target(%dma_start3A_520 : memref<128x128xf32, #tpu.memory_space<hbm>>) target_semaphore(%run_scoped3A_516 : memref<!tpu.dma_semaphore, #tpu.memory_space<semaphore_mem>>)
      %dma_wait3A_521 = arith.constant 0 : i32
      %dma_wait3A_522 = tpu.memref_slice %arg6[%add3A_354, %dma_wait3A_521] : memref<32768x128xf32, #tpu.memory_space<hbm>> -> memref<128x128xf32, #tpu.memory_space<hbm>>
      %dma_wait3A_523 = arith.constant 0 : i32
      %dma_wait3A_524 = tpu.memref_slice %arg6[%add3A_354, %dma_wait3A_523] : memref<32768x128xf32, #tpu.memory_space<hbm>> -> memref<128x128xf32, #tpu.memory_space<hbm>>
      tpu.wait_dma2 semaphore(%run_scoped3A_516 : memref<!tpu.dma_semaphore, #tpu.memory_space<semaphore_mem>>) src(%arg9 : memref<128x128xf32, #tpu.memory_space<vmem>>) dst(%dma_wait3A_524 : memref<128x128xf32, #tpu.memory_space<hbm>>)
      tpu.yield
    }) : () -> ()
    %dma_start3A_355 = arith.constant 6 : i32
    %dma_start3A_356 = arith.constant 0 : i32
    %dma_start3A_357 = tpu.memref_slice %arg8[%dma_start3A_355, %dma_start3A_356] : memref<8x128xi32, #tpu.memory_space<vmem>> -> memref<1x128xi32, #tpu.memory_space<vmem>>
    %dma_start3A_358 = tpu.memref_squeeze %dma_start3A_357 : memref<1x128xi32, #tpu.memory_space<vmem>> -> memref<128xi32, #tpu.memory_space<vmem>>
    %dma_start3A_359 = arith.constant 0 : i32
    %dma_start3A_360 = arith.constant 0 : i32
    %dma_start3A_361 = tpu.memref_slice %arg2[%dma_start3A_359, %dma_start3A_360] : memref<8192x128xf32, #tpu.memory_space<hbm>> -> memref<8192x128xf32, #tpu.memory_space<hbm>>
    tpu.enqueue_indirect_dma source(%dma_start3A_361 : memref<8192x128xf32, #tpu.memory_space<hbm>>) target(%arg9 : memref<128x128xf32, #tpu.memory_space<vmem>>) offsets(%dma_start3A_358 : memref<128xi32, #tpu.memory_space<vmem>>) semaphore(%arg10 : memref<!tpu.dma_semaphore, #tpu.memory_space<semaphore_mem>>)
    %dma_wait3A_362 = arith.constant 6 : i32
    %dma_wait3A_363 = arith.constant 0 : i32
    %dma_wait3A_364 = tpu.memref_slice %arg8[%dma_wait3A_362, %dma_wait3A_363] : memref<8x128xi32, #tpu.memory_space<vmem>> -> memref<1x128xi32, #tpu.memory_space<vmem>>
    %dma_wait3A_365 = tpu.memref_squeeze %dma_wait3A_364 : memref<1x128xi32, #tpu.memory_space<vmem>> -> memref<128xi32, #tpu.memory_space<vmem>>
    %dma_wait3A_366 = arith.constant 0 : i32
    %dma_wait3A_367 = arith.constant 0 : i32
    %dma_wait3A_368 = tpu.memref_slice %arg2[%dma_wait3A_366, %dma_wait3A_367] : memref<8192x128xf32, #tpu.memory_space<hbm>> -> memref<8192x128xf32, #tpu.memory_space<hbm>>
    tpu.wait_indirect_dma semaphore(%arg10 : memref<!tpu.dma_semaphore, #tpu.memory_space<semaphore_mem>>) src(%dma_wait3A_368 : memref<8192x128xf32, #tpu.memory_space<hbm>>) dst(%arg9 : memref<128x128xf32, #tpu.memory_space<vmem>>)
    %add3A_369 = arith.constant 768 : i32
    %add3A_370 = arith.addi %mul3A_2, %add3A_369 : i32
    "tpu.region"() ({
      %run_scoped3A_516 = tpu.sem_alloc : memref<!tpu.dma_semaphore, #tpu.memory_space<semaphore_mem>>
      %dma_start3A_517 = arith.constant 0 : i32
      %dma_start3A_518 = tpu.memref_slice %arg6[%add3A_370, %dma_start3A_517] : memref<32768x128xf32, #tpu.memory_space<hbm>> -> memref<128x128xf32, #tpu.memory_space<hbm>>
      %dma_start3A_519 = arith.constant 0 : i32
      %dma_start3A_520 = tpu.memref_slice %arg6[%add3A_370, %dma_start3A_519] : memref<32768x128xf32, #tpu.memory_space<hbm>> -> memref<128x128xf32, #tpu.memory_space<hbm>>
      tpu.enqueue_dma source(%arg9 : memref<128x128xf32, #tpu.memory_space<vmem>>) target(%dma_start3A_520 : memref<128x128xf32, #tpu.memory_space<hbm>>) target_semaphore(%run_scoped3A_516 : memref<!tpu.dma_semaphore, #tpu.memory_space<semaphore_mem>>)
      %dma_wait3A_521 = arith.constant 0 : i32
      %dma_wait3A_522 = tpu.memref_slice %arg6[%add3A_370, %dma_wait3A_521] : memref<32768x128xf32, #tpu.memory_space<hbm>> -> memref<128x128xf32, #tpu.memory_space<hbm>>
      %dma_wait3A_523 = arith.constant 0 : i32
      %dma_wait3A_524 = tpu.memref_slice %arg6[%add3A_370, %dma_wait3A_523] : memref<32768x128xf32, #tpu.memory_space<hbm>> -> memref<128x128xf32, #tpu.memory_space<hbm>>
      tpu.wait_dma2 semaphore(%run_scoped3A_516 : memref<!tpu.dma_semaphore, #tpu.memory_space<semaphore_mem>>) src(%arg9 : memref<128x128xf32, #tpu.memory_space<vmem>>) dst(%dma_wait3A_524 : memref<128x128xf32, #tpu.memory_space<hbm>>)
      tpu.yield
    }) : () -> ()
    %dma_start3A_371 = arith.constant 7 : i32
    %dma_start3A_372 = arith.constant 0 : i32
    %dma_start3A_373 = tpu.memref_slice %arg8[%dma_start3A_371, %dma_start3A_372] : memref<8x128xi32, #tpu.memory_space<vmem>> -> memref<1x128xi32, #tpu.memory_space<vmem>>
    %dma_start3A_374 = tpu.memref_squeeze %dma_start3A_373 : memref<1x128xi32, #tpu.memory_space<vmem>> -> memref<128xi32, #tpu.memory_space<vmem>>
    %dma_start3A_375 = arith.constant 0 : i32
    %dma_start3A_376 = arith.constant 0 : i32
    %dma_start3A_377 = tpu.memref_slice %arg2[%dma_start3A_375, %dma_start3A_376] : memref<8192x128xf32, #tpu.memory_space<hbm>> -> memref<8192x128xf32, #tpu.memory_space<hbm>>
    tpu.enqueue_indirect_dma source(%dma_start3A_377 : memref<8192x128xf32, #tpu.memory_space<hbm>>) target(%arg9 : memref<128x128xf32, #tpu.memory_space<vmem>>) offsets(%dma_start3A_374 : memref<128xi32, #tpu.memory_space<vmem>>) semaphore(%arg10 : memref<!tpu.dma_semaphore, #tpu.memory_space<semaphore_mem>>)
    %dma_wait3A_378 = arith.constant 7 : i32
    %dma_wait3A_379 = arith.constant 0 : i32
    %dma_wait3A_380 = tpu.memref_slice %arg8[%dma_wait3A_378, %dma_wait3A_379] : memref<8x128xi32, #tpu.memory_space<vmem>> -> memref<1x128xi32, #tpu.memory_space<vmem>>
    %dma_wait3A_381 = tpu.memref_squeeze %dma_wait3A_380 : memref<1x128xi32, #tpu.memory_space<vmem>> -> memref<128xi32, #tpu.memory_space<vmem>>
    %dma_wait3A_382 = arith.constant 0 : i32
    %dma_wait3A_383 = arith.constant 0 : i32
    %dma_wait3A_384 = tpu.memref_slice %arg2[%dma_wait3A_382, %dma_wait3A_383] : memref<8192x128xf32, #tpu.memory_space<hbm>> -> memref<8192x128xf32, #tpu.memory_space<hbm>>
    tpu.wait_indirect_dma semaphore(%arg10 : memref<!tpu.dma_semaphore, #tpu.memory_space<semaphore_mem>>) src(%dma_wait3A_384 : memref<8192x128xf32, #tpu.memory_space<hbm>>) dst(%arg9 : memref<128x128xf32, #tpu.memory_space<vmem>>)
    %add3A_385 = arith.constant 896 : i32
    %add3A_386 = arith.addi %mul3A_2, %add3A_385 : i32
    "tpu.region"() ({
      %run_scoped3A_516 = tpu.sem_alloc : memref<!tpu.dma_semaphore, #tpu.memory_space<semaphore_mem>>
      %dma_start3A_517 = arith.constant 0 : i32
      %dma_start3A_518 = tpu.memref_slice %arg6[%add3A_386, %dma_start3A_517] : memref<32768x128xf32, #tpu.memory_space<hbm>> -> memref<128x128xf32, #tpu.memory_space<hbm>>
      %dma_start3A_519 = arith.constant 0 : i32
      %dma_start3A_520 = tpu.memref_slice %arg6[%add3A_386, %dma_start3A_519] : memref<32768x128xf32, #tpu.memory_space<hbm>> -> memref<128x128xf32, #tpu.memory_space<hbm>>
      tpu.enqueue_dma source(%arg9 : memref<128x128xf32, #tpu.memory_space<vmem>>) target(%dma_start3A_520 : memref<128x128xf32, #tpu.memory_space<hbm>>) target_semaphore(%run_scoped3A_516 : memref<!tpu.dma_semaphore, #tpu.memory_space<semaphore_mem>>)
      %dma_wait3A_521 = arith.constant 0 : i32
      %dma_wait3A_522 = tpu.memref_slice %arg6[%add3A_386, %dma_wait3A_521] : memref<32768x128xf32, #tpu.memory_space<hbm>> -> memref<128x128xf32, #tpu.memory_space<hbm>>
      %dma_wait3A_523 = arith.constant 0 : i32
      %dma_wait3A_524 = tpu.memref_slice %arg6[%add3A_386, %dma_wait3A_523] : memref<32768x128xf32, #tpu.memory_space<hbm>> -> memref<128x128xf32, #tpu.memory_space<hbm>>
      tpu.wait_dma2 semaphore(%run_scoped3A_516 : memref<!tpu.dma_semaphore, #tpu.memory_space<semaphore_mem>>) src(%arg9 : memref<128x128xf32, #tpu.memory_space<vmem>>) dst(%dma_wait3A_524 : memref<128x128xf32, #tpu.memory_space<hbm>>)
      tpu.yield
    }) : () -> ()
    %run_scoped3A_387 = arith.constant 3 : i32
    "tpu.region"() ({
      %run_scoped3A_516 = tpu.sem_alloc : memref<!tpu.dma_semaphore, #tpu.memory_space<semaphore_mem>>
      %dma_start3A_517 = arith.constant 0 : i32
      %dma_start3A_518 = arith.constant 0 : i32
      %dma_start3A_519 = tpu.memref_slice %arg3[%run_scoped3A_387, %add3A, %dma_start3A_517, %dma_start3A_518] : memref<4x32x8x128xi32, #tpu.memory_space<hbm>> -> memref<1x1x8x128xi32, #tpu.memory_space<hbm>>
      %dma_start3A_520 = tpu.memref_squeeze %dma_start3A_519 : memref<1x1x8x128xi32, #tpu.memory_space<hbm>> -> memref<8x128xi32, #tpu.memory_space<hbm>>
      %dma_start3A_521 = arith.constant 0 : i32
      %dma_start3A_522 = arith.constant 0 : i32
      %dma_start3A_523 = tpu.memref_slice %arg3[%run_scoped3A_387, %add3A, %dma_start3A_521, %dma_start3A_522] : memref<4x32x8x128xi32, #tpu.memory_space<hbm>> -> memref<1x1x8x128xi32, #tpu.memory_space<hbm>>
      %dma_start3A_524 = tpu.memref_squeeze %dma_start3A_523 : memref<1x1x8x128xi32, #tpu.memory_space<hbm>> -> memref<8x128xi32, #tpu.memory_space<hbm>>
      tpu.enqueue_dma source(%dma_start3A_524 : memref<8x128xi32, #tpu.memory_space<hbm>>) target(%arg8 : memref<8x128xi32, #tpu.memory_space<vmem>>) target_semaphore(%run_scoped3A_516 : memref<!tpu.dma_semaphore, #tpu.memory_space<semaphore_mem>>)
      %dma_wait3A_525 = arith.constant 0 : i32
      %dma_wait3A_526 = arith.constant 0 : i32
      %dma_wait3A_527 = tpu.memref_slice %arg3[%run_scoped3A_387, %add3A, %dma_wait3A_525, %dma_wait3A_526] : memref<4x32x8x128xi32, #tpu.memory_space<hbm>> -> memref<1x1x8x128xi32, #tpu.memory_space<hbm>>
      %dma_wait3A_528 = tpu.memref_squeeze %dma_wait3A_527 : memref<1x1x8x128xi32, #tpu.memory_space<hbm>> -> memref<8x128xi32, #tpu.memory_space<hbm>>
      %dma_wait3A_529 = arith.constant 0 : i32
      %dma_wait3A_530 = arith.constant 0 : i32
      %dma_wait3A_531 = tpu.memref_slice %arg3[%run_scoped3A_387, %add3A, %dma_wait3A_529, %dma_wait3A_530] : memref<4x32x8x128xi32, #tpu.memory_space<hbm>> -> memref<1x1x8x128xi32, #tpu.memory_space<hbm>>
      %dma_wait3A_532 = tpu.memref_squeeze %dma_wait3A_531 : memref<1x1x8x128xi32, #tpu.memory_space<hbm>> -> memref<8x128xi32, #tpu.memory_space<hbm>>
      tpu.wait_dma2 semaphore(%run_scoped3A_516 : memref<!tpu.dma_semaphore, #tpu.memory_space<semaphore_mem>>) src(%dma_wait3A_532 : memref<8x128xi32, #tpu.memory_space<hbm>>) dst(%arg8 : memref<8x128xi32, #tpu.memory_space<vmem>>)
      tpu.yield
    }) : () -> ()
    %dma_start3A_388 = arith.constant 0 : i32
    %dma_start3A_389 = arith.constant 0 : i32
    %dma_start3A_390 = tpu.memref_slice %arg8[%dma_start3A_388, %dma_start3A_389] : memref<8x128xi32, #tpu.memory_space<vmem>> -> memref<1x128xi32, #tpu.memory_space<vmem>>
    %dma_start3A_391 = tpu.memref_squeeze %dma_start3A_390 : memref<1x128xi32, #tpu.memory_space<vmem>> -> memref<128xi32, #tpu.memory_space<vmem>>
    %dma_start3A_392 = arith.constant 0 : i32
    %dma_start3A_393 = arith.constant 0 : i32
    %dma_start3A_394 = tpu.memref_slice %arg2[%dma_start3A_392, %dma_start3A_393] : memref<8192x128xf32, #tpu.memory_space<hbm>> -> memref<8192x128xf32, #tpu.memory_space<hbm>>
    tpu.enqueue_indirect_dma source(%dma_start3A_394 : memref<8192x128xf32, #tpu.memory_space<hbm>>) target(%arg9 : memref<128x128xf32, #tpu.memory_space<vmem>>) offsets(%dma_start3A_391 : memref<128xi32, #tpu.memory_space<vmem>>) semaphore(%arg10 : memref<!tpu.dma_semaphore, #tpu.memory_space<semaphore_mem>>)
    %dma_wait3A_395 = arith.constant 0 : i32
    %dma_wait3A_396 = arith.constant 0 : i32
    %dma_wait3A_397 = tpu.memref_slice %arg8[%dma_wait3A_395, %dma_wait3A_396] : memref<8x128xi32, #tpu.memory_space<vmem>> -> memref<1x128xi32, #tpu.memory_space<vmem>>
    %dma_wait3A_398 = tpu.memref_squeeze %dma_wait3A_397 : memref<1x128xi32, #tpu.memory_space<vmem>> -> memref<128xi32, #tpu.memory_space<vmem>>
    %dma_wait3A_399 = arith.constant 0 : i32
    %dma_wait3A_400 = arith.constant 0 : i32
    %dma_wait3A_401 = tpu.memref_slice %arg2[%dma_wait3A_399, %dma_wait3A_400] : memref<8192x128xf32, #tpu.memory_space<hbm>> -> memref<8192x128xf32, #tpu.memory_space<hbm>>
    tpu.wait_indirect_dma semaphore(%arg10 : memref<!tpu.dma_semaphore, #tpu.memory_space<semaphore_mem>>) src(%dma_wait3A_401 : memref<8192x128xf32, #tpu.memory_space<hbm>>) dst(%arg9 : memref<128x128xf32, #tpu.memory_space<vmem>>)
    %add3A_402 = arith.constant 0 : i32
    %add3A_403 = arith.addi %mul3A_2, %add3A_402 : i32
    "tpu.region"() ({
      %run_scoped3A_516 = tpu.sem_alloc : memref<!tpu.dma_semaphore, #tpu.memory_space<semaphore_mem>>
      %dma_start3A_517 = arith.constant 0 : i32
      %dma_start3A_518 = tpu.memref_slice %arg7[%add3A_403, %dma_start3A_517] : memref<32768x128xf32, #tpu.memory_space<hbm>> -> memref<128x128xf32, #tpu.memory_space<hbm>>
      %dma_start3A_519 = arith.constant 0 : i32
      %dma_start3A_520 = tpu.memref_slice %arg7[%add3A_403, %dma_start3A_519] : memref<32768x128xf32, #tpu.memory_space<hbm>> -> memref<128x128xf32, #tpu.memory_space<hbm>>
      tpu.enqueue_dma source(%arg9 : memref<128x128xf32, #tpu.memory_space<vmem>>) target(%dma_start3A_520 : memref<128x128xf32, #tpu.memory_space<hbm>>) target_semaphore(%run_scoped3A_516 : memref<!tpu.dma_semaphore, #tpu.memory_space<semaphore_mem>>)
      %dma_wait3A_521 = arith.constant 0 : i32
      %dma_wait3A_522 = tpu.memref_slice %arg7[%add3A_403, %dma_wait3A_521] : memref<32768x128xf32, #tpu.memory_space<hbm>> -> memref<128x128xf32, #tpu.memory_space<hbm>>
      %dma_wait3A_523 = arith.constant 0 : i32
      %dma_wait3A_524 = tpu.memref_slice %arg7[%add3A_403, %dma_wait3A_523] : memref<32768x128xf32, #tpu.memory_space<hbm>> -> memref<128x128xf32, #tpu.memory_space<hbm>>
      tpu.wait_dma2 semaphore(%run_scoped3A_516 : memref<!tpu.dma_semaphore, #tpu.memory_space<semaphore_mem>>) src(%arg9 : memref<128x128xf32, #tpu.memory_space<vmem>>) dst(%dma_wait3A_524 : memref<128x128xf32, #tpu.memory_space<hbm>>)
      tpu.yield
    }) : () -> ()
    %dma_start3A_404 = arith.constant 1 : i32
    %dma_start3A_405 = arith.constant 0 : i32
    %dma_start3A_406 = tpu.memref_slice %arg8[%dma_start3A_404, %dma_start3A_405] : memref<8x128xi32, #tpu.memory_space<vmem>> -> memref<1x128xi32, #tpu.memory_space<vmem>>
    %dma_start3A_407 = tpu.memref_squeeze %dma_start3A_406 : memref<1x128xi32, #tpu.memory_space<vmem>> -> memref<128xi32, #tpu.memory_space<vmem>>
    %dma_start3A_408 = arith.constant 0 : i32
    %dma_start3A_409 = arith.constant 0 : i32
    %dma_start3A_410 = tpu.memref_slice %arg2[%dma_start3A_408, %dma_start3A_409] : memref<8192x128xf32, #tpu.memory_space<hbm>> -> memref<8192x128xf32, #tpu.memory_space<hbm>>
    tpu.enqueue_indirect_dma source(%dma_start3A_410 : memref<8192x128xf32, #tpu.memory_space<hbm>>) target(%arg9 : memref<128x128xf32, #tpu.memory_space<vmem>>) offsets(%dma_start3A_407 : memref<128xi32, #tpu.memory_space<vmem>>) semaphore(%arg10 : memref<!tpu.dma_semaphore, #tpu.memory_space<semaphore_mem>>)
    %dma_wait3A_411 = arith.constant 1 : i32
    %dma_wait3A_412 = arith.constant 0 : i32
    %dma_wait3A_413 = tpu.memref_slice %arg8[%dma_wait3A_411, %dma_wait3A_412] : memref<8x128xi32, #tpu.memory_space<vmem>> -> memref<1x128xi32, #tpu.memory_space<vmem>>
    %dma_wait3A_414 = tpu.memref_squeeze %dma_wait3A_413 : memref<1x128xi32, #tpu.memory_space<vmem>> -> memref<128xi32, #tpu.memory_space<vmem>>
    %dma_wait3A_415 = arith.constant 0 : i32
    %dma_wait3A_416 = arith.constant 0 : i32
    %dma_wait3A_417 = tpu.memref_slice %arg2[%dma_wait3A_415, %dma_wait3A_416] : memref<8192x128xf32, #tpu.memory_space<hbm>> -> memref<8192x128xf32, #tpu.memory_space<hbm>>
    tpu.wait_indirect_dma semaphore(%arg10 : memref<!tpu.dma_semaphore, #tpu.memory_space<semaphore_mem>>) src(%dma_wait3A_417 : memref<8192x128xf32, #tpu.memory_space<hbm>>) dst(%arg9 : memref<128x128xf32, #tpu.memory_space<vmem>>)
    %add3A_418 = arith.constant 128 : i32
    %add3A_419 = arith.addi %mul3A_2, %add3A_418 : i32
    "tpu.region"() ({
      %run_scoped3A_516 = tpu.sem_alloc : memref<!tpu.dma_semaphore, #tpu.memory_space<semaphore_mem>>
      %dma_start3A_517 = arith.constant 0 : i32
      %dma_start3A_518 = tpu.memref_slice %arg7[%add3A_419, %dma_start3A_517] : memref<32768x128xf32, #tpu.memory_space<hbm>> -> memref<128x128xf32, #tpu.memory_space<hbm>>
      %dma_start3A_519 = arith.constant 0 : i32
      %dma_start3A_520 = tpu.memref_slice %arg7[%add3A_419, %dma_start3A_519] : memref<32768x128xf32, #tpu.memory_space<hbm>> -> memref<128x128xf32, #tpu.memory_space<hbm>>
      tpu.enqueue_dma source(%arg9 : memref<128x128xf32, #tpu.memory_space<vmem>>) target(%dma_start3A_520 : memref<128x128xf32, #tpu.memory_space<hbm>>) target_semaphore(%run_scoped3A_516 : memref<!tpu.dma_semaphore, #tpu.memory_space<semaphore_mem>>)
      %dma_wait3A_521 = arith.constant 0 : i32
      %dma_wait3A_522 = tpu.memref_slice %arg7[%add3A_419, %dma_wait3A_521] : memref<32768x128xf32, #tpu.memory_space<hbm>> -> memref<128x128xf32, #tpu.memory_space<hbm>>
      %dma_wait3A_523 = arith.constant 0 : i32
      %dma_wait3A_524 = tpu.memref_slice %arg7[%add3A_419, %dma_wait3A_523] : memref<32768x128xf32, #tpu.memory_space<hbm>> -> memref<128x128xf32, #tpu.memory_space<hbm>>
      tpu.wait_dma2 semaphore(%run_scoped3A_516 : memref<!tpu.dma_semaphore, #tpu.memory_space<semaphore_mem>>) src(%arg9 : memref<128x128xf32, #tpu.memory_space<vmem>>) dst(%dma_wait3A_524 : memref<128x128xf32, #tpu.memory_space<hbm>>)
      tpu.yield
    }) : () -> ()
    %dma_start3A_420 = arith.constant 2 : i32
    %dma_start3A_421 = arith.constant 0 : i32
    %dma_start3A_422 = tpu.memref_slice %arg8[%dma_start3A_420, %dma_start3A_421] : memref<8x128xi32, #tpu.memory_space<vmem>> -> memref<1x128xi32, #tpu.memory_space<vmem>>
    %dma_start3A_423 = tpu.memref_squeeze %dma_start3A_422 : memref<1x128xi32, #tpu.memory_space<vmem>> -> memref<128xi32, #tpu.memory_space<vmem>>
    %dma_start3A_424 = arith.constant 0 : i32
    %dma_start3A_425 = arith.constant 0 : i32
    %dma_start3A_426 = tpu.memref_slice %arg2[%dma_start3A_424, %dma_start3A_425] : memref<8192x128xf32, #tpu.memory_space<hbm>> -> memref<8192x128xf32, #tpu.memory_space<hbm>>
    tpu.enqueue_indirect_dma source(%dma_start3A_426 : memref<8192x128xf32, #tpu.memory_space<hbm>>) target(%arg9 : memref<128x128xf32, #tpu.memory_space<vmem>>) offsets(%dma_start3A_423 : memref<128xi32, #tpu.memory_space<vmem>>) semaphore(%arg10 : memref<!tpu.dma_semaphore, #tpu.memory_space<semaphore_mem>>)
    %dma_wait3A_427 = arith.constant 2 : i32
    %dma_wait3A_428 = arith.constant 0 : i32
    %dma_wait3A_429 = tpu.memref_slice %arg8[%dma_wait3A_427, %dma_wait3A_428] : memref<8x128xi32, #tpu.memory_space<vmem>> -> memref<1x128xi32, #tpu.memory_space<vmem>>
    %dma_wait3A_430 = tpu.memref_squeeze %dma_wait3A_429 : memref<1x128xi32, #tpu.memory_space<vmem>> -> memref<128xi32, #tpu.memory_space<vmem>>
    %dma_wait3A_431 = arith.constant 0 : i32
    %dma_wait3A_432 = arith.constant 0 : i32
    %dma_wait3A_433 = tpu.memref_slice %arg2[%dma_wait3A_431, %dma_wait3A_432] : memref<8192x128xf32, #tpu.memory_space<hbm>> -> memref<8192x128xf32, #tpu.memory_space<hbm>>
    tpu.wait_indirect_dma semaphore(%arg10 : memref<!tpu.dma_semaphore, #tpu.memory_space<semaphore_mem>>) src(%dma_wait3A_433 : memref<8192x128xf32, #tpu.memory_space<hbm>>) dst(%arg9 : memref<128x128xf32, #tpu.memory_space<vmem>>)
    %add3A_434 = arith.constant 256 : i32
    %add3A_435 = arith.addi %mul3A_2, %add3A_434 : i32
    "tpu.region"() ({
      %run_scoped3A_516 = tpu.sem_alloc : memref<!tpu.dma_semaphore, #tpu.memory_space<semaphore_mem>>
      %dma_start3A_517 = arith.constant 0 : i32
      %dma_start3A_518 = tpu.memref_slice %arg7[%add3A_435, %dma_start3A_517] : memref<32768x128xf32, #tpu.memory_space<hbm>> -> memref<128x128xf32, #tpu.memory_space<hbm>>
      %dma_start3A_519 = arith.constant 0 : i32
      %dma_start3A_520 = tpu.memref_slice %arg7[%add3A_435, %dma_start3A_519] : memref<32768x128xf32, #tpu.memory_space<hbm>> -> memref<128x128xf32, #tpu.memory_space<hbm>>
      tpu.enqueue_dma source(%arg9 : memref<128x128xf32, #tpu.memory_space<vmem>>) target(%dma_start3A_520 : memref<128x128xf32, #tpu.memory_space<hbm>>) target_semaphore(%run_scoped3A_516 : memref<!tpu.dma_semaphore, #tpu.memory_space<semaphore_mem>>)
      %dma_wait3A_521 = arith.constant 0 : i32
      %dma_wait3A_522 = tpu.memref_slice %arg7[%add3A_435, %dma_wait3A_521] : memref<32768x128xf32, #tpu.memory_space<hbm>> -> memref<128x128xf32, #tpu.memory_space<hbm>>
      %dma_wait3A_523 = arith.constant 0 : i32
      %dma_wait3A_524 = tpu.memref_slice %arg7[%add3A_435, %dma_wait3A_523] : memref<32768x128xf32, #tpu.memory_space<hbm>> -> memref<128x128xf32, #tpu.memory_space<hbm>>
      tpu.wait_dma2 semaphore(%run_scoped3A_516 : memref<!tpu.dma_semaphore, #tpu.memory_space<semaphore_mem>>) src(%arg9 : memref<128x128xf32, #tpu.memory_space<vmem>>) dst(%dma_wait3A_524 : memref<128x128xf32, #tpu.memory_space<hbm>>)
      tpu.yield
    }) : () -> ()
    %dma_start3A_436 = arith.constant 3 : i32
    %dma_start3A_437 = arith.constant 0 : i32
    %dma_start3A_438 = tpu.memref_slice %arg8[%dma_start3A_436, %dma_start3A_437] : memref<8x128xi32, #tpu.memory_space<vmem>> -> memref<1x128xi32, #tpu.memory_space<vmem>>
    %dma_start3A_439 = tpu.memref_squeeze %dma_start3A_438 : memref<1x128xi32, #tpu.memory_space<vmem>> -> memref<128xi32, #tpu.memory_space<vmem>>
    %dma_start3A_440 = arith.constant 0 : i32
    %dma_start3A_441 = arith.constant 0 : i32
    %dma_start3A_442 = tpu.memref_slice %arg2[%dma_start3A_440, %dma_start3A_441] : memref<8192x128xf32, #tpu.memory_space<hbm>> -> memref<8192x128xf32, #tpu.memory_space<hbm>>
    tpu.enqueue_indirect_dma source(%dma_start3A_442 : memref<8192x128xf32, #tpu.memory_space<hbm>>) target(%arg9 : memref<128x128xf32, #tpu.memory_space<vmem>>) offsets(%dma_start3A_439 : memref<128xi32, #tpu.memory_space<vmem>>) semaphore(%arg10 : memref<!tpu.dma_semaphore, #tpu.memory_space<semaphore_mem>>)
    %dma_wait3A_443 = arith.constant 3 : i32
    %dma_wait3A_444 = arith.constant 0 : i32
    %dma_wait3A_445 = tpu.memref_slice %arg8[%dma_wait3A_443, %dma_wait3A_444] : memref<8x128xi32, #tpu.memory_space<vmem>> -> memref<1x128xi32, #tpu.memory_space<vmem>>
    %dma_wait3A_446 = tpu.memref_squeeze %dma_wait3A_445 : memref<1x128xi32, #tpu.memory_space<vmem>> -> memref<128xi32, #tpu.memory_space<vmem>>
    %dma_wait3A_447 = arith.constant 0 : i32
    %dma_wait3A_448 = arith.constant 0 : i32
    %dma_wait3A_449 = tpu.memref_slice %arg2[%dma_wait3A_447, %dma_wait3A_448] : memref<8192x128xf32, #tpu.memory_space<hbm>> -> memref<8192x128xf32, #tpu.memory_space<hbm>>
    tpu.wait_indirect_dma semaphore(%arg10 : memref<!tpu.dma_semaphore, #tpu.memory_space<semaphore_mem>>) src(%dma_wait3A_449 : memref<8192x128xf32, #tpu.memory_space<hbm>>) dst(%arg9 : memref<128x128xf32, #tpu.memory_space<vmem>>)
    %add3A_450 = arith.constant 384 : i32
    %add3A_451 = arith.addi %mul3A_2, %add3A_450 : i32
    "tpu.region"() ({
      %run_scoped3A_516 = tpu.sem_alloc : memref<!tpu.dma_semaphore, #tpu.memory_space<semaphore_mem>>
      %dma_start3A_517 = arith.constant 0 : i32
      %dma_start3A_518 = tpu.memref_slice %arg7[%add3A_451, %dma_start3A_517] : memref<32768x128xf32, #tpu.memory_space<hbm>> -> memref<128x128xf32, #tpu.memory_space<hbm>>
      %dma_start3A_519 = arith.constant 0 : i32
      %dma_start3A_520 = tpu.memref_slice %arg7[%add3A_451, %dma_start3A_519] : memref<32768x128xf32, #tpu.memory_space<hbm>> -> memref<128x128xf32, #tpu.memory_space<hbm>>
      tpu.enqueue_dma source(%arg9 : memref<128x128xf32, #tpu.memory_space<vmem>>) target(%dma_start3A_520 : memref<128x128xf32, #tpu.memory_space<hbm>>) target_semaphore(%run_scoped3A_516 : memref<!tpu.dma_semaphore, #tpu.memory_space<semaphore_mem>>)
      %dma_wait3A_521 = arith.constant 0 : i32
      %dma_wait3A_522 = tpu.memref_slice %arg7[%add3A_451, %dma_wait3A_521] : memref<32768x128xf32, #tpu.memory_space<hbm>> -> memref<128x128xf32, #tpu.memory_space<hbm>>
      %dma_wait3A_523 = arith.constant 0 : i32
      %dma_wait3A_524 = tpu.memref_slice %arg7[%add3A_451, %dma_wait3A_523] : memref<32768x128xf32, #tpu.memory_space<hbm>> -> memref<128x128xf32, #tpu.memory_space<hbm>>
      tpu.wait_dma2 semaphore(%run_scoped3A_516 : memref<!tpu.dma_semaphore, #tpu.memory_space<semaphore_mem>>) src(%arg9 : memref<128x128xf32, #tpu.memory_space<vmem>>) dst(%dma_wait3A_524 : memref<128x128xf32, #tpu.memory_space<hbm>>)
      tpu.yield
    }) : () -> ()
    %dma_start3A_452 = arith.constant 4 : i32
    %dma_start3A_453 = arith.constant 0 : i32
    %dma_start3A_454 = tpu.memref_slice %arg8[%dma_start3A_452, %dma_start3A_453] : memref<8x128xi32, #tpu.memory_space<vmem>> -> memref<1x128xi32, #tpu.memory_space<vmem>>
    %dma_start3A_455 = tpu.memref_squeeze %dma_start3A_454 : memref<1x128xi32, #tpu.memory_space<vmem>> -> memref<128xi32, #tpu.memory_space<vmem>>
    %dma_start3A_456 = arith.constant 0 : i32
    %dma_start3A_457 = arith.constant 0 : i32
    %dma_start3A_458 = tpu.memref_slice %arg2[%dma_start3A_456, %dma_start3A_457] : memref<8192x128xf32, #tpu.memory_space<hbm>> -> memref<8192x128xf32, #tpu.memory_space<hbm>>
    tpu.enqueue_indirect_dma source(%dma_start3A_458 : memref<8192x128xf32, #tpu.memory_space<hbm>>) target(%arg9 : memref<128x128xf32, #tpu.memory_space<vmem>>) offsets(%dma_start3A_455 : memref<128xi32, #tpu.memory_space<vmem>>) semaphore(%arg10 : memref<!tpu.dma_semaphore, #tpu.memory_space<semaphore_mem>>)
    %dma_wait3A_459 = arith.constant 4 : i32
    %dma_wait3A_460 = arith.constant 0 : i32
    %dma_wait3A_461 = tpu.memref_slice %arg8[%dma_wait3A_459, %dma_wait3A_460] : memref<8x128xi32, #tpu.memory_space<vmem>> -> memref<1x128xi32, #tpu.memory_space<vmem>>
    %dma_wait3A_462 = tpu.memref_squeeze %dma_wait3A_461 : memref<1x128xi32, #tpu.memory_space<vmem>> -> memref<128xi32, #tpu.memory_space<vmem>>
    %dma_wait3A_463 = arith.constant 0 : i32
    %dma_wait3A_464 = arith.constant 0 : i32
    %dma_wait3A_465 = tpu.memref_slice %arg2[%dma_wait3A_463, %dma_wait3A_464] : memref<8192x128xf32, #tpu.memory_space<hbm>> -> memref<8192x128xf32, #tpu.memory_space<hbm>>
    tpu.wait_indirect_dma semaphore(%arg10 : memref<!tpu.dma_semaphore, #tpu.memory_space<semaphore_mem>>) src(%dma_wait3A_465 : memref<8192x128xf32, #tpu.memory_space<hbm>>) dst(%arg9 : memref<128x128xf32, #tpu.memory_space<vmem>>)
    %add3A_466 = arith.constant 512 : i32
    %add3A_467 = arith.addi %mul3A_2, %add3A_466 : i32
    "tpu.region"() ({
      %run_scoped3A_516 = tpu.sem_alloc : memref<!tpu.dma_semaphore, #tpu.memory_space<semaphore_mem>>
      %dma_start3A_517 = arith.constant 0 : i32
      %dma_start3A_518 = tpu.memref_slice %arg7[%add3A_467, %dma_start3A_517] : memref<32768x128xf32, #tpu.memory_space<hbm>> -> memref<128x128xf32, #tpu.memory_space<hbm>>
      %dma_start3A_519 = arith.constant 0 : i32
      %dma_start3A_520 = tpu.memref_slice %arg7[%add3A_467, %dma_start3A_519] : memref<32768x128xf32, #tpu.memory_space<hbm>> -> memref<128x128xf32, #tpu.memory_space<hbm>>
      tpu.enqueue_dma source(%arg9 : memref<128x128xf32, #tpu.memory_space<vmem>>) target(%dma_start3A_520 : memref<128x128xf32, #tpu.memory_space<hbm>>) target_semaphore(%run_scoped3A_516 : memref<!tpu.dma_semaphore, #tpu.memory_space<semaphore_mem>>)
      %dma_wait3A_521 = arith.constant 0 : i32
      %dma_wait3A_522 = tpu.memref_slice %arg7[%add3A_467, %dma_wait3A_521] : memref<32768x128xf32, #tpu.memory_space<hbm>> -> memref<128x128xf32, #tpu.memory_space<hbm>>
      %dma_wait3A_523 = arith.constant 0 : i32
      %dma_wait3A_524 = tpu.memref_slice %arg7[%add3A_467, %dma_wait3A_523] : memref<32768x128xf32, #tpu.memory_space<hbm>> -> memref<128x128xf32, #tpu.memory_space<hbm>>
      tpu.wait_dma2 semaphore(%run_scoped3A_516 : memref<!tpu.dma_semaphore, #tpu.memory_space<semaphore_mem>>) src(%arg9 : memref<128x128xf32, #tpu.memory_space<vmem>>) dst(%dma_wait3A_524 : memref<128x128xf32, #tpu.memory_space<hbm>>)
      tpu.yield
    }) : () -> ()
    %dma_start3A_468 = arith.constant 5 : i32
    %dma_start3A_469 = arith.constant 0 : i32
    %dma_start3A_470 = tpu.memref_slice %arg8[%dma_start3A_468, %dma_start3A_469] : memref<8x128xi32, #tpu.memory_space<vmem>> -> memref<1x128xi32, #tpu.memory_space<vmem>>
    %dma_start3A_471 = tpu.memref_squeeze %dma_start3A_470 : memref<1x128xi32, #tpu.memory_space<vmem>> -> memref<128xi32, #tpu.memory_space<vmem>>
    %dma_start3A_472 = arith.constant 0 : i32
    %dma_start3A_473 = arith.constant 0 : i32
    %dma_start3A_474 = tpu.memref_slice %arg2[%dma_start3A_472, %dma_start3A_473] : memref<8192x128xf32, #tpu.memory_space<hbm>> -> memref<8192x128xf32, #tpu.memory_space<hbm>>
    tpu.enqueue_indirect_dma source(%dma_start3A_474 : memref<8192x128xf32, #tpu.memory_space<hbm>>) target(%arg9 : memref<128x128xf32, #tpu.memory_space<vmem>>) offsets(%dma_start3A_471 : memref<128xi32, #tpu.memory_space<vmem>>) semaphore(%arg10 : memref<!tpu.dma_semaphore, #tpu.memory_space<semaphore_mem>>)
    %dma_wait3A_475 = arith.constant 5 : i32
    %dma_wait3A_476 = arith.constant 0 : i32
    %dma_wait3A_477 = tpu.memref_slice %arg8[%dma_wait3A_475, %dma_wait3A_476] : memref<8x128xi32, #tpu.memory_space<vmem>> -> memref<1x128xi32, #tpu.memory_space<vmem>>
    %dma_wait3A_478 = tpu.memref_squeeze %dma_wait3A_477 : memref<1x128xi32, #tpu.memory_space<vmem>> -> memref<128xi32, #tpu.memory_space<vmem>>
    %dma_wait3A_479 = arith.constant 0 : i32
    %dma_wait3A_480 = arith.constant 0 : i32
    %dma_wait3A_481 = tpu.memref_slice %arg2[%dma_wait3A_479, %dma_wait3A_480] : memref<8192x128xf32, #tpu.memory_space<hbm>> -> memref<8192x128xf32, #tpu.memory_space<hbm>>
    tpu.wait_indirect_dma semaphore(%arg10 : memref<!tpu.dma_semaphore, #tpu.memory_space<semaphore_mem>>) src(%dma_wait3A_481 : memref<8192x128xf32, #tpu.memory_space<hbm>>) dst(%arg9 : memref<128x128xf32, #tpu.memory_space<vmem>>)
    %add3A_482 = arith.constant 640 : i32
    %add3A_483 = arith.addi %mul3A_2, %add3A_482 : i32
    "tpu.region"() ({
      %run_scoped3A_516 = tpu.sem_alloc : memref<!tpu.dma_semaphore, #tpu.memory_space<semaphore_mem>>
      %dma_start3A_517 = arith.constant 0 : i32
      %dma_start3A_518 = tpu.memref_slice %arg7[%add3A_483, %dma_start3A_517] : memref<32768x128xf32, #tpu.memory_space<hbm>> -> memref<128x128xf32, #tpu.memory_space<hbm>>
      %dma_start3A_519 = arith.constant 0 : i32
      %dma_start3A_520 = tpu.memref_slice %arg7[%add3A_483, %dma_start3A_519] : memref<32768x128xf32, #tpu.memory_space<hbm>> -> memref<128x128xf32, #tpu.memory_space<hbm>>
      tpu.enqueue_dma source(%arg9 : memref<128x128xf32, #tpu.memory_space<vmem>>) target(%dma_start3A_520 : memref<128x128xf32, #tpu.memory_space<hbm>>) target_semaphore(%run_scoped3A_516 : memref<!tpu.dma_semaphore, #tpu.memory_space<semaphore_mem>>)
      %dma_wait3A_521 = arith.constant 0 : i32
      %dma_wait3A_522 = tpu.memref_slice %arg7[%add3A_483, %dma_wait3A_521] : memref<32768x128xf32, #tpu.memory_space<hbm>> -> memref<128x128xf32, #tpu.memory_space<hbm>>
      %dma_wait3A_523 = arith.constant 0 : i32
      %dma_wait3A_524 = tpu.memref_slice %arg7[%add3A_483, %dma_wait3A_523] : memref<32768x128xf32, #tpu.memory_space<hbm>> -> memref<128x128xf32, #tpu.memory_space<hbm>>
      tpu.wait_dma2 semaphore(%run_scoped3A_516 : memref<!tpu.dma_semaphore, #tpu.memory_space<semaphore_mem>>) src(%arg9 : memref<128x128xf32, #tpu.memory_space<vmem>>) dst(%dma_wait3A_524 : memref<128x128xf32, #tpu.memory_space<hbm>>)
      tpu.yield
    }) : () -> ()
    %dma_start3A_484 = arith.constant 6 : i32
    %dma_start3A_485 = arith.constant 0 : i32
    %dma_start3A_486 = tpu.memref_slice %arg8[%dma_start3A_484, %dma_start3A_485] : memref<8x128xi32, #tpu.memory_space<vmem>> -> memref<1x128xi32, #tpu.memory_space<vmem>>
    %dma_start3A_487 = tpu.memref_squeeze %dma_start3A_486 : memref<1x128xi32, #tpu.memory_space<vmem>> -> memref<128xi32, #tpu.memory_space<vmem>>
    %dma_start3A_488 = arith.constant 0 : i32
    %dma_start3A_489 = arith.constant 0 : i32
    %dma_start3A_490 = tpu.memref_slice %arg2[%dma_start3A_488, %dma_start3A_489] : memref<8192x128xf32, #tpu.memory_space<hbm>> -> memref<8192x128xf32, #tpu.memory_space<hbm>>
    tpu.enqueue_indirect_dma source(%dma_start3A_490 : memref<8192x128xf32, #tpu.memory_space<hbm>>) target(%arg9 : memref<128x128xf32, #tpu.memory_space<vmem>>) offsets(%dma_start3A_487 : memref<128xi32, #tpu.memory_space<vmem>>) semaphore(%arg10 : memref<!tpu.dma_semaphore, #tpu.memory_space<semaphore_mem>>)
    %dma_wait3A_491 = arith.constant 6 : i32
    %dma_wait3A_492 = arith.constant 0 : i32
    %dma_wait3A_493 = tpu.memref_slice %arg8[%dma_wait3A_491, %dma_wait3A_492] : memref<8x128xi32, #tpu.memory_space<vmem>> -> memref<1x128xi32, #tpu.memory_space<vmem>>
    %dma_wait3A_494 = tpu.memref_squeeze %dma_wait3A_493 : memref<1x128xi32, #tpu.memory_space<vmem>> -> memref<128xi32, #tpu.memory_space<vmem>>
    %dma_wait3A_495 = arith.constant 0 : i32
    %dma_wait3A_496 = arith.constant 0 : i32
    %dma_wait3A_497 = tpu.memref_slice %arg2[%dma_wait3A_495, %dma_wait3A_496] : memref<8192x128xf32, #tpu.memory_space<hbm>> -> memref<8192x128xf32, #tpu.memory_space<hbm>>
    tpu.wait_indirect_dma semaphore(%arg10 : memref<!tpu.dma_semaphore, #tpu.memory_space<semaphore_mem>>) src(%dma_wait3A_497 : memref<8192x128xf32, #tpu.memory_space<hbm>>) dst(%arg9 : memref<128x128xf32, #tpu.memory_space<vmem>>)
    %add3A_498 = arith.constant 768 : i32
    %add3A_499 = arith.addi %mul3A_2, %add3A_498 : i32
    "tpu.region"() ({
      %run_scoped3A_516 = tpu.sem_alloc : memref<!tpu.dma_semaphore, #tpu.memory_space<semaphore_mem>>
      %dma_start3A_517 = arith.constant 0 : i32
      %dma_start3A_518 = tpu.memref_slice %arg7[%add3A_499, %dma_start3A_517] : memref<32768x128xf32, #tpu.memory_space<hbm>> -> memref<128x128xf32, #tpu.memory_space<hbm>>
      %dma_start3A_519 = arith.constant 0 : i32
      %dma_start3A_520 = tpu.memref_slice %arg7[%add3A_499, %dma_start3A_519] : memref<32768x128xf32, #tpu.memory_space<hbm>> -> memref<128x128xf32, #tpu.memory_space<hbm>>
      tpu.enqueue_dma source(%arg9 : memref<128x128xf32, #tpu.memory_space<vmem>>) target(%dma_start3A_520 : memref<128x128xf32, #tpu.memory_space<hbm>>) target_semaphore(%run_scoped3A_516 : memref<!tpu.dma_semaphore, #tpu.memory_space<semaphore_mem>>)
      %dma_wait3A_521 = arith.constant 0 : i32
      %dma_wait3A_522 = tpu.memref_slice %arg7[%add3A_499, %dma_wait3A_521] : memref<32768x128xf32, #tpu.memory_space<hbm>> -> memref<128x128xf32, #tpu.memory_space<hbm>>
      %dma_wait3A_523 = arith.constant 0 : i32
      %dma_wait3A_524 = tpu.memref_slice %arg7[%add3A_499, %dma_wait3A_523] : memref<32768x128xf32, #tpu.memory_space<hbm>> -> memref<128x128xf32, #tpu.memory_space<hbm>>
      tpu.wait_dma2 semaphore(%run_scoped3A_516 : memref<!tpu.dma_semaphore, #tpu.memory_space<semaphore_mem>>) src(%arg9 : memref<128x128xf32, #tpu.memory_space<vmem>>) dst(%dma_wait3A_524 : memref<128x128xf32, #tpu.memory_space<hbm>>)
      tpu.yield
    }) : () -> ()
    %dma_start3A_500 = arith.constant 7 : i32
    %dma_start3A_501 = arith.constant 0 : i32
    %dma_start3A_502 = tpu.memref_slice %arg8[%dma_start3A_500, %dma_start3A_501] : memref<8x128xi32, #tpu.memory_space<vmem>> -> memref<1x128xi32, #tpu.memory_space<vmem>>
    %dma_start3A_503 = tpu.memref_squeeze %dma_start3A_502 : memref<1x128xi32, #tpu.memory_space<vmem>> -> memref<128xi32, #tpu.memory_space<vmem>>
    %dma_start3A_504 = arith.constant 0 : i32
    %dma_start3A_505 = arith.constant 0 : i32
    %dma_start3A_506 = tpu.memref_slice %arg2[%dma_start3A_504, %dma_start3A_505] : memref<8192x128xf32, #tpu.memory_space<hbm>> -> memref<8192x128xf32, #tpu.memory_space<hbm>>
    tpu.enqueue_indirect_dma source(%dma_start3A_506 : memref<8192x128xf32, #tpu.memory_space<hbm>>) target(%arg9 : memref<128x128xf32, #tpu.memory_space<vmem>>) offsets(%dma_start3A_503 : memref<128xi32, #tpu.memory_space<vmem>>) semaphore(%arg10 : memref<!tpu.dma_semaphore, #tpu.memory_space<semaphore_mem>>)
    %dma_wait3A_507 = arith.constant 7 : i32
    %dma_wait3A_508 = arith.constant 0 : i32
    %dma_wait3A_509 = tpu.memref_slice %arg8[%dma_wait3A_507, %dma_wait3A_508] : memref<8x128xi32, #tpu.memory_space<vmem>> -> memref<1x128xi32, #tpu.memory_space<vmem>>
    %dma_wait3A_510 = tpu.memref_squeeze %dma_wait3A_509 : memref<1x128xi32, #tpu.memory_space<vmem>> -> memref<128xi32, #tpu.memory_space<vmem>>
    %dma_wait3A_511 = arith.constant 0 : i32
    %dma_wait3A_512 = arith.constant 0 : i32
    %dma_wait3A_513 = tpu.memref_slice %arg2[%dma_wait3A_511, %dma_wait3A_512] : memref<8192x128xf32, #tpu.memory_space<hbm>> -> memref<8192x128xf32, #tpu.memory_space<hbm>>
    tpu.wait_indirect_dma semaphore(%arg10 : memref<!tpu.dma_semaphore, #tpu.memory_space<semaphore_mem>>) src(%dma_wait3A_513 : memref<8192x128xf32, #tpu.memory_space<hbm>>) dst(%arg9 : memref<128x128xf32, #tpu.memory_space<vmem>>)
    %add3A_514 = arith.constant 896 : i32
    %add3A_515 = arith.addi %mul3A_2, %add3A_514 : i32
    "tpu.region"() ({
      %run_scoped3A_516 = tpu.sem_alloc : memref<!tpu.dma_semaphore, #tpu.memory_space<semaphore_mem>>
      %dma_start3A_517 = arith.constant 0 : i32
      %dma_start3A_518 = tpu.memref_slice %arg7[%add3A_515, %dma_start3A_517] : memref<32768x128xf32, #tpu.memory_space<hbm>> -> memref<128x128xf32, #tpu.memory_space<hbm>>
      %dma_start3A_519 = arith.constant 0 : i32
      %dma_start3A_520 = tpu.memref_slice %arg7[%add3A_515, %dma_start3A_519] : memref<32768x128xf32, #tpu.memory_space<hbm>> -> memref<128x128xf32, #tpu.memory_space<hbm>>
      tpu.enqueue_dma source(%arg9 : memref<128x128xf32, #tpu.memory_space<vmem>>) target(%dma_start3A_520 : memref<128x128xf32, #tpu.memory_space<hbm>>) target_semaphore(%run_scoped3A_516 : memref<!tpu.dma_semaphore, #tpu.memory_space<semaphore_mem>>)
      %dma_wait3A_521 = arith.constant 0 : i32
      %dma_wait3A_522 = tpu.memref_slice %arg7[%add3A_515, %dma_wait3A_521] : memref<32768x128xf32, #tpu.memory_space<hbm>> -> memref<128x128xf32, #tpu.memory_space<hbm>>
      %dma_wait3A_523 = arith.constant 0 : i32
      %dma_wait3A_524 = tpu.memref_slice %arg7[%add3A_515, %dma_wait3A_523] : memref<32768x128xf32, #tpu.memory_space<hbm>> -> memref<128x128xf32, #tpu.memory_space<hbm>>
      tpu.wait_dma2 semaphore(%run_scoped3A_516 : memref<!tpu.dma_semaphore, #tpu.memory_space<semaphore_mem>>) src(%arg9 : memref<128x128xf32, #tpu.memory_space<vmem>>) dst(%dma_wait3A_524 : memref<128x128xf32, #tpu.memory_space<hbm>>)
      tpu.yield
    }) : () -> ()
    return
  }
}

module attributes {stable_mosaic.version = 14 : i64} {
  func.func @_bias_body(%arg0: i32, %arg1: memref<32x64x512xf32, #tpu.memory_space<vmem>>, %arg2: memref<64x64xf32, #tpu.memory_space<vmem>>, %arg3: memref<64x1xf32, #tpu.memory_space<vmem>>, %arg4: memref<4x64xf32, #tpu.memory_space<vmem>>, %arg5: memref<4x1xf32, #tpu.memory_space<vmem>>, %arg6: memref<32x512xf32, #tpu.memory_space<vmem>>, %arg7: memref<32x512xf32, #tpu.memory_space<vmem>>, %arg8: memref<32x512xf32, #tpu.memory_space<vmem>>, %arg9: memref<32x512xf32, #tpu.memory_space<vmem>>) attributes {dimension_semantics = [#tpu.dimension_semantics<arbitrary>], iteration_bounds = array<i64: 16>, scalar_prefetch = 0 : i64, scratch_operands = 0 : i64, tpu.core_type = #tpu.core_type<tc>, window_params = [{transform_indices = @transform_0, window_bounds = array<i64: 32, 64, 512>}, {pipeline_mode = #tpu.pipeline_mode<synchronous>, transform_indices = @transform_1, window_bounds = array<i64: 64, 64>}, {pipeline_mode = #tpu.pipeline_mode<synchronous>, transform_indices = @transform_2, window_bounds = array<i64: 64, 1>}, {pipeline_mode = #tpu.pipeline_mode<synchronous>, transform_indices = @transform_3, window_bounds = array<i64: 4, 64>}, {pipeline_mode = #tpu.pipeline_mode<synchronous>, transform_indices = @transform_4, window_bounds = array<i64: 4, 1>}, {transform_indices = @transform_5, window_bounds = array<i64: 32, 512>}, {transform_indices = @transform_6, window_bounds = array<i64: 32, 512>}, {transform_indices = @transform_7, window_bounds = array<i64: 32, 512>}, {transform_indices = @transform_8, window_bounds = array<i64: 32, 512>}]} {
    %get3A = arith.constant 0 : index
    %get3A_0 = arith.constant 0 : index
    %get3A_1 = vector.load %arg2[%get3A, %get3A_0] : memref<64x64xf32, #tpu.memory_space<vmem>>, vector<64x64xf32>
    %get3A_2 = arith.constant 0 : index
    %get3A_3 = arith.constant 0 : index
    %get3A_4 = vector.load %arg4[%get3A_2, %get3A_3] : memref<4x64xf32, #tpu.memory_space<vmem>>, vector<4x64xf32>
    %get3A_5 = arith.constant 0 : index
    %get3A_6 = arith.constant 0 : index
    %get3A_7 = vector.load %arg3[%get3A_5, %get3A_6] : memref<64x1xf32, #tpu.memory_space<vmem>>, vector<64x1xf32>
    %get3A_8 = arith.constant 0 : index
    %get3A_9 = arith.constant 0 : index
    %get3A_10 = vector.load %arg5[%get3A_8, %get3A_9] : memref<4x1xf32, #tpu.memory_space<vmem>>, vector<4x1xf32>
    %get3A_11 = arith.constant 0 : index
    %get3A_12 = arith.constant 0 : index
    %get3A_13 = arith.constant 0 : index
    %get3A_14 = vector.load %arg1[%get3A_11, %get3A_12, %get3A_13] : memref<32x64x512xf32, #tpu.memory_space<vmem>>, vector<1x64x512xf32>
    %get3A_15 = vector.shape_cast %get3A_14 : vector<1x64x512xf32> to vector<64x512xf32>
    %dot_general3A = arith.constant dense<0.000000e+00> : vector<64x512xf32>
    %dot_general3A_16 = tpu.matmul %get3A_1, %get3A_15, %dot_general3A {dimension_numbers = #tpu.dot_dimension_numbers<[1], [0], [0], [1], [0, 0, 1, 1], [], []>, transpose_lhs_hint = false} : vector<64x64xf32>, vector<64x512xf32>, vector<64x512xf32> -> vector<64x512xf32>
    %add3A = vector.broadcast %get3A_7 : vector<64x1xf32> to vector<64x512xf32>
    %add3A_17 = arith.addf %dot_general3A_16, %add3A : vector<64x512xf32>
    %logistic3A = arith.negf %add3A_17 : vector<64x512xf32>
    %logistic3A_18 = math.exp %logistic3A : vector<64x512xf32>
    %logistic3A_19 = arith.constant 1.000000e+00 : f32
    %logistic3A_20 = vector.broadcast %logistic3A_19 : f32 to vector<64x512xf32>
    %logistic3A_21 = arith.addf %logistic3A_20, %logistic3A_18 : vector<64x512xf32>
    %logistic3A_22 = arith.divf %logistic3A_20, %logistic3A_21 : vector<64x512xf32>
    %mul3A = arith.mulf %add3A_17, %logistic3A_22 : vector<64x512xf32>
    %dot_general3A_23 = arith.constant dense<0.000000e+00> : vector<4x512xf32>
    %dot_general3A_24 = tpu.matmul %get3A_4, %mul3A, %dot_general3A_23 {dimension_numbers = #tpu.dot_dimension_numbers<[1], [0], [0], [1], [0, 0, 1, 1], [], []>, transpose_lhs_hint = false} : vector<4x64xf32>, vector<64x512xf32>, vector<4x512xf32> -> vector<4x512xf32>
    %add3A_25 = vector.broadcast %get3A_10 : vector<4x1xf32> to vector<4x512xf32>
    %add3A_26 = arith.addf %dot_general3A_24, %add3A_25 : vector<4x512xf32>
    %slice3A = vector.extract_strided_slice %add3A_26 {offsets = [0, 0], sizes = [1, 512], strides = [1, 1]} : vector<4x512xf32> to vector<1x512xf32>
    %squeeze3A = vector.shape_cast %slice3A : vector<1x512xf32> to vector<512xf32>
    %swap3A = arith.constant 0 : index
    %swap3A_27 = arith.constant 0 : index
    %swap3A_28 = vector.load %arg6[%swap3A, %swap3A_27] : memref<32x512xf32, #tpu.memory_space<vmem>>, vector<1x512xf32>
    %swap3A_29 = vector.shape_cast %swap3A_28 : vector<1x512xf32> to vector<512xf32>
    %swap3A_30 = vector.shape_cast %squeeze3A : vector<512xf32> to vector<1x512xf32>
    tpu.vector_store %arg6[%swap3A, %swap3A_27], %swap3A_30 {strides = array<i32>} : memref<32x512xf32, #tpu.memory_space<vmem>>, vector<1x512xf32>,
    %slice3A_31 = vector.extract_strided_slice %add3A_26 {offsets = [1, 0], sizes = [1, 512], strides = [1, 1]} : vector<4x512xf32> to vector<1x512xf32>
    %squeeze3A_32 = vector.shape_cast %slice3A_31 : vector<1x512xf32> to vector<512xf32>
    %swap3A_33 = arith.constant 0 : index
    %swap3A_34 = arith.constant 0 : index
    %swap3A_35 = vector.load %arg7[%swap3A_33, %swap3A_34] : memref<32x512xf32, #tpu.memory_space<vmem>>, vector<1x512xf32>
    %swap3A_36 = vector.shape_cast %swap3A_35 : vector<1x512xf32> to vector<512xf32>
    %swap3A_37 = vector.shape_cast %squeeze3A_32 : vector<512xf32> to vector<1x512xf32>
    tpu.vector_store %arg7[%swap3A_33, %swap3A_34], %swap3A_37 {strides = array<i32>} : memref<32x512xf32, #tpu.memory_space<vmem>>, vector<1x512xf32>,
    %slice3A_38 = vector.extract_strided_slice %add3A_26 {offsets = [2, 0], sizes = [1, 512], strides = [1, 1]} : vector<4x512xf32> to vector<1x512xf32>
    %squeeze3A_39 = vector.shape_cast %slice3A_38 : vector<1x512xf32> to vector<512xf32>
    %swap3A_40 = arith.constant 0 : index
    %swap3A_41 = arith.constant 0 : index
    %swap3A_42 = vector.load %arg8[%swap3A_40, %swap3A_41] : memref<32x512xf32, #tpu.memory_space<vmem>>, vector<1x512xf32>
    %swap3A_43 = vector.shape_cast %swap3A_42 : vector<1x512xf32> to vector<512xf32>
    %swap3A_44 = vector.shape_cast %squeeze3A_39 : vector<512xf32> to vector<1x512xf32>
    tpu.vector_store %arg8[%swap3A_40, %swap3A_41], %swap3A_44 {strides = array<i32>} : memref<32x512xf32, #tpu.memory_space<vmem>>, vector<1x512xf32>,
    %slice3A_45 = vector.extract_strided_slice %add3A_26 {offsets = [3, 0], sizes = [1, 512], strides = [1, 1]} : vector<4x512xf32> to vector<1x512xf32>
    %squeeze3A_46 = vector.shape_cast %slice3A_45 : vector<1x512xf32> to vector<512xf32>
    %swap3A_47 = arith.constant 0 : index
    %swap3A_48 = arith.constant 0 : index
    %swap3A_49 = vector.load %arg9[%swap3A_47, %swap3A_48] : memref<32x512xf32, #tpu.memory_space<vmem>>, vector<1x512xf32>
    %swap3A_50 = vector.shape_cast %swap3A_49 : vector<1x512xf32> to vector<512xf32>
    %swap3A_51 = vector.shape_cast %squeeze3A_46 : vector<512xf32> to vector<1x512xf32>
    tpu.vector_store %arg9[%swap3A_47, %swap3A_48], %swap3A_51 {strides = array<i32>} : memref<32x512xf32, #tpu.memory_space<vmem>>, vector<1x512xf32>,
    %get3A_52 = arith.constant 1 : index
    %get3A_53 = arith.constant 0 : index
    %get3A_54 = arith.constant 0 : index
    %get3A_55 = vector.load %arg1[%get3A_52, %get3A_53, %get3A_54] : memref<32x64x512xf32, #tpu.memory_space<vmem>>, vector<1x64x512xf32>
    %get3A_56 = vector.shape_cast %get3A_55 : vector<1x64x512xf32> to vector<64x512xf32>
    %dot_general3A_57 = arith.constant dense<0.000000e+00> : vector<64x512xf32>
    %dot_general3A_58 = tpu.matmul %get3A_1, %get3A_56, %dot_general3A_57 {dimension_numbers = #tpu.dot_dimension_numbers<[1], [0], [0], [1], [0, 0, 1, 1], [], []>, transpose_lhs_hint = false} : vector<64x64xf32>, vector<64x512xf32>, vector<64x512xf32> -> vector<64x512xf32>
    %add3A_59 = vector.broadcast %get3A_7 : vector<64x1xf32> to vector<64x512xf32>
    %add3A_60 = arith.addf %dot_general3A_58, %add3A_59 : vector<64x512xf32>
    %logistic3A_61 = arith.negf %add3A_60 : vector<64x512xf32>
    %logistic3A_62 = math.exp %logistic3A_61 : vector<64x512xf32>
    %logistic3A_63 = arith.constant 1.000000e+00 : f32
    %logistic3A_64 = vector.broadcast %logistic3A_63 : f32 to vector<64x512xf32>
    %logistic3A_65 = arith.addf %logistic3A_64, %logistic3A_62 : vector<64x512xf32>
    %logistic3A_66 = arith.divf %logistic3A_64, %logistic3A_65 : vector<64x512xf32>
    %mul3A_67 = arith.mulf %add3A_60, %logistic3A_66 : vector<64x512xf32>
    %dot_general3A_68 = arith.constant dense<0.000000e+00> : vector<4x512xf32>
    %dot_general3A_69 = tpu.matmul %get3A_4, %mul3A_67, %dot_general3A_68 {dimension_numbers = #tpu.dot_dimension_numbers<[1], [0], [0], [1], [0, 0, 1, 1], [], []>, transpose_lhs_hint = false} : vector<4x64xf32>, vector<64x512xf32>, vector<4x512xf32> -> vector<4x512xf32>
    %add3A_70 = vector.broadcast %get3A_10 : vector<4x1xf32> to vector<4x512xf32>
    %add3A_71 = arith.addf %dot_general3A_69, %add3A_70 : vector<4x512xf32>
    %slice3A_72 = vector.extract_strided_slice %add3A_71 {offsets = [0, 0], sizes = [1, 512], strides = [1, 1]} : vector<4x512xf32> to vector<1x512xf32>
    %squeeze3A_73 = vector.shape_cast %slice3A_72 : vector<1x512xf32> to vector<512xf32>
    %swap3A_74 = arith.constant 1 : index
    %swap3A_75 = arith.constant 0 : index
    %swap3A_76 = vector.load %arg6[%swap3A_74, %swap3A_75] : memref<32x512xf32, #tpu.memory_space<vmem>>, vector<1x512xf32>
    %swap3A_77 = vector.shape_cast %swap3A_76 : vector<1x512xf32> to vector<512xf32>
    %swap3A_78 = vector.shape_cast %squeeze3A_73 : vector<512xf32> to vector<1x512xf32>
    tpu.vector_store %arg6[%swap3A_74, %swap3A_75], %swap3A_78 {strides = array<i32>} : memref<32x512xf32, #tpu.memory_space<vmem>>, vector<1x512xf32>,
    %slice3A_79 = vector.extract_strided_slice %add3A_71 {offsets = [1, 0], sizes = [1, 512], strides = [1, 1]} : vector<4x512xf32> to vector<1x512xf32>
    %squeeze3A_80 = vector.shape_cast %slice3A_79 : vector<1x512xf32> to vector<512xf32>
    %swap3A_81 = arith.constant 1 : index
    %swap3A_82 = arith.constant 0 : index
    %swap3A_83 = vector.load %arg7[%swap3A_81, %swap3A_82] : memref<32x512xf32, #tpu.memory_space<vmem>>, vector<1x512xf32>
    %swap3A_84 = vector.shape_cast %swap3A_83 : vector<1x512xf32> to vector<512xf32>
    %swap3A_85 = vector.shape_cast %squeeze3A_80 : vector<512xf32> to vector<1x512xf32>
    tpu.vector_store %arg7[%swap3A_81, %swap3A_82], %swap3A_85 {strides = array<i32>} : memref<32x512xf32, #tpu.memory_space<vmem>>, vector<1x512xf32>,
    %slice3A_86 = vector.extract_strided_slice %add3A_71 {offsets = [2, 0], sizes = [1, 512], strides = [1, 1]} : vector<4x512xf32> to vector<1x512xf32>
    %squeeze3A_87 = vector.shape_cast %slice3A_86 : vector<1x512xf32> to vector<512xf32>
    %swap3A_88 = arith.constant 1 : index
    %swap3A_89 = arith.constant 0 : index
    %swap3A_90 = vector.load %arg8[%swap3A_88, %swap3A_89] : memref<32x512xf32, #tpu.memory_space<vmem>>, vector<1x512xf32>
    %swap3A_91 = vector.shape_cast %swap3A_90 : vector<1x512xf32> to vector<512xf32>
    %swap3A_92 = vector.shape_cast %squeeze3A_87 : vector<512xf32> to vector<1x512xf32>
    tpu.vector_store %arg8[%swap3A_88, %swap3A_89], %swap3A_92 {strides = array<i32>} : memref<32x512xf32, #tpu.memory_space<vmem>>, vector<1x512xf32>,
    %slice3A_93 = vector.extract_strided_slice %add3A_71 {offsets = [3, 0], sizes = [1, 512], strides = [1, 1]} : vector<4x512xf32> to vector<1x512xf32>
    %squeeze3A_94 = vector.shape_cast %slice3A_93 : vector<1x512xf32> to vector<512xf32>
    %swap3A_95 = arith.constant 1 : index
    %swap3A_96 = arith.constant 0 : index
    %swap3A_97 = vector.load %arg9[%swap3A_95, %swap3A_96] : memref<32x512xf32, #tpu.memory_space<vmem>>, vector<1x512xf32>
    %swap3A_98 = vector.shape_cast %swap3A_97 : vector<1x512xf32> to vector<512xf32>
    %swap3A_99 = vector.shape_cast %squeeze3A_94 : vector<512xf32> to vector<1x512xf32>
    tpu.vector_store %arg9[%swap3A_95, %swap3A_96], %swap3A_99 {strides = array<i32>} : memref<32x512xf32, #tpu.memory_space<vmem>>, vector<1x512xf32>,
    %get3A_100 = arith.constant 2 : index
    %get3A_101 = arith.constant 0 : index
    %get3A_102 = arith.constant 0 : index
    %get3A_103 = vector.load %arg1[%get3A_100, %get3A_101, %get3A_102] : memref<32x64x512xf32, #tpu.memory_space<vmem>>, vector<1x64x512xf32>
    %get3A_104 = vector.shape_cast %get3A_103 : vector<1x64x512xf32> to vector<64x512xf32>
    %dot_general3A_105 = arith.constant dense<0.000000e+00> : vector<64x512xf32>
    %dot_general3A_106 = tpu.matmul %get3A_1, %get3A_104, %dot_general3A_105 {dimension_numbers = #tpu.dot_dimension_numbers<[1], [0], [0], [1], [0, 0, 1, 1], [], []>, transpose_lhs_hint = false} : vector<64x64xf32>, vector<64x512xf32>, vector<64x512xf32> -> vector<64x512xf32>
    %add3A_107 = vector.broadcast %get3A_7 : vector<64x1xf32> to vector<64x512xf32>
    %add3A_108 = arith.addf %dot_general3A_106, %add3A_107 : vector<64x512xf32>
    %logistic3A_109 = arith.negf %add3A_108 : vector<64x512xf32>
    %logistic3A_110 = math.exp %logistic3A_109 : vector<64x512xf32>
    %logistic3A_111 = arith.constant 1.000000e+00 : f32
    %logistic3A_112 = vector.broadcast %logistic3A_111 : f32 to vector<64x512xf32>
    %logistic3A_113 = arith.addf %logistic3A_112, %logistic3A_110 : vector<64x512xf32>
    %logistic3A_114 = arith.divf %logistic3A_112, %logistic3A_113 : vector<64x512xf32>
    %mul3A_115 = arith.mulf %add3A_108, %logistic3A_114 : vector<64x512xf32>
    %dot_general3A_116 = arith.constant dense<0.000000e+00> : vector<4x512xf32>
    %dot_general3A_117 = tpu.matmul %get3A_4, %mul3A_115, %dot_general3A_116 {dimension_numbers = #tpu.dot_dimension_numbers<[1], [0], [0], [1], [0, 0, 1, 1], [], []>, transpose_lhs_hint = false} : vector<4x64xf32>, vector<64x512xf32>, vector<4x512xf32> -> vector<4x512xf32>
    %add3A_118 = vector.broadcast %get3A_10 : vector<4x1xf32> to vector<4x512xf32>
    %add3A_119 = arith.addf %dot_general3A_117, %add3A_118 : vector<4x512xf32>
    %slice3A_120 = vector.extract_strided_slice %add3A_119 {offsets = [0, 0], sizes = [1, 512], strides = [1, 1]} : vector<4x512xf32> to vector<1x512xf32>
    %squeeze3A_121 = vector.shape_cast %slice3A_120 : vector<1x512xf32> to vector<512xf32>
    %swap3A_122 = arith.constant 2 : index
    %swap3A_123 = arith.constant 0 : index
    %swap3A_124 = vector.load %arg6[%swap3A_122, %swap3A_123] : memref<32x512xf32, #tpu.memory_space<vmem>>, vector<1x512xf32>
    %swap3A_125 = vector.shape_cast %swap3A_124 : vector<1x512xf32> to vector<512xf32>
    %swap3A_126 = vector.shape_cast %squeeze3A_121 : vector<512xf32> to vector<1x512xf32>
    tpu.vector_store %arg6[%swap3A_122, %swap3A_123], %swap3A_126 {strides = array<i32>} : memref<32x512xf32, #tpu.memory_space<vmem>>, vector<1x512xf32>,
    %slice3A_127 = vector.extract_strided_slice %add3A_119 {offsets = [1, 0], sizes = [1, 512], strides = [1, 1]} : vector<4x512xf32> to vector<1x512xf32>
    %squeeze3A_128 = vector.shape_cast %slice3A_127 : vector<1x512xf32> to vector<512xf32>
    %swap3A_129 = arith.constant 2 : index
    %swap3A_130 = arith.constant 0 : index
    %swap3A_131 = vector.load %arg7[%swap3A_129, %swap3A_130] : memref<32x512xf32, #tpu.memory_space<vmem>>, vector<1x512xf32>
    %swap3A_132 = vector.shape_cast %swap3A_131 : vector<1x512xf32> to vector<512xf32>
    %swap3A_133 = vector.shape_cast %squeeze3A_128 : vector<512xf32> to vector<1x512xf32>
    tpu.vector_store %arg7[%swap3A_129, %swap3A_130], %swap3A_133 {strides = array<i32>} : memref<32x512xf32, #tpu.memory_space<vmem>>, vector<1x512xf32>,
    %slice3A_134 = vector.extract_strided_slice %add3A_119 {offsets = [2, 0], sizes = [1, 512], strides = [1, 1]} : vector<4x512xf32> to vector<1x512xf32>
    %squeeze3A_135 = vector.shape_cast %slice3A_134 : vector<1x512xf32> to vector<512xf32>
    %swap3A_136 = arith.constant 2 : index
    %swap3A_137 = arith.constant 0 : index
    %swap3A_138 = vector.load %arg8[%swap3A_136, %swap3A_137] : memref<32x512xf32, #tpu.memory_space<vmem>>, vector<1x512xf32>
    %swap3A_139 = vector.shape_cast %swap3A_138 : vector<1x512xf32> to vector<512xf32>
    %swap3A_140 = vector.shape_cast %squeeze3A_135 : vector<512xf32> to vector<1x512xf32>
    tpu.vector_store %arg8[%swap3A_136, %swap3A_137], %swap3A_140 {strides = array<i32>} : memref<32x512xf32, #tpu.memory_space<vmem>>, vector<1x512xf32>,
    %slice3A_141 = vector.extract_strided_slice %add3A_119 {offsets = [3, 0], sizes = [1, 512], strides = [1, 1]} : vector<4x512xf32> to vector<1x512xf32>
    %squeeze3A_142 = vector.shape_cast %slice3A_141 : vector<1x512xf32> to vector<512xf32>
    %swap3A_143 = arith.constant 2 : index
    %swap3A_144 = arith.constant 0 : index
    %swap3A_145 = vector.load %arg9[%swap3A_143, %swap3A_144] : memref<32x512xf32, #tpu.memory_space<vmem>>, vector<1x512xf32>
    %swap3A_146 = vector.shape_cast %swap3A_145 : vector<1x512xf32> to vector<512xf32>
    %swap3A_147 = vector.shape_cast %squeeze3A_142 : vector<512xf32> to vector<1x512xf32>
    tpu.vector_store %arg9[%swap3A_143, %swap3A_144], %swap3A_147 {strides = array<i32>} : memref<32x512xf32, #tpu.memory_space<vmem>>, vector<1x512xf32>,
    %get3A_148 = arith.constant 3 : index
    %get3A_149 = arith.constant 0 : index
    %get3A_150 = arith.constant 0 : index
    %get3A_151 = vector.load %arg1[%get3A_148, %get3A_149, %get3A_150] : memref<32x64x512xf32, #tpu.memory_space<vmem>>, vector<1x64x512xf32>
    %get3A_152 = vector.shape_cast %get3A_151 : vector<1x64x512xf32> to vector<64x512xf32>
    %dot_general3A_153 = arith.constant dense<0.000000e+00> : vector<64x512xf32>
    %dot_general3A_154 = tpu.matmul %get3A_1, %get3A_152, %dot_general3A_153 {dimension_numbers = #tpu.dot_dimension_numbers<[1], [0], [0], [1], [0, 0, 1, 1], [], []>, transpose_lhs_hint = false} : vector<64x64xf32>, vector<64x512xf32>, vector<64x512xf32> -> vector<64x512xf32>
    %add3A_155 = vector.broadcast %get3A_7 : vector<64x1xf32> to vector<64x512xf32>
    %add3A_156 = arith.addf %dot_general3A_154, %add3A_155 : vector<64x512xf32>
    %logistic3A_157 = arith.negf %add3A_156 : vector<64x512xf32>
    %logistic3A_158 = math.exp %logistic3A_157 : vector<64x512xf32>
    %logistic3A_159 = arith.constant 1.000000e+00 : f32
    %logistic3A_160 = vector.broadcast %logistic3A_159 : f32 to vector<64x512xf32>
    %logistic3A_161 = arith.addf %logistic3A_160, %logistic3A_158 : vector<64x512xf32>
    %logistic3A_162 = arith.divf %logistic3A_160, %logistic3A_161 : vector<64x512xf32>
    %mul3A_163 = arith.mulf %add3A_156, %logistic3A_162 : vector<64x512xf32>
    %dot_general3A_164 = arith.constant dense<0.000000e+00> : vector<4x512xf32>
    %dot_general3A_165 = tpu.matmul %get3A_4, %mul3A_163, %dot_general3A_164 {dimension_numbers = #tpu.dot_dimension_numbers<[1], [0], [0], [1], [0, 0, 1, 1], [], []>, transpose_lhs_hint = false} : vector<4x64xf32>, vector<64x512xf32>, vector<4x512xf32> -> vector<4x512xf32>
    %add3A_166 = vector.broadcast %get3A_10 : vector<4x1xf32> to vector<4x512xf32>
    %add3A_167 = arith.addf %dot_general3A_165, %add3A_166 : vector<4x512xf32>
    %slice3A_168 = vector.extract_strided_slice %add3A_167 {offsets = [0, 0], sizes = [1, 512], strides = [1, 1]} : vector<4x512xf32> to vector<1x512xf32>
    %squeeze3A_169 = vector.shape_cast %slice3A_168 : vector<1x512xf32> to vector<512xf32>
    %swap3A_170 = arith.constant 3 : index
    %swap3A_171 = arith.constant 0 : index
    %swap3A_172 = vector.load %arg6[%swap3A_170, %swap3A_171] : memref<32x512xf32, #tpu.memory_space<vmem>>, vector<1x512xf32>
    %swap3A_173 = vector.shape_cast %swap3A_172 : vector<1x512xf32> to vector<512xf32>
    %swap3A_174 = vector.shape_cast %squeeze3A_169 : vector<512xf32> to vector<1x512xf32>
    tpu.vector_store %arg6[%swap3A_170, %swap3A_171], %swap3A_174 {strides = array<i32>} : memref<32x512xf32, #tpu.memory_space<vmem>>, vector<1x512xf32>,
    %slice3A_175 = vector.extract_strided_slice %add3A_167 {offsets = [1, 0], sizes = [1, 512], strides = [1, 1]} : vector<4x512xf32> to vector<1x512xf32>
    %squeeze3A_176 = vector.shape_cast %slice3A_175 : vector<1x512xf32> to vector<512xf32>
    %swap3A_177 = arith.constant 3 : index
    %swap3A_178 = arith.constant 0 : index
    %swap3A_179 = vector.load %arg7[%swap3A_177, %swap3A_178] : memref<32x512xf32, #tpu.memory_space<vmem>>, vector<1x512xf32>
    %swap3A_180 = vector.shape_cast %swap3A_179 : vector<1x512xf32> to vector<512xf32>
    %swap3A_181 = vector.shape_cast %squeeze3A_176 : vector<512xf32> to vector<1x512xf32>
    tpu.vector_store %arg7[%swap3A_177, %swap3A_178], %swap3A_181 {strides = array<i32>} : memref<32x512xf32, #tpu.memory_space<vmem>>, vector<1x512xf32>,
    %slice3A_182 = vector.extract_strided_slice %add3A_167 {offsets = [2, 0], sizes = [1, 512], strides = [1, 1]} : vector<4x512xf32> to vector<1x512xf32>
    %squeeze3A_183 = vector.shape_cast %slice3A_182 : vector<1x512xf32> to vector<512xf32>
    %swap3A_184 = arith.constant 3 : index
    %swap3A_185 = arith.constant 0 : index
    %swap3A_186 = vector.load %arg8[%swap3A_184, %swap3A_185] : memref<32x512xf32, #tpu.memory_space<vmem>>, vector<1x512xf32>
    %swap3A_187 = vector.shape_cast %swap3A_186 : vector<1x512xf32> to vector<512xf32>
    %swap3A_188 = vector.shape_cast %squeeze3A_183 : vector<512xf32> to vector<1x512xf32>
    tpu.vector_store %arg8[%swap3A_184, %swap3A_185], %swap3A_188 {strides = array<i32>} : memref<32x512xf32, #tpu.memory_space<vmem>>, vector<1x512xf32>,
    %slice3A_189 = vector.extract_strided_slice %add3A_167 {offsets = [3, 0], sizes = [1, 512], strides = [1, 1]} : vector<4x512xf32> to vector<1x512xf32>
    %squeeze3A_190 = vector.shape_cast %slice3A_189 : vector<1x512xf32> to vector<512xf32>
    %swap3A_191 = arith.constant 3 : index
    %swap3A_192 = arith.constant 0 : index
    %swap3A_193 = vector.load %arg9[%swap3A_191, %swap3A_192] : memref<32x512xf32, #tpu.memory_space<vmem>>, vector<1x512xf32>
    %swap3A_194 = vector.shape_cast %swap3A_193 : vector<1x512xf32> to vector<512xf32>
    %swap3A_195 = vector.shape_cast %squeeze3A_190 : vector<512xf32> to vector<1x512xf32>
    tpu.vector_store %arg9[%swap3A_191, %swap3A_192], %swap3A_195 {strides = array<i32>} : memref<32x512xf32, #tpu.memory_space<vmem>>, vector<1x512xf32>,
    %get3A_196 = arith.constant 4 : index
    %get3A_197 = arith.constant 0 : index
    %get3A_198 = arith.constant 0 : index
    %get3A_199 = vector.load %arg1[%get3A_196, %get3A_197, %get3A_198] : memref<32x64x512xf32, #tpu.memory_space<vmem>>, vector<1x64x512xf32>
    %get3A_200 = vector.shape_cast %get3A_199 : vector<1x64x512xf32> to vector<64x512xf32>
    %dot_general3A_201 = arith.constant dense<0.000000e+00> : vector<64x512xf32>
    %dot_general3A_202 = tpu.matmul %get3A_1, %get3A_200, %dot_general3A_201 {dimension_numbers = #tpu.dot_dimension_numbers<[1], [0], [0], [1], [0, 0, 1, 1], [], []>, transpose_lhs_hint = false} : vector<64x64xf32>, vector<64x512xf32>, vector<64x512xf32> -> vector<64x512xf32>
    %add3A_203 = vector.broadcast %get3A_7 : vector<64x1xf32> to vector<64x512xf32>
    %add3A_204 = arith.addf %dot_general3A_202, %add3A_203 : vector<64x512xf32>
    %logistic3A_205 = arith.negf %add3A_204 : vector<64x512xf32>
    %logistic3A_206 = math.exp %logistic3A_205 : vector<64x512xf32>
    %logistic3A_207 = arith.constant 1.000000e+00 : f32
    %logistic3A_208 = vector.broadcast %logistic3A_207 : f32 to vector<64x512xf32>
    %logistic3A_209 = arith.addf %logistic3A_208, %logistic3A_206 : vector<64x512xf32>
    %logistic3A_210 = arith.divf %logistic3A_208, %logistic3A_209 : vector<64x512xf32>
    %mul3A_211 = arith.mulf %add3A_204, %logistic3A_210 : vector<64x512xf32>
    %dot_general3A_212 = arith.constant dense<0.000000e+00> : vector<4x512xf32>
    %dot_general3A_213 = tpu.matmul %get3A_4, %mul3A_211, %dot_general3A_212 {dimension_numbers = #tpu.dot_dimension_numbers<[1], [0], [0], [1], [0, 0, 1, 1], [], []>, transpose_lhs_hint = false} : vector<4x64xf32>, vector<64x512xf32>, vector<4x512xf32> -> vector<4x512xf32>
    %add3A_214 = vector.broadcast %get3A_10 : vector<4x1xf32> to vector<4x512xf32>
    %add3A_215 = arith.addf %dot_general3A_213, %add3A_214 : vector<4x512xf32>
    %slice3A_216 = vector.extract_strided_slice %add3A_215 {offsets = [0, 0], sizes = [1, 512], strides = [1, 1]} : vector<4x512xf32> to vector<1x512xf32>
    %squeeze3A_217 = vector.shape_cast %slice3A_216 : vector<1x512xf32> to vector<512xf32>
    %swap3A_218 = arith.constant 4 : index
    %swap3A_219 = arith.constant 0 : index
    %swap3A_220 = vector.load %arg6[%swap3A_218, %swap3A_219] : memref<32x512xf32, #tpu.memory_space<vmem>>, vector<1x512xf32>
    %swap3A_221 = vector.shape_cast %swap3A_220 : vector<1x512xf32> to vector<512xf32>
    %swap3A_222 = vector.shape_cast %squeeze3A_217 : vector<512xf32> to vector<1x512xf32>
    tpu.vector_store %arg6[%swap3A_218, %swap3A_219], %swap3A_222 {strides = array<i32>} : memref<32x512xf32, #tpu.memory_space<vmem>>, vector<1x512xf32>,
    %slice3A_223 = vector.extract_strided_slice %add3A_215 {offsets = [1, 0], sizes = [1, 512], strides = [1, 1]} : vector<4x512xf32> to vector<1x512xf32>
    %squeeze3A_224 = vector.shape_cast %slice3A_223 : vector<1x512xf32> to vector<512xf32>
    %swap3A_225 = arith.constant 4 : index
    %swap3A_226 = arith.constant 0 : index
    %swap3A_227 = vector.load %arg7[%swap3A_225, %swap3A_226] : memref<32x512xf32, #tpu.memory_space<vmem>>, vector<1x512xf32>
    %swap3A_228 = vector.shape_cast %swap3A_227 : vector<1x512xf32> to vector<512xf32>
    %swap3A_229 = vector.shape_cast %squeeze3A_224 : vector<512xf32> to vector<1x512xf32>
    tpu.vector_store %arg7[%swap3A_225, %swap3A_226], %swap3A_229 {strides = array<i32>} : memref<32x512xf32, #tpu.memory_space<vmem>>, vector<1x512xf32>,
    %slice3A_230 = vector.extract_strided_slice %add3A_215 {offsets = [2, 0], sizes = [1, 512], strides = [1, 1]} : vector<4x512xf32> to vector<1x512xf32>
    %squeeze3A_231 = vector.shape_cast %slice3A_230 : vector<1x512xf32> to vector<512xf32>
    %swap3A_232 = arith.constant 4 : index
    %swap3A_233 = arith.constant 0 : index
    %swap3A_234 = vector.load %arg8[%swap3A_232, %swap3A_233] : memref<32x512xf32, #tpu.memory_space<vmem>>, vector<1x512xf32>
    %swap3A_235 = vector.shape_cast %swap3A_234 : vector<1x512xf32> to vector<512xf32>
    %swap3A_236 = vector.shape_cast %squeeze3A_231 : vector<512xf32> to vector<1x512xf32>
    tpu.vector_store %arg8[%swap3A_232, %swap3A_233], %swap3A_236 {strides = array<i32>} : memref<32x512xf32, #tpu.memory_space<vmem>>, vector<1x512xf32>,
    %slice3A_237 = vector.extract_strided_slice %add3A_215 {offsets = [3, 0], sizes = [1, 512], strides = [1, 1]} : vector<4x512xf32> to vector<1x512xf32>
    %squeeze3A_238 = vector.shape_cast %slice3A_237 : vector<1x512xf32> to vector<512xf32>
    %swap3A_239 = arith.constant 4 : index
    %swap3A_240 = arith.constant 0 : index
    %swap3A_241 = vector.load %arg9[%swap3A_239, %swap3A_240] : memref<32x512xf32, #tpu.memory_space<vmem>>, vector<1x512xf32>
    %swap3A_242 = vector.shape_cast %swap3A_241 : vector<1x512xf32> to vector<512xf32>
    %swap3A_243 = vector.shape_cast %squeeze3A_238 : vector<512xf32> to vector<1x512xf32>
    tpu.vector_store %arg9[%swap3A_239, %swap3A_240], %swap3A_243 {strides = array<i32>} : memref<32x512xf32, #tpu.memory_space<vmem>>, vector<1x512xf32>,
    %get3A_244 = arith.constant 5 : index
    %get3A_245 = arith.constant 0 : index
    %get3A_246 = arith.constant 0 : index
    %get3A_247 = vector.load %arg1[%get3A_244, %get3A_245, %get3A_246] : memref<32x64x512xf32, #tpu.memory_space<vmem>>, vector<1x64x512xf32>
    %get3A_248 = vector.shape_cast %get3A_247 : vector<1x64x512xf32> to vector<64x512xf32>
    %dot_general3A_249 = arith.constant dense<0.000000e+00> : vector<64x512xf32>
    %dot_general3A_250 = tpu.matmul %get3A_1, %get3A_248, %dot_general3A_249 {dimension_numbers = #tpu.dot_dimension_numbers<[1], [0], [0], [1], [0, 0, 1, 1], [], []>, transpose_lhs_hint = false} : vector<64x64xf32>, vector<64x512xf32>, vector<64x512xf32> -> vector<64x512xf32>
    %add3A_251 = vector.broadcast %get3A_7 : vector<64x1xf32> to vector<64x512xf32>
    %add3A_252 = arith.addf %dot_general3A_250, %add3A_251 : vector<64x512xf32>
    %logistic3A_253 = arith.negf %add3A_252 : vector<64x512xf32>
    %logistic3A_254 = math.exp %logistic3A_253 : vector<64x512xf32>
    %logistic3A_255 = arith.constant 1.000000e+00 : f32
    %logistic3A_256 = vector.broadcast %logistic3A_255 : f32 to vector<64x512xf32>
    %logistic3A_257 = arith.addf %logistic3A_256, %logistic3A_254 : vector<64x512xf32>
    %logistic3A_258 = arith.divf %logistic3A_256, %logistic3A_257 : vector<64x512xf32>
    %mul3A_259 = arith.mulf %add3A_252, %logistic3A_258 : vector<64x512xf32>
    %dot_general3A_260 = arith.constant dense<0.000000e+00> : vector<4x512xf32>
    %dot_general3A_261 = tpu.matmul %get3A_4, %mul3A_259, %dot_general3A_260 {dimension_numbers = #tpu.dot_dimension_numbers<[1], [0], [0], [1], [0, 0, 1, 1], [], []>, transpose_lhs_hint = false} : vector<4x64xf32>, vector<64x512xf32>, vector<4x512xf32> -> vector<4x512xf32>
    %add3A_262 = vector.broadcast %get3A_10 : vector<4x1xf32> to vector<4x512xf32>
    %add3A_263 = arith.addf %dot_general3A_261, %add3A_262 : vector<4x512xf32>
    %slice3A_264 = vector.extract_strided_slice %add3A_263 {offsets = [0, 0], sizes = [1, 512], strides = [1, 1]} : vector<4x512xf32> to vector<1x512xf32>
    %squeeze3A_265 = vector.shape_cast %slice3A_264 : vector<1x512xf32> to vector<512xf32>
    %swap3A_266 = arith.constant 5 : index
    %swap3A_267 = arith.constant 0 : index
    %swap3A_268 = vector.load %arg6[%swap3A_266, %swap3A_267] : memref<32x512xf32, #tpu.memory_space<vmem>>, vector<1x512xf32>
    %swap3A_269 = vector.shape_cast %swap3A_268 : vector<1x512xf32> to vector<512xf32>
    %swap3A_270 = vector.shape_cast %squeeze3A_265 : vector<512xf32> to vector<1x512xf32>
    tpu.vector_store %arg6[%swap3A_266, %swap3A_267], %swap3A_270 {strides = array<i32>} : memref<32x512xf32, #tpu.memory_space<vmem>>, vector<1x512xf32>,
    %slice3A_271 = vector.extract_strided_slice %add3A_263 {offsets = [1, 0], sizes = [1, 512], strides = [1, 1]} : vector<4x512xf32> to vector<1x512xf32>
    %squeeze3A_272 = vector.shape_cast %slice3A_271 : vector<1x512xf32> to vector<512xf32>
    %swap3A_273 = arith.constant 5 : index
    %swap3A_274 = arith.constant 0 : index
    %swap3A_275 = vector.load %arg7[%swap3A_273, %swap3A_274] : memref<32x512xf32, #tpu.memory_space<vmem>>, vector<1x512xf32>
    %swap3A_276 = vector.shape_cast %swap3A_275 : vector<1x512xf32> to vector<512xf32>
    %swap3A_277 = vector.shape_cast %squeeze3A_272 : vector<512xf32> to vector<1x512xf32>
    tpu.vector_store %arg7[%swap3A_273, %swap3A_274], %swap3A_277 {strides = array<i32>} : memref<32x512xf32, #tpu.memory_space<vmem>>, vector<1x512xf32>,
    %slice3A_278 = vector.extract_strided_slice %add3A_263 {offsets = [2, 0], sizes = [1, 512], strides = [1, 1]} : vector<4x512xf32> to vector<1x512xf32>
    %squeeze3A_279 = vector.shape_cast %slice3A_278 : vector<1x512xf32> to vector<512xf32>
    %swap3A_280 = arith.constant 5 : index
    %swap3A_281 = arith.constant 0 : index
    %swap3A_282 = vector.load %arg8[%swap3A_280, %swap3A_281] : memref<32x512xf32, #tpu.memory_space<vmem>>, vector<1x512xf32>
    %swap3A_283 = vector.shape_cast %swap3A_282 : vector<1x512xf32> to vector<512xf32>
    %swap3A_284 = vector.shape_cast %squeeze3A_279 : vector<512xf32> to vector<1x512xf32>
    tpu.vector_store %arg8[%swap3A_280, %swap3A_281], %swap3A_284 {strides = array<i32>} : memref<32x512xf32, #tpu.memory_space<vmem>>, vector<1x512xf32>,
    %slice3A_285 = vector.extract_strided_slice %add3A_263 {offsets = [3, 0], sizes = [1, 512], strides = [1, 1]} : vector<4x512xf32> to vector<1x512xf32>
    %squeeze3A_286 = vector.shape_cast %slice3A_285 : vector<1x512xf32> to vector<512xf32>
    %swap3A_287 = arith.constant 5 : index
    %swap3A_288 = arith.constant 0 : index
    %swap3A_289 = vector.load %arg9[%swap3A_287, %swap3A_288] : memref<32x512xf32, #tpu.memory_space<vmem>>, vector<1x512xf32>
    %swap3A_290 = vector.shape_cast %swap3A_289 : vector<1x512xf32> to vector<512xf32>
    %swap3A_291 = vector.shape_cast %squeeze3A_286 : vector<512xf32> to vector<1x512xf32>
    tpu.vector_store %arg9[%swap3A_287, %swap3A_288], %swap3A_291 {strides = array<i32>} : memref<32x512xf32, #tpu.memory_space<vmem>>, vector<1x512xf32>,
    %get3A_292 = arith.constant 6 : index
    %get3A_293 = arith.constant 0 : index
    %get3A_294 = arith.constant 0 : index
    %get3A_295 = vector.load %arg1[%get3A_292, %get3A_293, %get3A_294] : memref<32x64x512xf32, #tpu.memory_space<vmem>>, vector<1x64x512xf32>
    %get3A_296 = vector.shape_cast %get3A_295 : vector<1x64x512xf32> to vector<64x512xf32>
    %dot_general3A_297 = arith.constant dense<0.000000e+00> : vector<64x512xf32>
    %dot_general3A_298 = tpu.matmul %get3A_1, %get3A_296, %dot_general3A_297 {dimension_numbers = #tpu.dot_dimension_numbers<[1], [0], [0], [1], [0, 0, 1, 1], [], []>, transpose_lhs_hint = false} : vector<64x64xf32>, vector<64x512xf32>, vector<64x512xf32> -> vector<64x512xf32>
    %add3A_299 = vector.broadcast %get3A_7 : vector<64x1xf32> to vector<64x512xf32>
    %add3A_300 = arith.addf %dot_general3A_298, %add3A_299 : vector<64x512xf32>
    %logistic3A_301 = arith.negf %add3A_300 : vector<64x512xf32>
    %logistic3A_302 = math.exp %logistic3A_301 : vector<64x512xf32>
    %logistic3A_303 = arith.constant 1.000000e+00 : f32
    %logistic3A_304 = vector.broadcast %logistic3A_303 : f32 to vector<64x512xf32>
    %logistic3A_305 = arith.addf %logistic3A_304, %logistic3A_302 : vector<64x512xf32>
    %logistic3A_306 = arith.divf %logistic3A_304, %logistic3A_305 : vector<64x512xf32>
    %mul3A_307 = arith.mulf %add3A_300, %logistic3A_306 : vector<64x512xf32>
    %dot_general3A_308 = arith.constant dense<0.000000e+00> : vector<4x512xf32>
    %dot_general3A_309 = tpu.matmul %get3A_4, %mul3A_307, %dot_general3A_308 {dimension_numbers = #tpu.dot_dimension_numbers<[1], [0], [0], [1], [0, 0, 1, 1], [], []>, transpose_lhs_hint = false} : vector<4x64xf32>, vector<64x512xf32>, vector<4x512xf32> -> vector<4x512xf32>
    %add3A_310 = vector.broadcast %get3A_10 : vector<4x1xf32> to vector<4x512xf32>
    %add3A_311 = arith.addf %dot_general3A_309, %add3A_310 : vector<4x512xf32>
    %slice3A_312 = vector.extract_strided_slice %add3A_311 {offsets = [0, 0], sizes = [1, 512], strides = [1, 1]} : vector<4x512xf32> to vector<1x512xf32>
    %squeeze3A_313 = vector.shape_cast %slice3A_312 : vector<1x512xf32> to vector<512xf32>
    %swap3A_314 = arith.constant 6 : index
    %swap3A_315 = arith.constant 0 : index
    %swap3A_316 = vector.load %arg6[%swap3A_314, %swap3A_315] : memref<32x512xf32, #tpu.memory_space<vmem>>, vector<1x512xf32>
    %swap3A_317 = vector.shape_cast %swap3A_316 : vector<1x512xf32> to vector<512xf32>
    %swap3A_318 = vector.shape_cast %squeeze3A_313 : vector<512xf32> to vector<1x512xf32>
    tpu.vector_store %arg6[%swap3A_314, %swap3A_315], %swap3A_318 {strides = array<i32>} : memref<32x512xf32, #tpu.memory_space<vmem>>, vector<1x512xf32>,
    %slice3A_319 = vector.extract_strided_slice %add3A_311 {offsets = [1, 0], sizes = [1, 512], strides = [1, 1]} : vector<4x512xf32> to vector<1x512xf32>
    %squeeze3A_320 = vector.shape_cast %slice3A_319 : vector<1x512xf32> to vector<512xf32>
    %swap3A_321 = arith.constant 6 : index
    %swap3A_322 = arith.constant 0 : index
    %swap3A_323 = vector.load %arg7[%swap3A_321, %swap3A_322] : memref<32x512xf32, #tpu.memory_space<vmem>>, vector<1x512xf32>
    %swap3A_324 = vector.shape_cast %swap3A_323 : vector<1x512xf32> to vector<512xf32>
    %swap3A_325 = vector.shape_cast %squeeze3A_320 : vector<512xf32> to vector<1x512xf32>
    tpu.vector_store %arg7[%swap3A_321, %swap3A_322], %swap3A_325 {strides = array<i32>} : memref<32x512xf32, #tpu.memory_space<vmem>>, vector<1x512xf32>,
    %slice3A_326 = vector.extract_strided_slice %add3A_311 {offsets = [2, 0], sizes = [1, 512], strides = [1, 1]} : vector<4x512xf32> to vector<1x512xf32>
    %squeeze3A_327 = vector.shape_cast %slice3A_326 : vector<1x512xf32> to vector<512xf32>
    %swap3A_328 = arith.constant 6 : index
    %swap3A_329 = arith.constant 0 : index
    %swap3A_330 = vector.load %arg8[%swap3A_328, %swap3A_329] : memref<32x512xf32, #tpu.memory_space<vmem>>, vector<1x512xf32>
    %swap3A_331 = vector.shape_cast %swap3A_330 : vector<1x512xf32> to vector<512xf32>
    %swap3A_332 = vector.shape_cast %squeeze3A_327 : vector<512xf32> to vector<1x512xf32>
    tpu.vector_store %arg8[%swap3A_328, %swap3A_329], %swap3A_332 {strides = array<i32>} : memref<32x512xf32, #tpu.memory_space<vmem>>, vector<1x512xf32>,
    %slice3A_333 = vector.extract_strided_slice %add3A_311 {offsets = [3, 0], sizes = [1, 512], strides = [1, 1]} : vector<4x512xf32> to vector<1x512xf32>
    %squeeze3A_334 = vector.shape_cast %slice3A_333 : vector<1x512xf32> to vector<512xf32>
    %swap3A_335 = arith.constant 6 : index
    %swap3A_336 = arith.constant 0 : index
    %swap3A_337 = vector.load %arg9[%swap3A_335, %swap3A_336] : memref<32x512xf32, #tpu.memory_space<vmem>>, vector<1x512xf32>
    %swap3A_338 = vector.shape_cast %swap3A_337 : vector<1x512xf32> to vector<512xf32>
    %swap3A_339 = vector.shape_cast %squeeze3A_334 : vector<512xf32> to vector<1x512xf32>
    tpu.vector_store %arg9[%swap3A_335, %swap3A_336], %swap3A_339 {strides = array<i32>} : memref<32x512xf32, #tpu.memory_space<vmem>>, vector<1x512xf32>,
    %get3A_340 = arith.constant 7 : index
    %get3A_341 = arith.constant 0 : index
    %get3A_342 = arith.constant 0 : index
    %get3A_343 = vector.load %arg1[%get3A_340, %get3A_341, %get3A_342] : memref<32x64x512xf32, #tpu.memory_space<vmem>>, vector<1x64x512xf32>
    %get3A_344 = vector.shape_cast %get3A_343 : vector<1x64x512xf32> to vector<64x512xf32>
    %dot_general3A_345 = arith.constant dense<0.000000e+00> : vector<64x512xf32>
    %dot_general3A_346 = tpu.matmul %get3A_1, %get3A_344, %dot_general3A_345 {dimension_numbers = #tpu.dot_dimension_numbers<[1], [0], [0], [1], [0, 0, 1, 1], [], []>, transpose_lhs_hint = false} : vector<64x64xf32>, vector<64x512xf32>, vector<64x512xf32> -> vector<64x512xf32>
    %add3A_347 = vector.broadcast %get3A_7 : vector<64x1xf32> to vector<64x512xf32>
    %add3A_348 = arith.addf %dot_general3A_346, %add3A_347 : vector<64x512xf32>
    %logistic3A_349 = arith.negf %add3A_348 : vector<64x512xf32>
    %logistic3A_350 = math.exp %logistic3A_349 : vector<64x512xf32>
    %logistic3A_351 = arith.constant 1.000000e+00 : f32
    %logistic3A_352 = vector.broadcast %logistic3A_351 : f32 to vector<64x512xf32>
    %logistic3A_353 = arith.addf %logistic3A_352, %logistic3A_350 : vector<64x512xf32>
    %logistic3A_354 = arith.divf %logistic3A_352, %logistic3A_353 : vector<64x512xf32>
    %mul3A_355 = arith.mulf %add3A_348, %logistic3A_354 : vector<64x512xf32>
    %dot_general3A_356 = arith.constant dense<0.000000e+00> : vector<4x512xf32>
    %dot_general3A_357 = tpu.matmul %get3A_4, %mul3A_355, %dot_general3A_356 {dimension_numbers = #tpu.dot_dimension_numbers<[1], [0], [0], [1], [0, 0, 1, 1], [], []>, transpose_lhs_hint = false} : vector<4x64xf32>, vector<64x512xf32>, vector<4x512xf32> -> vector<4x512xf32>
    %add3A_358 = vector.broadcast %get3A_10 : vector<4x1xf32> to vector<4x512xf32>
    %add3A_359 = arith.addf %dot_general3A_357, %add3A_358 : vector<4x512xf32>
    %slice3A_360 = vector.extract_strided_slice %add3A_359 {offsets = [0, 0], sizes = [1, 512], strides = [1, 1]} : vector<4x512xf32> to vector<1x512xf32>
    %squeeze3A_361 = vector.shape_cast %slice3A_360 : vector<1x512xf32> to vector<512xf32>
    %swap3A_362 = arith.constant 7 : index
    %swap3A_363 = arith.constant 0 : index
    %swap3A_364 = vector.load %arg6[%swap3A_362, %swap3A_363] : memref<32x512xf32, #tpu.memory_space<vmem>>, vector<1x512xf32>
    %swap3A_365 = vector.shape_cast %swap3A_364 : vector<1x512xf32> to vector<512xf32>
    %swap3A_366 = vector.shape_cast %squeeze3A_361 : vector<512xf32> to vector<1x512xf32>
    tpu.vector_store %arg6[%swap3A_362, %swap3A_363], %swap3A_366 {strides = array<i32>} : memref<32x512xf32, #tpu.memory_space<vmem>>, vector<1x512xf32>,
    %slice3A_367 = vector.extract_strided_slice %add3A_359 {offsets = [1, 0], sizes = [1, 512], strides = [1, 1]} : vector<4x512xf32> to vector<1x512xf32>
    %squeeze3A_368 = vector.shape_cast %slice3A_367 : vector<1x512xf32> to vector<512xf32>
    %swap3A_369 = arith.constant 7 : index
    %swap3A_370 = arith.constant 0 : index
    %swap3A_371 = vector.load %arg7[%swap3A_369, %swap3A_370] : memref<32x512xf32, #tpu.memory_space<vmem>>, vector<1x512xf32>
    %swap3A_372 = vector.shape_cast %swap3A_371 : vector<1x512xf32> to vector<512xf32>
    %swap3A_373 = vector.shape_cast %squeeze3A_368 : vector<512xf32> to vector<1x512xf32>
    tpu.vector_store %arg7[%swap3A_369, %swap3A_370], %swap3A_373 {strides = array<i32>} : memref<32x512xf32, #tpu.memory_space<vmem>>, vector<1x512xf32>,
    %slice3A_374 = vector.extract_strided_slice %add3A_359 {offsets = [2, 0], sizes = [1, 512], strides = [1, 1]} : vector<4x512xf32> to vector<1x512xf32>
    %squeeze3A_375 = vector.shape_cast %slice3A_374 : vector<1x512xf32> to vector<512xf32>
    %swap3A_376 = arith.constant 7 : index
    %swap3A_377 = arith.constant 0 : index
    %swap3A_378 = vector.load %arg8[%swap3A_376, %swap3A_377] : memref<32x512xf32, #tpu.memory_space<vmem>>, vector<1x512xf32>
    %swap3A_379 = vector.shape_cast %swap3A_378 : vector<1x512xf32> to vector<512xf32>
    %swap3A_380 = vector.shape_cast %squeeze3A_375 : vector<512xf32> to vector<1x512xf32>
    tpu.vector_store %arg8[%swap3A_376, %swap3A_377], %swap3A_380 {strides = array<i32>} : memref<32x512xf32, #tpu.memory_space<vmem>>, vector<1x512xf32>,
    %slice3A_381 = vector.extract_strided_slice %add3A_359 {offsets = [3, 0], sizes = [1, 512], strides = [1, 1]} : vector<4x512xf32> to vector<1x512xf32>
    %squeeze3A_382 = vector.shape_cast %slice3A_381 : vector<1x512xf32> to vector<512xf32>
    %swap3A_383 = arith.constant 7 : index
    %swap3A_384 = arith.constant 0 : index
    %swap3A_385 = vector.load %arg9[%swap3A_383, %swap3A_384] : memref<32x512xf32, #tpu.memory_space<vmem>>, vector<1x512xf32>
    %swap3A_386 = vector.shape_cast %swap3A_385 : vector<1x512xf32> to vector<512xf32>
    %swap3A_387 = vector.shape_cast %squeeze3A_382 : vector<512xf32> to vector<1x512xf32>
    tpu.vector_store %arg9[%swap3A_383, %swap3A_384], %swap3A_387 {strides = array<i32>} : memref<32x512xf32, #tpu.memory_space<vmem>>, vector<1x512xf32>,
    %get3A_388 = arith.constant 8 : index
    %get3A_389 = arith.constant 0 : index
    %get3A_390 = arith.constant 0 : index
    %get3A_391 = vector.load %arg1[%get3A_388, %get3A_389, %get3A_390] : memref<32x64x512xf32, #tpu.memory_space<vmem>>, vector<1x64x512xf32>
    %get3A_392 = vector.shape_cast %get3A_391 : vector<1x64x512xf32> to vector<64x512xf32>
    %dot_general3A_393 = arith.constant dense<0.000000e+00> : vector<64x512xf32>
    %dot_general3A_394 = tpu.matmul %get3A_1, %get3A_392, %dot_general3A_393 {dimension_numbers = #tpu.dot_dimension_numbers<[1], [0], [0], [1], [0, 0, 1, 1], [], []>, transpose_lhs_hint = false} : vector<64x64xf32>, vector<64x512xf32>, vector<64x512xf32> -> vector<64x512xf32>
    %add3A_395 = vector.broadcast %get3A_7 : vector<64x1xf32> to vector<64x512xf32>
    %add3A_396 = arith.addf %dot_general3A_394, %add3A_395 : vector<64x512xf32>
    %logistic3A_397 = arith.negf %add3A_396 : vector<64x512xf32>
    %logistic3A_398 = math.exp %logistic3A_397 : vector<64x512xf32>
    %logistic3A_399 = arith.constant 1.000000e+00 : f32
    %logistic3A_400 = vector.broadcast %logistic3A_399 : f32 to vector<64x512xf32>
    %logistic3A_401 = arith.addf %logistic3A_400, %logistic3A_398 : vector<64x512xf32>
    %logistic3A_402 = arith.divf %logistic3A_400, %logistic3A_401 : vector<64x512xf32>
    %mul3A_403 = arith.mulf %add3A_396, %logistic3A_402 : vector<64x512xf32>
    %dot_general3A_404 = arith.constant dense<0.000000e+00> : vector<4x512xf32>
    %dot_general3A_405 = tpu.matmul %get3A_4, %mul3A_403, %dot_general3A_404 {dimension_numbers = #tpu.dot_dimension_numbers<[1], [0], [0], [1], [0, 0, 1, 1], [], []>, transpose_lhs_hint = false} : vector<4x64xf32>, vector<64x512xf32>, vector<4x512xf32> -> vector<4x512xf32>
    %add3A_406 = vector.broadcast %get3A_10 : vector<4x1xf32> to vector<4x512xf32>
    %add3A_407 = arith.addf %dot_general3A_405, %add3A_406 : vector<4x512xf32>
    %slice3A_408 = vector.extract_strided_slice %add3A_407 {offsets = [0, 0], sizes = [1, 512], strides = [1, 1]} : vector<4x512xf32> to vector<1x512xf32>
    %squeeze3A_409 = vector.shape_cast %slice3A_408 : vector<1x512xf32> to vector<512xf32>
    %swap3A_410 = arith.constant 8 : index
    %swap3A_411 = arith.constant 0 : index
    %swap3A_412 = vector.load %arg6[%swap3A_410, %swap3A_411] : memref<32x512xf32, #tpu.memory_space<vmem>>, vector<1x512xf32>
    %swap3A_413 = vector.shape_cast %swap3A_412 : vector<1x512xf32> to vector<512xf32>
    %swap3A_414 = vector.shape_cast %squeeze3A_409 : vector<512xf32> to vector<1x512xf32>
    tpu.vector_store %arg6[%swap3A_410, %swap3A_411], %swap3A_414 {strides = array<i32>} : memref<32x512xf32, #tpu.memory_space<vmem>>, vector<1x512xf32>,
    %slice3A_415 = vector.extract_strided_slice %add3A_407 {offsets = [1, 0], sizes = [1, 512], strides = [1, 1]} : vector<4x512xf32> to vector<1x512xf32>
    %squeeze3A_416 = vector.shape_cast %slice3A_415 : vector<1x512xf32> to vector<512xf32>
    %swap3A_417 = arith.constant 8 : index
    %swap3A_418 = arith.constant 0 : index
    %swap3A_419 = vector.load %arg7[%swap3A_417, %swap3A_418] : memref<32x512xf32, #tpu.memory_space<vmem>>, vector<1x512xf32>
    %swap3A_420 = vector.shape_cast %swap3A_419 : vector<1x512xf32> to vector<512xf32>
    %swap3A_421 = vector.shape_cast %squeeze3A_416 : vector<512xf32> to vector<1x512xf32>
    tpu.vector_store %arg7[%swap3A_417, %swap3A_418], %swap3A_421 {strides = array<i32>} : memref<32x512xf32, #tpu.memory_space<vmem>>, vector<1x512xf32>,
    %slice3A_422 = vector.extract_strided_slice %add3A_407 {offsets = [2, 0], sizes = [1, 512], strides = [1, 1]} : vector<4x512xf32> to vector<1x512xf32>
    %squeeze3A_423 = vector.shape_cast %slice3A_422 : vector<1x512xf32> to vector<512xf32>
    %swap3A_424 = arith.constant 8 : index
    %swap3A_425 = arith.constant 0 : index
    %swap3A_426 = vector.load %arg8[%swap3A_424, %swap3A_425] : memref<32x512xf32, #tpu.memory_space<vmem>>, vector<1x512xf32>
    %swap3A_427 = vector.shape_cast %swap3A_426 : vector<1x512xf32> to vector<512xf32>
    %swap3A_428 = vector.shape_cast %squeeze3A_423 : vector<512xf32> to vector<1x512xf32>
    tpu.vector_store %arg8[%swap3A_424, %swap3A_425], %swap3A_428 {strides = array<i32>} : memref<32x512xf32, #tpu.memory_space<vmem>>, vector<1x512xf32>,
    %slice3A_429 = vector.extract_strided_slice %add3A_407 {offsets = [3, 0], sizes = [1, 512], strides = [1, 1]} : vector<4x512xf32> to vector<1x512xf32>
    %squeeze3A_430 = vector.shape_cast %slice3A_429 : vector<1x512xf32> to vector<512xf32>
    %swap3A_431 = arith.constant 8 : index
    %swap3A_432 = arith.constant 0 : index
    %swap3A_433 = vector.load %arg9[%swap3A_431, %swap3A_432] : memref<32x512xf32, #tpu.memory_space<vmem>>, vector<1x512xf32>
    %swap3A_434 = vector.shape_cast %swap3A_433 : vector<1x512xf32> to vector<512xf32>
    %swap3A_435 = vector.shape_cast %squeeze3A_430 : vector<512xf32> to vector<1x512xf32>
    tpu.vector_store %arg9[%swap3A_431, %swap3A_432], %swap3A_435 {strides = array<i32>} : memref<32x512xf32, #tpu.memory_space<vmem>>, vector<1x512xf32>,
    %get3A_436 = arith.constant 9 : index
    %get3A_437 = arith.constant 0 : index
    %get3A_438 = arith.constant 0 : index
    %get3A_439 = vector.load %arg1[%get3A_436, %get3A_437, %get3A_438] : memref<32x64x512xf32, #tpu.memory_space<vmem>>, vector<1x64x512xf32>
    %get3A_440 = vector.shape_cast %get3A_439 : vector<1x64x512xf32> to vector<64x512xf32>
    %dot_general3A_441 = arith.constant dense<0.000000e+00> : vector<64x512xf32>
    %dot_general3A_442 = tpu.matmul %get3A_1, %get3A_440, %dot_general3A_441 {dimension_numbers = #tpu.dot_dimension_numbers<[1], [0], [0], [1], [0, 0, 1, 1], [], []>, transpose_lhs_hint = false} : vector<64x64xf32>, vector<64x512xf32>, vector<64x512xf32> -> vector<64x512xf32>
    %add3A_443 = vector.broadcast %get3A_7 : vector<64x1xf32> to vector<64x512xf32>
    %add3A_444 = arith.addf %dot_general3A_442, %add3A_443 : vector<64x512xf32>
    %logistic3A_445 = arith.negf %add3A_444 : vector<64x512xf32>
    %logistic3A_446 = math.exp %logistic3A_445 : vector<64x512xf32>
    %logistic3A_447 = arith.constant 1.000000e+00 : f32
    %logistic3A_448 = vector.broadcast %logistic3A_447 : f32 to vector<64x512xf32>
    %logistic3A_449 = arith.addf %logistic3A_448, %logistic3A_446 : vector<64x512xf32>
    %logistic3A_450 = arith.divf %logistic3A_448, %logistic3A_449 : vector<64x512xf32>
    %mul3A_451 = arith.mulf %add3A_444, %logistic3A_450 : vector<64x512xf32>
    %dot_general3A_452 = arith.constant dense<0.000000e+00> : vector<4x512xf32>
    %dot_general3A_453 = tpu.matmul %get3A_4, %mul3A_451, %dot_general3A_452 {dimension_numbers = #tpu.dot_dimension_numbers<[1], [0], [0], [1], [0, 0, 1, 1], [], []>, transpose_lhs_hint = false} : vector<4x64xf32>, vector<64x512xf32>, vector<4x512xf32> -> vector<4x512xf32>
    %add3A_454 = vector.broadcast %get3A_10 : vector<4x1xf32> to vector<4x512xf32>
    %add3A_455 = arith.addf %dot_general3A_453, %add3A_454 : vector<4x512xf32>
    %slice3A_456 = vector.extract_strided_slice %add3A_455 {offsets = [0, 0], sizes = [1, 512], strides = [1, 1]} : vector<4x512xf32> to vector<1x512xf32>
    %squeeze3A_457 = vector.shape_cast %slice3A_456 : vector<1x512xf32> to vector<512xf32>
    %swap3A_458 = arith.constant 9 : index
    %swap3A_459 = arith.constant 0 : index
    %swap3A_460 = vector.load %arg6[%swap3A_458, %swap3A_459] : memref<32x512xf32, #tpu.memory_space<vmem>>, vector<1x512xf32>
    %swap3A_461 = vector.shape_cast %swap3A_460 : vector<1x512xf32> to vector<512xf32>
    %swap3A_462 = vector.shape_cast %squeeze3A_457 : vector<512xf32> to vector<1x512xf32>
    tpu.vector_store %arg6[%swap3A_458, %swap3A_459], %swap3A_462 {strides = array<i32>} : memref<32x512xf32, #tpu.memory_space<vmem>>, vector<1x512xf32>,
    %slice3A_463 = vector.extract_strided_slice %add3A_455 {offsets = [1, 0], sizes = [1, 512], strides = [1, 1]} : vector<4x512xf32> to vector<1x512xf32>
    %squeeze3A_464 = vector.shape_cast %slice3A_463 : vector<1x512xf32> to vector<512xf32>
    %swap3A_465 = arith.constant 9 : index
    %swap3A_466 = arith.constant 0 : index
    %swap3A_467 = vector.load %arg7[%swap3A_465, %swap3A_466] : memref<32x512xf32, #tpu.memory_space<vmem>>, vector<1x512xf32>
    %swap3A_468 = vector.shape_cast %swap3A_467 : vector<1x512xf32> to vector<512xf32>
    %swap3A_469 = vector.shape_cast %squeeze3A_464 : vector<512xf32> to vector<1x512xf32>
    tpu.vector_store %arg7[%swap3A_465, %swap3A_466], %swap3A_469 {strides = array<i32>} : memref<32x512xf32, #tpu.memory_space<vmem>>, vector<1x512xf32>,
    %slice3A_470 = vector.extract_strided_slice %add3A_455 {offsets = [2, 0], sizes = [1, 512], strides = [1, 1]} : vector<4x512xf32> to vector<1x512xf32>
    %squeeze3A_471 = vector.shape_cast %slice3A_470 : vector<1x512xf32> to vector<512xf32>
    %swap3A_472 = arith.constant 9 : index
    %swap3A_473 = arith.constant 0 : index
    %swap3A_474 = vector.load %arg8[%swap3A_472, %swap3A_473] : memref<32x512xf32, #tpu.memory_space<vmem>>, vector<1x512xf32>
    %swap3A_475 = vector.shape_cast %swap3A_474 : vector<1x512xf32> to vector<512xf32>
    %swap3A_476 = vector.shape_cast %squeeze3A_471 : vector<512xf32> to vector<1x512xf32>
    tpu.vector_store %arg8[%swap3A_472, %swap3A_473], %swap3A_476 {strides = array<i32>} : memref<32x512xf32, #tpu.memory_space<vmem>>, vector<1x512xf32>,
    %slice3A_477 = vector.extract_strided_slice %add3A_455 {offsets = [3, 0], sizes = [1, 512], strides = [1, 1]} : vector<4x512xf32> to vector<1x512xf32>
    %squeeze3A_478 = vector.shape_cast %slice3A_477 : vector<1x512xf32> to vector<512xf32>
    %swap3A_479 = arith.constant 9 : index
    %swap3A_480 = arith.constant 0 : index
    %swap3A_481 = vector.load %arg9[%swap3A_479, %swap3A_480] : memref<32x512xf32, #tpu.memory_space<vmem>>, vector<1x512xf32>
    %swap3A_482 = vector.shape_cast %swap3A_481 : vector<1x512xf32> to vector<512xf32>
    %swap3A_483 = vector.shape_cast %squeeze3A_478 : vector<512xf32> to vector<1x512xf32>
    tpu.vector_store %arg9[%swap3A_479, %swap3A_480], %swap3A_483 {strides = array<i32>} : memref<32x512xf32, #tpu.memory_space<vmem>>, vector<1x512xf32>,
    %get3A_484 = arith.constant 10 : index
    %get3A_485 = arith.constant 0 : index
    %get3A_486 = arith.constant 0 : index
    %get3A_487 = vector.load %arg1[%get3A_484, %get3A_485, %get3A_486] : memref<32x64x512xf32, #tpu.memory_space<vmem>>, vector<1x64x512xf32>
    %get3A_488 = vector.shape_cast %get3A_487 : vector<1x64x512xf32> to vector<64x512xf32>
    %dot_general3A_489 = arith.constant dense<0.000000e+00> : vector<64x512xf32>
    %dot_general3A_490 = tpu.matmul %get3A_1, %get3A_488, %dot_general3A_489 {dimension_numbers = #tpu.dot_dimension_numbers<[1], [0], [0], [1], [0, 0, 1, 1], [], []>, transpose_lhs_hint = false} : vector<64x64xf32>, vector<64x512xf32>, vector<64x512xf32> -> vector<64x512xf32>
    %add3A_491 = vector.broadcast %get3A_7 : vector<64x1xf32> to vector<64x512xf32>
    %add3A_492 = arith.addf %dot_general3A_490, %add3A_491 : vector<64x512xf32>
    %logistic3A_493 = arith.negf %add3A_492 : vector<64x512xf32>
    %logistic3A_494 = math.exp %logistic3A_493 : vector<64x512xf32>
    %logistic3A_495 = arith.constant 1.000000e+00 : f32
    %logistic3A_496 = vector.broadcast %logistic3A_495 : f32 to vector<64x512xf32>
    %logistic3A_497 = arith.addf %logistic3A_496, %logistic3A_494 : vector<64x512xf32>
    %logistic3A_498 = arith.divf %logistic3A_496, %logistic3A_497 : vector<64x512xf32>
    %mul3A_499 = arith.mulf %add3A_492, %logistic3A_498 : vector<64x512xf32>
    %dot_general3A_500 = arith.constant dense<0.000000e+00> : vector<4x512xf32>
    %dot_general3A_501 = tpu.matmul %get3A_4, %mul3A_499, %dot_general3A_500 {dimension_numbers = #tpu.dot_dimension_numbers<[1], [0], [0], [1], [0, 0, 1, 1], [], []>, transpose_lhs_hint = false} : vector<4x64xf32>, vector<64x512xf32>, vector<4x512xf32> -> vector<4x512xf32>
    %add3A_502 = vector.broadcast %get3A_10 : vector<4x1xf32> to vector<4x512xf32>
    %add3A_503 = arith.addf %dot_general3A_501, %add3A_502 : vector<4x512xf32>
    %slice3A_504 = vector.extract_strided_slice %add3A_503 {offsets = [0, 0], sizes = [1, 512], strides = [1, 1]} : vector<4x512xf32> to vector<1x512xf32>
    %squeeze3A_505 = vector.shape_cast %slice3A_504 : vector<1x512xf32> to vector<512xf32>
    %swap3A_506 = arith.constant 10 : index
    %swap3A_507 = arith.constant 0 : index
    %swap3A_508 = vector.load %arg6[%swap3A_506, %swap3A_507] : memref<32x512xf32, #tpu.memory_space<vmem>>, vector<1x512xf32>
    %swap3A_509 = vector.shape_cast %swap3A_508 : vector<1x512xf32> to vector<512xf32>
    %swap3A_510 = vector.shape_cast %squeeze3A_505 : vector<512xf32> to vector<1x512xf32>
    tpu.vector_store %arg6[%swap3A_506, %swap3A_507], %swap3A_510 {strides = array<i32>} : memref<32x512xf32, #tpu.memory_space<vmem>>, vector<1x512xf32>,
    %slice3A_511 = vector.extract_strided_slice %add3A_503 {offsets = [1, 0], sizes = [1, 512], strides = [1, 1]} : vector<4x512xf32> to vector<1x512xf32>
    %squeeze3A_512 = vector.shape_cast %slice3A_511 : vector<1x512xf32> to vector<512xf32>
    %swap3A_513 = arith.constant 10 : index
    %swap3A_514 = arith.constant 0 : index
    %swap3A_515 = vector.load %arg7[%swap3A_513, %swap3A_514] : memref<32x512xf32, #tpu.memory_space<vmem>>, vector<1x512xf32>
    %swap3A_516 = vector.shape_cast %swap3A_515 : vector<1x512xf32> to vector<512xf32>
    %swap3A_517 = vector.shape_cast %squeeze3A_512 : vector<512xf32> to vector<1x512xf32>
    tpu.vector_store %arg7[%swap3A_513, %swap3A_514], %swap3A_517 {strides = array<i32>} : memref<32x512xf32, #tpu.memory_space<vmem>>, vector<1x512xf32>,
    %slice3A_518 = vector.extract_strided_slice %add3A_503 {offsets = [2, 0], sizes = [1, 512], strides = [1, 1]} : vector<4x512xf32> to vector<1x512xf32>
    %squeeze3A_519 = vector.shape_cast %slice3A_518 : vector<1x512xf32> to vector<512xf32>
    %swap3A_520 = arith.constant 10 : index
    %swap3A_521 = arith.constant 0 : index
    %swap3A_522 = vector.load %arg8[%swap3A_520, %swap3A_521] : memref<32x512xf32, #tpu.memory_space<vmem>>, vector<1x512xf32>
    %swap3A_523 = vector.shape_cast %swap3A_522 : vector<1x512xf32> to vector<512xf32>
    %swap3A_524 = vector.shape_cast %squeeze3A_519 : vector<512xf32> to vector<1x512xf32>
    tpu.vector_store %arg8[%swap3A_520, %swap3A_521], %swap3A_524 {strides = array<i32>} : memref<32x512xf32, #tpu.memory_space<vmem>>, vector<1x512xf32>,
    %slice3A_525 = vector.extract_strided_slice %add3A_503 {offsets = [3, 0], sizes = [1, 512], strides = [1, 1]} : vector<4x512xf32> to vector<1x512xf32>
    %squeeze3A_526 = vector.shape_cast %slice3A_525 : vector<1x512xf32> to vector<512xf32>
    %swap3A_527 = arith.constant 10 : index
    %swap3A_528 = arith.constant 0 : index
    %swap3A_529 = vector.load %arg9[%swap3A_527, %swap3A_528] : memref<32x512xf32, #tpu.memory_space<vmem>>, vector<1x512xf32>
    %swap3A_530 = vector.shape_cast %swap3A_529 : vector<1x512xf32> to vector<512xf32>
    %swap3A_531 = vector.shape_cast %squeeze3A_526 : vector<512xf32> to vector<1x512xf32>
    tpu.vector_store %arg9[%swap3A_527, %swap3A_528], %swap3A_531 {strides = array<i32>} : memref<32x512xf32, #tpu.memory_space<vmem>>, vector<1x512xf32>,
    %get3A_532 = arith.constant 11 : index
    %get3A_533 = arith.constant 0 : index
    %get3A_534 = arith.constant 0 : index
    %get3A_535 = vector.load %arg1[%get3A_532, %get3A_533, %get3A_534] : memref<32x64x512xf32, #tpu.memory_space<vmem>>, vector<1x64x512xf32>
    %get3A_536 = vector.shape_cast %get3A_535 : vector<1x64x512xf32> to vector<64x512xf32>
    %dot_general3A_537 = arith.constant dense<0.000000e+00> : vector<64x512xf32>
    %dot_general3A_538 = tpu.matmul %get3A_1, %get3A_536, %dot_general3A_537 {dimension_numbers = #tpu.dot_dimension_numbers<[1], [0], [0], [1], [0, 0, 1, 1], [], []>, transpose_lhs_hint = false} : vector<64x64xf32>, vector<64x512xf32>, vector<64x512xf32> -> vector<64x512xf32>
    %add3A_539 = vector.broadcast %get3A_7 : vector<64x1xf32> to vector<64x512xf32>
    %add3A_540 = arith.addf %dot_general3A_538, %add3A_539 : vector<64x512xf32>
    %logistic3A_541 = arith.negf %add3A_540 : vector<64x512xf32>
    %logistic3A_542 = math.exp %logistic3A_541 : vector<64x512xf32>
    %logistic3A_543 = arith.constant 1.000000e+00 : f32
    %logistic3A_544 = vector.broadcast %logistic3A_543 : f32 to vector<64x512xf32>
    %logistic3A_545 = arith.addf %logistic3A_544, %logistic3A_542 : vector<64x512xf32>
    %logistic3A_546 = arith.divf %logistic3A_544, %logistic3A_545 : vector<64x512xf32>
    %mul3A_547 = arith.mulf %add3A_540, %logistic3A_546 : vector<64x512xf32>
    %dot_general3A_548 = arith.constant dense<0.000000e+00> : vector<4x512xf32>
    %dot_general3A_549 = tpu.matmul %get3A_4, %mul3A_547, %dot_general3A_548 {dimension_numbers = #tpu.dot_dimension_numbers<[1], [0], [0], [1], [0, 0, 1, 1], [], []>, transpose_lhs_hint = false} : vector<4x64xf32>, vector<64x512xf32>, vector<4x512xf32> -> vector<4x512xf32>
    %add3A_550 = vector.broadcast %get3A_10 : vector<4x1xf32> to vector<4x512xf32>
    %add3A_551 = arith.addf %dot_general3A_549, %add3A_550 : vector<4x512xf32>
    %slice3A_552 = vector.extract_strided_slice %add3A_551 {offsets = [0, 0], sizes = [1, 512], strides = [1, 1]} : vector<4x512xf32> to vector<1x512xf32>
    %squeeze3A_553 = vector.shape_cast %slice3A_552 : vector<1x512xf32> to vector<512xf32>
    %swap3A_554 = arith.constant 11 : index
    %swap3A_555 = arith.constant 0 : index
    %swap3A_556 = vector.load %arg6[%swap3A_554, %swap3A_555] : memref<32x512xf32, #tpu.memory_space<vmem>>, vector<1x512xf32>
    %swap3A_557 = vector.shape_cast %swap3A_556 : vector<1x512xf32> to vector<512xf32>
    %swap3A_558 = vector.shape_cast %squeeze3A_553 : vector<512xf32> to vector<1x512xf32>
    tpu.vector_store %arg6[%swap3A_554, %swap3A_555], %swap3A_558 {strides = array<i32>} : memref<32x512xf32, #tpu.memory_space<vmem>>, vector<1x512xf32>,
    %slice3A_559 = vector.extract_strided_slice %add3A_551 {offsets = [1, 0], sizes = [1, 512], strides = [1, 1]} : vector<4x512xf32> to vector<1x512xf32>
    %squeeze3A_560 = vector.shape_cast %slice3A_559 : vector<1x512xf32> to vector<512xf32>
    %swap3A_561 = arith.constant 11 : index
    %swap3A_562 = arith.constant 0 : index
    %swap3A_563 = vector.load %arg7[%swap3A_561, %swap3A_562] : memref<32x512xf32, #tpu.memory_space<vmem>>, vector<1x512xf32>
    %swap3A_564 = vector.shape_cast %swap3A_563 : vector<1x512xf32> to vector<512xf32>
    %swap3A_565 = vector.shape_cast %squeeze3A_560 : vector<512xf32> to vector<1x512xf32>
    tpu.vector_store %arg7[%swap3A_561, %swap3A_562], %swap3A_565 {strides = array<i32>} : memref<32x512xf32, #tpu.memory_space<vmem>>, vector<1x512xf32>,
    %slice3A_566 = vector.extract_strided_slice %add3A_551 {offsets = [2, 0], sizes = [1, 512], strides = [1, 1]} : vector<4x512xf32> to vector<1x512xf32>
    %squeeze3A_567 = vector.shape_cast %slice3A_566 : vector<1x512xf32> to vector<512xf32>
    %swap3A_568 = arith.constant 11 : index
    %swap3A_569 = arith.constant 0 : index
    %swap3A_570 = vector.load %arg8[%swap3A_568, %swap3A_569] : memref<32x512xf32, #tpu.memory_space<vmem>>, vector<1x512xf32>
    %swap3A_571 = vector.shape_cast %swap3A_570 : vector<1x512xf32> to vector<512xf32>
    %swap3A_572 = vector.shape_cast %squeeze3A_567 : vector<512xf32> to vector<1x512xf32>
    tpu.vector_store %arg8[%swap3A_568, %swap3A_569], %swap3A_572 {strides = array<i32>} : memref<32x512xf32, #tpu.memory_space<vmem>>, vector<1x512xf32>,
    %slice3A_573 = vector.extract_strided_slice %add3A_551 {offsets = [3, 0], sizes = [1, 512], strides = [1, 1]} : vector<4x512xf32> to vector<1x512xf32>
    %squeeze3A_574 = vector.shape_cast %slice3A_573 : vector<1x512xf32> to vector<512xf32>
    %swap3A_575 = arith.constant 11 : index
    %swap3A_576 = arith.constant 0 : index
    %swap3A_577 = vector.load %arg9[%swap3A_575, %swap3A_576] : memref<32x512xf32, #tpu.memory_space<vmem>>, vector<1x512xf32>
    %swap3A_578 = vector.shape_cast %swap3A_577 : vector<1x512xf32> to vector<512xf32>
    %swap3A_579 = vector.shape_cast %squeeze3A_574 : vector<512xf32> to vector<1x512xf32>
    tpu.vector_store %arg9[%swap3A_575, %swap3A_576], %swap3A_579 {strides = array<i32>} : memref<32x512xf32, #tpu.memory_space<vmem>>, vector<1x512xf32>,
    %get3A_580 = arith.constant 12 : index
    %get3A_581 = arith.constant 0 : index
    %get3A_582 = arith.constant 0 : index
    %get3A_583 = vector.load %arg1[%get3A_580, %get3A_581, %get3A_582] : memref<32x64x512xf32, #tpu.memory_space<vmem>>, vector<1x64x512xf32>
    %get3A_584 = vector.shape_cast %get3A_583 : vector<1x64x512xf32> to vector<64x512xf32>
    %dot_general3A_585 = arith.constant dense<0.000000e+00> : vector<64x512xf32>
    %dot_general3A_586 = tpu.matmul %get3A_1, %get3A_584, %dot_general3A_585 {dimension_numbers = #tpu.dot_dimension_numbers<[1], [0], [0], [1], [0, 0, 1, 1], [], []>, transpose_lhs_hint = false} : vector<64x64xf32>, vector<64x512xf32>, vector<64x512xf32> -> vector<64x512xf32>
    %add3A_587 = vector.broadcast %get3A_7 : vector<64x1xf32> to vector<64x512xf32>
    %add3A_588 = arith.addf %dot_general3A_586, %add3A_587 : vector<64x512xf32>
    %logistic3A_589 = arith.negf %add3A_588 : vector<64x512xf32>
    %logistic3A_590 = math.exp %logistic3A_589 : vector<64x512xf32>
    %logistic3A_591 = arith.constant 1.000000e+00 : f32
    %logistic3A_592 = vector.broadcast %logistic3A_591 : f32 to vector<64x512xf32>
    %logistic3A_593 = arith.addf %logistic3A_592, %logistic3A_590 : vector<64x512xf32>
    %logistic3A_594 = arith.divf %logistic3A_592, %logistic3A_593 : vector<64x512xf32>
    %mul3A_595 = arith.mulf %add3A_588, %logistic3A_594 : vector<64x512xf32>
    %dot_general3A_596 = arith.constant dense<0.000000e+00> : vector<4x512xf32>
    %dot_general3A_597 = tpu.matmul %get3A_4, %mul3A_595, %dot_general3A_596 {dimension_numbers = #tpu.dot_dimension_numbers<[1], [0], [0], [1], [0, 0, 1, 1], [], []>, transpose_lhs_hint = false} : vector<4x64xf32>, vector<64x512xf32>, vector<4x512xf32> -> vector<4x512xf32>
    %add3A_598 = vector.broadcast %get3A_10 : vector<4x1xf32> to vector<4x512xf32>
    %add3A_599 = arith.addf %dot_general3A_597, %add3A_598 : vector<4x512xf32>
    %slice3A_600 = vector.extract_strided_slice %add3A_599 {offsets = [0, 0], sizes = [1, 512], strides = [1, 1]} : vector<4x512xf32> to vector<1x512xf32>
    %squeeze3A_601 = vector.shape_cast %slice3A_600 : vector<1x512xf32> to vector<512xf32>
    %swap3A_602 = arith.constant 12 : index
    %swap3A_603 = arith.constant 0 : index
    %swap3A_604 = vector.load %arg6[%swap3A_602, %swap3A_603] : memref<32x512xf32, #tpu.memory_space<vmem>>, vector<1x512xf32>
    %swap3A_605 = vector.shape_cast %swap3A_604 : vector<1x512xf32> to vector<512xf32>
    %swap3A_606 = vector.shape_cast %squeeze3A_601 : vector<512xf32> to vector<1x512xf32>
    tpu.vector_store %arg6[%swap3A_602, %swap3A_603], %swap3A_606 {strides = array<i32>} : memref<32x512xf32, #tpu.memory_space<vmem>>, vector<1x512xf32>,
    %slice3A_607 = vector.extract_strided_slice %add3A_599 {offsets = [1, 0], sizes = [1, 512], strides = [1, 1]} : vector<4x512xf32> to vector<1x512xf32>
    %squeeze3A_608 = vector.shape_cast %slice3A_607 : vector<1x512xf32> to vector<512xf32>
    %swap3A_609 = arith.constant 12 : index
    %swap3A_610 = arith.constant 0 : index
    %swap3A_611 = vector.load %arg7[%swap3A_609, %swap3A_610] : memref<32x512xf32, #tpu.memory_space<vmem>>, vector<1x512xf32>
    %swap3A_612 = vector.shape_cast %swap3A_611 : vector<1x512xf32> to vector<512xf32>
    %swap3A_613 = vector.shape_cast %squeeze3A_608 : vector<512xf32> to vector<1x512xf32>
    tpu.vector_store %arg7[%swap3A_609, %swap3A_610], %swap3A_613 {strides = array<i32>} : memref<32x512xf32, #tpu.memory_space<vmem>>, vector<1x512xf32>,
    %slice3A_614 = vector.extract_strided_slice %add3A_599 {offsets = [2, 0], sizes = [1, 512], strides = [1, 1]} : vector<4x512xf32> to vector<1x512xf32>
    %squeeze3A_615 = vector.shape_cast %slice3A_614 : vector<1x512xf32> to vector<512xf32>
    %swap3A_616 = arith.constant 12 : index
    %swap3A_617 = arith.constant 0 : index
    %swap3A_618 = vector.load %arg8[%swap3A_616, %swap3A_617] : memref<32x512xf32, #tpu.memory_space<vmem>>, vector<1x512xf32>
    %swap3A_619 = vector.shape_cast %swap3A_618 : vector<1x512xf32> to vector<512xf32>
    %swap3A_620 = vector.shape_cast %squeeze3A_615 : vector<512xf32> to vector<1x512xf32>
    tpu.vector_store %arg8[%swap3A_616, %swap3A_617], %swap3A_620 {strides = array<i32>} : memref<32x512xf32, #tpu.memory_space<vmem>>, vector<1x512xf32>,
    %slice3A_621 = vector.extract_strided_slice %add3A_599 {offsets = [3, 0], sizes = [1, 512], strides = [1, 1]} : vector<4x512xf32> to vector<1x512xf32>
    %squeeze3A_622 = vector.shape_cast %slice3A_621 : vector<1x512xf32> to vector<512xf32>
    %swap3A_623 = arith.constant 12 : index
    %swap3A_624 = arith.constant 0 : index
    %swap3A_625 = vector.load %arg9[%swap3A_623, %swap3A_624] : memref<32x512xf32, #tpu.memory_space<vmem>>, vector<1x512xf32>
    %swap3A_626 = vector.shape_cast %swap3A_625 : vector<1x512xf32> to vector<512xf32>
    %swap3A_627 = vector.shape_cast %squeeze3A_622 : vector<512xf32> to vector<1x512xf32>
    tpu.vector_store %arg9[%swap3A_623, %swap3A_624], %swap3A_627 {strides = array<i32>} : memref<32x512xf32, #tpu.memory_space<vmem>>, vector<1x512xf32>,
    %get3A_628 = arith.constant 13 : index
    %get3A_629 = arith.constant 0 : index
    %get3A_630 = arith.constant 0 : index
    %get3A_631 = vector.load %arg1[%get3A_628, %get3A_629, %get3A_630] : memref<32x64x512xf32, #tpu.memory_space<vmem>>, vector<1x64x512xf32>
    %get3A_632 = vector.shape_cast %get3A_631 : vector<1x64x512xf32> to vector<64x512xf32>
    %dot_general3A_633 = arith.constant dense<0.000000e+00> : vector<64x512xf32>
    %dot_general3A_634 = tpu.matmul %get3A_1, %get3A_632, %dot_general3A_633 {dimension_numbers = #tpu.dot_dimension_numbers<[1], [0], [0], [1], [0, 0, 1, 1], [], []>, transpose_lhs_hint = false} : vector<64x64xf32>, vector<64x512xf32>, vector<64x512xf32> -> vector<64x512xf32>
    %add3A_635 = vector.broadcast %get3A_7 : vector<64x1xf32> to vector<64x512xf32>
    %add3A_636 = arith.addf %dot_general3A_634, %add3A_635 : vector<64x512xf32>
    %logistic3A_637 = arith.negf %add3A_636 : vector<64x512xf32>
    %logistic3A_638 = math.exp %logistic3A_637 : vector<64x512xf32>
    %logistic3A_639 = arith.constant 1.000000e+00 : f32
    %logistic3A_640 = vector.broadcast %logistic3A_639 : f32 to vector<64x512xf32>
    %logistic3A_641 = arith.addf %logistic3A_640, %logistic3A_638 : vector<64x512xf32>
    %logistic3A_642 = arith.divf %logistic3A_640, %logistic3A_641 : vector<64x512xf32>
    %mul3A_643 = arith.mulf %add3A_636, %logistic3A_642 : vector<64x512xf32>
    %dot_general3A_644 = arith.constant dense<0.000000e+00> : vector<4x512xf32>
    %dot_general3A_645 = tpu.matmul %get3A_4, %mul3A_643, %dot_general3A_644 {dimension_numbers = #tpu.dot_dimension_numbers<[1], [0], [0], [1], [0, 0, 1, 1], [], []>, transpose_lhs_hint = false} : vector<4x64xf32>, vector<64x512xf32>, vector<4x512xf32> -> vector<4x512xf32>
    %add3A_646 = vector.broadcast %get3A_10 : vector<4x1xf32> to vector<4x512xf32>
    %add3A_647 = arith.addf %dot_general3A_645, %add3A_646 : vector<4x512xf32>
    %slice3A_648 = vector.extract_strided_slice %add3A_647 {offsets = [0, 0], sizes = [1, 512], strides = [1, 1]} : vector<4x512xf32> to vector<1x512xf32>
    %squeeze3A_649 = vector.shape_cast %slice3A_648 : vector<1x512xf32> to vector<512xf32>
    %swap3A_650 = arith.constant 13 : index
    %swap3A_651 = arith.constant 0 : index
    %swap3A_652 = vector.load %arg6[%swap3A_650, %swap3A_651] : memref<32x512xf32, #tpu.memory_space<vmem>>, vector<1x512xf32>
    %swap3A_653 = vector.shape_cast %swap3A_652 : vector<1x512xf32> to vector<512xf32>
    %swap3A_654 = vector.shape_cast %squeeze3A_649 : vector<512xf32> to vector<1x512xf32>
    tpu.vector_store %arg6[%swap3A_650, %swap3A_651], %swap3A_654 {strides = array<i32>} : memref<32x512xf32, #tpu.memory_space<vmem>>, vector<1x512xf32>,
    %slice3A_655 = vector.extract_strided_slice %add3A_647 {offsets = [1, 0], sizes = [1, 512], strides = [1, 1]} : vector<4x512xf32> to vector<1x512xf32>
    %squeeze3A_656 = vector.shape_cast %slice3A_655 : vector<1x512xf32> to vector<512xf32>
    %swap3A_657 = arith.constant 13 : index
    %swap3A_658 = arith.constant 0 : index
    %swap3A_659 = vector.load %arg7[%swap3A_657, %swap3A_658] : memref<32x512xf32, #tpu.memory_space<vmem>>, vector<1x512xf32>
    %swap3A_660 = vector.shape_cast %swap3A_659 : vector<1x512xf32> to vector<512xf32>
    %swap3A_661 = vector.shape_cast %squeeze3A_656 : vector<512xf32> to vector<1x512xf32>
    tpu.vector_store %arg7[%swap3A_657, %swap3A_658], %swap3A_661 {strides = array<i32>} : memref<32x512xf32, #tpu.memory_space<vmem>>, vector<1x512xf32>,
    %slice3A_662 = vector.extract_strided_slice %add3A_647 {offsets = [2, 0], sizes = [1, 512], strides = [1, 1]} : vector<4x512xf32> to vector<1x512xf32>
    %squeeze3A_663 = vector.shape_cast %slice3A_662 : vector<1x512xf32> to vector<512xf32>
    %swap3A_664 = arith.constant 13 : index
    %swap3A_665 = arith.constant 0 : index
    %swap3A_666 = vector.load %arg8[%swap3A_664, %swap3A_665] : memref<32x512xf32, #tpu.memory_space<vmem>>, vector<1x512xf32>
    %swap3A_667 = vector.shape_cast %swap3A_666 : vector<1x512xf32> to vector<512xf32>
    %swap3A_668 = vector.shape_cast %squeeze3A_663 : vector<512xf32> to vector<1x512xf32>
    tpu.vector_store %arg8[%swap3A_664, %swap3A_665], %swap3A_668 {strides = array<i32>} : memref<32x512xf32, #tpu.memory_space<vmem>>, vector<1x512xf32>,
    %slice3A_669 = vector.extract_strided_slice %add3A_647 {offsets = [3, 0], sizes = [1, 512], strides = [1, 1]} : vector<4x512xf32> to vector<1x512xf32>
    %squeeze3A_670 = vector.shape_cast %slice3A_669 : vector<1x512xf32> to vector<512xf32>
    %swap3A_671 = arith.constant 13 : index
    %swap3A_672 = arith.constant 0 : index
    %swap3A_673 = vector.load %arg9[%swap3A_671, %swap3A_672] : memref<32x512xf32, #tpu.memory_space<vmem>>, vector<1x512xf32>
    %swap3A_674 = vector.shape_cast %swap3A_673 : vector<1x512xf32> to vector<512xf32>
    %swap3A_675 = vector.shape_cast %squeeze3A_670 : vector<512xf32> to vector<1x512xf32>
    tpu.vector_store %arg9[%swap3A_671, %swap3A_672], %swap3A_675 {strides = array<i32>} : memref<32x512xf32, #tpu.memory_space<vmem>>, vector<1x512xf32>,
    %get3A_676 = arith.constant 14 : index
    %get3A_677 = arith.constant 0 : index
    %get3A_678 = arith.constant 0 : index
    %get3A_679 = vector.load %arg1[%get3A_676, %get3A_677, %get3A_678] : memref<32x64x512xf32, #tpu.memory_space<vmem>>, vector<1x64x512xf32>
    %get3A_680 = vector.shape_cast %get3A_679 : vector<1x64x512xf32> to vector<64x512xf32>
    %dot_general3A_681 = arith.constant dense<0.000000e+00> : vector<64x512xf32>
    %dot_general3A_682 = tpu.matmul %get3A_1, %get3A_680, %dot_general3A_681 {dimension_numbers = #tpu.dot_dimension_numbers<[1], [0], [0], [1], [0, 0, 1, 1], [], []>, transpose_lhs_hint = false} : vector<64x64xf32>, vector<64x512xf32>, vector<64x512xf32> -> vector<64x512xf32>
    %add3A_683 = vector.broadcast %get3A_7 : vector<64x1xf32> to vector<64x512xf32>
    %add3A_684 = arith.addf %dot_general3A_682, %add3A_683 : vector<64x512xf32>
    %logistic3A_685 = arith.negf %add3A_684 : vector<64x512xf32>
    %logistic3A_686 = math.exp %logistic3A_685 : vector<64x512xf32>
    %logistic3A_687 = arith.constant 1.000000e+00 : f32
    %logistic3A_688 = vector.broadcast %logistic3A_687 : f32 to vector<64x512xf32>
    %logistic3A_689 = arith.addf %logistic3A_688, %logistic3A_686 : vector<64x512xf32>
    %logistic3A_690 = arith.divf %logistic3A_688, %logistic3A_689 : vector<64x512xf32>
    %mul3A_691 = arith.mulf %add3A_684, %logistic3A_690 : vector<64x512xf32>
    %dot_general3A_692 = arith.constant dense<0.000000e+00> : vector<4x512xf32>
    %dot_general3A_693 = tpu.matmul %get3A_4, %mul3A_691, %dot_general3A_692 {dimension_numbers = #tpu.dot_dimension_numbers<[1], [0], [0], [1], [0, 0, 1, 1], [], []>, transpose_lhs_hint = false} : vector<4x64xf32>, vector<64x512xf32>, vector<4x512xf32> -> vector<4x512xf32>
    %add3A_694 = vector.broadcast %get3A_10 : vector<4x1xf32> to vector<4x512xf32>
    %add3A_695 = arith.addf %dot_general3A_693, %add3A_694 : vector<4x512xf32>
    %slice3A_696 = vector.extract_strided_slice %add3A_695 {offsets = [0, 0], sizes = [1, 512], strides = [1, 1]} : vector<4x512xf32> to vector<1x512xf32>
    %squeeze3A_697 = vector.shape_cast %slice3A_696 : vector<1x512xf32> to vector<512xf32>
    %swap3A_698 = arith.constant 14 : index
    %swap3A_699 = arith.constant 0 : index
    %swap3A_700 = vector.load %arg6[%swap3A_698, %swap3A_699] : memref<32x512xf32, #tpu.memory_space<vmem>>, vector<1x512xf32>
    %swap3A_701 = vector.shape_cast %swap3A_700 : vector<1x512xf32> to vector<512xf32>
    %swap3A_702 = vector.shape_cast %squeeze3A_697 : vector<512xf32> to vector<1x512xf32>
    tpu.vector_store %arg6[%swap3A_698, %swap3A_699], %swap3A_702 {strides = array<i32>} : memref<32x512xf32, #tpu.memory_space<vmem>>, vector<1x512xf32>,
    %slice3A_703 = vector.extract_strided_slice %add3A_695 {offsets = [1, 0], sizes = [1, 512], strides = [1, 1]} : vector<4x512xf32> to vector<1x512xf32>
    %squeeze3A_704 = vector.shape_cast %slice3A_703 : vector<1x512xf32> to vector<512xf32>
    %swap3A_705 = arith.constant 14 : index
    %swap3A_706 = arith.constant 0 : index
    %swap3A_707 = vector.load %arg7[%swap3A_705, %swap3A_706] : memref<32x512xf32, #tpu.memory_space<vmem>>, vector<1x512xf32>
    %swap3A_708 = vector.shape_cast %swap3A_707 : vector<1x512xf32> to vector<512xf32>
    %swap3A_709 = vector.shape_cast %squeeze3A_704 : vector<512xf32> to vector<1x512xf32>
    tpu.vector_store %arg7[%swap3A_705, %swap3A_706], %swap3A_709 {strides = array<i32>} : memref<32x512xf32, #tpu.memory_space<vmem>>, vector<1x512xf32>,
    %slice3A_710 = vector.extract_strided_slice %add3A_695 {offsets = [2, 0], sizes = [1, 512], strides = [1, 1]} : vector<4x512xf32> to vector<1x512xf32>
    %squeeze3A_711 = vector.shape_cast %slice3A_710 : vector<1x512xf32> to vector<512xf32>
    %swap3A_712 = arith.constant 14 : index
    %swap3A_713 = arith.constant 0 : index
    %swap3A_714 = vector.load %arg8[%swap3A_712, %swap3A_713] : memref<32x512xf32, #tpu.memory_space<vmem>>, vector<1x512xf32>
    %swap3A_715 = vector.shape_cast %swap3A_714 : vector<1x512xf32> to vector<512xf32>
    %swap3A_716 = vector.shape_cast %squeeze3A_711 : vector<512xf32> to vector<1x512xf32>
    tpu.vector_store %arg8[%swap3A_712, %swap3A_713], %swap3A_716 {strides = array<i32>} : memref<32x512xf32, #tpu.memory_space<vmem>>, vector<1x512xf32>,
    %slice3A_717 = vector.extract_strided_slice %add3A_695 {offsets = [3, 0], sizes = [1, 512], strides = [1, 1]} : vector<4x512xf32> to vector<1x512xf32>
    %squeeze3A_718 = vector.shape_cast %slice3A_717 : vector<1x512xf32> to vector<512xf32>
    %swap3A_719 = arith.constant 14 : index
    %swap3A_720 = arith.constant 0 : index
    %swap3A_721 = vector.load %arg9[%swap3A_719, %swap3A_720] : memref<32x512xf32, #tpu.memory_space<vmem>>, vector<1x512xf32>
    %swap3A_722 = vector.shape_cast %swap3A_721 : vector<1x512xf32> to vector<512xf32>
    %swap3A_723 = vector.shape_cast %squeeze3A_718 : vector<512xf32> to vector<1x512xf32>
    tpu.vector_store %arg9[%swap3A_719, %swap3A_720], %swap3A_723 {strides = array<i32>} : memref<32x512xf32, #tpu.memory_space<vmem>>, vector<1x512xf32>,
    %get3A_724 = arith.constant 15 : index
    %get3A_725 = arith.constant 0 : index
    %get3A_726 = arith.constant 0 : index
    %get3A_727 = vector.load %arg1[%get3A_724, %get3A_725, %get3A_726] : memref<32x64x512xf32, #tpu.memory_space<vmem>>, vector<1x64x512xf32>
    %get3A_728 = vector.shape_cast %get3A_727 : vector<1x64x512xf32> to vector<64x512xf32>
    %dot_general3A_729 = arith.constant dense<0.000000e+00> : vector<64x512xf32>
    %dot_general3A_730 = tpu.matmul %get3A_1, %get3A_728, %dot_general3A_729 {dimension_numbers = #tpu.dot_dimension_numbers<[1], [0], [0], [1], [0, 0, 1, 1], [], []>, transpose_lhs_hint = false} : vector<64x64xf32>, vector<64x512xf32>, vector<64x512xf32> -> vector<64x512xf32>
    %add3A_731 = vector.broadcast %get3A_7 : vector<64x1xf32> to vector<64x512xf32>
    %add3A_732 = arith.addf %dot_general3A_730, %add3A_731 : vector<64x512xf32>
    %logistic3A_733 = arith.negf %add3A_732 : vector<64x512xf32>
    %logistic3A_734 = math.exp %logistic3A_733 : vector<64x512xf32>
    %logistic3A_735 = arith.constant 1.000000e+00 : f32
    %logistic3A_736 = vector.broadcast %logistic3A_735 : f32 to vector<64x512xf32>
    %logistic3A_737 = arith.addf %logistic3A_736, %logistic3A_734 : vector<64x512xf32>
    %logistic3A_738 = arith.divf %logistic3A_736, %logistic3A_737 : vector<64x512xf32>
    %mul3A_739 = arith.mulf %add3A_732, %logistic3A_738 : vector<64x512xf32>
    %dot_general3A_740 = arith.constant dense<0.000000e+00> : vector<4x512xf32>
    %dot_general3A_741 = tpu.matmul %get3A_4, %mul3A_739, %dot_general3A_740 {dimension_numbers = #tpu.dot_dimension_numbers<[1], [0], [0], [1], [0, 0, 1, 1], [], []>, transpose_lhs_hint = false} : vector<4x64xf32>, vector<64x512xf32>, vector<4x512xf32> -> vector<4x512xf32>
    %add3A_742 = vector.broadcast %get3A_10 : vector<4x1xf32> to vector<4x512xf32>
    %add3A_743 = arith.addf %dot_general3A_741, %add3A_742 : vector<4x512xf32>
    %slice3A_744 = vector.extract_strided_slice %add3A_743 {offsets = [0, 0], sizes = [1, 512], strides = [1, 1]} : vector<4x512xf32> to vector<1x512xf32>
    %squeeze3A_745 = vector.shape_cast %slice3A_744 : vector<1x512xf32> to vector<512xf32>
    %swap3A_746 = arith.constant 15 : index
    %swap3A_747 = arith.constant 0 : index
    %swap3A_748 = vector.load %arg6[%swap3A_746, %swap3A_747] : memref<32x512xf32, #tpu.memory_space<vmem>>, vector<1x512xf32>
    %swap3A_749 = vector.shape_cast %swap3A_748 : vector<1x512xf32> to vector<512xf32>
    %swap3A_750 = vector.shape_cast %squeeze3A_745 : vector<512xf32> to vector<1x512xf32>
    tpu.vector_store %arg6[%swap3A_746, %swap3A_747], %swap3A_750 {strides = array<i32>} : memref<32x512xf32, #tpu.memory_space<vmem>>, vector<1x512xf32>,
    %slice3A_751 = vector.extract_strided_slice %add3A_743 {offsets = [1, 0], sizes = [1, 512], strides = [1, 1]} : vector<4x512xf32> to vector<1x512xf32>
    %squeeze3A_752 = vector.shape_cast %slice3A_751 : vector<1x512xf32> to vector<512xf32>
    %swap3A_753 = arith.constant 15 : index
    %swap3A_754 = arith.constant 0 : index
    %swap3A_755 = vector.load %arg7[%swap3A_753, %swap3A_754] : memref<32x512xf32, #tpu.memory_space<vmem>>, vector<1x512xf32>
    %swap3A_756 = vector.shape_cast %swap3A_755 : vector<1x512xf32> to vector<512xf32>
    %swap3A_757 = vector.shape_cast %squeeze3A_752 : vector<512xf32> to vector<1x512xf32>
    tpu.vector_store %arg7[%swap3A_753, %swap3A_754], %swap3A_757 {strides = array<i32>} : memref<32x512xf32, #tpu.memory_space<vmem>>, vector<1x512xf32>,
    %slice3A_758 = vector.extract_strided_slice %add3A_743 {offsets = [2, 0], sizes = [1, 512], strides = [1, 1]} : vector<4x512xf32> to vector<1x512xf32>
    %squeeze3A_759 = vector.shape_cast %slice3A_758 : vector<1x512xf32> to vector<512xf32>
    %swap3A_760 = arith.constant 15 : index
    %swap3A_761 = arith.constant 0 : index
    %swap3A_762 = vector.load %arg8[%swap3A_760, %swap3A_761] : memref<32x512xf32, #tpu.memory_space<vmem>>, vector<1x512xf32>
    %swap3A_763 = vector.shape_cast %swap3A_762 : vector<1x512xf32> to vector<512xf32>
    %swap3A_764 = vector.shape_cast %squeeze3A_759 : vector<512xf32> to vector<1x512xf32>
    tpu.vector_store %arg8[%swap3A_760, %swap3A_761], %swap3A_764 {strides = array<i32>} : memref<32x512xf32, #tpu.memory_space<vmem>>, vector<1x512xf32>,
    %slice3A_765 = vector.extract_strided_slice %add3A_743 {offsets = [3, 0], sizes = [1, 512], strides = [1, 1]} : vector<4x512xf32> to vector<1x512xf32>
    %squeeze3A_766 = vector.shape_cast %slice3A_765 : vector<1x512xf32> to vector<512xf32>
    %swap3A_767 = arith.constant 15 : index
    %swap3A_768 = arith.constant 0 : index
    %swap3A_769 = vector.load %arg9[%swap3A_767, %swap3A_768] : memref<32x512xf32, #tpu.memory_space<vmem>>, vector<1x512xf32>
    %swap3A_770 = vector.shape_cast %swap3A_769 : vector<1x512xf32> to vector<512xf32>
    %swap3A_771 = vector.shape_cast %squeeze3A_766 : vector<512xf32> to vector<1x512xf32>
    tpu.vector_store %arg9[%swap3A_767, %swap3A_768], %swap3A_771 {strides = array<i32>} : memref<32x512xf32, #tpu.memory_space<vmem>>, vector<1x512xf32>,
    %get3A_772 = arith.constant 16 : index
    %get3A_773 = arith.constant 0 : index
    %get3A_774 = arith.constant 0 : index
    %get3A_775 = vector.load %arg1[%get3A_772, %get3A_773, %get3A_774] : memref<32x64x512xf32, #tpu.memory_space<vmem>>, vector<1x64x512xf32>
    %get3A_776 = vector.shape_cast %get3A_775 : vector<1x64x512xf32> to vector<64x512xf32>
    %dot_general3A_777 = arith.constant dense<0.000000e+00> : vector<64x512xf32>
    %dot_general3A_778 = tpu.matmul %get3A_1, %get3A_776, %dot_general3A_777 {dimension_numbers = #tpu.dot_dimension_numbers<[1], [0], [0], [1], [0, 0, 1, 1], [], []>, transpose_lhs_hint = false} : vector<64x64xf32>, vector<64x512xf32>, vector<64x512xf32> -> vector<64x512xf32>
    %add3A_779 = vector.broadcast %get3A_7 : vector<64x1xf32> to vector<64x512xf32>
    %add3A_780 = arith.addf %dot_general3A_778, %add3A_779 : vector<64x512xf32>
    %logistic3A_781 = arith.negf %add3A_780 : vector<64x512xf32>
    %logistic3A_782 = math.exp %logistic3A_781 : vector<64x512xf32>
    %logistic3A_783 = arith.constant 1.000000e+00 : f32
    %logistic3A_784 = vector.broadcast %logistic3A_783 : f32 to vector<64x512xf32>
    %logistic3A_785 = arith.addf %logistic3A_784, %logistic3A_782 : vector<64x512xf32>
    %logistic3A_786 = arith.divf %logistic3A_784, %logistic3A_785 : vector<64x512xf32>
    %mul3A_787 = arith.mulf %add3A_780, %logistic3A_786 : vector<64x512xf32>
    %dot_general3A_788 = arith.constant dense<0.000000e+00> : vector<4x512xf32>
    %dot_general3A_789 = tpu.matmul %get3A_4, %mul3A_787, %dot_general3A_788 {dimension_numbers = #tpu.dot_dimension_numbers<[1], [0], [0], [1], [0, 0, 1, 1], [], []>, transpose_lhs_hint = false} : vector<4x64xf32>, vector<64x512xf32>, vector<4x512xf32> -> vector<4x512xf32>
    %add3A_790 = vector.broadcast %get3A_10 : vector<4x1xf32> to vector<4x512xf32>
    %add3A_791 = arith.addf %dot_general3A_789, %add3A_790 : vector<4x512xf32>
    %slice3A_792 = vector.extract_strided_slice %add3A_791 {offsets = [0, 0], sizes = [1, 512], strides = [1, 1]} : vector<4x512xf32> to vector<1x512xf32>
    %squeeze3A_793 = vector.shape_cast %slice3A_792 : vector<1x512xf32> to vector<512xf32>
    %swap3A_794 = arith.constant 16 : index
    %swap3A_795 = arith.constant 0 : index
    %swap3A_796 = vector.load %arg6[%swap3A_794, %swap3A_795] : memref<32x512xf32, #tpu.memory_space<vmem>>, vector<1x512xf32>
    %swap3A_797 = vector.shape_cast %swap3A_796 : vector<1x512xf32> to vector<512xf32>
    %swap3A_798 = vector.shape_cast %squeeze3A_793 : vector<512xf32> to vector<1x512xf32>
    tpu.vector_store %arg6[%swap3A_794, %swap3A_795], %swap3A_798 {strides = array<i32>} : memref<32x512xf32, #tpu.memory_space<vmem>>, vector<1x512xf32>,
    %slice3A_799 = vector.extract_strided_slice %add3A_791 {offsets = [1, 0], sizes = [1, 512], strides = [1, 1]} : vector<4x512xf32> to vector<1x512xf32>
    %squeeze3A_800 = vector.shape_cast %slice3A_799 : vector<1x512xf32> to vector<512xf32>
    %swap3A_801 = arith.constant 16 : index
    %swap3A_802 = arith.constant 0 : index
    %swap3A_803 = vector.load %arg7[%swap3A_801, %swap3A_802] : memref<32x512xf32, #tpu.memory_space<vmem>>, vector<1x512xf32>
    %swap3A_804 = vector.shape_cast %swap3A_803 : vector<1x512xf32> to vector<512xf32>
    %swap3A_805 = vector.shape_cast %squeeze3A_800 : vector<512xf32> to vector<1x512xf32>
    tpu.vector_store %arg7[%swap3A_801, %swap3A_802], %swap3A_805 {strides = array<i32>} : memref<32x512xf32, #tpu.memory_space<vmem>>, vector<1x512xf32>,
    %slice3A_806 = vector.extract_strided_slice %add3A_791 {offsets = [2, 0], sizes = [1, 512], strides = [1, 1]} : vector<4x512xf32> to vector<1x512xf32>
    %squeeze3A_807 = vector.shape_cast %slice3A_806 : vector<1x512xf32> to vector<512xf32>
    %swap3A_808 = arith.constant 16 : index
    %swap3A_809 = arith.constant 0 : index
    %swap3A_810 = vector.load %arg8[%swap3A_808, %swap3A_809] : memref<32x512xf32, #tpu.memory_space<vmem>>, vector<1x512xf32>
    %swap3A_811 = vector.shape_cast %swap3A_810 : vector<1x512xf32> to vector<512xf32>
    %swap3A_812 = vector.shape_cast %squeeze3A_807 : vector<512xf32> to vector<1x512xf32>
    tpu.vector_store %arg8[%swap3A_808, %swap3A_809], %swap3A_812 {strides = array<i32>} : memref<32x512xf32, #tpu.memory_space<vmem>>, vector<1x512xf32>,
    %slice3A_813 = vector.extract_strided_slice %add3A_791 {offsets = [3, 0], sizes = [1, 512], strides = [1, 1]} : vector<4x512xf32> to vector<1x512xf32>
    %squeeze3A_814 = vector.shape_cast %slice3A_813 : vector<1x512xf32> to vector<512xf32>
    %swap3A_815 = arith.constant 16 : index
    %swap3A_816 = arith.constant 0 : index
    %swap3A_817 = vector.load %arg9[%swap3A_815, %swap3A_816] : memref<32x512xf32, #tpu.memory_space<vmem>>, vector<1x512xf32>
    %swap3A_818 = vector.shape_cast %swap3A_817 : vector<1x512xf32> to vector<512xf32>
    %swap3A_819 = vector.shape_cast %squeeze3A_814 : vector<512xf32> to vector<1x512xf32>
    tpu.vector_store %arg9[%swap3A_815, %swap3A_816], %swap3A_819 {strides = array<i32>} : memref<32x512xf32, #tpu.memory_space<vmem>>, vector<1x512xf32>,
    %get3A_820 = arith.constant 17 : index
    %get3A_821 = arith.constant 0 : index
    %get3A_822 = arith.constant 0 : index
    %get3A_823 = vector.load %arg1[%get3A_820, %get3A_821, %get3A_822] : memref<32x64x512xf32, #tpu.memory_space<vmem>>, vector<1x64x512xf32>
    %get3A_824 = vector.shape_cast %get3A_823 : vector<1x64x512xf32> to vector<64x512xf32>
    %dot_general3A_825 = arith.constant dense<0.000000e+00> : vector<64x512xf32>
    %dot_general3A_826 = tpu.matmul %get3A_1, %get3A_824, %dot_general3A_825 {dimension_numbers = #tpu.dot_dimension_numbers<[1], [0], [0], [1], [0, 0, 1, 1], [], []>, transpose_lhs_hint = false} : vector<64x64xf32>, vector<64x512xf32>, vector<64x512xf32> -> vector<64x512xf32>
    %add3A_827 = vector.broadcast %get3A_7 : vector<64x1xf32> to vector<64x512xf32>
    %add3A_828 = arith.addf %dot_general3A_826, %add3A_827 : vector<64x512xf32>
    %logistic3A_829 = arith.negf %add3A_828 : vector<64x512xf32>
    %logistic3A_830 = math.exp %logistic3A_829 : vector<64x512xf32>
    %logistic3A_831 = arith.constant 1.000000e+00 : f32
    %logistic3A_832 = vector.broadcast %logistic3A_831 : f32 to vector<64x512xf32>
    %logistic3A_833 = arith.addf %logistic3A_832, %logistic3A_830 : vector<64x512xf32>
    %logistic3A_834 = arith.divf %logistic3A_832, %logistic3A_833 : vector<64x512xf32>
    %mul3A_835 = arith.mulf %add3A_828, %logistic3A_834 : vector<64x512xf32>
    %dot_general3A_836 = arith.constant dense<0.000000e+00> : vector<4x512xf32>
    %dot_general3A_837 = tpu.matmul %get3A_4, %mul3A_835, %dot_general3A_836 {dimension_numbers = #tpu.dot_dimension_numbers<[1], [0], [0], [1], [0, 0, 1, 1], [], []>, transpose_lhs_hint = false} : vector<4x64xf32>, vector<64x512xf32>, vector<4x512xf32> -> vector<4x512xf32>
    %add3A_838 = vector.broadcast %get3A_10 : vector<4x1xf32> to vector<4x512xf32>
    %add3A_839 = arith.addf %dot_general3A_837, %add3A_838 : vector<4x512xf32>
    %slice3A_840 = vector.extract_strided_slice %add3A_839 {offsets = [0, 0], sizes = [1, 512], strides = [1, 1]} : vector<4x512xf32> to vector<1x512xf32>
    %squeeze3A_841 = vector.shape_cast %slice3A_840 : vector<1x512xf32> to vector<512xf32>
    %swap3A_842 = arith.constant 17 : index
    %swap3A_843 = arith.constant 0 : index
    %swap3A_844 = vector.load %arg6[%swap3A_842, %swap3A_843] : memref<32x512xf32, #tpu.memory_space<vmem>>, vector<1x512xf32>
    %swap3A_845 = vector.shape_cast %swap3A_844 : vector<1x512xf32> to vector<512xf32>
    %swap3A_846 = vector.shape_cast %squeeze3A_841 : vector<512xf32> to vector<1x512xf32>
    tpu.vector_store %arg6[%swap3A_842, %swap3A_843], %swap3A_846 {strides = array<i32>} : memref<32x512xf32, #tpu.memory_space<vmem>>, vector<1x512xf32>,
    %slice3A_847 = vector.extract_strided_slice %add3A_839 {offsets = [1, 0], sizes = [1, 512], strides = [1, 1]} : vector<4x512xf32> to vector<1x512xf32>
    %squeeze3A_848 = vector.shape_cast %slice3A_847 : vector<1x512xf32> to vector<512xf32>
    %swap3A_849 = arith.constant 17 : index
    %swap3A_850 = arith.constant 0 : index
    %swap3A_851 = vector.load %arg7[%swap3A_849, %swap3A_850] : memref<32x512xf32, #tpu.memory_space<vmem>>, vector<1x512xf32>
    %swap3A_852 = vector.shape_cast %swap3A_851 : vector<1x512xf32> to vector<512xf32>
    %swap3A_853 = vector.shape_cast %squeeze3A_848 : vector<512xf32> to vector<1x512xf32>
    tpu.vector_store %arg7[%swap3A_849, %swap3A_850], %swap3A_853 {strides = array<i32>} : memref<32x512xf32, #tpu.memory_space<vmem>>, vector<1x512xf32>,
    %slice3A_854 = vector.extract_strided_slice %add3A_839 {offsets = [2, 0], sizes = [1, 512], strides = [1, 1]} : vector<4x512xf32> to vector<1x512xf32>
    %squeeze3A_855 = vector.shape_cast %slice3A_854 : vector<1x512xf32> to vector<512xf32>
    %swap3A_856 = arith.constant 17 : index
    %swap3A_857 = arith.constant 0 : index
    %swap3A_858 = vector.load %arg8[%swap3A_856, %swap3A_857] : memref<32x512xf32, #tpu.memory_space<vmem>>, vector<1x512xf32>
    %swap3A_859 = vector.shape_cast %swap3A_858 : vector<1x512xf32> to vector<512xf32>
    %swap3A_860 = vector.shape_cast %squeeze3A_855 : vector<512xf32> to vector<1x512xf32>
    tpu.vector_store %arg8[%swap3A_856, %swap3A_857], %swap3A_860 {strides = array<i32>} : memref<32x512xf32, #tpu.memory_space<vmem>>, vector<1x512xf32>,
    %slice3A_861 = vector.extract_strided_slice %add3A_839 {offsets = [3, 0], sizes = [1, 512], strides = [1, 1]} : vector<4x512xf32> to vector<1x512xf32>
    %squeeze3A_862 = vector.shape_cast %slice3A_861 : vector<1x512xf32> to vector<512xf32>
    %swap3A_863 = arith.constant 17 : index
    %swap3A_864 = arith.constant 0 : index
    %swap3A_865 = vector.load %arg9[%swap3A_863, %swap3A_864] : memref<32x512xf32, #tpu.memory_space<vmem>>, vector<1x512xf32>
    %swap3A_866 = vector.shape_cast %swap3A_865 : vector<1x512xf32> to vector<512xf32>
    %swap3A_867 = vector.shape_cast %squeeze3A_862 : vector<512xf32> to vector<1x512xf32>
    tpu.vector_store %arg9[%swap3A_863, %swap3A_864], %swap3A_867 {strides = array<i32>} : memref<32x512xf32, #tpu.memory_space<vmem>>, vector<1x512xf32>,
    %get3A_868 = arith.constant 18 : index
    %get3A_869 = arith.constant 0 : index
    %get3A_870 = arith.constant 0 : index
    %get3A_871 = vector.load %arg1[%get3A_868, %get3A_869, %get3A_870] : memref<32x64x512xf32, #tpu.memory_space<vmem>>, vector<1x64x512xf32>
    %get3A_872 = vector.shape_cast %get3A_871 : vector<1x64x512xf32> to vector<64x512xf32>
    %dot_general3A_873 = arith.constant dense<0.000000e+00> : vector<64x512xf32>
    %dot_general3A_874 = tpu.matmul %get3A_1, %get3A_872, %dot_general3A_873 {dimension_numbers = #tpu.dot_dimension_numbers<[1], [0], [0], [1], [0, 0, 1, 1], [], []>, transpose_lhs_hint = false} : vector<64x64xf32>, vector<64x512xf32>, vector<64x512xf32> -> vector<64x512xf32>
    %add3A_875 = vector.broadcast %get3A_7 : vector<64x1xf32> to vector<64x512xf32>
    %add3A_876 = arith.addf %dot_general3A_874, %add3A_875 : vector<64x512xf32>
    %logistic3A_877 = arith.negf %add3A_876 : vector<64x512xf32>
    %logistic3A_878 = math.exp %logistic3A_877 : vector<64x512xf32>
    %logistic3A_879 = arith.constant 1.000000e+00 : f32
    %logistic3A_880 = vector.broadcast %logistic3A_879 : f32 to vector<64x512xf32>
    %logistic3A_881 = arith.addf %logistic3A_880, %logistic3A_878 : vector<64x512xf32>
    %logistic3A_882 = arith.divf %logistic3A_880, %logistic3A_881 : vector<64x512xf32>
    %mul3A_883 = arith.mulf %add3A_876, %logistic3A_882 : vector<64x512xf32>
    %dot_general3A_884 = arith.constant dense<0.000000e+00> : vector<4x512xf32>
    %dot_general3A_885 = tpu.matmul %get3A_4, %mul3A_883, %dot_general3A_884 {dimension_numbers = #tpu.dot_dimension_numbers<[1], [0], [0], [1], [0, 0, 1, 1], [], []>, transpose_lhs_hint = false} : vector<4x64xf32>, vector<64x512xf32>, vector<4x512xf32> -> vector<4x512xf32>
    %add3A_886 = vector.broadcast %get3A_10 : vector<4x1xf32> to vector<4x512xf32>
    %add3A_887 = arith.addf %dot_general3A_885, %add3A_886 : vector<4x512xf32>
    %slice3A_888 = vector.extract_strided_slice %add3A_887 {offsets = [0, 0], sizes = [1, 512], strides = [1, 1]} : vector<4x512xf32> to vector<1x512xf32>
    %squeeze3A_889 = vector.shape_cast %slice3A_888 : vector<1x512xf32> to vector<512xf32>
    %swap3A_890 = arith.constant 18 : index
    %swap3A_891 = arith.constant 0 : index
    %swap3A_892 = vector.load %arg6[%swap3A_890, %swap3A_891] : memref<32x512xf32, #tpu.memory_space<vmem>>, vector<1x512xf32>
    %swap3A_893 = vector.shape_cast %swap3A_892 : vector<1x512xf32> to vector<512xf32>
    %swap3A_894 = vector.shape_cast %squeeze3A_889 : vector<512xf32> to vector<1x512xf32>
    tpu.vector_store %arg6[%swap3A_890, %swap3A_891], %swap3A_894 {strides = array<i32>} : memref<32x512xf32, #tpu.memory_space<vmem>>, vector<1x512xf32>,
    %slice3A_895 = vector.extract_strided_slice %add3A_887 {offsets = [1, 0], sizes = [1, 512], strides = [1, 1]} : vector<4x512xf32> to vector<1x512xf32>
    %squeeze3A_896 = vector.shape_cast %slice3A_895 : vector<1x512xf32> to vector<512xf32>
    %swap3A_897 = arith.constant 18 : index
    %swap3A_898 = arith.constant 0 : index
    %swap3A_899 = vector.load %arg7[%swap3A_897, %swap3A_898] : memref<32x512xf32, #tpu.memory_space<vmem>>, vector<1x512xf32>
    %swap3A_900 = vector.shape_cast %swap3A_899 : vector<1x512xf32> to vector<512xf32>
    %swap3A_901 = vector.shape_cast %squeeze3A_896 : vector<512xf32> to vector<1x512xf32>
    tpu.vector_store %arg7[%swap3A_897, %swap3A_898], %swap3A_901 {strides = array<i32>} : memref<32x512xf32, #tpu.memory_space<vmem>>, vector<1x512xf32>,
    %slice3A_902 = vector.extract_strided_slice %add3A_887 {offsets = [2, 0], sizes = [1, 512], strides = [1, 1]} : vector<4x512xf32> to vector<1x512xf32>
    %squeeze3A_903 = vector.shape_cast %slice3A_902 : vector<1x512xf32> to vector<512xf32>
    %swap3A_904 = arith.constant 18 : index
    %swap3A_905 = arith.constant 0 : index
    %swap3A_906 = vector.load %arg8[%swap3A_904, %swap3A_905] : memref<32x512xf32, #tpu.memory_space<vmem>>, vector<1x512xf32>
    %swap3A_907 = vector.shape_cast %swap3A_906 : vector<1x512xf32> to vector<512xf32>
    %swap3A_908 = vector.shape_cast %squeeze3A_903 : vector<512xf32> to vector<1x512xf32>
    tpu.vector_store %arg8[%swap3A_904, %swap3A_905], %swap3A_908 {strides = array<i32>} : memref<32x512xf32, #tpu.memory_space<vmem>>, vector<1x512xf32>,
    %slice3A_909 = vector.extract_strided_slice %add3A_887 {offsets = [3, 0], sizes = [1, 512], strides = [1, 1]} : vector<4x512xf32> to vector<1x512xf32>
    %squeeze3A_910 = vector.shape_cast %slice3A_909 : vector<1x512xf32> to vector<512xf32>
    %swap3A_911 = arith.constant 18 : index
    %swap3A_912 = arith.constant 0 : index
    %swap3A_913 = vector.load %arg9[%swap3A_911, %swap3A_912] : memref<32x512xf32, #tpu.memory_space<vmem>>, vector<1x512xf32>
    %swap3A_914 = vector.shape_cast %swap3A_913 : vector<1x512xf32> to vector<512xf32>
    %swap3A_915 = vector.shape_cast %squeeze3A_910 : vector<512xf32> to vector<1x512xf32>
    tpu.vector_store %arg9[%swap3A_911, %swap3A_912], %swap3A_915 {strides = array<i32>} : memref<32x512xf32, #tpu.memory_space<vmem>>, vector<1x512xf32>,
    %get3A_916 = arith.constant 19 : index
    %get3A_917 = arith.constant 0 : index
    %get3A_918 = arith.constant 0 : index
    %get3A_919 = vector.load %arg1[%get3A_916, %get3A_917, %get3A_918] : memref<32x64x512xf32, #tpu.memory_space<vmem>>, vector<1x64x512xf32>
    %get3A_920 = vector.shape_cast %get3A_919 : vector<1x64x512xf32> to vector<64x512xf32>
    %dot_general3A_921 = arith.constant dense<0.000000e+00> : vector<64x512xf32>
    %dot_general3A_922 = tpu.matmul %get3A_1, %get3A_920, %dot_general3A_921 {dimension_numbers = #tpu.dot_dimension_numbers<[1], [0], [0], [1], [0, 0, 1, 1], [], []>, transpose_lhs_hint = false} : vector<64x64xf32>, vector<64x512xf32>, vector<64x512xf32> -> vector<64x512xf32>
    %add3A_923 = vector.broadcast %get3A_7 : vector<64x1xf32> to vector<64x512xf32>
    %add3A_924 = arith.addf %dot_general3A_922, %add3A_923 : vector<64x512xf32>
    %logistic3A_925 = arith.negf %add3A_924 : vector<64x512xf32>
    %logistic3A_926 = math.exp %logistic3A_925 : vector<64x512xf32>
    %logistic3A_927 = arith.constant 1.000000e+00 : f32
    %logistic3A_928 = vector.broadcast %logistic3A_927 : f32 to vector<64x512xf32>
    %logistic3A_929 = arith.addf %logistic3A_928, %logistic3A_926 : vector<64x512xf32>
    %logistic3A_930 = arith.divf %logistic3A_928, %logistic3A_929 : vector<64x512xf32>
    %mul3A_931 = arith.mulf %add3A_924, %logistic3A_930 : vector<64x512xf32>
    %dot_general3A_932 = arith.constant dense<0.000000e+00> : vector<4x512xf32>
    %dot_general3A_933 = tpu.matmul %get3A_4, %mul3A_931, %dot_general3A_932 {dimension_numbers = #tpu.dot_dimension_numbers<[1], [0], [0], [1], [0, 0, 1, 1], [], []>, transpose_lhs_hint = false} : vector<4x64xf32>, vector<64x512xf32>, vector<4x512xf32> -> vector<4x512xf32>
    %add3A_934 = vector.broadcast %get3A_10 : vector<4x1xf32> to vector<4x512xf32>
    %add3A_935 = arith.addf %dot_general3A_933, %add3A_934 : vector<4x512xf32>
    %slice3A_936 = vector.extract_strided_slice %add3A_935 {offsets = [0, 0], sizes = [1, 512], strides = [1, 1]} : vector<4x512xf32> to vector<1x512xf32>
    %squeeze3A_937 = vector.shape_cast %slice3A_936 : vector<1x512xf32> to vector<512xf32>
    %swap3A_938 = arith.constant 19 : index
    %swap3A_939 = arith.constant 0 : index
    %swap3A_940 = vector.load %arg6[%swap3A_938, %swap3A_939] : memref<32x512xf32, #tpu.memory_space<vmem>>, vector<1x512xf32>
    %swap3A_941 = vector.shape_cast %swap3A_940 : vector<1x512xf32> to vector<512xf32>
    %swap3A_942 = vector.shape_cast %squeeze3A_937 : vector<512xf32> to vector<1x512xf32>
    tpu.vector_store %arg6[%swap3A_938, %swap3A_939], %swap3A_942 {strides = array<i32>} : memref<32x512xf32, #tpu.memory_space<vmem>>, vector<1x512xf32>,
    %slice3A_943 = vector.extract_strided_slice %add3A_935 {offsets = [1, 0], sizes = [1, 512], strides = [1, 1]} : vector<4x512xf32> to vector<1x512xf32>
    %squeeze3A_944 = vector.shape_cast %slice3A_943 : vector<1x512xf32> to vector<512xf32>
    %swap3A_945 = arith.constant 19 : index
    %swap3A_946 = arith.constant 0 : index
    %swap3A_947 = vector.load %arg7[%swap3A_945, %swap3A_946] : memref<32x512xf32, #tpu.memory_space<vmem>>, vector<1x512xf32>
    %swap3A_948 = vector.shape_cast %swap3A_947 : vector<1x512xf32> to vector<512xf32>
    %swap3A_949 = vector.shape_cast %squeeze3A_944 : vector<512xf32> to vector<1x512xf32>
    tpu.vector_store %arg7[%swap3A_945, %swap3A_946], %swap3A_949 {strides = array<i32>} : memref<32x512xf32, #tpu.memory_space<vmem>>, vector<1x512xf32>,
    %slice3A_950 = vector.extract_strided_slice %add3A_935 {offsets = [2, 0], sizes = [1, 512], strides = [1, 1]} : vector<4x512xf32> to vector<1x512xf32>
    %squeeze3A_951 = vector.shape_cast %slice3A_950 : vector<1x512xf32> to vector<512xf32>
    %swap3A_952 = arith.constant 19 : index
    %swap3A_953 = arith.constant 0 : index
    %swap3A_954 = vector.load %arg8[%swap3A_952, %swap3A_953] : memref<32x512xf32, #tpu.memory_space<vmem>>, vector<1x512xf32>
    %swap3A_955 = vector.shape_cast %swap3A_954 : vector<1x512xf32> to vector<512xf32>
    %swap3A_956 = vector.shape_cast %squeeze3A_951 : vector<512xf32> to vector<1x512xf32>
    tpu.vector_store %arg8[%swap3A_952, %swap3A_953], %swap3A_956 {strides = array<i32>} : memref<32x512xf32, #tpu.memory_space<vmem>>, vector<1x512xf32>,
    %slice3A_957 = vector.extract_strided_slice %add3A_935 {offsets = [3, 0], sizes = [1, 512], strides = [1, 1]} : vector<4x512xf32> to vector<1x512xf32>
    %squeeze3A_958 = vector.shape_cast %slice3A_957 : vector<1x512xf32> to vector<512xf32>
    %swap3A_959 = arith.constant 19 : index
    %swap3A_960 = arith.constant 0 : index
    %swap3A_961 = vector.load %arg9[%swap3A_959, %swap3A_960] : memref<32x512xf32, #tpu.memory_space<vmem>>, vector<1x512xf32>
    %swap3A_962 = vector.shape_cast %swap3A_961 : vector<1x512xf32> to vector<512xf32>
    %swap3A_963 = vector.shape_cast %squeeze3A_958 : vector<512xf32> to vector<1x512xf32>
    tpu.vector_store %arg9[%swap3A_959, %swap3A_960], %swap3A_963 {strides = array<i32>} : memref<32x512xf32, #tpu.memory_space<vmem>>, vector<1x512xf32>,
    %get3A_964 = arith.constant 20 : index
    %get3A_965 = arith.constant 0 : index
    %get3A_966 = arith.constant 0 : index
    %get3A_967 = vector.load %arg1[%get3A_964, %get3A_965, %get3A_966] : memref<32x64x512xf32, #tpu.memory_space<vmem>>, vector<1x64x512xf32>
    %get3A_968 = vector.shape_cast %get3A_967 : vector<1x64x512xf32> to vector<64x512xf32>
    %dot_general3A_969 = arith.constant dense<0.000000e+00> : vector<64x512xf32>
    %dot_general3A_970 = tpu.matmul %get3A_1, %get3A_968, %dot_general3A_969 {dimension_numbers = #tpu.dot_dimension_numbers<[1], [0], [0], [1], [0, 0, 1, 1], [], []>, transpose_lhs_hint = false} : vector<64x64xf32>, vector<64x512xf32>, vector<64x512xf32> -> vector<64x512xf32>
    %add3A_971 = vector.broadcast %get3A_7 : vector<64x1xf32> to vector<64x512xf32>
    %add3A_972 = arith.addf %dot_general3A_970, %add3A_971 : vector<64x512xf32>
    %logistic3A_973 = arith.negf %add3A_972 : vector<64x512xf32>
    %logistic3A_974 = math.exp %logistic3A_973 : vector<64x512xf32>
    %logistic3A_975 = arith.constant 1.000000e+00 : f32
    %logistic3A_976 = vector.broadcast %logistic3A_975 : f32 to vector<64x512xf32>
    %logistic3A_977 = arith.addf %logistic3A_976, %logistic3A_974 : vector<64x512xf32>
    %logistic3A_978 = arith.divf %logistic3A_976, %logistic3A_977 : vector<64x512xf32>
    %mul3A_979 = arith.mulf %add3A_972, %logistic3A_978 : vector<64x512xf32>
    %dot_general3A_980 = arith.constant dense<0.000000e+00> : vector<4x512xf32>
    %dot_general3A_981 = tpu.matmul %get3A_4, %mul3A_979, %dot_general3A_980 {dimension_numbers = #tpu.dot_dimension_numbers<[1], [0], [0], [1], [0, 0, 1, 1], [], []>, transpose_lhs_hint = false} : vector<4x64xf32>, vector<64x512xf32>, vector<4x512xf32> -> vector<4x512xf32>
    %add3A_982 = vector.broadcast %get3A_10 : vector<4x1xf32> to vector<4x512xf32>
    %add3A_983 = arith.addf %dot_general3A_981, %add3A_982 : vector<4x512xf32>
    %slice3A_984 = vector.extract_strided_slice %add3A_983 {offsets = [0, 0], sizes = [1, 512], strides = [1, 1]} : vector<4x512xf32> to vector<1x512xf32>
    %squeeze3A_985 = vector.shape_cast %slice3A_984 : vector<1x512xf32> to vector<512xf32>
    %swap3A_986 = arith.constant 20 : index
    %swap3A_987 = arith.constant 0 : index
    %swap3A_988 = vector.load %arg6[%swap3A_986, %swap3A_987] : memref<32x512xf32, #tpu.memory_space<vmem>>, vector<1x512xf32>
    %swap3A_989 = vector.shape_cast %swap3A_988 : vector<1x512xf32> to vector<512xf32>
    %swap3A_990 = vector.shape_cast %squeeze3A_985 : vector<512xf32> to vector<1x512xf32>
    tpu.vector_store %arg6[%swap3A_986, %swap3A_987], %swap3A_990 {strides = array<i32>} : memref<32x512xf32, #tpu.memory_space<vmem>>, vector<1x512xf32>,
    %slice3A_991 = vector.extract_strided_slice %add3A_983 {offsets = [1, 0], sizes = [1, 512], strides = [1, 1]} : vector<4x512xf32> to vector<1x512xf32>
    %squeeze3A_992 = vector.shape_cast %slice3A_991 : vector<1x512xf32> to vector<512xf32>
    %swap3A_993 = arith.constant 20 : index
    %swap3A_994 = arith.constant 0 : index
    %swap3A_995 = vector.load %arg7[%swap3A_993, %swap3A_994] : memref<32x512xf32, #tpu.memory_space<vmem>>, vector<1x512xf32>
    %swap3A_996 = vector.shape_cast %swap3A_995 : vector<1x512xf32> to vector<512xf32>
    %swap3A_997 = vector.shape_cast %squeeze3A_992 : vector<512xf32> to vector<1x512xf32>
    tpu.vector_store %arg7[%swap3A_993, %swap3A_994], %swap3A_997 {strides = array<i32>} : memref<32x512xf32, #tpu.memory_space<vmem>>, vector<1x512xf32>,
    %slice3A_998 = vector.extract_strided_slice %add3A_983 {offsets = [2, 0], sizes = [1, 512], strides = [1, 1]} : vector<4x512xf32> to vector<1x512xf32>
    %squeeze3A_999 = vector.shape_cast %slice3A_998 : vector<1x512xf32> to vector<512xf32>
    %swap3A_1000 = arith.constant 20 : index
    %swap3A_1001 = arith.constant 0 : index
    %swap3A_1002 = vector.load %arg8[%swap3A_1000, %swap3A_1001] : memref<32x512xf32, #tpu.memory_space<vmem>>, vector<1x512xf32>
    %swap3A_1003 = vector.shape_cast %swap3A_1002 : vector<1x512xf32> to vector<512xf32>
    %swap3A_1004 = vector.shape_cast %squeeze3A_999 : vector<512xf32> to vector<1x512xf32>
    tpu.vector_store %arg8[%swap3A_1000, %swap3A_1001], %swap3A_1004 {strides = array<i32>} : memref<32x512xf32, #tpu.memory_space<vmem>>, vector<1x512xf32>,
    %slice3A_1005 = vector.extract_strided_slice %add3A_983 {offsets = [3, 0], sizes = [1, 512], strides = [1, 1]} : vector<4x512xf32> to vector<1x512xf32>
    %squeeze3A_1006 = vector.shape_cast %slice3A_1005 : vector<1x512xf32> to vector<512xf32>
    %swap3A_1007 = arith.constant 20 : index
    %swap3A_1008 = arith.constant 0 : index
    %swap3A_1009 = vector.load %arg9[%swap3A_1007, %swap3A_1008] : memref<32x512xf32, #tpu.memory_space<vmem>>, vector<1x512xf32>
    %swap3A_1010 = vector.shape_cast %swap3A_1009 : vector<1x512xf32> to vector<512xf32>
    %swap3A_1011 = vector.shape_cast %squeeze3A_1006 : vector<512xf32> to vector<1x512xf32>
    tpu.vector_store %arg9[%swap3A_1007, %swap3A_1008], %swap3A_1011 {strides = array<i32>} : memref<32x512xf32, #tpu.memory_space<vmem>>, vector<1x512xf32>,
    %get3A_1012 = arith.constant 21 : index
    %get3A_1013 = arith.constant 0 : index
    %get3A_1014 = arith.constant 0 : index
    %get3A_1015 = vector.load %arg1[%get3A_1012, %get3A_1013, %get3A_1014] : memref<32x64x512xf32, #tpu.memory_space<vmem>>, vector<1x64x512xf32>
    %get3A_1016 = vector.shape_cast %get3A_1015 : vector<1x64x512xf32> to vector<64x512xf32>
    %dot_general3A_1017 = arith.constant dense<0.000000e+00> : vector<64x512xf32>
    %dot_general3A_1018 = tpu.matmul %get3A_1, %get3A_1016, %dot_general3A_1017 {dimension_numbers = #tpu.dot_dimension_numbers<[1], [0], [0], [1], [0, 0, 1, 1], [], []>, transpose_lhs_hint = false} : vector<64x64xf32>, vector<64x512xf32>, vector<64x512xf32> -> vector<64x512xf32>
    %add3A_1019 = vector.broadcast %get3A_7 : vector<64x1xf32> to vector<64x512xf32>
    %add3A_1020 = arith.addf %dot_general3A_1018, %add3A_1019 : vector<64x512xf32>
    %logistic3A_1021 = arith.negf %add3A_1020 : vector<64x512xf32>
    %logistic3A_1022 = math.exp %logistic3A_1021 : vector<64x512xf32>
    %logistic3A_1023 = arith.constant 1.000000e+00 : f32
    %logistic3A_1024 = vector.broadcast %logistic3A_1023 : f32 to vector<64x512xf32>
    %logistic3A_1025 = arith.addf %logistic3A_1024, %logistic3A_1022 : vector<64x512xf32>
    %logistic3A_1026 = arith.divf %logistic3A_1024, %logistic3A_1025 : vector<64x512xf32>
    %mul3A_1027 = arith.mulf %add3A_1020, %logistic3A_1026 : vector<64x512xf32>
    %dot_general3A_1028 = arith.constant dense<0.000000e+00> : vector<4x512xf32>
    %dot_general3A_1029 = tpu.matmul %get3A_4, %mul3A_1027, %dot_general3A_1028 {dimension_numbers = #tpu.dot_dimension_numbers<[1], [0], [0], [1], [0, 0, 1, 1], [], []>, transpose_lhs_hint = false} : vector<4x64xf32>, vector<64x512xf32>, vector<4x512xf32> -> vector<4x512xf32>
    %add3A_1030 = vector.broadcast %get3A_10 : vector<4x1xf32> to vector<4x512xf32>
    %add3A_1031 = arith.addf %dot_general3A_1029, %add3A_1030 : vector<4x512xf32>
    %slice3A_1032 = vector.extract_strided_slice %add3A_1031 {offsets = [0, 0], sizes = [1, 512], strides = [1, 1]} : vector<4x512xf32> to vector<1x512xf32>
    %squeeze3A_1033 = vector.shape_cast %slice3A_1032 : vector<1x512xf32> to vector<512xf32>
    %swap3A_1034 = arith.constant 21 : index
    %swap3A_1035 = arith.constant 0 : index
    %swap3A_1036 = vector.load %arg6[%swap3A_1034, %swap3A_1035] : memref<32x512xf32, #tpu.memory_space<vmem>>, vector<1x512xf32>
    %swap3A_1037 = vector.shape_cast %swap3A_1036 : vector<1x512xf32> to vector<512xf32>
    %swap3A_1038 = vector.shape_cast %squeeze3A_1033 : vector<512xf32> to vector<1x512xf32>
    tpu.vector_store %arg6[%swap3A_1034, %swap3A_1035], %swap3A_1038 {strides = array<i32>} : memref<32x512xf32, #tpu.memory_space<vmem>>, vector<1x512xf32>,
    %slice3A_1039 = vector.extract_strided_slice %add3A_1031 {offsets = [1, 0], sizes = [1, 512], strides = [1, 1]} : vector<4x512xf32> to vector<1x512xf32>
    %squeeze3A_1040 = vector.shape_cast %slice3A_1039 : vector<1x512xf32> to vector<512xf32>
    %swap3A_1041 = arith.constant 21 : index
    %swap3A_1042 = arith.constant 0 : index
    %swap3A_1043 = vector.load %arg7[%swap3A_1041, %swap3A_1042] : memref<32x512xf32, #tpu.memory_space<vmem>>, vector<1x512xf32>
    %swap3A_1044 = vector.shape_cast %swap3A_1043 : vector<1x512xf32> to vector<512xf32>
    %swap3A_1045 = vector.shape_cast %squeeze3A_1040 : vector<512xf32> to vector<1x512xf32>
    tpu.vector_store %arg7[%swap3A_1041, %swap3A_1042], %swap3A_1045 {strides = array<i32>} : memref<32x512xf32, #tpu.memory_space<vmem>>, vector<1x512xf32>,
    %slice3A_1046 = vector.extract_strided_slice %add3A_1031 {offsets = [2, 0], sizes = [1, 512], strides = [1, 1]} : vector<4x512xf32> to vector<1x512xf32>
    %squeeze3A_1047 = vector.shape_cast %slice3A_1046 : vector<1x512xf32> to vector<512xf32>
    %swap3A_1048 = arith.constant 21 : index
    %swap3A_1049 = arith.constant 0 : index
    %swap3A_1050 = vector.load %arg8[%swap3A_1048, %swap3A_1049] : memref<32x512xf32, #tpu.memory_space<vmem>>, vector<1x512xf32>
    %swap3A_1051 = vector.shape_cast %swap3A_1050 : vector<1x512xf32> to vector<512xf32>
    %swap3A_1052 = vector.shape_cast %squeeze3A_1047 : vector<512xf32> to vector<1x512xf32>
    tpu.vector_store %arg8[%swap3A_1048, %swap3A_1049], %swap3A_1052 {strides = array<i32>} : memref<32x512xf32, #tpu.memory_space<vmem>>, vector<1x512xf32>,
    %slice3A_1053 = vector.extract_strided_slice %add3A_1031 {offsets = [3, 0], sizes = [1, 512], strides = [1, 1]} : vector<4x512xf32> to vector<1x512xf32>
    %squeeze3A_1054 = vector.shape_cast %slice3A_1053 : vector<1x512xf32> to vector<512xf32>
    %swap3A_1055 = arith.constant 21 : index
    %swap3A_1056 = arith.constant 0 : index
    %swap3A_1057 = vector.load %arg9[%swap3A_1055, %swap3A_1056] : memref<32x512xf32, #tpu.memory_space<vmem>>, vector<1x512xf32>
    %swap3A_1058 = vector.shape_cast %swap3A_1057 : vector<1x512xf32> to vector<512xf32>
    %swap3A_1059 = vector.shape_cast %squeeze3A_1054 : vector<512xf32> to vector<1x512xf32>
    tpu.vector_store %arg9[%swap3A_1055, %swap3A_1056], %swap3A_1059 {strides = array<i32>} : memref<32x512xf32, #tpu.memory_space<vmem>>, vector<1x512xf32>,
    %get3A_1060 = arith.constant 22 : index
    %get3A_1061 = arith.constant 0 : index
    %get3A_1062 = arith.constant 0 : index
    %get3A_1063 = vector.load %arg1[%get3A_1060, %get3A_1061, %get3A_1062] : memref<32x64x512xf32, #tpu.memory_space<vmem>>, vector<1x64x512xf32>
    %get3A_1064 = vector.shape_cast %get3A_1063 : vector<1x64x512xf32> to vector<64x512xf32>
    %dot_general3A_1065 = arith.constant dense<0.000000e+00> : vector<64x512xf32>
    %dot_general3A_1066 = tpu.matmul %get3A_1, %get3A_1064, %dot_general3A_1065 {dimension_numbers = #tpu.dot_dimension_numbers<[1], [0], [0], [1], [0, 0, 1, 1], [], []>, transpose_lhs_hint = false} : vector<64x64xf32>, vector<64x512xf32>, vector<64x512xf32> -> vector<64x512xf32>
    %add3A_1067 = vector.broadcast %get3A_7 : vector<64x1xf32> to vector<64x512xf32>
    %add3A_1068 = arith.addf %dot_general3A_1066, %add3A_1067 : vector<64x512xf32>
    %logistic3A_1069 = arith.negf %add3A_1068 : vector<64x512xf32>
    %logistic3A_1070 = math.exp %logistic3A_1069 : vector<64x512xf32>
    %logistic3A_1071 = arith.constant 1.000000e+00 : f32
    %logistic3A_1072 = vector.broadcast %logistic3A_1071 : f32 to vector<64x512xf32>
    %logistic3A_1073 = arith.addf %logistic3A_1072, %logistic3A_1070 : vector<64x512xf32>
    %logistic3A_1074 = arith.divf %logistic3A_1072, %logistic3A_1073 : vector<64x512xf32>
    %mul3A_1075 = arith.mulf %add3A_1068, %logistic3A_1074 : vector<64x512xf32>
    %dot_general3A_1076 = arith.constant dense<0.000000e+00> : vector<4x512xf32>
    %dot_general3A_1077 = tpu.matmul %get3A_4, %mul3A_1075, %dot_general3A_1076 {dimension_numbers = #tpu.dot_dimension_numbers<[1], [0], [0], [1], [0, 0, 1, 1], [], []>, transpose_lhs_hint = false} : vector<4x64xf32>, vector<64x512xf32>, vector<4x512xf32> -> vector<4x512xf32>
    %add3A_1078 = vector.broadcast %get3A_10 : vector<4x1xf32> to vector<4x512xf32>
    %add3A_1079 = arith.addf %dot_general3A_1077, %add3A_1078 : vector<4x512xf32>
    %slice3A_1080 = vector.extract_strided_slice %add3A_1079 {offsets = [0, 0], sizes = [1, 512], strides = [1, 1]} : vector<4x512xf32> to vector<1x512xf32>
    %squeeze3A_1081 = vector.shape_cast %slice3A_1080 : vector<1x512xf32> to vector<512xf32>
    %swap3A_1082 = arith.constant 22 : index
    %swap3A_1083 = arith.constant 0 : index
    %swap3A_1084 = vector.load %arg6[%swap3A_1082, %swap3A_1083] : memref<32x512xf32, #tpu.memory_space<vmem>>, vector<1x512xf32>
    %swap3A_1085 = vector.shape_cast %swap3A_1084 : vector<1x512xf32> to vector<512xf32>
    %swap3A_1086 = vector.shape_cast %squeeze3A_1081 : vector<512xf32> to vector<1x512xf32>
    tpu.vector_store %arg6[%swap3A_1082, %swap3A_1083], %swap3A_1086 {strides = array<i32>} : memref<32x512xf32, #tpu.memory_space<vmem>>, vector<1x512xf32>,
    %slice3A_1087 = vector.extract_strided_slice %add3A_1079 {offsets = [1, 0], sizes = [1, 512], strides = [1, 1]} : vector<4x512xf32> to vector<1x512xf32>
    %squeeze3A_1088 = vector.shape_cast %slice3A_1087 : vector<1x512xf32> to vector<512xf32>
    %swap3A_1089 = arith.constant 22 : index
    %swap3A_1090 = arith.constant 0 : index
    %swap3A_1091 = vector.load %arg7[%swap3A_1089, %swap3A_1090] : memref<32x512xf32, #tpu.memory_space<vmem>>, vector<1x512xf32>
    %swap3A_1092 = vector.shape_cast %swap3A_1091 : vector<1x512xf32> to vector<512xf32>
    %swap3A_1093 = vector.shape_cast %squeeze3A_1088 : vector<512xf32> to vector<1x512xf32>
    tpu.vector_store %arg7[%swap3A_1089, %swap3A_1090], %swap3A_1093 {strides = array<i32>} : memref<32x512xf32, #tpu.memory_space<vmem>>, vector<1x512xf32>,
    %slice3A_1094 = vector.extract_strided_slice %add3A_1079 {offsets = [2, 0], sizes = [1, 512], strides = [1, 1]} : vector<4x512xf32> to vector<1x512xf32>
    %squeeze3A_1095 = vector.shape_cast %slice3A_1094 : vector<1x512xf32> to vector<512xf32>
    %swap3A_1096 = arith.constant 22 : index
    %swap3A_1097 = arith.constant 0 : index
    %swap3A_1098 = vector.load %arg8[%swap3A_1096, %swap3A_1097] : memref<32x512xf32, #tpu.memory_space<vmem>>, vector<1x512xf32>
    %swap3A_1099 = vector.shape_cast %swap3A_1098 : vector<1x512xf32> to vector<512xf32>
    %swap3A_1100 = vector.shape_cast %squeeze3A_1095 : vector<512xf32> to vector<1x512xf32>
    tpu.vector_store %arg8[%swap3A_1096, %swap3A_1097], %swap3A_1100 {strides = array<i32>} : memref<32x512xf32, #tpu.memory_space<vmem>>, vector<1x512xf32>,
    %slice3A_1101 = vector.extract_strided_slice %add3A_1079 {offsets = [3, 0], sizes = [1, 512], strides = [1, 1]} : vector<4x512xf32> to vector<1x512xf32>
    %squeeze3A_1102 = vector.shape_cast %slice3A_1101 : vector<1x512xf32> to vector<512xf32>
    %swap3A_1103 = arith.constant 22 : index
    %swap3A_1104 = arith.constant 0 : index
    %swap3A_1105 = vector.load %arg9[%swap3A_1103, %swap3A_1104] : memref<32x512xf32, #tpu.memory_space<vmem>>, vector<1x512xf32>
    %swap3A_1106 = vector.shape_cast %swap3A_1105 : vector<1x512xf32> to vector<512xf32>
    %swap3A_1107 = vector.shape_cast %squeeze3A_1102 : vector<512xf32> to vector<1x512xf32>
    tpu.vector_store %arg9[%swap3A_1103, %swap3A_1104], %swap3A_1107 {strides = array<i32>} : memref<32x512xf32, #tpu.memory_space<vmem>>, vector<1x512xf32>,
    %get3A_1108 = arith.constant 23 : index
    %get3A_1109 = arith.constant 0 : index
    %get3A_1110 = arith.constant 0 : index
    %get3A_1111 = vector.load %arg1[%get3A_1108, %get3A_1109, %get3A_1110] : memref<32x64x512xf32, #tpu.memory_space<vmem>>, vector<1x64x512xf32>
    %get3A_1112 = vector.shape_cast %get3A_1111 : vector<1x64x512xf32> to vector<64x512xf32>
    %dot_general3A_1113 = arith.constant dense<0.000000e+00> : vector<64x512xf32>
    %dot_general3A_1114 = tpu.matmul %get3A_1, %get3A_1112, %dot_general3A_1113 {dimension_numbers = #tpu.dot_dimension_numbers<[1], [0], [0], [1], [0, 0, 1, 1], [], []>, transpose_lhs_hint = false} : vector<64x64xf32>, vector<64x512xf32>, vector<64x512xf32> -> vector<64x512xf32>
    %add3A_1115 = vector.broadcast %get3A_7 : vector<64x1xf32> to vector<64x512xf32>
    %add3A_1116 = arith.addf %dot_general3A_1114, %add3A_1115 : vector<64x512xf32>
    %logistic3A_1117 = arith.negf %add3A_1116 : vector<64x512xf32>
    %logistic3A_1118 = math.exp %logistic3A_1117 : vector<64x512xf32>
    %logistic3A_1119 = arith.constant 1.000000e+00 : f32
    %logistic3A_1120 = vector.broadcast %logistic3A_1119 : f32 to vector<64x512xf32>
    %logistic3A_1121 = arith.addf %logistic3A_1120, %logistic3A_1118 : vector<64x512xf32>
    %logistic3A_1122 = arith.divf %logistic3A_1120, %logistic3A_1121 : vector<64x512xf32>
    %mul3A_1123 = arith.mulf %add3A_1116, %logistic3A_1122 : vector<64x512xf32>
    %dot_general3A_1124 = arith.constant dense<0.000000e+00> : vector<4x512xf32>
    %dot_general3A_1125 = tpu.matmul %get3A_4, %mul3A_1123, %dot_general3A_1124 {dimension_numbers = #tpu.dot_dimension_numbers<[1], [0], [0], [1], [0, 0, 1, 1], [], []>, transpose_lhs_hint = false} : vector<4x64xf32>, vector<64x512xf32>, vector<4x512xf32> -> vector<4x512xf32>
    %add3A_1126 = vector.broadcast %get3A_10 : vector<4x1xf32> to vector<4x512xf32>
    %add3A_1127 = arith.addf %dot_general3A_1125, %add3A_1126 : vector<4x512xf32>
    %slice3A_1128 = vector.extract_strided_slice %add3A_1127 {offsets = [0, 0], sizes = [1, 512], strides = [1, 1]} : vector<4x512xf32> to vector<1x512xf32>
    %squeeze3A_1129 = vector.shape_cast %slice3A_1128 : vector<1x512xf32> to vector<512xf32>
    %swap3A_1130 = arith.constant 23 : index
    %swap3A_1131 = arith.constant 0 : index
    %swap3A_1132 = vector.load %arg6[%swap3A_1130, %swap3A_1131] : memref<32x512xf32, #tpu.memory_space<vmem>>, vector<1x512xf32>
    %swap3A_1133 = vector.shape_cast %swap3A_1132 : vector<1x512xf32> to vector<512xf32>
    %swap3A_1134 = vector.shape_cast %squeeze3A_1129 : vector<512xf32> to vector<1x512xf32>
    tpu.vector_store %arg6[%swap3A_1130, %swap3A_1131], %swap3A_1134 {strides = array<i32>} : memref<32x512xf32, #tpu.memory_space<vmem>>, vector<1x512xf32>,
    %slice3A_1135 = vector.extract_strided_slice %add3A_1127 {offsets = [1, 0], sizes = [1, 512], strides = [1, 1]} : vector<4x512xf32> to vector<1x512xf32>
    %squeeze3A_1136 = vector.shape_cast %slice3A_1135 : vector<1x512xf32> to vector<512xf32>
    %swap3A_1137 = arith.constant 23 : index
    %swap3A_1138 = arith.constant 0 : index
    %swap3A_1139 = vector.load %arg7[%swap3A_1137, %swap3A_1138] : memref<32x512xf32, #tpu.memory_space<vmem>>, vector<1x512xf32>
    %swap3A_1140 = vector.shape_cast %swap3A_1139 : vector<1x512xf32> to vector<512xf32>
    %swap3A_1141 = vector.shape_cast %squeeze3A_1136 : vector<512xf32> to vector<1x512xf32>
    tpu.vector_store %arg7[%swap3A_1137, %swap3A_1138], %swap3A_1141 {strides = array<i32>} : memref<32x512xf32, #tpu.memory_space<vmem>>, vector<1x512xf32>,
    %slice3A_1142 = vector.extract_strided_slice %add3A_1127 {offsets = [2, 0], sizes = [1, 512], strides = [1, 1]} : vector<4x512xf32> to vector<1x512xf32>
    %squeeze3A_1143 = vector.shape_cast %slice3A_1142 : vector<1x512xf32> to vector<512xf32>
    %swap3A_1144 = arith.constant 23 : index
    %swap3A_1145 = arith.constant 0 : index
    %swap3A_1146 = vector.load %arg8[%swap3A_1144, %swap3A_1145] : memref<32x512xf32, #tpu.memory_space<vmem>>, vector<1x512xf32>
    %swap3A_1147 = vector.shape_cast %swap3A_1146 : vector<1x512xf32> to vector<512xf32>
    %swap3A_1148 = vector.shape_cast %squeeze3A_1143 : vector<512xf32> to vector<1x512xf32>
    tpu.vector_store %arg8[%swap3A_1144, %swap3A_1145], %swap3A_1148 {strides = array<i32>} : memref<32x512xf32, #tpu.memory_space<vmem>>, vector<1x512xf32>,
    %slice3A_1149 = vector.extract_strided_slice %add3A_1127 {offsets = [3, 0], sizes = [1, 512], strides = [1, 1]} : vector<4x512xf32> to vector<1x512xf32>
    %squeeze3A_1150 = vector.shape_cast %slice3A_1149 : vector<1x512xf32> to vector<512xf32>
    %swap3A_1151 = arith.constant 23 : index
    %swap3A_1152 = arith.constant 0 : index
    %swap3A_1153 = vector.load %arg9[%swap3A_1151, %swap3A_1152] : memref<32x512xf32, #tpu.memory_space<vmem>>, vector<1x512xf32>
    %swap3A_1154 = vector.shape_cast %swap3A_1153 : vector<1x512xf32> to vector<512xf32>
    %swap3A_1155 = vector.shape_cast %squeeze3A_1150 : vector<512xf32> to vector<1x512xf32>
    tpu.vector_store %arg9[%swap3A_1151, %swap3A_1152], %swap3A_1155 {strides = array<i32>} : memref<32x512xf32, #tpu.memory_space<vmem>>, vector<1x512xf32>,
    %get3A_1156 = arith.constant 24 : index
    %get3A_1157 = arith.constant 0 : index
    %get3A_1158 = arith.constant 0 : index
    %get3A_1159 = vector.load %arg1[%get3A_1156, %get3A_1157, %get3A_1158] : memref<32x64x512xf32, #tpu.memory_space<vmem>>, vector<1x64x512xf32>
    %get3A_1160 = vector.shape_cast %get3A_1159 : vector<1x64x512xf32> to vector<64x512xf32>
    %dot_general3A_1161 = arith.constant dense<0.000000e+00> : vector<64x512xf32>
    %dot_general3A_1162 = tpu.matmul %get3A_1, %get3A_1160, %dot_general3A_1161 {dimension_numbers = #tpu.dot_dimension_numbers<[1], [0], [0], [1], [0, 0, 1, 1], [], []>, transpose_lhs_hint = false} : vector<64x64xf32>, vector<64x512xf32>, vector<64x512xf32> -> vector<64x512xf32>
    %add3A_1163 = vector.broadcast %get3A_7 : vector<64x1xf32> to vector<64x512xf32>
    %add3A_1164 = arith.addf %dot_general3A_1162, %add3A_1163 : vector<64x512xf32>
    %logistic3A_1165 = arith.negf %add3A_1164 : vector<64x512xf32>
    %logistic3A_1166 = math.exp %logistic3A_1165 : vector<64x512xf32>
    %logistic3A_1167 = arith.constant 1.000000e+00 : f32
    %logistic3A_1168 = vector.broadcast %logistic3A_1167 : f32 to vector<64x512xf32>
    %logistic3A_1169 = arith.addf %logistic3A_1168, %logistic3A_1166 : vector<64x512xf32>
    %logistic3A_1170 = arith.divf %logistic3A_1168, %logistic3A_1169 : vector<64x512xf32>
    %mul3A_1171 = arith.mulf %add3A_1164, %logistic3A_1170 : vector<64x512xf32>
    %dot_general3A_1172 = arith.constant dense<0.000000e+00> : vector<4x512xf32>
    %dot_general3A_1173 = tpu.matmul %get3A_4, %mul3A_1171, %dot_general3A_1172 {dimension_numbers = #tpu.dot_dimension_numbers<[1], [0], [0], [1], [0, 0, 1, 1], [], []>, transpose_lhs_hint = false} : vector<4x64xf32>, vector<64x512xf32>, vector<4x512xf32> -> vector<4x512xf32>
    %add3A_1174 = vector.broadcast %get3A_10 : vector<4x1xf32> to vector<4x512xf32>
    %add3A_1175 = arith.addf %dot_general3A_1173, %add3A_1174 : vector<4x512xf32>
    %slice3A_1176 = vector.extract_strided_slice %add3A_1175 {offsets = [0, 0], sizes = [1, 512], strides = [1, 1]} : vector<4x512xf32> to vector<1x512xf32>
    %squeeze3A_1177 = vector.shape_cast %slice3A_1176 : vector<1x512xf32> to vector<512xf32>
    %swap3A_1178 = arith.constant 24 : index
    %swap3A_1179 = arith.constant 0 : index
    %swap3A_1180 = vector.load %arg6[%swap3A_1178, %swap3A_1179] : memref<32x512xf32, #tpu.memory_space<vmem>>, vector<1x512xf32>
    %swap3A_1181 = vector.shape_cast %swap3A_1180 : vector<1x512xf32> to vector<512xf32>
    %swap3A_1182 = vector.shape_cast %squeeze3A_1177 : vector<512xf32> to vector<1x512xf32>
    tpu.vector_store %arg6[%swap3A_1178, %swap3A_1179], %swap3A_1182 {strides = array<i32>} : memref<32x512xf32, #tpu.memory_space<vmem>>, vector<1x512xf32>,
    %slice3A_1183 = vector.extract_strided_slice %add3A_1175 {offsets = [1, 0], sizes = [1, 512], strides = [1, 1]} : vector<4x512xf32> to vector<1x512xf32>
    %squeeze3A_1184 = vector.shape_cast %slice3A_1183 : vector<1x512xf32> to vector<512xf32>
    %swap3A_1185 = arith.constant 24 : index
    %swap3A_1186 = arith.constant 0 : index
    %swap3A_1187 = vector.load %arg7[%swap3A_1185, %swap3A_1186] : memref<32x512xf32, #tpu.memory_space<vmem>>, vector<1x512xf32>
    %swap3A_1188 = vector.shape_cast %swap3A_1187 : vector<1x512xf32> to vector<512xf32>
    %swap3A_1189 = vector.shape_cast %squeeze3A_1184 : vector<512xf32> to vector<1x512xf32>
    tpu.vector_store %arg7[%swap3A_1185, %swap3A_1186], %swap3A_1189 {strides = array<i32>} : memref<32x512xf32, #tpu.memory_space<vmem>>, vector<1x512xf32>,
    %slice3A_1190 = vector.extract_strided_slice %add3A_1175 {offsets = [2, 0], sizes = [1, 512], strides = [1, 1]} : vector<4x512xf32> to vector<1x512xf32>
    %squeeze3A_1191 = vector.shape_cast %slice3A_1190 : vector<1x512xf32> to vector<512xf32>
    %swap3A_1192 = arith.constant 24 : index
    %swap3A_1193 = arith.constant 0 : index
    %swap3A_1194 = vector.load %arg8[%swap3A_1192, %swap3A_1193] : memref<32x512xf32, #tpu.memory_space<vmem>>, vector<1x512xf32>
    %swap3A_1195 = vector.shape_cast %swap3A_1194 : vector<1x512xf32> to vector<512xf32>
    %swap3A_1196 = vector.shape_cast %squeeze3A_1191 : vector<512xf32> to vector<1x512xf32>
    tpu.vector_store %arg8[%swap3A_1192, %swap3A_1193], %swap3A_1196 {strides = array<i32>} : memref<32x512xf32, #tpu.memory_space<vmem>>, vector<1x512xf32>,
    %slice3A_1197 = vector.extract_strided_slice %add3A_1175 {offsets = [3, 0], sizes = [1, 512], strides = [1, 1]} : vector<4x512xf32> to vector<1x512xf32>
    %squeeze3A_1198 = vector.shape_cast %slice3A_1197 : vector<1x512xf32> to vector<512xf32>
    %swap3A_1199 = arith.constant 24 : index
    %swap3A_1200 = arith.constant 0 : index
    %swap3A_1201 = vector.load %arg9[%swap3A_1199, %swap3A_1200] : memref<32x512xf32, #tpu.memory_space<vmem>>, vector<1x512xf32>
    %swap3A_1202 = vector.shape_cast %swap3A_1201 : vector<1x512xf32> to vector<512xf32>
    %swap3A_1203 = vector.shape_cast %squeeze3A_1198 : vector<512xf32> to vector<1x512xf32>
    tpu.vector_store %arg9[%swap3A_1199, %swap3A_1200], %swap3A_1203 {strides = array<i32>} : memref<32x512xf32, #tpu.memory_space<vmem>>, vector<1x512xf32>,
    %get3A_1204 = arith.constant 25 : index
    %get3A_1205 = arith.constant 0 : index
    %get3A_1206 = arith.constant 0 : index
    %get3A_1207 = vector.load %arg1[%get3A_1204, %get3A_1205, %get3A_1206] : memref<32x64x512xf32, #tpu.memory_space<vmem>>, vector<1x64x512xf32>
    %get3A_1208 = vector.shape_cast %get3A_1207 : vector<1x64x512xf32> to vector<64x512xf32>
    %dot_general3A_1209 = arith.constant dense<0.000000e+00> : vector<64x512xf32>
    %dot_general3A_1210 = tpu.matmul %get3A_1, %get3A_1208, %dot_general3A_1209 {dimension_numbers = #tpu.dot_dimension_numbers<[1], [0], [0], [1], [0, 0, 1, 1], [], []>, transpose_lhs_hint = false} : vector<64x64xf32>, vector<64x512xf32>, vector<64x512xf32> -> vector<64x512xf32>
    %add3A_1211 = vector.broadcast %get3A_7 : vector<64x1xf32> to vector<64x512xf32>
    %add3A_1212 = arith.addf %dot_general3A_1210, %add3A_1211 : vector<64x512xf32>
    %logistic3A_1213 = arith.negf %add3A_1212 : vector<64x512xf32>
    %logistic3A_1214 = math.exp %logistic3A_1213 : vector<64x512xf32>
    %logistic3A_1215 = arith.constant 1.000000e+00 : f32
    %logistic3A_1216 = vector.broadcast %logistic3A_1215 : f32 to vector<64x512xf32>
    %logistic3A_1217 = arith.addf %logistic3A_1216, %logistic3A_1214 : vector<64x512xf32>
    %logistic3A_1218 = arith.divf %logistic3A_1216, %logistic3A_1217 : vector<64x512xf32>
    %mul3A_1219 = arith.mulf %add3A_1212, %logistic3A_1218 : vector<64x512xf32>
    %dot_general3A_1220 = arith.constant dense<0.000000e+00> : vector<4x512xf32>
    %dot_general3A_1221 = tpu.matmul %get3A_4, %mul3A_1219, %dot_general3A_1220 {dimension_numbers = #tpu.dot_dimension_numbers<[1], [0], [0], [1], [0, 0, 1, 1], [], []>, transpose_lhs_hint = false} : vector<4x64xf32>, vector<64x512xf32>, vector<4x512xf32> -> vector<4x512xf32>
    %add3A_1222 = vector.broadcast %get3A_10 : vector<4x1xf32> to vector<4x512xf32>
    %add3A_1223 = arith.addf %dot_general3A_1221, %add3A_1222 : vector<4x512xf32>
    %slice3A_1224 = vector.extract_strided_slice %add3A_1223 {offsets = [0, 0], sizes = [1, 512], strides = [1, 1]} : vector<4x512xf32> to vector<1x512xf32>
    %squeeze3A_1225 = vector.shape_cast %slice3A_1224 : vector<1x512xf32> to vector<512xf32>
    %swap3A_1226 = arith.constant 25 : index
    %swap3A_1227 = arith.constant 0 : index
    %swap3A_1228 = vector.load %arg6[%swap3A_1226, %swap3A_1227] : memref<32x512xf32, #tpu.memory_space<vmem>>, vector<1x512xf32>
    %swap3A_1229 = vector.shape_cast %swap3A_1228 : vector<1x512xf32> to vector<512xf32>
    %swap3A_1230 = vector.shape_cast %squeeze3A_1225 : vector<512xf32> to vector<1x512xf32>
    tpu.vector_store %arg6[%swap3A_1226, %swap3A_1227], %swap3A_1230 {strides = array<i32>} : memref<32x512xf32, #tpu.memory_space<vmem>>, vector<1x512xf32>,
    %slice3A_1231 = vector.extract_strided_slice %add3A_1223 {offsets = [1, 0], sizes = [1, 512], strides = [1, 1]} : vector<4x512xf32> to vector<1x512xf32>
    %squeeze3A_1232 = vector.shape_cast %slice3A_1231 : vector<1x512xf32> to vector<512xf32>
    %swap3A_1233 = arith.constant 25 : index
    %swap3A_1234 = arith.constant 0 : index
    %swap3A_1235 = vector.load %arg7[%swap3A_1233, %swap3A_1234] : memref<32x512xf32, #tpu.memory_space<vmem>>, vector<1x512xf32>
    %swap3A_1236 = vector.shape_cast %swap3A_1235 : vector<1x512xf32> to vector<512xf32>
    %swap3A_1237 = vector.shape_cast %squeeze3A_1232 : vector<512xf32> to vector<1x512xf32>
    tpu.vector_store %arg7[%swap3A_1233, %swap3A_1234], %swap3A_1237 {strides = array<i32>} : memref<32x512xf32, #tpu.memory_space<vmem>>, vector<1x512xf32>,
    %slice3A_1238 = vector.extract_strided_slice %add3A_1223 {offsets = [2, 0], sizes = [1, 512], strides = [1, 1]} : vector<4x512xf32> to vector<1x512xf32>
    %squeeze3A_1239 = vector.shape_cast %slice3A_1238 : vector<1x512xf32> to vector<512xf32>
    %swap3A_1240 = arith.constant 25 : index
    %swap3A_1241 = arith.constant 0 : index
    %swap3A_1242 = vector.load %arg8[%swap3A_1240, %swap3A_1241] : memref<32x512xf32, #tpu.memory_space<vmem>>, vector<1x512xf32>
    %swap3A_1243 = vector.shape_cast %swap3A_1242 : vector<1x512xf32> to vector<512xf32>
    %swap3A_1244 = vector.shape_cast %squeeze3A_1239 : vector<512xf32> to vector<1x512xf32>
    tpu.vector_store %arg8[%swap3A_1240, %swap3A_1241], %swap3A_1244 {strides = array<i32>} : memref<32x512xf32, #tpu.memory_space<vmem>>, vector<1x512xf32>,
    %slice3A_1245 = vector.extract_strided_slice %add3A_1223 {offsets = [3, 0], sizes = [1, 512], strides = [1, 1]} : vector<4x512xf32> to vector<1x512xf32>
    %squeeze3A_1246 = vector.shape_cast %slice3A_1245 : vector<1x512xf32> to vector<512xf32>
    %swap3A_1247 = arith.constant 25 : index
    %swap3A_1248 = arith.constant 0 : index
    %swap3A_1249 = vector.load %arg9[%swap3A_1247, %swap3A_1248] : memref<32x512xf32, #tpu.memory_space<vmem>>, vector<1x512xf32>
    %swap3A_1250 = vector.shape_cast %swap3A_1249 : vector<1x512xf32> to vector<512xf32>
    %swap3A_1251 = vector.shape_cast %squeeze3A_1246 : vector<512xf32> to vector<1x512xf32>
    tpu.vector_store %arg9[%swap3A_1247, %swap3A_1248], %swap3A_1251 {strides = array<i32>} : memref<32x512xf32, #tpu.memory_space<vmem>>, vector<1x512xf32>,
    %get3A_1252 = arith.constant 26 : index
    %get3A_1253 = arith.constant 0 : index
    %get3A_1254 = arith.constant 0 : index
    %get3A_1255 = vector.load %arg1[%get3A_1252, %get3A_1253, %get3A_1254] : memref<32x64x512xf32, #tpu.memory_space<vmem>>, vector<1x64x512xf32>
    %get3A_1256 = vector.shape_cast %get3A_1255 : vector<1x64x512xf32> to vector<64x512xf32>
    %dot_general3A_1257 = arith.constant dense<0.000000e+00> : vector<64x512xf32>
    %dot_general3A_1258 = tpu.matmul %get3A_1, %get3A_1256, %dot_general3A_1257 {dimension_numbers = #tpu.dot_dimension_numbers<[1], [0], [0], [1], [0, 0, 1, 1], [], []>, transpose_lhs_hint = false} : vector<64x64xf32>, vector<64x512xf32>, vector<64x512xf32> -> vector<64x512xf32>
    %add3A_1259 = vector.broadcast %get3A_7 : vector<64x1xf32> to vector<64x512xf32>
    %add3A_1260 = arith.addf %dot_general3A_1258, %add3A_1259 : vector<64x512xf32>
    %logistic3A_1261 = arith.negf %add3A_1260 : vector<64x512xf32>
    %logistic3A_1262 = math.exp %logistic3A_1261 : vector<64x512xf32>
    %logistic3A_1263 = arith.constant 1.000000e+00 : f32
    %logistic3A_1264 = vector.broadcast %logistic3A_1263 : f32 to vector<64x512xf32>
    %logistic3A_1265 = arith.addf %logistic3A_1264, %logistic3A_1262 : vector<64x512xf32>
    %logistic3A_1266 = arith.divf %logistic3A_1264, %logistic3A_1265 : vector<64x512xf32>
    %mul3A_1267 = arith.mulf %add3A_1260, %logistic3A_1266 : vector<64x512xf32>
    %dot_general3A_1268 = arith.constant dense<0.000000e+00> : vector<4x512xf32>
    %dot_general3A_1269 = tpu.matmul %get3A_4, %mul3A_1267, %dot_general3A_1268 {dimension_numbers = #tpu.dot_dimension_numbers<[1], [0], [0], [1], [0, 0, 1, 1], [], []>, transpose_lhs_hint = false} : vector<4x64xf32>, vector<64x512xf32>, vector<4x512xf32> -> vector<4x512xf32>
    %add3A_1270 = vector.broadcast %get3A_10 : vector<4x1xf32> to vector<4x512xf32>
    %add3A_1271 = arith.addf %dot_general3A_1269, %add3A_1270 : vector<4x512xf32>
    %slice3A_1272 = vector.extract_strided_slice %add3A_1271 {offsets = [0, 0], sizes = [1, 512], strides = [1, 1]} : vector<4x512xf32> to vector<1x512xf32>
    %squeeze3A_1273 = vector.shape_cast %slice3A_1272 : vector<1x512xf32> to vector<512xf32>
    %swap3A_1274 = arith.constant 26 : index
    %swap3A_1275 = arith.constant 0 : index
    %swap3A_1276 = vector.load %arg6[%swap3A_1274, %swap3A_1275] : memref<32x512xf32, #tpu.memory_space<vmem>>, vector<1x512xf32>
    %swap3A_1277 = vector.shape_cast %swap3A_1276 : vector<1x512xf32> to vector<512xf32>
    %swap3A_1278 = vector.shape_cast %squeeze3A_1273 : vector<512xf32> to vector<1x512xf32>
    tpu.vector_store %arg6[%swap3A_1274, %swap3A_1275], %swap3A_1278 {strides = array<i32>} : memref<32x512xf32, #tpu.memory_space<vmem>>, vector<1x512xf32>,
    %slice3A_1279 = vector.extract_strided_slice %add3A_1271 {offsets = [1, 0], sizes = [1, 512], strides = [1, 1]} : vector<4x512xf32> to vector<1x512xf32>
    %squeeze3A_1280 = vector.shape_cast %slice3A_1279 : vector<1x512xf32> to vector<512xf32>
    %swap3A_1281 = arith.constant 26 : index
    %swap3A_1282 = arith.constant 0 : index
    %swap3A_1283 = vector.load %arg7[%swap3A_1281, %swap3A_1282] : memref<32x512xf32, #tpu.memory_space<vmem>>, vector<1x512xf32>
    %swap3A_1284 = vector.shape_cast %swap3A_1283 : vector<1x512xf32> to vector<512xf32>
    %swap3A_1285 = vector.shape_cast %squeeze3A_1280 : vector<512xf32> to vector<1x512xf32>
    tpu.vector_store %arg7[%swap3A_1281, %swap3A_1282], %swap3A_1285 {strides = array<i32>} : memref<32x512xf32, #tpu.memory_space<vmem>>, vector<1x512xf32>,
    %slice3A_1286 = vector.extract_strided_slice %add3A_1271 {offsets = [2, 0], sizes = [1, 512], strides = [1, 1]} : vector<4x512xf32> to vector<1x512xf32>
    %squeeze3A_1287 = vector.shape_cast %slice3A_1286 : vector<1x512xf32> to vector<512xf32>
    %swap3A_1288 = arith.constant 26 : index
    %swap3A_1289 = arith.constant 0 : index
    %swap3A_1290 = vector.load %arg8[%swap3A_1288, %swap3A_1289] : memref<32x512xf32, #tpu.memory_space<vmem>>, vector<1x512xf32>
    %swap3A_1291 = vector.shape_cast %swap3A_1290 : vector<1x512xf32> to vector<512xf32>
    %swap3A_1292 = vector.shape_cast %squeeze3A_1287 : vector<512xf32> to vector<1x512xf32>
    tpu.vector_store %arg8[%swap3A_1288, %swap3A_1289], %swap3A_1292 {strides = array<i32>} : memref<32x512xf32, #tpu.memory_space<vmem>>, vector<1x512xf32>,
    %slice3A_1293 = vector.extract_strided_slice %add3A_1271 {offsets = [3, 0], sizes = [1, 512], strides = [1, 1]} : vector<4x512xf32> to vector<1x512xf32>
    %squeeze3A_1294 = vector.shape_cast %slice3A_1293 : vector<1x512xf32> to vector<512xf32>
    %swap3A_1295 = arith.constant 26 : index
    %swap3A_1296 = arith.constant 0 : index
    %swap3A_1297 = vector.load %arg9[%swap3A_1295, %swap3A_1296] : memref<32x512xf32, #tpu.memory_space<vmem>>, vector<1x512xf32>
    %swap3A_1298 = vector.shape_cast %swap3A_1297 : vector<1x512xf32> to vector<512xf32>
    %swap3A_1299 = vector.shape_cast %squeeze3A_1294 : vector<512xf32> to vector<1x512xf32>
    tpu.vector_store %arg9[%swap3A_1295, %swap3A_1296], %swap3A_1299 {strides = array<i32>} : memref<32x512xf32, #tpu.memory_space<vmem>>, vector<1x512xf32>,
    %get3A_1300 = arith.constant 27 : index
    %get3A_1301 = arith.constant 0 : index
    %get3A_1302 = arith.constant 0 : index
    %get3A_1303 = vector.load %arg1[%get3A_1300, %get3A_1301, %get3A_1302] : memref<32x64x512xf32, #tpu.memory_space<vmem>>, vector<1x64x512xf32>
    %get3A_1304 = vector.shape_cast %get3A_1303 : vector<1x64x512xf32> to vector<64x512xf32>
    %dot_general3A_1305 = arith.constant dense<0.000000e+00> : vector<64x512xf32>
    %dot_general3A_1306 = tpu.matmul %get3A_1, %get3A_1304, %dot_general3A_1305 {dimension_numbers = #tpu.dot_dimension_numbers<[1], [0], [0], [1], [0, 0, 1, 1], [], []>, transpose_lhs_hint = false} : vector<64x64xf32>, vector<64x512xf32>, vector<64x512xf32> -> vector<64x512xf32>
    %add3A_1307 = vector.broadcast %get3A_7 : vector<64x1xf32> to vector<64x512xf32>
    %add3A_1308 = arith.addf %dot_general3A_1306, %add3A_1307 : vector<64x512xf32>
    %logistic3A_1309 = arith.negf %add3A_1308 : vector<64x512xf32>
    %logistic3A_1310 = math.exp %logistic3A_1309 : vector<64x512xf32>
    %logistic3A_1311 = arith.constant 1.000000e+00 : f32
    %logistic3A_1312 = vector.broadcast %logistic3A_1311 : f32 to vector<64x512xf32>
    %logistic3A_1313 = arith.addf %logistic3A_1312, %logistic3A_1310 : vector<64x512xf32>
    %logistic3A_1314 = arith.divf %logistic3A_1312, %logistic3A_1313 : vector<64x512xf32>
    %mul3A_1315 = arith.mulf %add3A_1308, %logistic3A_1314 : vector<64x512xf32>
    %dot_general3A_1316 = arith.constant dense<0.000000e+00> : vector<4x512xf32>
    %dot_general3A_1317 = tpu.matmul %get3A_4, %mul3A_1315, %dot_general3A_1316 {dimension_numbers = #tpu.dot_dimension_numbers<[1], [0], [0], [1], [0, 0, 1, 1], [], []>, transpose_lhs_hint = false} : vector<4x64xf32>, vector<64x512xf32>, vector<4x512xf32> -> vector<4x512xf32>
    %add3A_1318 = vector.broadcast %get3A_10 : vector<4x1xf32> to vector<4x512xf32>
    %add3A_1319 = arith.addf %dot_general3A_1317, %add3A_1318 : vector<4x512xf32>
    %slice3A_1320 = vector.extract_strided_slice %add3A_1319 {offsets = [0, 0], sizes = [1, 512], strides = [1, 1]} : vector<4x512xf32> to vector<1x512xf32>
    %squeeze3A_1321 = vector.shape_cast %slice3A_1320 : vector<1x512xf32> to vector<512xf32>
    %swap3A_1322 = arith.constant 27 : index
    %swap3A_1323 = arith.constant 0 : index
    %swap3A_1324 = vector.load %arg6[%swap3A_1322, %swap3A_1323] : memref<32x512xf32, #tpu.memory_space<vmem>>, vector<1x512xf32>
    %swap3A_1325 = vector.shape_cast %swap3A_1324 : vector<1x512xf32> to vector<512xf32>
    %swap3A_1326 = vector.shape_cast %squeeze3A_1321 : vector<512xf32> to vector<1x512xf32>
    tpu.vector_store %arg6[%swap3A_1322, %swap3A_1323], %swap3A_1326 {strides = array<i32>} : memref<32x512xf32, #tpu.memory_space<vmem>>, vector<1x512xf32>,
    %slice3A_1327 = vector.extract_strided_slice %add3A_1319 {offsets = [1, 0], sizes = [1, 512], strides = [1, 1]} : vector<4x512xf32> to vector<1x512xf32>
    %squeeze3A_1328 = vector.shape_cast %slice3A_1327 : vector<1x512xf32> to vector<512xf32>
    %swap3A_1329 = arith.constant 27 : index
    %swap3A_1330 = arith.constant 0 : index
    %swap3A_1331 = vector.load %arg7[%swap3A_1329, %swap3A_1330] : memref<32x512xf32, #tpu.memory_space<vmem>>, vector<1x512xf32>
    %swap3A_1332 = vector.shape_cast %swap3A_1331 : vector<1x512xf32> to vector<512xf32>
    %swap3A_1333 = vector.shape_cast %squeeze3A_1328 : vector<512xf32> to vector<1x512xf32>
    tpu.vector_store %arg7[%swap3A_1329, %swap3A_1330], %swap3A_1333 {strides = array<i32>} : memref<32x512xf32, #tpu.memory_space<vmem>>, vector<1x512xf32>,
    %slice3A_1334 = vector.extract_strided_slice %add3A_1319 {offsets = [2, 0], sizes = [1, 512], strides = [1, 1]} : vector<4x512xf32> to vector<1x512xf32>
    %squeeze3A_1335 = vector.shape_cast %slice3A_1334 : vector<1x512xf32> to vector<512xf32>
    %swap3A_1336 = arith.constant 27 : index
    %swap3A_1337 = arith.constant 0 : index
    %swap3A_1338 = vector.load %arg8[%swap3A_1336, %swap3A_1337] : memref<32x512xf32, #tpu.memory_space<vmem>>, vector<1x512xf32>
    %swap3A_1339 = vector.shape_cast %swap3A_1338 : vector<1x512xf32> to vector<512xf32>
    %swap3A_1340 = vector.shape_cast %squeeze3A_1335 : vector<512xf32> to vector<1x512xf32>
    tpu.vector_store %arg8[%swap3A_1336, %swap3A_1337], %swap3A_1340 {strides = array<i32>} : memref<32x512xf32, #tpu.memory_space<vmem>>, vector<1x512xf32>,
    %slice3A_1341 = vector.extract_strided_slice %add3A_1319 {offsets = [3, 0], sizes = [1, 512], strides = [1, 1]} : vector<4x512xf32> to vector<1x512xf32>
    %squeeze3A_1342 = vector.shape_cast %slice3A_1341 : vector<1x512xf32> to vector<512xf32>
    %swap3A_1343 = arith.constant 27 : index
    %swap3A_1344 = arith.constant 0 : index
    %swap3A_1345 = vector.load %arg9[%swap3A_1343, %swap3A_1344] : memref<32x512xf32, #tpu.memory_space<vmem>>, vector<1x512xf32>
    %swap3A_1346 = vector.shape_cast %swap3A_1345 : vector<1x512xf32> to vector<512xf32>
    %swap3A_1347 = vector.shape_cast %squeeze3A_1342 : vector<512xf32> to vector<1x512xf32>
    tpu.vector_store %arg9[%swap3A_1343, %swap3A_1344], %swap3A_1347 {strides = array<i32>} : memref<32x512xf32, #tpu.memory_space<vmem>>, vector<1x512xf32>,
    %get3A_1348 = arith.constant 28 : index
    %get3A_1349 = arith.constant 0 : index
    %get3A_1350 = arith.constant 0 : index
    %get3A_1351 = vector.load %arg1[%get3A_1348, %get3A_1349, %get3A_1350] : memref<32x64x512xf32, #tpu.memory_space<vmem>>, vector<1x64x512xf32>
    %get3A_1352 = vector.shape_cast %get3A_1351 : vector<1x64x512xf32> to vector<64x512xf32>
    %dot_general3A_1353 = arith.constant dense<0.000000e+00> : vector<64x512xf32>
    %dot_general3A_1354 = tpu.matmul %get3A_1, %get3A_1352, %dot_general3A_1353 {dimension_numbers = #tpu.dot_dimension_numbers<[1], [0], [0], [1], [0, 0, 1, 1], [], []>, transpose_lhs_hint = false} : vector<64x64xf32>, vector<64x512xf32>, vector<64x512xf32> -> vector<64x512xf32>
    %add3A_1355 = vector.broadcast %get3A_7 : vector<64x1xf32> to vector<64x512xf32>
    %add3A_1356 = arith.addf %dot_general3A_1354, %add3A_1355 : vector<64x512xf32>
    %logistic3A_1357 = arith.negf %add3A_1356 : vector<64x512xf32>
    %logistic3A_1358 = math.exp %logistic3A_1357 : vector<64x512xf32>
    %logistic3A_1359 = arith.constant 1.000000e+00 : f32
    %logistic3A_1360 = vector.broadcast %logistic3A_1359 : f32 to vector<64x512xf32>
    %logistic3A_1361 = arith.addf %logistic3A_1360, %logistic3A_1358 : vector<64x512xf32>
    %logistic3A_1362 = arith.divf %logistic3A_1360, %logistic3A_1361 : vector<64x512xf32>
    %mul3A_1363 = arith.mulf %add3A_1356, %logistic3A_1362 : vector<64x512xf32>
    %dot_general3A_1364 = arith.constant dense<0.000000e+00> : vector<4x512xf32>
    %dot_general3A_1365 = tpu.matmul %get3A_4, %mul3A_1363, %dot_general3A_1364 {dimension_numbers = #tpu.dot_dimension_numbers<[1], [0], [0], [1], [0, 0, 1, 1], [], []>, transpose_lhs_hint = false} : vector<4x64xf32>, vector<64x512xf32>, vector<4x512xf32> -> vector<4x512xf32>
    %add3A_1366 = vector.broadcast %get3A_10 : vector<4x1xf32> to vector<4x512xf32>
    %add3A_1367 = arith.addf %dot_general3A_1365, %add3A_1366 : vector<4x512xf32>
    %slice3A_1368 = vector.extract_strided_slice %add3A_1367 {offsets = [0, 0], sizes = [1, 512], strides = [1, 1]} : vector<4x512xf32> to vector<1x512xf32>
    %squeeze3A_1369 = vector.shape_cast %slice3A_1368 : vector<1x512xf32> to vector<512xf32>
    %swap3A_1370 = arith.constant 28 : index
    %swap3A_1371 = arith.constant 0 : index
    %swap3A_1372 = vector.load %arg6[%swap3A_1370, %swap3A_1371] : memref<32x512xf32, #tpu.memory_space<vmem>>, vector<1x512xf32>
    %swap3A_1373 = vector.shape_cast %swap3A_1372 : vector<1x512xf32> to vector<512xf32>
    %swap3A_1374 = vector.shape_cast %squeeze3A_1369 : vector<512xf32> to vector<1x512xf32>
    tpu.vector_store %arg6[%swap3A_1370, %swap3A_1371], %swap3A_1374 {strides = array<i32>} : memref<32x512xf32, #tpu.memory_space<vmem>>, vector<1x512xf32>,
    %slice3A_1375 = vector.extract_strided_slice %add3A_1367 {offsets = [1, 0], sizes = [1, 512], strides = [1, 1]} : vector<4x512xf32> to vector<1x512xf32>
    %squeeze3A_1376 = vector.shape_cast %slice3A_1375 : vector<1x512xf32> to vector<512xf32>
    %swap3A_1377 = arith.constant 28 : index
    %swap3A_1378 = arith.constant 0 : index
    %swap3A_1379 = vector.load %arg7[%swap3A_1377, %swap3A_1378] : memref<32x512xf32, #tpu.memory_space<vmem>>, vector<1x512xf32>
    %swap3A_1380 = vector.shape_cast %swap3A_1379 : vector<1x512xf32> to vector<512xf32>
    %swap3A_1381 = vector.shape_cast %squeeze3A_1376 : vector<512xf32> to vector<1x512xf32>
    tpu.vector_store %arg7[%swap3A_1377, %swap3A_1378], %swap3A_1381 {strides = array<i32>} : memref<32x512xf32, #tpu.memory_space<vmem>>, vector<1x512xf32>,
    %slice3A_1382 = vector.extract_strided_slice %add3A_1367 {offsets = [2, 0], sizes = [1, 512], strides = [1, 1]} : vector<4x512xf32> to vector<1x512xf32>
    %squeeze3A_1383 = vector.shape_cast %slice3A_1382 : vector<1x512xf32> to vector<512xf32>
    %swap3A_1384 = arith.constant 28 : index
    %swap3A_1385 = arith.constant 0 : index
    %swap3A_1386 = vector.load %arg8[%swap3A_1384, %swap3A_1385] : memref<32x512xf32, #tpu.memory_space<vmem>>, vector<1x512xf32>
    %swap3A_1387 = vector.shape_cast %swap3A_1386 : vector<1x512xf32> to vector<512xf32>
    %swap3A_1388 = vector.shape_cast %squeeze3A_1383 : vector<512xf32> to vector<1x512xf32>
    tpu.vector_store %arg8[%swap3A_1384, %swap3A_1385], %swap3A_1388 {strides = array<i32>} : memref<32x512xf32, #tpu.memory_space<vmem>>, vector<1x512xf32>,
    %slice3A_1389 = vector.extract_strided_slice %add3A_1367 {offsets = [3, 0], sizes = [1, 512], strides = [1, 1]} : vector<4x512xf32> to vector<1x512xf32>
    %squeeze3A_1390 = vector.shape_cast %slice3A_1389 : vector<1x512xf32> to vector<512xf32>
    %swap3A_1391 = arith.constant 28 : index
    %swap3A_1392 = arith.constant 0 : index
    %swap3A_1393 = vector.load %arg9[%swap3A_1391, %swap3A_1392] : memref<32x512xf32, #tpu.memory_space<vmem>>, vector<1x512xf32>
    %swap3A_1394 = vector.shape_cast %swap3A_1393 : vector<1x512xf32> to vector<512xf32>
    %swap3A_1395 = vector.shape_cast %squeeze3A_1390 : vector<512xf32> to vector<1x512xf32>
    tpu.vector_store %arg9[%swap3A_1391, %swap3A_1392], %swap3A_1395 {strides = array<i32>} : memref<32x512xf32, #tpu.memory_space<vmem>>, vector<1x512xf32>,
    %get3A_1396 = arith.constant 29 : index
    %get3A_1397 = arith.constant 0 : index
    %get3A_1398 = arith.constant 0 : index
    %get3A_1399 = vector.load %arg1[%get3A_1396, %get3A_1397, %get3A_1398] : memref<32x64x512xf32, #tpu.memory_space<vmem>>, vector<1x64x512xf32>
    %get3A_1400 = vector.shape_cast %get3A_1399 : vector<1x64x512xf32> to vector<64x512xf32>
    %dot_general3A_1401 = arith.constant dense<0.000000e+00> : vector<64x512xf32>
    %dot_general3A_1402 = tpu.matmul %get3A_1, %get3A_1400, %dot_general3A_1401 {dimension_numbers = #tpu.dot_dimension_numbers<[1], [0], [0], [1], [0, 0, 1, 1], [], []>, transpose_lhs_hint = false} : vector<64x64xf32>, vector<64x512xf32>, vector<64x512xf32> -> vector<64x512xf32>
    %add3A_1403 = vector.broadcast %get3A_7 : vector<64x1xf32> to vector<64x512xf32>
    %add3A_1404 = arith.addf %dot_general3A_1402, %add3A_1403 : vector<64x512xf32>
    %logistic3A_1405 = arith.negf %add3A_1404 : vector<64x512xf32>
    %logistic3A_1406 = math.exp %logistic3A_1405 : vector<64x512xf32>
    %logistic3A_1407 = arith.constant 1.000000e+00 : f32
    %logistic3A_1408 = vector.broadcast %logistic3A_1407 : f32 to vector<64x512xf32>
    %logistic3A_1409 = arith.addf %logistic3A_1408, %logistic3A_1406 : vector<64x512xf32>
    %logistic3A_1410 = arith.divf %logistic3A_1408, %logistic3A_1409 : vector<64x512xf32>
    %mul3A_1411 = arith.mulf %add3A_1404, %logistic3A_1410 : vector<64x512xf32>
    %dot_general3A_1412 = arith.constant dense<0.000000e+00> : vector<4x512xf32>
    %dot_general3A_1413 = tpu.matmul %get3A_4, %mul3A_1411, %dot_general3A_1412 {dimension_numbers = #tpu.dot_dimension_numbers<[1], [0], [0], [1], [0, 0, 1, 1], [], []>, transpose_lhs_hint = false} : vector<4x64xf32>, vector<64x512xf32>, vector<4x512xf32> -> vector<4x512xf32>
    %add3A_1414 = vector.broadcast %get3A_10 : vector<4x1xf32> to vector<4x512xf32>
    %add3A_1415 = arith.addf %dot_general3A_1413, %add3A_1414 : vector<4x512xf32>
    %slice3A_1416 = vector.extract_strided_slice %add3A_1415 {offsets = [0, 0], sizes = [1, 512], strides = [1, 1]} : vector<4x512xf32> to vector<1x512xf32>
    %squeeze3A_1417 = vector.shape_cast %slice3A_1416 : vector<1x512xf32> to vector<512xf32>
    %swap3A_1418 = arith.constant 29 : index
    %swap3A_1419 = arith.constant 0 : index
    %swap3A_1420 = vector.load %arg6[%swap3A_1418, %swap3A_1419] : memref<32x512xf32, #tpu.memory_space<vmem>>, vector<1x512xf32>
    %swap3A_1421 = vector.shape_cast %swap3A_1420 : vector<1x512xf32> to vector<512xf32>
    %swap3A_1422 = vector.shape_cast %squeeze3A_1417 : vector<512xf32> to vector<1x512xf32>
    tpu.vector_store %arg6[%swap3A_1418, %swap3A_1419], %swap3A_1422 {strides = array<i32>} : memref<32x512xf32, #tpu.memory_space<vmem>>, vector<1x512xf32>,
    %slice3A_1423 = vector.extract_strided_slice %add3A_1415 {offsets = [1, 0], sizes = [1, 512], strides = [1, 1]} : vector<4x512xf32> to vector<1x512xf32>
    %squeeze3A_1424 = vector.shape_cast %slice3A_1423 : vector<1x512xf32> to vector<512xf32>
    %swap3A_1425 = arith.constant 29 : index
    %swap3A_1426 = arith.constant 0 : index
    %swap3A_1427 = vector.load %arg7[%swap3A_1425, %swap3A_1426] : memref<32x512xf32, #tpu.memory_space<vmem>>, vector<1x512xf32>
    %swap3A_1428 = vector.shape_cast %swap3A_1427 : vector<1x512xf32> to vector<512xf32>
    %swap3A_1429 = vector.shape_cast %squeeze3A_1424 : vector<512xf32> to vector<1x512xf32>
    tpu.vector_store %arg7[%swap3A_1425, %swap3A_1426], %swap3A_1429 {strides = array<i32>} : memref<32x512xf32, #tpu.memory_space<vmem>>, vector<1x512xf32>,
    %slice3A_1430 = vector.extract_strided_slice %add3A_1415 {offsets = [2, 0], sizes = [1, 512], strides = [1, 1]} : vector<4x512xf32> to vector<1x512xf32>
    %squeeze3A_1431 = vector.shape_cast %slice3A_1430 : vector<1x512xf32> to vector<512xf32>
    %swap3A_1432 = arith.constant 29 : index
    %swap3A_1433 = arith.constant 0 : index
    %swap3A_1434 = vector.load %arg8[%swap3A_1432, %swap3A_1433] : memref<32x512xf32, #tpu.memory_space<vmem>>, vector<1x512xf32>
    %swap3A_1435 = vector.shape_cast %swap3A_1434 : vector<1x512xf32> to vector<512xf32>
    %swap3A_1436 = vector.shape_cast %squeeze3A_1431 : vector<512xf32> to vector<1x512xf32>
    tpu.vector_store %arg8[%swap3A_1432, %swap3A_1433], %swap3A_1436 {strides = array<i32>} : memref<32x512xf32, #tpu.memory_space<vmem>>, vector<1x512xf32>,
    %slice3A_1437 = vector.extract_strided_slice %add3A_1415 {offsets = [3, 0], sizes = [1, 512], strides = [1, 1]} : vector<4x512xf32> to vector<1x512xf32>
    %squeeze3A_1438 = vector.shape_cast %slice3A_1437 : vector<1x512xf32> to vector<512xf32>
    %swap3A_1439 = arith.constant 29 : index
    %swap3A_1440 = arith.constant 0 : index
    %swap3A_1441 = vector.load %arg9[%swap3A_1439, %swap3A_1440] : memref<32x512xf32, #tpu.memory_space<vmem>>, vector<1x512xf32>
    %swap3A_1442 = vector.shape_cast %swap3A_1441 : vector<1x512xf32> to vector<512xf32>
    %swap3A_1443 = vector.shape_cast %squeeze3A_1438 : vector<512xf32> to vector<1x512xf32>
    tpu.vector_store %arg9[%swap3A_1439, %swap3A_1440], %swap3A_1443 {strides = array<i32>} : memref<32x512xf32, #tpu.memory_space<vmem>>, vector<1x512xf32>,
    %get3A_1444 = arith.constant 30 : index
    %get3A_1445 = arith.constant 0 : index
    %get3A_1446 = arith.constant 0 : index
    %get3A_1447 = vector.load %arg1[%get3A_1444, %get3A_1445, %get3A_1446] : memref<32x64x512xf32, #tpu.memory_space<vmem>>, vector<1x64x512xf32>
    %get3A_1448 = vector.shape_cast %get3A_1447 : vector<1x64x512xf32> to vector<64x512xf32>
    %dot_general3A_1449 = arith.constant dense<0.000000e+00> : vector<64x512xf32>
    %dot_general3A_1450 = tpu.matmul %get3A_1, %get3A_1448, %dot_general3A_1449 {dimension_numbers = #tpu.dot_dimension_numbers<[1], [0], [0], [1], [0, 0, 1, 1], [], []>, transpose_lhs_hint = false} : vector<64x64xf32>, vector<64x512xf32>, vector<64x512xf32> -> vector<64x512xf32>
    %add3A_1451 = vector.broadcast %get3A_7 : vector<64x1xf32> to vector<64x512xf32>
    %add3A_1452 = arith.addf %dot_general3A_1450, %add3A_1451 : vector<64x512xf32>
    %logistic3A_1453 = arith.negf %add3A_1452 : vector<64x512xf32>
    %logistic3A_1454 = math.exp %logistic3A_1453 : vector<64x512xf32>
    %logistic3A_1455 = arith.constant 1.000000e+00 : f32
    %logistic3A_1456 = vector.broadcast %logistic3A_1455 : f32 to vector<64x512xf32>
    %logistic3A_1457 = arith.addf %logistic3A_1456, %logistic3A_1454 : vector<64x512xf32>
    %logistic3A_1458 = arith.divf %logistic3A_1456, %logistic3A_1457 : vector<64x512xf32>
    %mul3A_1459 = arith.mulf %add3A_1452, %logistic3A_1458 : vector<64x512xf32>
    %dot_general3A_1460 = arith.constant dense<0.000000e+00> : vector<4x512xf32>
    %dot_general3A_1461 = tpu.matmul %get3A_4, %mul3A_1459, %dot_general3A_1460 {dimension_numbers = #tpu.dot_dimension_numbers<[1], [0], [0], [1], [0, 0, 1, 1], [], []>, transpose_lhs_hint = false} : vector<4x64xf32>, vector<64x512xf32>, vector<4x512xf32> -> vector<4x512xf32>
    %add3A_1462 = vector.broadcast %get3A_10 : vector<4x1xf32> to vector<4x512xf32>
    %add3A_1463 = arith.addf %dot_general3A_1461, %add3A_1462 : vector<4x512xf32>
    %slice3A_1464 = vector.extract_strided_slice %add3A_1463 {offsets = [0, 0], sizes = [1, 512], strides = [1, 1]} : vector<4x512xf32> to vector<1x512xf32>
    %squeeze3A_1465 = vector.shape_cast %slice3A_1464 : vector<1x512xf32> to vector<512xf32>
    %swap3A_1466 = arith.constant 30 : index
    %swap3A_1467 = arith.constant 0 : index
    %swap3A_1468 = vector.load %arg6[%swap3A_1466, %swap3A_1467] : memref<32x512xf32, #tpu.memory_space<vmem>>, vector<1x512xf32>
    %swap3A_1469 = vector.shape_cast %swap3A_1468 : vector<1x512xf32> to vector<512xf32>
    %swap3A_1470 = vector.shape_cast %squeeze3A_1465 : vector<512xf32> to vector<1x512xf32>
    tpu.vector_store %arg6[%swap3A_1466, %swap3A_1467], %swap3A_1470 {strides = array<i32>} : memref<32x512xf32, #tpu.memory_space<vmem>>, vector<1x512xf32>,
    %slice3A_1471 = vector.extract_strided_slice %add3A_1463 {offsets = [1, 0], sizes = [1, 512], strides = [1, 1]} : vector<4x512xf32> to vector<1x512xf32>
    %squeeze3A_1472 = vector.shape_cast %slice3A_1471 : vector<1x512xf32> to vector<512xf32>
    %swap3A_1473 = arith.constant 30 : index
    %swap3A_1474 = arith.constant 0 : index
    %swap3A_1475 = vector.load %arg7[%swap3A_1473, %swap3A_1474] : memref<32x512xf32, #tpu.memory_space<vmem>>, vector<1x512xf32>
    %swap3A_1476 = vector.shape_cast %swap3A_1475 : vector<1x512xf32> to vector<512xf32>
    %swap3A_1477 = vector.shape_cast %squeeze3A_1472 : vector<512xf32> to vector<1x512xf32>
    tpu.vector_store %arg7[%swap3A_1473, %swap3A_1474], %swap3A_1477 {strides = array<i32>} : memref<32x512xf32, #tpu.memory_space<vmem>>, vector<1x512xf32>,
    %slice3A_1478 = vector.extract_strided_slice %add3A_1463 {offsets = [2, 0], sizes = [1, 512], strides = [1, 1]} : vector<4x512xf32> to vector<1x512xf32>
    %squeeze3A_1479 = vector.shape_cast %slice3A_1478 : vector<1x512xf32> to vector<512xf32>
    %swap3A_1480 = arith.constant 30 : index
    %swap3A_1481 = arith.constant 0 : index
    %swap3A_1482 = vector.load %arg8[%swap3A_1480, %swap3A_1481] : memref<32x512xf32, #tpu.memory_space<vmem>>, vector<1x512xf32>
    %swap3A_1483 = vector.shape_cast %swap3A_1482 : vector<1x512xf32> to vector<512xf32>
    %swap3A_1484 = vector.shape_cast %squeeze3A_1479 : vector<512xf32> to vector<1x512xf32>
    tpu.vector_store %arg8[%swap3A_1480, %swap3A_1481], %swap3A_1484 {strides = array<i32>} : memref<32x512xf32, #tpu.memory_space<vmem>>, vector<1x512xf32>,
    %slice3A_1485 = vector.extract_strided_slice %add3A_1463 {offsets = [3, 0], sizes = [1, 512], strides = [1, 1]} : vector<4x512xf32> to vector<1x512xf32>
    %squeeze3A_1486 = vector.shape_cast %slice3A_1485 : vector<1x512xf32> to vector<512xf32>
    %swap3A_1487 = arith.constant 30 : index
    %swap3A_1488 = arith.constant 0 : index
    %swap3A_1489 = vector.load %arg9[%swap3A_1487, %swap3A_1488] : memref<32x512xf32, #tpu.memory_space<vmem>>, vector<1x512xf32>
    %swap3A_1490 = vector.shape_cast %swap3A_1489 : vector<1x512xf32> to vector<512xf32>
    %swap3A_1491 = vector.shape_cast %squeeze3A_1486 : vector<512xf32> to vector<1x512xf32>
    tpu.vector_store %arg9[%swap3A_1487, %swap3A_1488], %swap3A_1491 {strides = array<i32>} : memref<32x512xf32, #tpu.memory_space<vmem>>, vector<1x512xf32>,
    %get3A_1492 = arith.constant 31 : index
    %get3A_1493 = arith.constant 0 : index
    %get3A_1494 = arith.constant 0 : index
    %get3A_1495 = vector.load %arg1[%get3A_1492, %get3A_1493, %get3A_1494] : memref<32x64x512xf32, #tpu.memory_space<vmem>>, vector<1x64x512xf32>
    %get3A_1496 = vector.shape_cast %get3A_1495 : vector<1x64x512xf32> to vector<64x512xf32>
    %dot_general3A_1497 = arith.constant dense<0.000000e+00> : vector<64x512xf32>
    %dot_general3A_1498 = tpu.matmul %get3A_1, %get3A_1496, %dot_general3A_1497 {dimension_numbers = #tpu.dot_dimension_numbers<[1], [0], [0], [1], [0, 0, 1, 1], [], []>, transpose_lhs_hint = false} : vector<64x64xf32>, vector<64x512xf32>, vector<64x512xf32> -> vector<64x512xf32>
    %add3A_1499 = vector.broadcast %get3A_7 : vector<64x1xf32> to vector<64x512xf32>
    %add3A_1500 = arith.addf %dot_general3A_1498, %add3A_1499 : vector<64x512xf32>
    %logistic3A_1501 = arith.negf %add3A_1500 : vector<64x512xf32>
    %logistic3A_1502 = math.exp %logistic3A_1501 : vector<64x512xf32>
    %logistic3A_1503 = arith.constant 1.000000e+00 : f32
    %logistic3A_1504 = vector.broadcast %logistic3A_1503 : f32 to vector<64x512xf32>
    %logistic3A_1505 = arith.addf %logistic3A_1504, %logistic3A_1502 : vector<64x512xf32>
    %logistic3A_1506 = arith.divf %logistic3A_1504, %logistic3A_1505 : vector<64x512xf32>
    %mul3A_1507 = arith.mulf %add3A_1500, %logistic3A_1506 : vector<64x512xf32>
    %dot_general3A_1508 = arith.constant dense<0.000000e+00> : vector<4x512xf32>
    %dot_general3A_1509 = tpu.matmul %get3A_4, %mul3A_1507, %dot_general3A_1508 {dimension_numbers = #tpu.dot_dimension_numbers<[1], [0], [0], [1], [0, 0, 1, 1], [], []>, transpose_lhs_hint = false} : vector<4x64xf32>, vector<64x512xf32>, vector<4x512xf32> -> vector<4x512xf32>
    %add3A_1510 = vector.broadcast %get3A_10 : vector<4x1xf32> to vector<4x512xf32>
    %add3A_1511 = arith.addf %dot_general3A_1509, %add3A_1510 : vector<4x512xf32>
    %slice3A_1512 = vector.extract_strided_slice %add3A_1511 {offsets = [0, 0], sizes = [1, 512], strides = [1, 1]} : vector<4x512xf32> to vector<1x512xf32>
    %squeeze3A_1513 = vector.shape_cast %slice3A_1512 : vector<1x512xf32> to vector<512xf32>
    %swap3A_1514 = arith.constant 31 : index
    %swap3A_1515 = arith.constant 0 : index
    %swap3A_1516 = vector.load %arg6[%swap3A_1514, %swap3A_1515] : memref<32x512xf32, #tpu.memory_space<vmem>>, vector<1x512xf32>
    %swap3A_1517 = vector.shape_cast %swap3A_1516 : vector<1x512xf32> to vector<512xf32>
    %swap3A_1518 = vector.shape_cast %squeeze3A_1513 : vector<512xf32> to vector<1x512xf32>
    tpu.vector_store %arg6[%swap3A_1514, %swap3A_1515], %swap3A_1518 {strides = array<i32>} : memref<32x512xf32, #tpu.memory_space<vmem>>, vector<1x512xf32>,
    %slice3A_1519 = vector.extract_strided_slice %add3A_1511 {offsets = [1, 0], sizes = [1, 512], strides = [1, 1]} : vector<4x512xf32> to vector<1x512xf32>
    %squeeze3A_1520 = vector.shape_cast %slice3A_1519 : vector<1x512xf32> to vector<512xf32>
    %swap3A_1521 = arith.constant 31 : index
    %swap3A_1522 = arith.constant 0 : index
    %swap3A_1523 = vector.load %arg7[%swap3A_1521, %swap3A_1522] : memref<32x512xf32, #tpu.memory_space<vmem>>, vector<1x512xf32>
    %swap3A_1524 = vector.shape_cast %swap3A_1523 : vector<1x512xf32> to vector<512xf32>
    %swap3A_1525 = vector.shape_cast %squeeze3A_1520 : vector<512xf32> to vector<1x512xf32>
    tpu.vector_store %arg7[%swap3A_1521, %swap3A_1522], %swap3A_1525 {strides = array<i32>} : memref<32x512xf32, #tpu.memory_space<vmem>>, vector<1x512xf32>,
    %slice3A_1526 = vector.extract_strided_slice %add3A_1511 {offsets = [2, 0], sizes = [1, 512], strides = [1, 1]} : vector<4x512xf32> to vector<1x512xf32>
    %squeeze3A_1527 = vector.shape_cast %slice3A_1526 : vector<1x512xf32> to vector<512xf32>
    %swap3A_1528 = arith.constant 31 : index
    %swap3A_1529 = arith.constant 0 : index
    %swap3A_1530 = vector.load %arg8[%swap3A_1528, %swap3A_1529] : memref<32x512xf32, #tpu.memory_space<vmem>>, vector<1x512xf32>
    %swap3A_1531 = vector.shape_cast %swap3A_1530 : vector<1x512xf32> to vector<512xf32>
    %swap3A_1532 = vector.shape_cast %squeeze3A_1527 : vector<512xf32> to vector<1x512xf32>
    tpu.vector_store %arg8[%swap3A_1528, %swap3A_1529], %swap3A_1532 {strides = array<i32>} : memref<32x512xf32, #tpu.memory_space<vmem>>, vector<1x512xf32>,
    %slice3A_1533 = vector.extract_strided_slice %add3A_1511 {offsets = [3, 0], sizes = [1, 512], strides = [1, 1]} : vector<4x512xf32> to vector<1x512xf32>
    %squeeze3A_1534 = vector.shape_cast %slice3A_1533 : vector<1x512xf32> to vector<512xf32>
    %swap3A_1535 = arith.constant 31 : index
    %swap3A_1536 = arith.constant 0 : index
    %swap3A_1537 = vector.load %arg9[%swap3A_1535, %swap3A_1536] : memref<32x512xf32, #tpu.memory_space<vmem>>, vector<1x512xf32>
    %swap3A_1538 = vector.shape_cast %swap3A_1537 : vector<1x512xf32> to vector<512xf32>
    %swap3A_1539 = vector.shape_cast %squeeze3A_1534 : vector<512xf32> to vector<1x512xf32>
    tpu.vector_store %arg9[%swap3A_1535, %swap3A_1536], %swap3A_1539 {strides = array<i32>} : memref<32x512xf32, #tpu.memory_space<vmem>>, vector<1x512xf32>,
    return
  }
  func.func @transform_0(%arg0: i32) -> (i32, i32, i32) {
    %c0_i32 = arith.constant 0 : i32
    %c0_i32_0 = arith.constant 0 : i32
    %c0_i32_1 = arith.constant 0 : i32
    return %arg0, %c0_i32, %c0_i32_0 : i32, i32, i32
  }
  func.func @transform_1(%arg0: i32) -> (i32, i32) {
    %c0_i32 = arith.constant 0 : i32
    %c0_i32_0 = arith.constant 0 : i32
    %c0_i32_1 = arith.constant 0 : i32
    return %c0_i32, %c0_i32_0 : i32, i32
  }
  func.func @transform_2(%arg0: i32) -> (i32, i32) {
    %c0_i32 = arith.constant 0 : i32
    %c0_i32_0 = arith.constant 0 : i32
    %c0_i32_1 = arith.constant 0 : i32
    return %c0_i32, %c0_i32_0 : i32, i32
  }
  func.func @transform_3(%arg0: i32) -> (i32, i32) {
    %c0_i32 = arith.constant 0 : i32
    %c0_i32_0 = arith.constant 0 : i32
    %c0_i32_1 = arith.constant 0 : i32
    return %c0_i32, %c0_i32_0 : i32, i32
  }
  func.func @transform_4(%arg0: i32) -> (i32, i32) {
    %c0_i32 = arith.constant 0 : i32
    %c0_i32_0 = arith.constant 0 : i32
    %c0_i32_1 = arith.constant 0 : i32
    return %c0_i32, %c0_i32_0 : i32, i32
  }
  func.func @transform_5(%arg0: i32) -> (i32, i32) {
    %c0_i32 = arith.constant 0 : i32
    %c0_i32_0 = arith.constant 0 : i32
    return %arg0, %c0_i32 : i32, i32
  }
  func.func @transform_6(%arg0: i32) -> (i32, i32) {
    %c0_i32 = arith.constant 0 : i32
    %c0_i32_0 = arith.constant 0 : i32
    return %arg0, %c0_i32 : i32, i32
  }
  func.func @transform_7(%arg0: i32) -> (i32, i32) {
    %c0_i32 = arith.constant 0 : i32
    %c0_i32_0 = arith.constant 0 : i32
    return %arg0, %c0_i32 : i32, i32
  }
  func.func @transform_8(%arg0: i32) -> (i32, i32) {
    %c0_i32 = arith.constant 0 : i32
    %c0_i32_0 = arith.constant 0 : i32
    return %arg0, %c0_i32 : i32, i32
  }
}

module attributes {stable_mosaic.version = 14 : i64} {
  func.func @_node_body(%arg0: memref<512x64xf32, #tpu.memory_space<vmem>>, %arg1: memref<64x64xf32, #tpu.memory_space<vmem>>, %arg2: memref<1x64xf32, #tpu.memory_space<vmem>>, %arg3: memref<64x256xf32, #tpu.memory_space<vmem>>, %arg4: memref<1x256xf32, #tpu.memory_space<vmem>>, %arg5: memref<64x128xf32, #tpu.memory_space<vmem>>, %arg6: memref<1x128xf32, #tpu.memory_space<vmem>>, %arg7: memref<64x64xf32, #tpu.memory_space<vmem>>, %arg8: memref<1x64xf32, #tpu.memory_space<vmem>>, %arg9: memref<64x64xf32, #tpu.memory_space<vmem>>, %arg10: memref<1x64xf32, #tpu.memory_space<vmem>>, %arg11: memref<64x64xf32, #tpu.memory_space<vmem>>, %arg12: memref<1x64xf32, #tpu.memory_space<vmem>>, %arg13: memref<64x64xf32, #tpu.memory_space<vmem>>, %arg14: memref<1x64xf32, #tpu.memory_space<vmem>>, %arg15: memref<64x32xf32, #tpu.memory_space<vmem>>, %arg16: memref<64x32xf32, #tpu.memory_space<vmem>>, %arg17: memref<512x256xf32, #tpu.memory_space<vmem>>, %arg18: memref<512x128xf32, #tpu.memory_space<vmem>>, %arg19: memref<512x64xf32, #tpu.memory_space<vmem>>, %arg20: memref<512x64xf32, #tpu.memory_space<vmem>>, %arg21: memref<512x32xf32, #tpu.memory_space<vmem>>, %arg22: memref<512x32xf32, #tpu.memory_space<vmem>>) attributes {dimension_semantics = [], scalar_prefetch = 0 : i64, scratch_operands = 0 : i64, tpu.core_type = #tpu.core_type<tc>} {
    %get3A = arith.constant 0 : index
    %get3A_0 = arith.constant 0 : index
    %get3A_1 = vector.load %arg0[%get3A, %get3A_0] : memref<512x64xf32, #tpu.memory_space<vmem>>, vector<512x64xf32>
    %get3A_2 = arith.constant 0 : index
    %get3A_3 = arith.constant 0 : index
    %get3A_4 = vector.load %arg1[%get3A_2, %get3A_3] : memref<64x64xf32, #tpu.memory_space<vmem>>, vector<64x64xf32>
    %dot_general3A = arith.constant dense<0.000000e+00> : vector<512x64xf32>
    %dot_general3A_5 = tpu.matmul %get3A_1, %get3A_4, %dot_general3A {dimension_numbers = #tpu.dot_dimension_numbers<[1], [0], [0], [1], [0, 0, 1, 1], [], []>, transpose_lhs_hint = false} : vector<512x64xf32>, vector<64x64xf32>, vector<512x64xf32> -> vector<512x64xf32>
    %get3A_6 = arith.constant 0 : index
    %get3A_7 = arith.constant 0 : index
    %get3A_8 = vector.load %arg2[%get3A_6, %get3A_7] : memref<1x64xf32, #tpu.memory_space<vmem>>, vector<1x64xf32>
    %add3A = vector.broadcast %get3A_8 : vector<1x64xf32> to vector<512x64xf32>
    %add3A_9 = arith.addf %dot_general3A_5, %add3A : vector<512x64xf32>
    %logistic3A = arith.negf %add3A_9 : vector<512x64xf32>
    %logistic3A_10 = math.exp %logistic3A : vector<512x64xf32>
    %logistic3A_11 = arith.constant 1.000000e+00 : f32
    %logistic3A_12 = vector.broadcast %logistic3A_11 : f32 to vector<512x64xf32>
    %logistic3A_13 = arith.addf %logistic3A_12, %logistic3A_10 : vector<512x64xf32>
    %logistic3A_14 = arith.divf %logistic3A_12, %logistic3A_13 : vector<512x64xf32>
    %mul3A = arith.mulf %add3A_9, %logistic3A_14 : vector<512x64xf32>
    %get3A_15 = arith.constant 0 : index
    %get3A_16 = arith.constant 0 : index
    %get3A_17 = vector.load %arg3[%get3A_15, %get3A_16] : memref<64x256xf32, #tpu.memory_space<vmem>>, vector<64x256xf32>
    %dot_general3A_18 = arith.constant dense<0.000000e+00> : vector<512x256xf32>
    %dot_general3A_19 = tpu.matmul %mul3A, %get3A_17, %dot_general3A_18 {dimension_numbers = #tpu.dot_dimension_numbers<[1], [0], [0], [1], [0, 0, 1, 1], [], []>, transpose_lhs_hint = false} : vector<512x64xf32>, vector<64x256xf32>, vector<512x256xf32> -> vector<512x256xf32>
    %get3A_20 = arith.constant 0 : index
    %get3A_21 = arith.constant 0 : index
    %get3A_22 = vector.load %arg4[%get3A_20, %get3A_21] : memref<1x256xf32, #tpu.memory_space<vmem>>, vector<1x256xf32>
    %add3A_23 = vector.broadcast %get3A_22 : vector<1x256xf32> to vector<512x256xf32>
    %add3A_24 = arith.addf %dot_general3A_19, %add3A_23 : vector<512x256xf32>
    %swap3A = arith.constant 0 : index
    %swap3A_25 = arith.constant 0 : index
    %swap3A_26 = vector.load %arg17[%swap3A, %swap3A_25] : memref<512x256xf32, #tpu.memory_space<vmem>>, vector<512x256xf32>
    tpu.vector_store %arg17[%swap3A, %swap3A_25], %add3A_24 {strides = array<i32>} : memref<512x256xf32, #tpu.memory_space<vmem>>, vector<512x256xf32>,
    %get3A_27 = arith.constant 0 : index
    %get3A_28 = arith.constant 0 : index
    %get3A_29 = vector.load %arg5[%get3A_27, %get3A_28] : memref<64x128xf32, #tpu.memory_space<vmem>>, vector<64x128xf32>
    %dot_general3A_30 = arith.constant dense<0.000000e+00> : vector<512x128xf32>
    %dot_general3A_31 = tpu.matmul %get3A_1, %get3A_29, %dot_general3A_30 {dimension_numbers = #tpu.dot_dimension_numbers<[1], [0], [0], [1], [0, 0, 1, 1], [], []>, transpose_lhs_hint = false} : vector<512x64xf32>, vector<64x128xf32>, vector<512x128xf32> -> vector<512x128xf32>
    %get3A_32 = arith.constant 0 : index
    %get3A_33 = arith.constant 0 : index
    %get3A_34 = vector.load %arg6[%get3A_32, %get3A_33] : memref<1x128xf32, #tpu.memory_space<vmem>>, vector<1x128xf32>
    %add3A_35 = vector.broadcast %get3A_34 : vector<1x128xf32> to vector<512x128xf32>
    %add3A_36 = arith.addf %dot_general3A_31, %add3A_35 : vector<512x128xf32>
    %swap3A_37 = arith.constant 0 : index
    %swap3A_38 = arith.constant 0 : index
    %swap3A_39 = vector.load %arg18[%swap3A_37, %swap3A_38] : memref<512x128xf32, #tpu.memory_space<vmem>>, vector<512x128xf32>
    tpu.vector_store %arg18[%swap3A_37, %swap3A_38], %add3A_36 {strides = array<i32>} : memref<512x128xf32, #tpu.memory_space<vmem>>, vector<512x128xf32>,
    %get3A_40 = arith.constant 0 : index
    %get3A_41 = arith.constant 0 : index
    %get3A_42 = vector.load %arg7[%get3A_40, %get3A_41] : memref<64x64xf32, #tpu.memory_space<vmem>>, vector<64x64xf32>
    %dot_general3A_43 = arith.constant dense<0.000000e+00> : vector<512x64xf32>
    %dot_general3A_44 = tpu.matmul %get3A_1, %get3A_42, %dot_general3A_43 {dimension_numbers = #tpu.dot_dimension_numbers<[1], [0], [0], [1], [0, 0, 1, 1], [], []>, transpose_lhs_hint = false} : vector<512x64xf32>, vector<64x64xf32>, vector<512x64xf32> -> vector<512x64xf32>
    %get3A_45 = arith.constant 0 : index
    %get3A_46 = arith.constant 0 : index
    %get3A_47 = vector.load %arg8[%get3A_45, %get3A_46] : memref<1x64xf32, #tpu.memory_space<vmem>>, vector<1x64xf32>
    %add3A_48 = vector.broadcast %get3A_47 : vector<1x64xf32> to vector<512x64xf32>
    %add3A_49 = arith.addf %dot_general3A_44, %add3A_48 : vector<512x64xf32>
    %logistic3A_50 = arith.negf %add3A_49 : vector<512x64xf32>
    %logistic3A_51 = math.exp %logistic3A_50 : vector<512x64xf32>
    %logistic3A_52 = arith.constant 1.000000e+00 : f32
    %logistic3A_53 = vector.broadcast %logistic3A_52 : f32 to vector<512x64xf32>
    %logistic3A_54 = arith.addf %logistic3A_53, %logistic3A_51 : vector<512x64xf32>
    %logistic3A_55 = arith.divf %logistic3A_53, %logistic3A_54 : vector<512x64xf32>
    %mul3A_56 = arith.mulf %add3A_49, %logistic3A_55 : vector<512x64xf32>
    %get3A_57 = arith.constant 0 : index
    %get3A_58 = arith.constant 0 : index
    %get3A_59 = vector.load %arg9[%get3A_57, %get3A_58] : memref<64x64xf32, #tpu.memory_space<vmem>>, vector<64x64xf32>
    %dot_general3A_60 = arith.constant dense<0.000000e+00> : vector<512x64xf32>
    %dot_general3A_61 = tpu.matmul %mul3A_56, %get3A_59, %dot_general3A_60 {dimension_numbers = #tpu.dot_dimension_numbers<[1], [0], [0], [1], [0, 0, 1, 1], [], []>, transpose_lhs_hint = false} : vector<512x64xf32>, vector<64x64xf32>, vector<512x64xf32> -> vector<512x64xf32>
    %get3A_62 = arith.constant 0 : index
    %get3A_63 = arith.constant 0 : index
    %get3A_64 = vector.load %arg10[%get3A_62, %get3A_63] : memref<1x64xf32, #tpu.memory_space<vmem>>, vector<1x64xf32>
    %add3A_65 = vector.broadcast %get3A_64 : vector<1x64xf32> to vector<512x64xf32>
    %add3A_66 = arith.addf %dot_general3A_61, %add3A_65 : vector<512x64xf32>
    %swap3A_67 = arith.constant 0 : index
    %swap3A_68 = arith.constant 0 : index
    %swap3A_69 = vector.load %arg19[%swap3A_67, %swap3A_68] : memref<512x64xf32, #tpu.memory_space<vmem>>, vector<512x64xf32>
    tpu.vector_store %arg19[%swap3A_67, %swap3A_68], %add3A_66 {strides = array<i32>} : memref<512x64xf32, #tpu.memory_space<vmem>>, vector<512x64xf32>,
    %get3A_70 = arith.constant 0 : index
    %get3A_71 = arith.constant 0 : index
    %get3A_72 = vector.load %arg11[%get3A_70, %get3A_71] : memref<64x64xf32, #tpu.memory_space<vmem>>, vector<64x64xf32>
    %dot_general3A_73 = arith.constant dense<0.000000e+00> : vector<512x64xf32>
    %dot_general3A_74 = tpu.matmul %get3A_1, %get3A_72, %dot_general3A_73 {dimension_numbers = #tpu.dot_dimension_numbers<[1], [0], [0], [1], [0, 0, 1, 1], [], []>, transpose_lhs_hint = false} : vector<512x64xf32>, vector<64x64xf32>, vector<512x64xf32> -> vector<512x64xf32>
    %get3A_75 = arith.constant 0 : index
    %get3A_76 = arith.constant 0 : index
    %get3A_77 = vector.load %arg12[%get3A_75, %get3A_76] : memref<1x64xf32, #tpu.memory_space<vmem>>, vector<1x64xf32>
    %add3A_78 = vector.broadcast %get3A_77 : vector<1x64xf32> to vector<512x64xf32>
    %add3A_79 = arith.addf %dot_general3A_74, %add3A_78 : vector<512x64xf32>
    %logistic3A_80 = arith.negf %add3A_79 : vector<512x64xf32>
    %logistic3A_81 = math.exp %logistic3A_80 : vector<512x64xf32>
    %logistic3A_82 = arith.constant 1.000000e+00 : f32
    %logistic3A_83 = vector.broadcast %logistic3A_82 : f32 to vector<512x64xf32>
    %logistic3A_84 = arith.addf %logistic3A_83, %logistic3A_81 : vector<512x64xf32>
    %logistic3A_85 = arith.divf %logistic3A_83, %logistic3A_84 : vector<512x64xf32>
    %mul3A_86 = arith.mulf %add3A_79, %logistic3A_85 : vector<512x64xf32>
    %get3A_87 = arith.constant 0 : index
    %get3A_88 = arith.constant 0 : index
    %get3A_89 = vector.load %arg13[%get3A_87, %get3A_88] : memref<64x64xf32, #tpu.memory_space<vmem>>, vector<64x64xf32>
    %dot_general3A_90 = arith.constant dense<0.000000e+00> : vector<512x64xf32>
    %dot_general3A_91 = tpu.matmul %mul3A_86, %get3A_89, %dot_general3A_90 {dimension_numbers = #tpu.dot_dimension_numbers<[1], [0], [0], [1], [0, 0, 1, 1], [], []>, transpose_lhs_hint = false} : vector<512x64xf32>, vector<64x64xf32>, vector<512x64xf32> -> vector<512x64xf32>
    %get3A_92 = arith.constant 0 : index
    %get3A_93 = arith.constant 0 : index
    %get3A_94 = vector.load %arg14[%get3A_92, %get3A_93] : memref<1x64xf32, #tpu.memory_space<vmem>>, vector<1x64xf32>
    %add3A_95 = vector.broadcast %get3A_94 : vector<1x64xf32> to vector<512x64xf32>
    %add3A_96 = arith.addf %dot_general3A_91, %add3A_95 : vector<512x64xf32>
    %swap3A_97 = arith.constant 0 : index
    %swap3A_98 = arith.constant 0 : index
    %swap3A_99 = vector.load %arg20[%swap3A_97, %swap3A_98] : memref<512x64xf32, #tpu.memory_space<vmem>>, vector<512x64xf32>
    tpu.vector_store %arg20[%swap3A_97, %swap3A_98], %add3A_96 {strides = array<i32>} : memref<512x64xf32, #tpu.memory_space<vmem>>, vector<512x64xf32>,
    %get3A_100 = arith.constant 0 : index
    %get3A_101 = arith.constant 0 : index
    %get3A_102 = vector.load %arg15[%get3A_100, %get3A_101] : memref<64x32xf32, #tpu.memory_space<vmem>>, vector<64x32xf32>
    %dot_general3A_103 = arith.constant dense<0.000000e+00> : vector<512x32xf32>
    %dot_general3A_104 = tpu.matmul %get3A_1, %get3A_102, %dot_general3A_103 {dimension_numbers = #tpu.dot_dimension_numbers<[1], [0], [0], [1], [0, 0, 1, 1], [], []>, transpose_lhs_hint = false} : vector<512x64xf32>, vector<64x32xf32>, vector<512x32xf32> -> vector<512x32xf32>
    %swap3A_105 = arith.constant 0 : index
    %swap3A_106 = arith.constant 0 : index
    %swap3A_107 = vector.load %arg21[%swap3A_105, %swap3A_106] : memref<512x32xf32, #tpu.memory_space<vmem>>, vector<512x32xf32>
    tpu.vector_store %arg21[%swap3A_105, %swap3A_106], %dot_general3A_104 {strides = array<i32>} : memref<512x32xf32, #tpu.memory_space<vmem>>, vector<512x32xf32>,
    %get3A_108 = arith.constant 0 : index
    %get3A_109 = arith.constant 0 : index
    %get3A_110 = vector.load %arg16[%get3A_108, %get3A_109] : memref<64x32xf32, #tpu.memory_space<vmem>>, vector<64x32xf32>
    %dot_general3A_111 = arith.constant dense<0.000000e+00> : vector<512x32xf32>
    %dot_general3A_112 = tpu.matmul %get3A_1, %get3A_110, %dot_general3A_111 {dimension_numbers = #tpu.dot_dimension_numbers<[1], [0], [0], [1], [0, 0, 1, 1], [], []>, transpose_lhs_hint = false} : vector<512x64xf32>, vector<64x32xf32>, vector<512x32xf32> -> vector<512x32xf32>
    %swap3A_113 = arith.constant 0 : index
    %swap3A_114 = arith.constant 0 : index
    %swap3A_115 = vector.load %arg22[%swap3A_113, %swap3A_114] : memref<512x32xf32, #tpu.memory_space<vmem>>, vector<512x32xf32>
    tpu.vector_store %arg22[%swap3A_113, %swap3A_114], %dot_general3A_112 {strides = array<i32>} : memref<512x32xf32, #tpu.memory_space<vmem>>, vector<512x32xf32>,
    return
  }
}

module attributes {stable_mosaic.version = 14 : i64} {
  func.func @_edge1_body(%arg0: i32, %arg1: memref<1x1x2048xi32, #tpu.memory_space<vmem>>, %arg2: memref<1x1x2048xi32, #tpu.memory_space<vmem>>, %arg3: memref<512x259xf32, #tpu.memory_space<vmem>>, %arg4: memref<512x131xf32, #tpu.memory_space<vmem>>, %arg5: memref<2048x128xf32, #tpu.memory_space<vmem>>, %arg6: memref<2048x128xf32, #tpu.memory_space<vmem>>, %arg7: memref<2048x128xf32, #tpu.memory_space<vmem>>, %arg8: memref<2048x128xf32, #tpu.memory_space<vmem>>, %arg9: memref<2048x32xf32, #tpu.memory_space<vmem>>, %arg10: memref<1x128xf32, #tpu.memory_space<vmem>>, %arg11: memref<1x128xf32, #tpu.memory_space<vmem>>, %arg12: memref<128x512xf32, #tpu.memory_space<vmem>>, %arg13: memref<1x512xf32, #tpu.memory_space<vmem>>, %arg14: memref<32x32xf32, #tpu.memory_space<vmem>>, %arg15: memref<1x32xf32, #tpu.memory_space<vmem>>, %arg16: memref<32x4xf32, #tpu.memory_space<vmem>>, %arg17: memref<1x4xf32, #tpu.memory_space<vmem>>, %arg18: memref<256x64xf32, #tpu.memory_space<vmem>>, %arg19: memref<1x64xf32, #tpu.memory_space<vmem>>, %arg20: memref<64x1xf32, #tpu.memory_space<vmem>>, %arg21: memref<1x1xf32, #tpu.memory_space<vmem>>, %arg22: memref<2048x256xf32, #tpu.memory_space<vmem>>, %arg23: memref<2048x8xf32, #tpu.memory_space<vmem>>, %arg24: memref<512x4xf32, #tpu.memory_space<vmem>>) attributes {dimension_semantics = [#tpu.dimension_semantics<arbitrary>], iteration_bounds = array<i64: 16>, scalar_prefetch = 0 : i64, scratch_operands = 0 : i64, tpu.core_type = #tpu.core_type<tc>, window_params = [{transform_indices = @transform_0, window_bounds = array<i64: 1, 1, 2048>}, {transform_indices = @transform_1, window_bounds = array<i64: 1, 1, 2048>}, {pipeline_mode = #tpu.pipeline_mode<synchronous>, transform_indices = @transform_2, window_bounds = array<i64: 512, 259>}, {pipeline_mode = #tpu.pipeline_mode<synchronous>, transform_indices = @transform_3, window_bounds = array<i64: 512, 131>}, {transform_indices = @transform_4, window_bounds = array<i64: 2048, 128>}, {transform_indices = @transform_5, window_bounds = array<i64: 2048, 128>}, {transform_indices = @transform_6, window_bounds = array<i64: 2048, 128>}, {transform_indices = @transform_7, window_bounds = array<i64: 2048, 128>}, {transform_indices = @transform_8, window_bounds = array<i64: 2048, 32>}, {pipeline_mode = #tpu.pipeline_mode<synchronous>, transform_indices = @transform_9, window_bounds = array<i64: 1, 128>}, {pipeline_mode = #tpu.pipeline_mode<synchronous>, transform_indices = @transform_10, window_bounds = array<i64: 1, 128>}, {pipeline_mode = #tpu.pipeline_mode<synchronous>, transform_indices = @transform_11, window_bounds = array<i64: 128, 512>}, {pipeline_mode = #tpu.pipeline_mode<synchronous>, transform_indices = @transform_12, window_bounds = array<i64: 1, 512>}, {pipeline_mode = #tpu.pipeline_mode<synchronous>, transform_indices = @transform_13, window_bounds = array<i64: 32, 32>}, {pipeline_mode = #tpu.pipeline_mode<synchronous>, transform_indices = @transform_14, window_bounds = array<i64: 1, 32>}, {pipeline_mode = #tpu.pipeline_mode<synchronous>, transform_indices = @transform_15, window_bounds = array<i64: 32, 4>}, {pipeline_mode = #tpu.pipeline_mode<synchronous>, transform_indices = @transform_16, window_bounds = array<i64: 1, 4>}, {pipeline_mode = #tpu.pipeline_mode<synchronous>, transform_indices = @transform_17, window_bounds = array<i64: 256, 64>}, {pipeline_mode = #tpu.pipeline_mode<synchronous>, transform_indices = @transform_18, window_bounds = array<i64: 1, 64>}, {pipeline_mode = #tpu.pipeline_mode<synchronous>, transform_indices = @transform_19, window_bounds = array<i64: 64, 1>}, {pipeline_mode = #tpu.pipeline_mode<synchronous>, transform_indices = @transform_20, window_bounds = array<i64: 1, 1>}, {transform_indices = @transform_21, window_bounds = array<i64: 2048, 256>}, {transform_indices = @transform_22, window_bounds = array<i64: 2048, 8>}, {pipeline_mode = #tpu.pipeline_mode<synchronous>, transform_indices = @transform_23, window_bounds = array<i64: 512, 4>}]} {
    %get3A = arith.constant 0 : index
    %get3A_0 = arith.constant 0 : index
    %get3A_1 = arith.constant 0 : index
    %get3A_2 = vector.load %arg1[%get3A, %get3A_0, %get3A_1] : memref<1x1x2048xi32, #tpu.memory_space<vmem>>, vector<1x1x2048xi32>
    %get3A_3 = vector.shape_cast %get3A_2 : vector<1x1x2048xi32> to vector<2048xi32>
    %get3A_4 = arith.constant 0 : index
    %get3A_5 = arith.constant 0 : index
    %get3A_6 = arith.constant 0 : index
    %get3A_7 = vector.load %arg2[%get3A_4, %get3A_5, %get3A_6] : memref<1x1x2048xi32, #tpu.memory_space<vmem>>, vector<1x1x2048xi32>
    %get3A_8 = vector.shape_cast %get3A_7 : vector<1x1x2048xi32> to vector<2048xi32>
    %iota3A = tpu.iota {dimensions = array<i32: 1>} : vector<2048x512xi32>
    %broadcast_in_dim3A = vector.shape_cast %get3A_3 : vector<2048xi32> to vector<2048x1xi32>
    %eq3A = vector.broadcast %broadcast_in_dim3A : vector<2048x1xi32> to vector<2048x512xi32>
    %eq3A_9 = arith.cmpi eq, %eq3A, %iota3A : vector<2048x512xi32>
    %convert_element_type3A = arith.extui %eq3A_9 : vector<2048x512xi1> to vector<2048x512xi32>
    %convert_element_type3A_10 = arith.sitofp %convert_element_type3A : vector<2048x512xi32> to vector<2048x512xf32>
    %broadcast_in_dim3A_11 = vector.shape_cast %get3A_8 : vector<2048xi32> to vector<2048x1xi32>
    %eq3A_12 = vector.broadcast %broadcast_in_dim3A_11 : vector<2048x1xi32> to vector<2048x512xi32>
    %eq3A_13 = arith.cmpi eq, %eq3A_12, %iota3A : vector<2048x512xi32>
    %convert_element_type3A_14 = arith.extui %eq3A_13 : vector<2048x512xi1> to vector<2048x512xi32>
    %convert_element_type3A_15 = arith.sitofp %convert_element_type3A_14 : vector<2048x512xi32> to vector<2048x512xf32>
    %get3A_16 = arith.constant 0 : index
    %get3A_17 = arith.constant 0 : index
    %get3A_18 = vector.load %arg3[%get3A_16, %get3A_17] : memref<512x259xf32, #tpu.memory_space<vmem>>, vector<512x259xf32>
    %dot_general3A = arith.constant dense<0.000000e+00> : vector<2048x259xf32>
    %dot_general3A_19 = tpu.matmul %convert_element_type3A_10, %get3A_18, %dot_general3A {dimension_numbers = #tpu.dot_dimension_numbers<[1], [0], [0], [1], [0, 0, 1, 1], [], []>, transpose_lhs_hint = false} : vector<2048x512xf32>, vector<512x259xf32>, vector<2048x259xf32> -> vector<2048x259xf32>
    %get3A_20 = arith.constant 0 : index
    %get3A_21 = arith.constant 0 : index
    %get3A_22 = vector.load %arg4[%get3A_20, %get3A_21] : memref<512x131xf32, #tpu.memory_space<vmem>>, vector<512x131xf32>
    %dot_general3A_23 = arith.constant dense<0.000000e+00> : vector<2048x131xf32>
    %dot_general3A_24 = tpu.matmul %convert_element_type3A_15, %get3A_22, %dot_general3A_23 {dimension_numbers = #tpu.dot_dimension_numbers<[1], [0], [0], [1], [0, 0, 1, 1], [], []>, transpose_lhs_hint = false} : vector<2048x512xf32>, vector<512x131xf32>, vector<2048x131xf32> -> vector<2048x131xf32>
    %slice3A = vector.extract_strided_slice %dot_general3A_19 {offsets = [0, 0], sizes = [2048, 3], strides = [1, 1]} : vector<2048x259xf32> to vector<2048x3xf32>
    %slice3A_25 = vector.extract_strided_slice %dot_general3A_19 {offsets = [0, 3], sizes = [2048, 256], strides = [1, 1]} : vector<2048x259xf32> to vector<2048x256xf32>
    %slice3A_26 = vector.extract_strided_slice %dot_general3A_24 {offsets = [0, 0], sizes = [2048, 3], strides = [1, 1]} : vector<2048x131xf32> to vector<2048x3xf32>
    %slice3A_27 = vector.extract_strided_slice %dot_general3A_24 {offsets = [0, 3], sizes = [2048, 128], strides = [1, 1]} : vector<2048x131xf32> to vector<2048x128xf32>
    %sub3A = arith.subf %slice3A, %slice3A_26 : vector<2048x3xf32>
    %mul3A = arith.mulf %sub3A, %sub3A : vector<2048x3xf32>
    %reduce_sum3A = arith.constant dense<0.000000e+00> : vector<2048xf32>
    %reduce_sum3A_28 = vector.multi_reduction <add>, %mul3A, %reduce_sum3A [1] : vector<2048x3xf32> to vector<2048xf32>
    %broadcast_in_dim3A_29 = vector.shape_cast %reduce_sum3A_28 : vector<2048xf32> to vector<2048x1xf32>
    %get3A_30 = arith.constant 0 : index
    %get3A_31 = arith.constant 0 : index
    %get3A_32 = vector.load %arg10[%get3A_30, %get3A_31] : memref<1x128xf32, #tpu.memory_space<vmem>>, vector<1x128xf32>
    %mul3A_33 = vector.broadcast %broadcast_in_dim3A_29 : vector<2048x1xf32> to vector<2048x128xf32>
    %mul3A_34 = vector.broadcast %get3A_32 : vector<1x128xf32> to vector<2048x128xf32>
    %mul3A_35 = arith.mulf %mul3A_33, %mul3A_34 : vector<2048x128xf32>
    %add3A = arith.addf %slice3A_27, %mul3A_35 : vector<2048x128xf32>
    %get3A_36 = arith.constant 0 : index
    %get3A_37 = arith.constant 0 : index
    %get3A_38 = vector.load %arg11[%get3A_36, %get3A_37] : memref<1x128xf32, #tpu.memory_space<vmem>>, vector<1x128xf32>
    %add3A_39 = vector.broadcast %get3A_38 : vector<1x128xf32> to vector<2048x128xf32>
    %add3A_40 = arith.addf %add3A, %add3A_39 : vector<2048x128xf32>
    %logistic3A = arith.negf %add3A_40 : vector<2048x128xf32>
    %logistic3A_41 = math.exp %logistic3A : vector<2048x128xf32>
    %logistic3A_42 = arith.constant 1.000000e+00 : f32
    %logistic3A_43 = vector.broadcast %logistic3A_42 : f32 to vector<2048x128xf32>
    %logistic3A_44 = arith.addf %logistic3A_43, %logistic3A_41 : vector<2048x128xf32>
    %logistic3A_45 = arith.divf %logistic3A_43, %logistic3A_44 : vector<2048x128xf32>
    %mul3A_46 = arith.mulf %add3A_40, %logistic3A_45 : vector<2048x128xf32>
    %get3A_47 = arith.constant 0 : index
    %get3A_48 = arith.constant 0 : index
    %get3A_49 = vector.load %arg12[%get3A_47, %get3A_48] : memref<128x512xf32, #tpu.memory_space<vmem>>, vector<128x512xf32>
    %dot_general3A_50 = arith.constant dense<0.000000e+00> : vector<2048x512xf32>
    %dot_general3A_51 = tpu.matmul %mul3A_46, %get3A_49, %dot_general3A_50 {dimension_numbers = #tpu.dot_dimension_numbers<[1], [0], [0], [1], [0, 0, 1, 1], [], []>, transpose_lhs_hint = false} : vector<2048x128xf32>, vector<128x512xf32>, vector<2048x512xf32> -> vector<2048x512xf32>
    %get3A_52 = arith.constant 0 : index
    %get3A_53 = arith.constant 0 : index
    %get3A_54 = vector.load %arg13[%get3A_52, %get3A_53] : memref<1x512xf32, #tpu.memory_space<vmem>>, vector<1x512xf32>
    %add3A_55 = vector.broadcast %get3A_54 : vector<1x512xf32> to vector<2048x512xf32>
    %add3A_56 = arith.addf %dot_general3A_51, %add3A_55 : vector<2048x512xf32>
    %slice3A_57 = vector.extract_strided_slice %add3A_56 {offsets = [0, 0], sizes = [2048, 256], strides = [1, 1]} : vector<2048x512xf32> to vector<2048x256xf32>
    %slice3A_58 = vector.extract_strided_slice %add3A_56 {offsets = [0, 256], sizes = [2048, 256], strides = [1, 1]} : vector<2048x512xf32> to vector<2048x256xf32>
    %mul3A_59 = arith.mulf %slice3A_25, %slice3A_57 : vector<2048x256xf32>
    %slice3A_60 = vector.extract_strided_slice %mul3A_59 {offsets = [0, 0], sizes = [2048, 64], strides = [1, 1]} : vector<2048x256xf32> to vector<2048x64xf32>
    %reduce_sum3A_61 = arith.constant dense<0.000000e+00> : vector<2048xf32>
    %reduce_sum3A_62 = vector.multi_reduction <add>, %slice3A_60, %reduce_sum3A_61 [1] : vector<2048x64xf32> to vector<2048xf32>
    %broadcast_in_dim3A_63 = vector.shape_cast %reduce_sum3A_62 : vector<2048xf32> to vector<2048x1xf32>
    %slice3A_64 = vector.extract_strided_slice %mul3A_59 {offsets = [0, 64], sizes = [2048, 64], strides = [1, 1]} : vector<2048x256xf32> to vector<2048x64xf32>
    %reduce_sum3A_65 = arith.constant dense<0.000000e+00> : vector<2048xf32>
    %reduce_sum3A_66 = vector.multi_reduction <add>, %slice3A_64, %reduce_sum3A_65 [1] : vector<2048x64xf32> to vector<2048xf32>
    %broadcast_in_dim3A_67 = vector.shape_cast %reduce_sum3A_66 : vector<2048xf32> to vector<2048x1xf32>
    %slice3A_68 = vector.extract_strided_slice %mul3A_59 {offsets = [0, 128], sizes = [2048, 64], strides = [1, 1]} : vector<2048x256xf32> to vector<2048x64xf32>
    %reduce_sum3A_69 = arith.constant dense<0.000000e+00> : vector<2048xf32>
    %reduce_sum3A_70 = vector.multi_reduction <add>, %slice3A_68, %reduce_sum3A_69 [1] : vector<2048x64xf32> to vector<2048xf32>
    %broadcast_in_dim3A_71 = vector.shape_cast %reduce_sum3A_70 : vector<2048xf32> to vector<2048x1xf32>
    %slice3A_72 = vector.extract_strided_slice %mul3A_59 {offsets = [0, 192], sizes = [2048, 64], strides = [1, 1]} : vector<2048x256xf32> to vector<2048x64xf32>
    %reduce_sum3A_73 = arith.constant dense<0.000000e+00> : vector<2048xf32>
    %reduce_sum3A_74 = vector.multi_reduction <add>, %slice3A_72, %reduce_sum3A_73 [1] : vector<2048x64xf32> to vector<2048xf32>
    %broadcast_in_dim3A_75 = vector.shape_cast %reduce_sum3A_74 : vector<2048xf32> to vector<2048x1xf32>
    %concatenate3A = tpu.concatenate %broadcast_in_dim3A_63, %broadcast_in_dim3A_67, %broadcast_in_dim3A_71, %broadcast_in_dim3A_75 in 1 : vector<2048x1xf32>, vector<2048x1xf32>, vector<2048x1xf32>, vector<2048x1xf32> -> vector<2048x4xf32>
    %mul3A_76 = arith.constant 1.250000e-01 : f32
    %mul3A_77 = vector.broadcast %mul3A_76 : f32 to vector<2048x4xf32>
    %mul3A_78 = arith.mulf %concatenate3A, %mul3A_77 : vector<2048x4xf32>
    %and3A = arith.constant 127 : i32
    %and3A_79 = vector.broadcast %and3A : i32 to vector<2048xi32>
    %and3A_80 = arith.andi %get3A_8, %and3A_79 : vector<2048xi32>
    %broadcast_in_dim3A_81 = vector.shape_cast %and3A_80 : vector<2048xi32> to vector<2048x1xi32>
    %iota3A_82 = tpu.iota {dimensions = array<i32: 1>} : vector<2048x128xi32>
    %eq3A_83 = vector.broadcast %broadcast_in_dim3A_81 : vector<2048x1xi32> to vector<2048x128xi32>
    %eq3A_84 = arith.cmpi eq, %eq3A_83, %iota3A_82 : vector<2048x128xi32>
    %convert_element_type3A_85 = arith.extui %eq3A_84 : vector<2048x128xi1> to vector<2048x128xi32>
    %convert_element_type3A_86 = arith.sitofp %convert_element_type3A_85 : vector<2048x128xi32> to vector<2048x128xf32>
    %get3A_87 = arith.constant 0 : index
    %get3A_88 = arith.constant 0 : index
    %get3A_89 = vector.load %arg5[%get3A_87, %get3A_88] : memref<2048x128xf32, #tpu.memory_space<vmem>>, vector<2048x128xf32>
    %mul3A_90 = arith.mulf %get3A_89, %convert_element_type3A_86 : vector<2048x128xf32>
    %reduce_sum3A_91 = arith.constant dense<0.000000e+00> : vector<2048xf32>
    %reduce_sum3A_92 = vector.multi_reduction <add>, %mul3A_90, %reduce_sum3A_91 [1] : vector<2048x128xf32> to vector<2048xf32>
    %broadcast_in_dim3A_93 = vector.shape_cast %reduce_sum3A_92 : vector<2048xf32> to vector<2048x1xf32>
    %get3A_94 = arith.constant 0 : index
    %get3A_95 = arith.constant 0 : index
    %get3A_96 = vector.load %arg6[%get3A_94, %get3A_95] : memref<2048x128xf32, #tpu.memory_space<vmem>>, vector<2048x128xf32>
    %mul3A_97 = arith.mulf %get3A_96, %convert_element_type3A_86 : vector<2048x128xf32>
    %reduce_sum3A_98 = arith.constant dense<0.000000e+00> : vector<2048xf32>
    %reduce_sum3A_99 = vector.multi_reduction <add>, %mul3A_97, %reduce_sum3A_98 [1] : vector<2048x128xf32> to vector<2048xf32>
    %broadcast_in_dim3A_100 = vector.shape_cast %reduce_sum3A_99 : vector<2048xf32> to vector<2048x1xf32>
    %get3A_101 = arith.constant 0 : index
    %get3A_102 = arith.constant 0 : index
    %get3A_103 = vector.load %arg7[%get3A_101, %get3A_102] : memref<2048x128xf32, #tpu.memory_space<vmem>>, vector<2048x128xf32>
    %mul3A_104 = arith.mulf %get3A_103, %convert_element_type3A_86 : vector<2048x128xf32>
    %reduce_sum3A_105 = arith.constant dense<0.000000e+00> : vector<2048xf32>
    %reduce_sum3A_106 = vector.multi_reduction <add>, %mul3A_104, %reduce_sum3A_105 [1] : vector<2048x128xf32> to vector<2048xf32>
    %broadcast_in_dim3A_107 = vector.shape_cast %reduce_sum3A_106 : vector<2048xf32> to vector<2048x1xf32>
    %get3A_108 = arith.constant 0 : index
    %get3A_109 = arith.constant 0 : index
    %get3A_110 = vector.load %arg8[%get3A_108, %get3A_109] : memref<2048x128xf32, #tpu.memory_space<vmem>>, vector<2048x128xf32>
    %mul3A_111 = arith.mulf %get3A_110, %convert_element_type3A_86 : vector<2048x128xf32>
    %reduce_sum3A_112 = arith.constant dense<0.000000e+00> : vector<2048xf32>
    %reduce_sum3A_113 = vector.multi_reduction <add>, %mul3A_111, %reduce_sum3A_112 [1] : vector<2048x128xf32> to vector<2048xf32>
    %broadcast_in_dim3A_114 = vector.shape_cast %reduce_sum3A_113 : vector<2048xf32> to vector<2048x1xf32>
    %concatenate3A_115 = tpu.concatenate %broadcast_in_dim3A_93, %broadcast_in_dim3A_100, %broadcast_in_dim3A_107, %broadcast_in_dim3A_114 in 1 : vector<2048x1xf32>, vector<2048x1xf32>, vector<2048x1xf32>, vector<2048x1xf32> -> vector<2048x4xf32>
    %add3A_116 = arith.addf %mul3A_78, %concatenate3A_115 : vector<2048x4xf32>
    %exp3A = math.exp %add3A_116 : vector<2048x4xf32>
    %get3A_117 = arith.constant 0 : index
    %get3A_118 = arith.constant 0 : index
    %get3A_119 = vector.load %arg9[%get3A_117, %get3A_118] : memref<2048x32xf32, #tpu.memory_space<vmem>>, vector<2048x32xf32>
    %get3A_120 = arith.constant 0 : index
    %get3A_121 = arith.constant 0 : index
    %get3A_122 = vector.load %arg14[%get3A_120, %get3A_121] : memref<32x32xf32, #tpu.memory_space<vmem>>, vector<32x32xf32>
    %dot_general3A_123 = arith.constant dense<0.000000e+00> : vector<2048x32xf32>
    %dot_general3A_124 = tpu.matmul %get3A_119, %get3A_122, %dot_general3A_123 {dimension_numbers = #tpu.dot_dimension_numbers<[1], [0], [0], [1], [0, 0, 1, 1], [], []>, transpose_lhs_hint = false} : vector<2048x32xf32>, vector<32x32xf32>, vector<2048x32xf32> -> vector<2048x32xf32>
    %get3A_125 = arith.constant 0 : index
    %get3A_126 = arith.constant 0 : index
    %get3A_127 = vector.load %arg15[%get3A_125, %get3A_126] : memref<1x32xf32, #tpu.memory_space<vmem>>, vector<1x32xf32>
    %add3A_128 = vector.broadcast %get3A_127 : vector<1x32xf32> to vector<2048x32xf32>
    %add3A_129 = arith.addf %dot_general3A_124, %add3A_128 : vector<2048x32xf32>
    %logistic3A_130 = arith.negf %add3A_129 : vector<2048x32xf32>
    %logistic3A_131 = math.exp %logistic3A_130 : vector<2048x32xf32>
    %logistic3A_132 = arith.constant 1.000000e+00 : f32
    %logistic3A_133 = vector.broadcast %logistic3A_132 : f32 to vector<2048x32xf32>
    %logistic3A_134 = arith.addf %logistic3A_133, %logistic3A_131 : vector<2048x32xf32>
    %logistic3A_135 = arith.divf %logistic3A_133, %logistic3A_134 : vector<2048x32xf32>
    %mul3A_136 = arith.mulf %add3A_129, %logistic3A_135 : vector<2048x32xf32>
    %get3A_137 = arith.constant 0 : index
    %get3A_138 = arith.constant 0 : index
    %get3A_139 = vector.load %arg16[%get3A_137, %get3A_138] : memref<32x4xf32, #tpu.memory_space<vmem>>, vector<32x4xf32>
    %dot_general3A_140 = arith.constant dense<0.000000e+00> : vector<2048x4xf32>
    %dot_general3A_141 = tpu.matmul %mul3A_136, %get3A_139, %dot_general3A_140 {dimension_numbers = #tpu.dot_dimension_numbers<[1], [0], [0], [1], [0, 0, 1, 1], [], []>, transpose_lhs_hint = false} : vector<2048x32xf32>, vector<32x4xf32>, vector<2048x4xf32> -> vector<2048x4xf32>
    %get3A_142 = arith.constant 0 : index
    %get3A_143 = arith.constant 0 : index
    %get3A_144 = vector.load %arg17[%get3A_142, %get3A_143] : memref<1x4xf32, #tpu.memory_space<vmem>>, vector<1x4xf32>
    %add3A_145 = vector.broadcast %get3A_144 : vector<1x4xf32> to vector<2048x4xf32>
    %add3A_146 = arith.addf %dot_general3A_141, %add3A_145 : vector<2048x4xf32>
    %logistic3A_147 = arith.negf %add3A_146 : vector<2048x4xf32>
    %logistic3A_148 = math.exp %logistic3A_147 : vector<2048x4xf32>
    %logistic3A_149 = arith.constant 1.000000e+00 : f32
    %logistic3A_150 = vector.broadcast %logistic3A_149 : f32 to vector<2048x4xf32>
    %logistic3A_151 = arith.addf %logistic3A_150, %logistic3A_148 : vector<2048x4xf32>
    %logistic3A_152 = arith.divf %logistic3A_150, %logistic3A_151 : vector<2048x4xf32>
    %get3A_153 = arith.constant 0 : index
    %get3A_154 = arith.constant 0 : index
    %get3A_155 = vector.load %arg18[%get3A_153, %get3A_154] : memref<256x64xf32, #tpu.memory_space<vmem>>, vector<256x64xf32>
    %dot_general3A_156 = arith.constant dense<0.000000e+00> : vector<2048x64xf32>
    %dot_general3A_157 = tpu.matmul %slice3A_58, %get3A_155, %dot_general3A_156 {dimension_numbers = #tpu.dot_dimension_numbers<[1], [0], [0], [1], [0, 0, 1, 1], [], []>, transpose_lhs_hint = false} : vector<2048x256xf32>, vector<256x64xf32>, vector<2048x64xf32> -> vector<2048x64xf32>
    %get3A_158 = arith.constant 0 : index
    %get3A_159 = arith.constant 0 : index
    %get3A_160 = vector.load %arg19[%get3A_158, %get3A_159] : memref<1x64xf32, #tpu.memory_space<vmem>>, vector<1x64xf32>
    %add3A_161 = vector.broadcast %get3A_160 : vector<1x64xf32> to vector<2048x64xf32>
    %add3A_162 = arith.addf %dot_general3A_157, %add3A_161 : vector<2048x64xf32>
    %logistic3A_163 = arith.negf %add3A_162 : vector<2048x64xf32>
    %logistic3A_164 = math.exp %logistic3A_163 : vector<2048x64xf32>
    %logistic3A_165 = arith.constant 1.000000e+00 : f32
    %logistic3A_166 = vector.broadcast %logistic3A_165 : f32 to vector<2048x64xf32>
    %logistic3A_167 = arith.addf %logistic3A_166, %logistic3A_164 : vector<2048x64xf32>
    %logistic3A_168 = arith.divf %logistic3A_166, %logistic3A_167 : vector<2048x64xf32>
    %mul3A_169 = arith.mulf %add3A_162, %logistic3A_168 : vector<2048x64xf32>
    %get3A_170 = arith.constant 0 : index
    %get3A_171 = arith.constant 0 : index
    %get3A_172 = vector.load %arg20[%get3A_170, %get3A_171] : memref<64x1xf32, #tpu.memory_space<vmem>>, vector<64x1xf32>
    %dot_general3A_173 = arith.constant dense<0.000000e+00> : vector<2048x1xf32>
    %dot_general3A_174 = tpu.matmul %mul3A_169, %get3A_172, %dot_general3A_173 {dimension_numbers = #tpu.dot_dimension_numbers<[1], [0], [0], [1], [0, 0, 1, 1], [], []>, transpose_lhs_hint = false} : vector<2048x64xf32>, vector<64x1xf32>, vector<2048x1xf32> -> vector<2048x1xf32>
    %get3A_175 = arith.constant 0 : index
    %get3A_176 = arith.constant 0 : index
    %get3A_177 = vector.load %arg21[%get3A_175, %get3A_176] : memref<1x1xf32, #tpu.memory_space<vmem>>, vector<1x1xf32>
    %add3A_178 = vector.broadcast %get3A_177 : vector<1x1xf32> to vector<2048x1xf32>
    %add3A_179 = arith.addf %dot_general3A_174, %add3A_178 : vector<2048x1xf32>
    %jit3A = arith.constant -1.000000e+01 : f32
    %jit3A_180 = arith.constant 1.000000e+01 : f32
    %max3A = vector.broadcast %jit3A : f32 to vector<2048x1xf32>
    %max3A_181 = arith.maximumf %max3A, %add3A_179 : vector<2048x1xf32>
    %min3A = vector.broadcast %jit3A_180 : f32 to vector<2048x1xf32>
    %min3A_182 = arith.minimumf %min3A, %max3A_181 : vector<2048x1xf32>
    %add3A_183 = arith.constant 9.99999993E-9 : f32
    %add3A_184 = vector.broadcast %add3A_183 : f32 to vector<2048x1xf32>
    %add3A_185 = arith.addf %broadcast_in_dim3A_29, %add3A_184 : vector<2048x1xf32>
    %sqrt3A = math.sqrt %add3A_185 : vector<2048x1xf32>
    %add3A_186 = arith.constant 1.000000e+00 : f32
    %add3A_187 = vector.broadcast %add3A_186 : f32 to vector<2048x1xf32>
    %add3A_188 = arith.addf %add3A_187, %sqrt3A : vector<2048x1xf32>
    %div3A = vector.broadcast %add3A_188 : vector<2048x1xf32> to vector<2048x3xf32>
    %div3A_189 = arith.divf %sub3A, %div3A : vector<2048x3xf32>
    %swap3A = arith.constant 0 : index
    %swap3A_190 = arith.constant 0 : index
    %swap3A_191 = vector.load %arg22[%swap3A, %swap3A_190] : memref<2048x256xf32, #tpu.memory_space<vmem>>, vector<2048x256xf32>
    tpu.vector_store %arg22[%swap3A, %swap3A_190], %slice3A_58 {strides = array<i32>} : memref<2048x256xf32, #tpu.memory_space<vmem>>, vector<2048x256xf32>,
    %mul3A_192 = arith.mulf %logistic3A_152, %exp3A : vector<2048x4xf32>
    %concatenate3A_193 = tpu.concatenate %mul3A_192, %div3A_189, %min3A_182 in 1 : vector<2048x4xf32>, vector<2048x3xf32>, vector<2048x1xf32> -> vector<2048x8xf32>
    %swap3A_194 = arith.constant 0 : index
    %swap3A_195 = arith.constant 0 : index
    %swap3A_196 = vector.load %arg23[%swap3A_194, %swap3A_195] : memref<2048x8xf32, #tpu.memory_space<vmem>>, vector<2048x8xf32>
    tpu.vector_store %arg23[%swap3A_194, %swap3A_195], %concatenate3A_193 {strides = array<i32>} : memref<2048x8xf32, #tpu.memory_space<vmem>>, vector<2048x8xf32>,
    %eq3A_197 = arith.constant 0 : i32
    %eq3A_198 = arith.cmpi eq, %arg0, %eq3A_197 : i32
    %convert_element_type3A_199 = arith.extui %eq3A_198 : i1 to i32
    %cond3A = arith.constant 0 : i32
    %cond3A_200 = arith.cmpi ne, %convert_element_type3A_199, %cond3A : i32
    scf.if %cond3A_200 {
      %broadcast_in_dim3A_210 = arith.constant 0.000000e+00 : f32
      %broadcast_in_dim3A_211 = vector.broadcast %broadcast_in_dim3A_210 : f32 to vector<512x4xf32>
      %swap3A_212 = arith.constant 0 : index
      %swap3A_213 = arith.constant 0 : index
      %swap3A_214 = vector.load %arg24[%swap3A_212, %swap3A_213] : memref<512x4xf32, #tpu.memory_space<vmem>>, vector<512x4xf32>
      tpu.vector_store %arg24[%swap3A_212, %swap3A_213], %broadcast_in_dim3A_211 {strides = array<i32>} : memref<512x4xf32, #tpu.memory_space<vmem>>, vector<512x4xf32>,
    } else {
    }
    %get3A_201 = arith.constant 0 : index
    %get3A_202 = arith.constant 0 : index
    %get3A_203 = vector.load %arg24[%get3A_201, %get3A_202] : memref<512x4xf32, #tpu.memory_space<vmem>>, vector<512x4xf32>
    %dot_general3A_204 = arith.constant dense<0.000000e+00> : vector<512x4xf32>
    %dot_general3A_205 = tpu.matmul %convert_element_type3A_10, %exp3A, %dot_general3A_204 {dimension_numbers = #tpu.dot_dimension_numbers<[0], [0], [1], [1], [0, 1, 1, 1], [], []>, transpose_lhs_hint = false} : vector<2048x512xf32>, vector<2048x4xf32>, vector<512x4xf32> -> vector<512x4xf32>
    %add3A_206 = arith.addf %get3A_203, %dot_general3A_205 : vector<512x4xf32>
    %swap3A_207 = arith.constant 0 : index
    %swap3A_208 = arith.constant 0 : index
    %swap3A_209 = vector.load %arg24[%swap3A_207, %swap3A_208] : memref<512x4xf32, #tpu.memory_space<vmem>>, vector<512x4xf32>
    tpu.vector_store %arg24[%swap3A_207, %swap3A_208], %add3A_206 {strides = array<i32>} : memref<512x4xf32, #tpu.memory_space<vmem>>, vector<512x4xf32>,
    return
  }
  func.func @transform_0(%arg0: i32) -> (i32, i32, i32) {
    %c0_i32 = arith.constant 0 : i32
    %c0_i32_0 = arith.constant 0 : i32
    %c0_i32_1 = arith.constant 0 : i32
    return %arg0, %c0_i32, %c0_i32_0 : i32, i32, i32
  }
  func.func @transform_1(%arg0: i32) -> (i32, i32, i32) {
    %c0_i32 = arith.constant 0 : i32
    %c0_i32_0 = arith.constant 0 : i32
    %c0_i32_1 = arith.constant 0 : i32
    return %arg0, %c0_i32, %c0_i32_0 : i32, i32, i32
  }
  func.func @transform_2(%arg0: i32) -> (i32, i32) {
    %c0_i32 = arith.constant 0 : i32
    %c0_i32_0 = arith.constant 0 : i32
    %c0_i32_1 = arith.constant 0 : i32
    return %c0_i32, %c0_i32_0 : i32, i32
  }
  func.func @transform_3(%arg0: i32) -> (i32, i32) {
    %c0_i32 = arith.constant 0 : i32
    %c0_i32_0 = arith.constant 0 : i32
    %c0_i32_1 = arith.constant 0 : i32
    return %c0_i32, %c0_i32_0 : i32, i32
  }
  func.func @transform_4(%arg0: i32) -> (i32, i32) {
    %c0_i32 = arith.constant 0 : i32
    %c0_i32_0 = arith.constant 0 : i32
    return %arg0, %c0_i32 : i32, i32
  }
  func.func @transform_5(%arg0: i32) -> (i32, i32) {
    %c0_i32 = arith.constant 0 : i32
    %c0_i32_0 = arith.constant 0 : i32
    return %arg0, %c0_i32 : i32, i32
  }
  func.func @transform_6(%arg0: i32) -> (i32, i32) {
    %c0_i32 = arith.constant 0 : i32
    %c0_i32_0 = arith.constant 0 : i32
    return %arg0, %c0_i32 : i32, i32
  }
  func.func @transform_7(%arg0: i32) -> (i32, i32) {
    %c0_i32 = arith.constant 0 : i32
    %c0_i32_0 = arith.constant 0 : i32
    return %arg0, %c0_i32 : i32, i32
  }
  func.func @transform_8(%arg0: i32) -> (i32, i32) {
    %c0_i32 = arith.constant 0 : i32
    %c0_i32_0 = arith.constant 0 : i32
    return %arg0, %c0_i32 : i32, i32
  }
  func.func @transform_9(%arg0: i32) -> (i32, i32) {
    %c0_i32 = arith.constant 0 : i32
    %c0_i32_0 = arith.constant 0 : i32
    %c0_i32_1 = arith.constant 0 : i32
    return %c0_i32, %c0_i32_0 : i32, i32
  }
  func.func @transform_10(%arg0: i32) -> (i32, i32) {
    %c0_i32 = arith.constant 0 : i32
    %c0_i32_0 = arith.constant 0 : i32
    %c0_i32_1 = arith.constant 0 : i32
    return %c0_i32, %c0_i32_0 : i32, i32
  }
  func.func @transform_11(%arg0: i32) -> (i32, i32) {
    %c0_i32 = arith.constant 0 : i32
    %c0_i32_0 = arith.constant 0 : i32
    %c0_i32_1 = arith.constant 0 : i32
    return %c0_i32, %c0_i32_0 : i32, i32
  }
  func.func @transform_12(%arg0: i32) -> (i32, i32) {
    %c0_i32 = arith.constant 0 : i32
    %c0_i32_0 = arith.constant 0 : i32
    %c0_i32_1 = arith.constant 0 : i32
    return %c0_i32, %c0_i32_0 : i32, i32
  }
  func.func @transform_13(%arg0: i32) -> (i32, i32) {
    %c0_i32 = arith.constant 0 : i32
    %c0_i32_0 = arith.constant 0 : i32
    %c0_i32_1 = arith.constant 0 : i32
    return %c0_i32, %c0_i32_0 : i32, i32
  }
  func.func @transform_14(%arg0: i32) -> (i32, i32) {
    %c0_i32 = arith.constant 0 : i32
    %c0_i32_0 = arith.constant 0 : i32
    %c0_i32_1 = arith.constant 0 : i32
    return %c0_i32, %c0_i32_0 : i32, i32
  }
  func.func @transform_15(%arg0: i32) -> (i32, i32) {
    %c0_i32 = arith.constant 0 : i32
    %c0_i32_0 = arith.constant 0 : i32
    %c0_i32_1 = arith.constant 0 : i32
    return %c0_i32, %c0_i32_0 : i32, i32
  }
  func.func @transform_16(%arg0: i32) -> (i32, i32) {
    %c0_i32 = arith.constant 0 : i32
    %c0_i32_0 = arith.constant 0 : i32
    %c0_i32_1 = arith.constant 0 : i32
    return %c0_i32, %c0_i32_0 : i32, i32
  }
  func.func @transform_17(%arg0: i32) -> (i32, i32) {
    %c0_i32 = arith.constant 0 : i32
    %c0_i32_0 = arith.constant 0 : i32
    %c0_i32_1 = arith.constant 0 : i32
    return %c0_i32, %c0_i32_0 : i32, i32
  }
  func.func @transform_18(%arg0: i32) -> (i32, i32) {
    %c0_i32 = arith.constant 0 : i32
    %c0_i32_0 = arith.constant 0 : i32
    %c0_i32_1 = arith.constant 0 : i32
    return %c0_i32, %c0_i32_0 : i32, i32
  }
  func.func @transform_19(%arg0: i32) -> (i32, i32) {
    %c0_i32 = arith.constant 0 : i32
    %c0_i32_0 = arith.constant 0 : i32
    %c0_i32_1 = arith.constant 0 : i32
    return %c0_i32, %c0_i32_0 : i32, i32
  }
  func.func @transform_20(%arg0: i32) -> (i32, i32) {
    %c0_i32 = arith.constant 0 : i32
    %c0_i32_0 = arith.constant 0 : i32
    %c0_i32_1 = arith.constant 0 : i32
    return %c0_i32, %c0_i32_0 : i32, i32
  }
  func.func @transform_21(%arg0: i32) -> (i32, i32) {
    %c0_i32 = arith.constant 0 : i32
    %c0_i32_0 = arith.constant 0 : i32
    return %arg0, %c0_i32 : i32, i32
  }
  func.func @transform_22(%arg0: i32) -> (i32, i32) {
    %c0_i32 = arith.constant 0 : i32
    %c0_i32_0 = arith.constant 0 : i32
    return %arg0, %c0_i32 : i32, i32
  }
  func.func @transform_23(%arg0: i32) -> (i32, i32) {
    %c0_i32 = arith.constant 0 : i32
    %c0_i32_0 = arith.constant 0 : i32
    %c0_i32_1 = arith.constant 0 : i32
    return %c0_i32, %c0_i32_0 : i32, i32
  }
}

module attributes {stable_mosaic.version = 14 : i64} {
  func.func @_edge2_body(%arg0: i32, %arg1: memref<1x1x2048xi32, #tpu.memory_space<vmem>>, %arg2: memref<1x1x2048xi32, #tpu.memory_space<vmem>>, %arg3: memref<512x4xf32, #tpu.memory_space<vmem>>, %arg4: memref<512x32xf32, #tpu.memory_space<vmem>>, %arg5: memref<512x32xf32, #tpu.memory_space<vmem>>, %arg6: memref<2048x256xf32, #tpu.memory_space<vmem>>, %arg7: memref<2048x8xf32, #tpu.memory_space<vmem>>, %arg8: memref<2048x32xf32, #tpu.memory_space<vmem>>, %arg9: memref<4x32xf32, #tpu.memory_space<vmem>>, %arg10: memref<3x32xf32, #tpu.memory_space<vmem>>, %arg11: memref<1x32xf32, #tpu.memory_space<vmem>>, %arg12: memref<32x32xf32, #tpu.memory_space<vmem>>, %arg13: memref<1x32xf32, #tpu.memory_space<vmem>>, %arg14: memref<2048x32xf32, #tpu.memory_space<vmem>>, %arg15: memref<512x260xf32, #tpu.memory_space<vmem>>) attributes {dimension_semantics = [#tpu.dimension_semantics<arbitrary>], iteration_bounds = array<i64: 16>, scalar_prefetch = 0 : i64, scratch_operands = 0 : i64, tpu.core_type = #tpu.core_type<tc>, window_params = [{transform_indices = @transform_0, window_bounds = array<i64: 1, 1, 2048>}, {transform_indices = @transform_1, window_bounds = array<i64: 1, 1, 2048>}, {pipeline_mode = #tpu.pipeline_mode<synchronous>, transform_indices = @transform_2, window_bounds = array<i64: 512, 4>}, {pipeline_mode = #tpu.pipeline_mode<synchronous>, transform_indices = @transform_3, window_bounds = array<i64: 512, 32>}, {pipeline_mode = #tpu.pipeline_mode<synchronous>, transform_indices = @transform_4, window_bounds = array<i64: 512, 32>}, {transform_indices = @transform_5, window_bounds = array<i64: 2048, 256>}, {transform_indices = @transform_6, window_bounds = array<i64: 2048, 8>}, {transform_indices = @transform_7, window_bounds = array<i64: 2048, 32>}, {pipeline_mode = #tpu.pipeline_mode<synchronous>, transform_indices = @transform_8, window_bounds = array<i64: 4, 32>}, {pipeline_mode = #tpu.pipeline_mode<synchronous>, transform_indices = @transform_9, window_bounds = array<i64: 3, 32>}, {pipeline_mode = #tpu.pipeline_mode<synchronous>, transform_indices = @transform_10, window_bounds = array<i64: 1, 32>}, {pipeline_mode = #tpu.pipeline_mode<synchronous>, transform_indices = @transform_11, window_bounds = array<i64: 32, 32>}, {pipeline_mode = #tpu.pipeline_mode<synchronous>, transform_indices = @transform_12, window_bounds = array<i64: 1, 32>}, {transform_indices = @transform_13, window_bounds = array<i64: 2048, 32>}, {pipeline_mode = #tpu.pipeline_mode<synchronous>, transform_indices = @transform_14, window_bounds = array<i64: 512, 260>}]} {
    %get3A = arith.constant 0 : index
    %get3A_0 = arith.constant 0 : index
    %get3A_1 = arith.constant 0 : index
    %get3A_2 = vector.load %arg1[%get3A, %get3A_0, %get3A_1] : memref<1x1x2048xi32, #tpu.memory_space<vmem>>, vector<1x1x2048xi32>
    %get3A_3 = vector.shape_cast %get3A_2 : vector<1x1x2048xi32> to vector<2048xi32>
    %get3A_4 = arith.constant 0 : index
    %get3A_5 = arith.constant 0 : index
    %get3A_6 = arith.constant 0 : index
    %get3A_7 = vector.load %arg2[%get3A_4, %get3A_5, %get3A_6] : memref<1x1x2048xi32, #tpu.memory_space<vmem>>, vector<1x1x2048xi32>
    %get3A_8 = vector.shape_cast %get3A_7 : vector<1x1x2048xi32> to vector<2048xi32>
    %iota3A = tpu.iota {dimensions = array<i32: 1>} : vector<2048x512xi32>
    %broadcast_in_dim3A = vector.shape_cast %get3A_3 : vector<2048xi32> to vector<2048x1xi32>
    %eq3A = vector.broadcast %broadcast_in_dim3A : vector<2048x1xi32> to vector<2048x512xi32>
    %eq3A_9 = arith.cmpi eq, %eq3A, %iota3A : vector<2048x512xi32>
    %convert_element_type3A = arith.extui %eq3A_9 : vector<2048x512xi1> to vector<2048x512xi32>
    %convert_element_type3A_10 = arith.sitofp %convert_element_type3A : vector<2048x512xi32> to vector<2048x512xf32>
    %broadcast_in_dim3A_11 = vector.shape_cast %get3A_8 : vector<2048xi32> to vector<2048x1xi32>
    %eq3A_12 = vector.broadcast %broadcast_in_dim3A_11 : vector<2048x1xi32> to vector<2048x512xi32>
    %eq3A_13 = arith.cmpi eq, %eq3A_12, %iota3A : vector<2048x512xi32>
    %convert_element_type3A_14 = arith.extui %eq3A_13 : vector<2048x512xi1> to vector<2048x512xi32>
    %convert_element_type3A_15 = arith.sitofp %convert_element_type3A_14 : vector<2048x512xi32> to vector<2048x512xf32>
    %get3A_16 = arith.constant 0 : index
    %get3A_17 = arith.constant 0 : index
    %get3A_18 = vector.load %arg3[%get3A_16, %get3A_17] : memref<512x4xf32, #tpu.memory_space<vmem>>, vector<512x4xf32>
    %add3A = arith.constant 1.000000e-16 : f32
    %add3A_19 = vector.broadcast %add3A : f32 to vector<512x4xf32>
    %add3A_20 = arith.addf %get3A_18, %add3A_19 : vector<512x4xf32>
    %div3A = arith.constant 1.000000e+00 : f32
    %div3A_21 = vector.broadcast %div3A : f32 to vector<512x4xf32>
    %div3A_22 = arith.divf %div3A_21, %add3A_20 : vector<512x4xf32>
    %get3A_23 = arith.constant 0 : index
    %get3A_24 = arith.constant 0 : index
    %get3A_25 = vector.load %arg7[%get3A_23, %get3A_24] : memref<2048x8xf32, #tpu.memory_space<vmem>>, vector<2048x8xf32>
    %slice3A = vector.extract_strided_slice %get3A_25 {offsets = [0, 0], sizes = [2048, 4], strides = [1, 1]} : vector<2048x8xf32> to vector<2048x4xf32>
    %slice3A_26 = vector.extract_strided_slice %get3A_25 {offsets = [0, 4], sizes = [2048, 3], strides = [1, 1]} : vector<2048x8xf32> to vector<2048x3xf32>
    %slice3A_27 = vector.extract_strided_slice %get3A_25 {offsets = [0, 7], sizes = [2048, 1], strides = [1, 1]} : vector<2048x8xf32> to vector<2048x1xf32>
    %dot_general3A = arith.constant dense<0.000000e+00> : vector<2048x4xf32>
    %dot_general3A_28 = tpu.matmul %convert_element_type3A_10, %div3A_22, %dot_general3A {dimension_numbers = #tpu.dot_dimension_numbers<[1], [0], [0], [1], [0, 0, 1, 1], [], []>, transpose_lhs_hint = false} : vector<2048x512xf32>, vector<512x4xf32>, vector<2048x4xf32> -> vector<2048x4xf32>
    %mul3A = arith.mulf %slice3A, %dot_general3A_28 : vector<2048x4xf32>
    %get3A_29 = arith.constant 0 : index
    %get3A_30 = arith.constant 0 : index
    %get3A_31 = vector.load %arg6[%get3A_29, %get3A_30] : memref<2048x256xf32, #tpu.memory_space<vmem>>, vector<2048x256xf32>
    %slice3A_32 = vector.extract_strided_slice %mul3A {offsets = [0, 0], sizes = [2048, 1], strides = [1, 1]} : vector<2048x4xf32> to vector<2048x1xf32>
    %slice3A_33 = vector.extract_strided_slice %get3A_31 {offsets = [0, 0], sizes = [2048, 64], strides = [1, 1]} : vector<2048x256xf32> to vector<2048x64xf32>
    %mul3A_34 = vector.broadcast %slice3A_32 : vector<2048x1xf32> to vector<2048x64xf32>
    %mul3A_35 = arith.mulf %mul3A_34, %slice3A_33 : vector<2048x64xf32>
    %slice3A_36 = vector.extract_strided_slice %mul3A {offsets = [0, 1], sizes = [2048, 1], strides = [1, 1]} : vector<2048x4xf32> to vector<2048x1xf32>
    %slice3A_37 = vector.extract_strided_slice %get3A_31 {offsets = [0, 64], sizes = [2048, 64], strides = [1, 1]} : vector<2048x256xf32> to vector<2048x64xf32>
    %mul3A_38 = vector.broadcast %slice3A_36 : vector<2048x1xf32> to vector<2048x64xf32>
    %mul3A_39 = arith.mulf %mul3A_38, %slice3A_37 : vector<2048x64xf32>
    %slice3A_40 = vector.extract_strided_slice %mul3A {offsets = [0, 2], sizes = [2048, 1], strides = [1, 1]} : vector<2048x4xf32> to vector<2048x1xf32>
    %slice3A_41 = vector.extract_strided_slice %get3A_31 {offsets = [0, 128], sizes = [2048, 64], strides = [1, 1]} : vector<2048x256xf32> to vector<2048x64xf32>
    %mul3A_42 = vector.broadcast %slice3A_40 : vector<2048x1xf32> to vector<2048x64xf32>
    %mul3A_43 = arith.mulf %mul3A_42, %slice3A_41 : vector<2048x64xf32>
    %slice3A_44 = vector.extract_strided_slice %mul3A {offsets = [0, 3], sizes = [2048, 1], strides = [1, 1]} : vector<2048x4xf32> to vector<2048x1xf32>
    %slice3A_45 = vector.extract_strided_slice %get3A_31 {offsets = [0, 192], sizes = [2048, 64], strides = [1, 1]} : vector<2048x256xf32> to vector<2048x64xf32>
    %mul3A_46 = vector.broadcast %slice3A_44 : vector<2048x1xf32> to vector<2048x64xf32>
    %mul3A_47 = arith.mulf %mul3A_46, %slice3A_45 : vector<2048x64xf32>
    %concatenate3A = tpu.concatenate %mul3A_35, %mul3A_39, %mul3A_43, %mul3A_47 in 1 : vector<2048x64xf32>, vector<2048x64xf32>, vector<2048x64xf32>, vector<2048x64xf32> -> vector<2048x256xf32>
    %reduce_sum3A = arith.constant dense<0.000000e+00> : vector<2048xf32>
    %reduce_sum3A_48 = vector.multi_reduction <add>, %mul3A, %reduce_sum3A [1] : vector<2048x4xf32> to vector<2048xf32>
    %broadcast_in_dim3A_49 = vector.shape_cast %reduce_sum3A_48 : vector<2048xf32> to vector<2048x1xf32>
    %mul3A_50 = arith.constant 2.500000e-01 : f32
    %mul3A_51 = vector.broadcast %mul3A_50 : f32 to vector<2048x1xf32>
    %mul3A_52 = arith.mulf %broadcast_in_dim3A_49, %mul3A_51 : vector<2048x1xf32>
    %mul3A_53 = vector.broadcast %mul3A_52 : vector<2048x1xf32> to vector<2048x3xf32>
    %mul3A_54 = arith.mulf %mul3A_53, %slice3A_26 : vector<2048x3xf32>
    %mul3A_55 = vector.broadcast %slice3A_27 : vector<2048x1xf32> to vector<2048x3xf32>
    %mul3A_56 = arith.mulf %mul3A_54, %mul3A_55 : vector<2048x3xf32>
    %concatenate3A_57 = tpu.concatenate %concatenate3A, %mul3A_56, %mul3A_52 in 1 : vector<2048x256xf32>, vector<2048x3xf32>, vector<2048x1xf32> -> vector<2048x260xf32>
    %eq3A_58 = arith.constant 0 : i32
    %eq3A_59 = arith.cmpi eq, %arg0, %eq3A_58 : i32
    %convert_element_type3A_60 = arith.extui %eq3A_59 : i1 to i32
    %cond3A = arith.constant 0 : i32
    %cond3A_61 = arith.cmpi ne, %convert_element_type3A_60, %cond3A : i32
    scf.if %cond3A_61 {
      %broadcast_in_dim3A_121 = arith.constant 0.000000e+00 : f32
      %broadcast_in_dim3A_122 = vector.broadcast %broadcast_in_dim3A_121 : f32 to vector<512x260xf32>
      %swap3A_123 = arith.constant 0 : index
      %swap3A_124 = arith.constant 0 : index
      %swap3A_125 = vector.load %arg15[%swap3A_123, %swap3A_124] : memref<512x260xf32, #tpu.memory_space<vmem>>, vector<512x260xf32>
      tpu.vector_store %arg15[%swap3A_123, %swap3A_124], %broadcast_in_dim3A_122 {strides = array<i32>} : memref<512x260xf32, #tpu.memory_space<vmem>>, vector<512x260xf32>,
    } else {
    }
    %get3A_62 = arith.constant 0 : index
    %get3A_63 = arith.constant 0 : index
    %get3A_64 = vector.load %arg15[%get3A_62, %get3A_63] : memref<512x260xf32, #tpu.memory_space<vmem>>, vector<512x260xf32>
    %dot_general3A_65 = arith.constant dense<0.000000e+00> : vector<512x260xf32>
    %dot_general3A_66 = tpu.matmul %convert_element_type3A_15, %concatenate3A_57, %dot_general3A_65 {dimension_numbers = #tpu.dot_dimension_numbers<[0], [0], [1], [1], [0, 1, 1, 1], [], []>, transpose_lhs_hint = false} : vector<2048x512xf32>, vector<2048x260xf32>, vector<512x260xf32> -> vector<512x260xf32>
    %add3A_67 = arith.addf %get3A_64, %dot_general3A_66 : vector<512x260xf32>
    %swap3A = arith.constant 0 : index
    %swap3A_68 = arith.constant 0 : index
    %swap3A_69 = vector.load %arg15[%swap3A, %swap3A_68] : memref<512x260xf32, #tpu.memory_space<vmem>>, vector<512x260xf32>
    tpu.vector_store %arg15[%swap3A, %swap3A_68], %add3A_67 {strides = array<i32>} : memref<512x260xf32, #tpu.memory_space<vmem>>, vector<512x260xf32>,
    %get3A_70 = arith.constant 0 : index
    %get3A_71 = arith.constant 0 : index
    %get3A_72 = vector.load %arg9[%get3A_70, %get3A_71] : memref<4x32xf32, #tpu.memory_space<vmem>>, vector<4x32xf32>
    %dot_general3A_73 = arith.constant dense<0.000000e+00> : vector<2048x32xf32>
    %dot_general3A_74 = tpu.matmul %mul3A, %get3A_72, %dot_general3A_73 {dimension_numbers = #tpu.dot_dimension_numbers<[1], [0], [0], [1], [0, 0, 1, 1], [], []>, transpose_lhs_hint = false} : vector<2048x4xf32>, vector<4x32xf32>, vector<2048x32xf32> -> vector<2048x32xf32>
    %get3A_75 = arith.constant 0 : index
    %get3A_76 = arith.constant 0 : index
    %get3A_77 = vector.load %arg10[%get3A_75, %get3A_76] : memref<3x32xf32, #tpu.memory_space<vmem>>, vector<3x32xf32>
    %dot_general3A_78 = arith.constant dense<0.000000e+00> : vector<2048x32xf32>
    %dot_general3A_79 = tpu.matmul %slice3A_26, %get3A_77, %dot_general3A_78 {dimension_numbers = #tpu.dot_dimension_numbers<[1], [0], [0], [1], [0, 0, 1, 1], [], []>, transpose_lhs_hint = false} : vector<2048x3xf32>, vector<3x32xf32>, vector<2048x32xf32> -> vector<2048x32xf32>
    %add3A_80 = arith.addf %dot_general3A_74, %dot_general3A_79 : vector<2048x32xf32>
    %get3A_81 = arith.constant 0 : index
    %get3A_82 = arith.constant 0 : index
    %get3A_83 = vector.load %arg4[%get3A_81, %get3A_82] : memref<512x32xf32, #tpu.memory_space<vmem>>, vector<512x32xf32>
    %dot_general3A_84 = arith.constant dense<0.000000e+00> : vector<2048x32xf32>
    %dot_general3A_85 = tpu.matmul %convert_element_type3A_10, %get3A_83, %dot_general3A_84 {dimension_numbers = #tpu.dot_dimension_numbers<[1], [0], [0], [1], [0, 0, 1, 1], [], []>, transpose_lhs_hint = false} : vector<2048x512xf32>, vector<512x32xf32>, vector<2048x32xf32> -> vector<2048x32xf32>
    %add3A_86 = arith.addf %add3A_80, %dot_general3A_85 : vector<2048x32xf32>
    %get3A_87 = arith.constant 0 : index
    %get3A_88 = arith.constant 0 : index
    %get3A_89 = vector.load %arg5[%get3A_87, %get3A_88] : memref<512x32xf32, #tpu.memory_space<vmem>>, vector<512x32xf32>
    %dot_general3A_90 = arith.constant dense<0.000000e+00> : vector<2048x32xf32>
    %dot_general3A_91 = tpu.matmul %convert_element_type3A_15, %get3A_89, %dot_general3A_90 {dimension_numbers = #tpu.dot_dimension_numbers<[1], [0], [0], [1], [0, 0, 1, 1], [], []>, transpose_lhs_hint = false} : vector<2048x512xf32>, vector<512x32xf32>, vector<2048x32xf32> -> vector<2048x32xf32>
    %add3A_92 = arith.addf %add3A_86, %dot_general3A_91 : vector<2048x32xf32>
    %get3A_93 = arith.constant 0 : index
    %get3A_94 = arith.constant 0 : index
    %get3A_95 = vector.load %arg11[%get3A_93, %get3A_94] : memref<1x32xf32, #tpu.memory_space<vmem>>, vector<1x32xf32>
    %add3A_96 = vector.broadcast %get3A_95 : vector<1x32xf32> to vector<2048x32xf32>
    %add3A_97 = arith.addf %add3A_92, %add3A_96 : vector<2048x32xf32>
    %logistic3A = arith.negf %add3A_97 : vector<2048x32xf32>
    %logistic3A_98 = math.exp %logistic3A : vector<2048x32xf32>
    %logistic3A_99 = arith.constant 1.000000e+00 : f32
    %logistic3A_100 = vector.broadcast %logistic3A_99 : f32 to vector<2048x32xf32>
    %logistic3A_101 = arith.addf %logistic3A_100, %logistic3A_98 : vector<2048x32xf32>
    %logistic3A_102 = arith.divf %logistic3A_100, %logistic3A_101 : vector<2048x32xf32>
    %mul3A_103 = arith.mulf %add3A_97, %logistic3A_102 : vector<2048x32xf32>
    %get3A_104 = arith.constant 0 : index
    %get3A_105 = arith.constant 0 : index
    %get3A_106 = vector.load %arg8[%get3A_104, %get3A_105] : memref<2048x32xf32, #tpu.memory_space<vmem>>, vector<2048x32xf32>
    %get3A_107 = arith.constant 0 : index
    %get3A_108 = arith.constant 0 : index
    %get3A_109 = vector.load %arg12[%get3A_107, %get3A_108] : memref<32x32xf32, #tpu.memory_space<vmem>>, vector<32x32xf32>
    %dot_general3A_110 = arith.constant dense<0.000000e+00> : vector<2048x32xf32>
    %dot_general3A_111 = tpu.matmul %mul3A_103, %get3A_109, %dot_general3A_110 {dimension_numbers = #tpu.dot_dimension_numbers<[1], [0], [0], [1], [0, 0, 1, 1], [], []>, transpose_lhs_hint = false} : vector<2048x32xf32>, vector<32x32xf32>, vector<2048x32xf32> -> vector<2048x32xf32>
    %add3A_112 = arith.addf %get3A_106, %dot_general3A_111 : vector<2048x32xf32>
    %get3A_113 = arith.constant 0 : index
    %get3A_114 = arith.constant 0 : index
    %get3A_115 = vector.load %arg13[%get3A_113, %get3A_114] : memref<1x32xf32, #tpu.memory_space<vmem>>, vector<1x32xf32>
    %add3A_116 = vector.broadcast %get3A_115 : vector<1x32xf32> to vector<2048x32xf32>
    %add3A_117 = arith.addf %add3A_112, %add3A_116 : vector<2048x32xf32>
    %swap3A_118 = arith.constant 0 : index
    %swap3A_119 = arith.constant 0 : index
    %swap3A_120 = vector.load %arg14[%swap3A_118, %swap3A_119] : memref<2048x32xf32, #tpu.memory_space<vmem>>, vector<2048x32xf32>
    tpu.vector_store %arg14[%swap3A_118, %swap3A_119], %add3A_117 {strides = array<i32>} : memref<2048x32xf32, #tpu.memory_space<vmem>>, vector<2048x32xf32>,
    return
  }
  func.func @transform_0(%arg0: i32) -> (i32, i32, i32) {
    %c0_i32 = arith.constant 0 : i32
    %c0_i32_0 = arith.constant 0 : i32
    %c0_i32_1 = arith.constant 0 : i32
    return %arg0, %c0_i32, %c0_i32_0 : i32, i32, i32
  }
  func.func @transform_1(%arg0: i32) -> (i32, i32, i32) {
    %c0_i32 = arith.constant 0 : i32
    %c0_i32_0 = arith.constant 0 : i32
    %c0_i32_1 = arith.constant 0 : i32
    return %arg0, %c0_i32, %c0_i32_0 : i32, i32, i32
  }
  func.func @transform_2(%arg0: i32) -> (i32, i32) {
    %c0_i32 = arith.constant 0 : i32
    %c0_i32_0 = arith.constant 0 : i32
    %c0_i32_1 = arith.constant 0 : i32
    return %c0_i32, %c0_i32_0 : i32, i32
  }
  func.func @transform_3(%arg0: i32) -> (i32, i32) {
    %c0_i32 = arith.constant 0 : i32
    %c0_i32_0 = arith.constant 0 : i32
    %c0_i32_1 = arith.constant 0 : i32
    return %c0_i32, %c0_i32_0 : i32, i32
  }
  func.func @transform_4(%arg0: i32) -> (i32, i32) {
    %c0_i32 = arith.constant 0 : i32
    %c0_i32_0 = arith.constant 0 : i32
    %c0_i32_1 = arith.constant 0 : i32
    return %c0_i32, %c0_i32_0 : i32, i32
  }
  func.func @transform_5(%arg0: i32) -> (i32, i32) {
    %c0_i32 = arith.constant 0 : i32
    %c0_i32_0 = arith.constant 0 : i32
    return %arg0, %c0_i32 : i32, i32
  }
  func.func @transform_6(%arg0: i32) -> (i32, i32) {
    %c0_i32 = arith.constant 0 : i32
    %c0_i32_0 = arith.constant 0 : i32
    return %arg0, %c0_i32 : i32, i32
  }
  func.func @transform_7(%arg0: i32) -> (i32, i32) {
    %c0_i32 = arith.constant 0 : i32
    %c0_i32_0 = arith.constant 0 : i32
    return %arg0, %c0_i32 : i32, i32
  }
  func.func @transform_8(%arg0: i32) -> (i32, i32) {
    %c0_i32 = arith.constant 0 : i32
    %c0_i32_0 = arith.constant 0 : i32
    %c0_i32_1 = arith.constant 0 : i32
    return %c0_i32, %c0_i32_0 : i32, i32
  }
  func.func @transform_9(%arg0: i32) -> (i32, i32) {
    %c0_i32 = arith.constant 0 : i32
    %c0_i32_0 = arith.constant 0 : i32
    %c0_i32_1 = arith.constant 0 : i32
    return %c0_i32, %c0_i32_0 : i32, i32
  }
  func.func @transform_10(%arg0: i32) -> (i32, i32) {
    %c0_i32 = arith.constant 0 : i32
    %c0_i32_0 = arith.constant 0 : i32
    %c0_i32_1 = arith.constant 0 : i32
    return %c0_i32, %c0_i32_0 : i32, i32
  }
  func.func @transform_11(%arg0: i32) -> (i32, i32) {
    %c0_i32 = arith.constant 0 : i32
    %c0_i32_0 = arith.constant 0 : i32
    %c0_i32_1 = arith.constant 0 : i32
    return %c0_i32, %c0_i32_0 : i32, i32
  }
  func.func @transform_12(%arg0: i32) -> (i32, i32) {
    %c0_i32 = arith.constant 0 : i32
    %c0_i32_0 = arith.constant 0 : i32
    %c0_i32_1 = arith.constant 0 : i32
    return %c0_i32, %c0_i32_0 : i32, i32
  }
  func.func @transform_13(%arg0: i32) -> (i32, i32) {
    %c0_i32 = arith.constant 0 : i32
    %c0_i32_0 = arith.constant 0 : i32
    return %arg0, %c0_i32 : i32, i32
  }
  func.func @transform_14(%arg0: i32) -> (i32, i32) {
    %c0_i32 = arith.constant 0 : i32
    %c0_i32_0 = arith.constant 0 : i32
    %c0_i32_1 = arith.constant 0 : i32
    return %c0_i32, %c0_i32_0 : i32, i32
  }
}

module attributes {stable_mosaic.version = 14 : i64} {
  func.func @_final_body(%arg0: memref<512x64xf32, #tpu.memory_space<vmem>>, %arg1: memref<512x3xf32, #tpu.memory_space<vmem>>, %arg2: memref<512x256xf32, #tpu.memory_space<vmem>>, %arg3: memref<512x3xf32, #tpu.memory_space<vmem>>, %arg4: memref<256x64xf32, #tpu.memory_space<vmem>>, %arg5: memref<1x64xf32, #tpu.memory_space<vmem>>, %arg6: memref<64x64xf32, #tpu.memory_space<vmem>>, %arg7: memref<1x64xf32, #tpu.memory_space<vmem>>, %arg8: memref<512x64xf32, #tpu.memory_space<vmem>>, %arg9: memref<512x3xf32, #tpu.memory_space<vmem>>) attributes {dimension_semantics = [], scalar_prefetch = 0 : i64, scratch_operands = 0 : i64, tpu.core_type = #tpu.core_type<tc>} {
    %get3A = arith.constant 0 : index
    %get3A_0 = arith.constant 0 : index
    %get3A_1 = vector.load %arg2[%get3A, %get3A_0] : memref<512x256xf32, #tpu.memory_space<vmem>>, vector<512x256xf32>
    %get3A_2 = arith.constant 0 : index
    %get3A_3 = arith.constant 0 : index
    %get3A_4 = vector.load %arg4[%get3A_2, %get3A_3] : memref<256x64xf32, #tpu.memory_space<vmem>>, vector<256x64xf32>
    %dot_general3A = arith.constant dense<0.000000e+00> : vector<512x64xf32>
    %dot_general3A_5 = tpu.matmul %get3A_1, %get3A_4, %dot_general3A {dimension_numbers = #tpu.dot_dimension_numbers<[1], [0], [0], [1], [0, 0, 1, 1], [], []>, transpose_lhs_hint = false} : vector<512x256xf32>, vector<256x64xf32>, vector<512x64xf32> -> vector<512x64xf32>
    %get3A_6 = arith.constant 0 : index
    %get3A_7 = arith.constant 0 : index
    %get3A_8 = vector.load %arg5[%get3A_6, %get3A_7] : memref<1x64xf32, #tpu.memory_space<vmem>>, vector<1x64xf32>
    %add3A = vector.broadcast %get3A_8 : vector<1x64xf32> to vector<512x64xf32>
    %add3A_9 = arith.addf %dot_general3A_5, %add3A : vector<512x64xf32>
    %logistic3A = arith.negf %add3A_9 : vector<512x64xf32>
    %logistic3A_10 = math.exp %logistic3A : vector<512x64xf32>
    %logistic3A_11 = arith.constant 1.000000e+00 : f32
    %logistic3A_12 = vector.broadcast %logistic3A_11 : f32 to vector<512x64xf32>
    %logistic3A_13 = arith.addf %logistic3A_12, %logistic3A_10 : vector<512x64xf32>
    %logistic3A_14 = arith.divf %logistic3A_12, %logistic3A_13 : vector<512x64xf32>
    %mul3A = arith.mulf %add3A_9, %logistic3A_14 : vector<512x64xf32>
    %get3A_15 = arith.constant 0 : index
    %get3A_16 = arith.constant 0 : index
    %get3A_17 = vector.load %arg0[%get3A_15, %get3A_16] : memref<512x64xf32, #tpu.memory_space<vmem>>, vector<512x64xf32>
    %get3A_18 = arith.constant 0 : index
    %get3A_19 = arith.constant 0 : index
    %get3A_20 = vector.load %arg6[%get3A_18, %get3A_19] : memref<64x64xf32, #tpu.memory_space<vmem>>, vector<64x64xf32>
    %dot_general3A_21 = arith.constant dense<0.000000e+00> : vector<512x64xf32>
    %dot_general3A_22 = tpu.matmul %mul3A, %get3A_20, %dot_general3A_21 {dimension_numbers = #tpu.dot_dimension_numbers<[1], [0], [0], [1], [0, 0, 1, 1], [], []>, transpose_lhs_hint = false} : vector<512x64xf32>, vector<64x64xf32>, vector<512x64xf32> -> vector<512x64xf32>
    %add3A_23 = arith.addf %get3A_17, %dot_general3A_22 : vector<512x64xf32>
    %get3A_24 = arith.constant 0 : index
    %get3A_25 = arith.constant 0 : index
    %get3A_26 = vector.load %arg7[%get3A_24, %get3A_25] : memref<1x64xf32, #tpu.memory_space<vmem>>, vector<1x64xf32>
    %add3A_27 = vector.broadcast %get3A_26 : vector<1x64xf32> to vector<512x64xf32>
    %add3A_28 = arith.addf %add3A_23, %add3A_27 : vector<512x64xf32>
    %swap3A = arith.constant 0 : index
    %swap3A_29 = arith.constant 0 : index
    %swap3A_30 = vector.load %arg8[%swap3A, %swap3A_29] : memref<512x64xf32, #tpu.memory_space<vmem>>, vector<512x64xf32>
    tpu.vector_store %arg8[%swap3A, %swap3A_29], %add3A_28 {strides = array<i32>} : memref<512x64xf32, #tpu.memory_space<vmem>>, vector<512x64xf32>,
    %get3A_31 = arith.constant 0 : index
    %get3A_32 = arith.constant 0 : index
    %get3A_33 = vector.load %arg1[%get3A_31, %get3A_32] : memref<512x3xf32, #tpu.memory_space<vmem>>, vector<512x3xf32>
    %get3A_34 = arith.constant 0 : index
    %get3A_35 = arith.constant 0 : index
    %get3A_36 = vector.load %arg3[%get3A_34, %get3A_35] : memref<512x3xf32, #tpu.memory_space<vmem>>, vector<512x3xf32>
    %add3A_37 = arith.addf %get3A_33, %get3A_36 : vector<512x3xf32>
    %swap3A_38 = arith.constant 0 : index
    %swap3A_39 = arith.constant 0 : index
    %swap3A_40 = vector.load %arg9[%swap3A_38, %swap3A_39] : memref<512x3xf32, #tpu.memory_space<vmem>>, vector<512x3xf32>
    tpu.vector_store %arg9[%swap3A_38, %swap3A_39], %add3A_37 {strides = array<i32>} : memref<512x3xf32, #tpu.memory_space<vmem>>, vector<512x3xf32>,
    return
  }
}

module attributes {stable_mosaic.version = 14 : i64} {
  func.func @_z_body(%arg0: i32, %arg1: memref<32x64x512xf32, #tpu.memory_space<vmem>>, %arg2: memref<32x64xf32, #tpu.memory_space<vmem>>, %arg3: memref<512x64xf32, #tpu.memory_space<vmem>>, %arg4: memref<512x1xf32, #tpu.memory_space<vmem>>, %arg5: memref<64x64xf32, #tpu.memory_space<vmem>>, %arg6: memref<1x64xf32, #tpu.memory_space<vmem>>, %arg7: memref<64x64xf32, #tpu.memory_space<vmem>>, %arg8: memref<1x64xf32, #tpu.memory_space<vmem>>, %arg9: memref<32x64x512xf32, #tpu.memory_space<vmem>>) attributes {dimension_semantics = [#tpu.dimension_semantics<arbitrary>], iteration_bounds = array<i64: 16>, scalar_prefetch = 0 : i64, scratch_operands = 0 : i64, tpu.core_type = #tpu.core_type<tc>, window_params = [{transform_indices = @transform_0, window_bounds = array<i64: 32, 64, 512>}, {transform_indices = @transform_1, window_bounds = array<i64: 32, 64>}, {pipeline_mode = #tpu.pipeline_mode<synchronous>, transform_indices = @transform_2, window_bounds = array<i64: 512, 64>}, {pipeline_mode = #tpu.pipeline_mode<synchronous>, transform_indices = @transform_3, window_bounds = array<i64: 512, 1>}, {pipeline_mode = #tpu.pipeline_mode<synchronous>, transform_indices = @transform_4, window_bounds = array<i64: 64, 64>}, {pipeline_mode = #tpu.pipeline_mode<synchronous>, transform_indices = @transform_5, window_bounds = array<i64: 1, 64>}, {pipeline_mode = #tpu.pipeline_mode<synchronous>, transform_indices = @transform_6, window_bounds = array<i64: 64, 64>}, {pipeline_mode = #tpu.pipeline_mode<synchronous>, transform_indices = @transform_7, window_bounds = array<i64: 1, 64>}, {transform_indices = @transform_8, window_bounds = array<i64: 32, 64, 512>}]} {
    %get3A = arith.constant 0 : index
    %get3A_0 = arith.constant 0 : index
    %get3A_1 = vector.load %arg4[%get3A, %get3A_0] : memref<512x1xf32, #tpu.memory_space<vmem>>, vector<512x1xf32>
    %get3A_2 = arith.constant 0 : index
    %get3A_3 = arith.constant 0 : index
    %get3A_4 = vector.load %arg3[%get3A_2, %get3A_3] : memref<512x64xf32, #tpu.memory_space<vmem>>, vector<512x64xf32>
    %mul3A = vector.broadcast %get3A_1 : vector<512x1xf32> to vector<512x64xf32>
    %mul3A_5 = arith.mulf %mul3A, %get3A_4 : vector<512x64xf32>
    %get3A_6 = arith.constant 0 : index
    %get3A_7 = arith.constant 0 : index
    %get3A_8 = vector.load %arg2[%get3A_6, %get3A_7] : memref<32x64xf32, #tpu.memory_space<vmem>>, vector<32x64xf32>
    %broadcast_in_dim3A = vector.shape_cast %get3A_8 : vector<32x64xf32> to vector<32x1x64xf32>
    %broadcast_in_dim3A_9 = vector.shape_cast %mul3A_5 : vector<512x64xf32> to vector<1x512x64xf32>
    %mul3A_10 = vector.broadcast %broadcast_in_dim3A : vector<32x1x64xf32> to vector<32x512x64xf32>
    %mul3A_11 = vector.broadcast %broadcast_in_dim3A_9 : vector<1x512x64xf32> to vector<32x512x64xf32>
    %mul3A_12 = arith.mulf %mul3A_10, %mul3A_11 : vector<32x512x64xf32>
    %reshape3A = vector.shape_cast %mul3A_12 : vector<32x512x64xf32> to vector<16384x64xf32>
    %get3A_13 = arith.constant 0 : index
    %get3A_14 = arith.constant 0 : index
    %get3A_15 = vector.load %arg5[%get3A_13, %get3A_14] : memref<64x64xf32, #tpu.memory_space<vmem>>, vector<64x64xf32>
    %dot_general3A = arith.constant dense<0.000000e+00> : vector<16384x64xf32>
    %dot_general3A_16 = tpu.matmul %reshape3A, %get3A_15, %dot_general3A {dimension_numbers = #tpu.dot_dimension_numbers<[1], [0], [0], [1], [0, 0, 1, 1], [], []>, transpose_lhs_hint = false} : vector<16384x64xf32>, vector<64x64xf32>, vector<16384x64xf32> -> vector<16384x64xf32>
    %get3A_17 = arith.constant 0 : index
    %get3A_18 = arith.constant 0 : index
    %get3A_19 = vector.load %arg6[%get3A_17, %get3A_18] : memref<1x64xf32, #tpu.memory_space<vmem>>, vector<1x64xf32>
    %add3A = vector.broadcast %get3A_19 : vector<1x64xf32> to vector<16384x64xf32>
    %add3A_20 = arith.addf %dot_general3A_16, %add3A : vector<16384x64xf32>
    %logistic3A = arith.negf %add3A_20 : vector<16384x64xf32>
    %logistic3A_21 = math.exp %logistic3A : vector<16384x64xf32>
    %logistic3A_22 = arith.constant 1.000000e+00 : f32
    %logistic3A_23 = vector.broadcast %logistic3A_22 : f32 to vector<16384x64xf32>
    %logistic3A_24 = arith.addf %logistic3A_23, %logistic3A_21 : vector<16384x64xf32>
    %logistic3A_25 = arith.divf %logistic3A_23, %logistic3A_24 : vector<16384x64xf32>
    %mul3A_26 = arith.mulf %add3A_20, %logistic3A_25 : vector<16384x64xf32>
    %get3A_27 = arith.constant 0 : index
    %get3A_28 = arith.constant 0 : index
    %get3A_29 = vector.load %arg7[%get3A_27, %get3A_28] : memref<64x64xf32, #tpu.memory_space<vmem>>, vector<64x64xf32>
    %dot_general3A_30 = arith.constant dense<0.000000e+00> : vector<16384x64xf32>
    %dot_general3A_31 = tpu.matmul %mul3A_26, %get3A_29, %dot_general3A_30 {dimension_numbers = #tpu.dot_dimension_numbers<[1], [0], [0], [1], [0, 0, 1, 1], [], []>, transpose_lhs_hint = false} : vector<16384x64xf32>, vector<64x64xf32>, vector<16384x64xf32> -> vector<16384x64xf32>
    %get3A_32 = arith.constant 0 : index
    %get3A_33 = arith.constant 0 : index
    %get3A_34 = vector.load %arg8[%get3A_32, %get3A_33] : memref<1x64xf32, #tpu.memory_space<vmem>>, vector<1x64xf32>
    %add3A_35 = vector.broadcast %get3A_34 : vector<1x64xf32> to vector<16384x64xf32>
    %add3A_36 = arith.addf %dot_general3A_31, %add3A_35 : vector<16384x64xf32>
    %reshape3A_37 = vector.shape_cast %add3A_36 : vector<16384x64xf32> to vector<32x512x64xf32>
    %get3A_38 = arith.constant 0 : index
    %get3A_39 = arith.constant 0 : index
    %get3A_40 = arith.constant 0 : index
    %get3A_41 = vector.load %arg1[%get3A_38, %get3A_39, %get3A_40] : memref<32x64x512xf32, #tpu.memory_space<vmem>>, vector<32x64x512xf32>
    %transpose3A = tpu.transpose %reshape3A_37, [0, 2, 1] : vector<32x512x64xf32> -> vector<32x64x512xf32>
    %add3A_42 = arith.addf %get3A_41, %transpose3A : vector<32x64x512xf32>
    %swap3A = arith.constant 0 : index
    %swap3A_43 = arith.constant 0 : index
    %swap3A_44 = arith.constant 0 : index
    %swap3A_45 = vector.load %arg9[%swap3A, %swap3A_43, %swap3A_44] : memref<32x64x512xf32, #tpu.memory_space<vmem>>, vector<32x64x512xf32>
    tpu.vector_store %arg9[%swap3A, %swap3A_43, %swap3A_44], %add3A_42 {strides = array<i32>} : memref<32x64x512xf32, #tpu.memory_space<vmem>>, vector<32x64x512xf32>,
    return
  }
  func.func @transform_0(%arg0: i32) -> (i32, i32, i32) {
    %c0_i32 = arith.constant 0 : i32
    %c0_i32_0 = arith.constant 0 : i32
    %c0_i32_1 = arith.constant 0 : i32
    return %arg0, %c0_i32, %c0_i32_0 : i32, i32, i32
  }
  func.func @transform_1(%arg0: i32) -> (i32, i32) {
    %c0_i32 = arith.constant 0 : i32
    %c0_i32_0 = arith.constant 0 : i32
    return %arg0, %c0_i32 : i32, i32
  }
  func.func @transform_2(%arg0: i32) -> (i32, i32) {
    %c0_i32 = arith.constant 0 : i32
    %c0_i32_0 = arith.constant 0 : i32
    %c0_i32_1 = arith.constant 0 : i32
    return %c0_i32, %c0_i32_0 : i32, i32
  }
  func.func @transform_3(%arg0: i32) -> (i32, i32) {
    %c0_i32 = arith.constant 0 : i32
    %c0_i32_0 = arith.constant 0 : i32
    %c0_i32_1 = arith.constant 0 : i32
    return %c0_i32, %c0_i32_0 : i32, i32
  }
  func.func @transform_4(%arg0: i32) -> (i32, i32) {
    %c0_i32 = arith.constant 0 : i32
    %c0_i32_0 = arith.constant 0 : i32
    %c0_i32_1 = arith.constant 0 : i32
    return %c0_i32, %c0_i32_0 : i32, i32
  }
  func.func @transform_5(%arg0: i32) -> (i32, i32) {
    %c0_i32 = arith.constant 0 : i32
    %c0_i32_0 = arith.constant 0 : i32
    %c0_i32_1 = arith.constant 0 : i32
    return %c0_i32, %c0_i32_0 : i32, i32
  }
  func.func @transform_6(%arg0: i32) -> (i32, i32) {
    %c0_i32 = arith.constant 0 : i32
    %c0_i32_0 = arith.constant 0 : i32
    %c0_i32_1 = arith.constant 0 : i32
    return %c0_i32, %c0_i32_0 : i32, i32
  }
  func.func @transform_7(%arg0: i32) -> (i32, i32) {
    %c0_i32 = arith.constant 0 : i32
    %c0_i32_0 = arith.constant 0 : i32
    %c0_i32_1 = arith.constant 0 : i32
    return %c0_i32, %c0_i32_0 : i32, i32
  }
  func.func @transform_8(%arg0: i32) -> (i32, i32, i32) {
    %c0_i32 = arith.constant 0 : i32
    %c0_i32_0 = arith.constant 0 : i32
    %c0_i32_1 = arith.constant 0 : i32
    return %arg0, %c0_i32, %c0_i32_0 : i32, i32, i32
  }
}

</mosaic_0001>

<sc_bundles>
// kernel: kernel.9.cloned.1.call-start
scs
__scs_entry_jumppad:
0x0: {  	(pc) =	sbr.rel $0x88, $3  }
0x1: {  	(tag) =	ssettag $0x0;
	lr =	simm.s32 $0x1  }
0x2: {  	[smem:$0x3F74] =	sst lr;
	_ =	strace $0xD0000000  }
0x3: {  	_ = 	snop  }
0x4: {  	_ = 	snop  }
0x5: {  	_ = 	snop  }
0x6: {  	_ = 	snop  }
0x7: {  	_ = 	snop  }
__scs_overlays_trampoline_lowered:
0x8: {  	[smem:$0x3F83] =	sst s0  }
0x9: {  	[smem:$0x3F84] =	sst s1  }
0xa: {  	[smem:$0x3F85] =	sst s2  }
0xb: {  	[smem:$0x3F86] =	sst s3  }
0xc: {  	[smem:$0x3F87] =	sst s4  }
0xd: {  	[smem:$0x3F88] =	sst s5  }
0xe: {  	[smem:$0x3F89] =	sst s6  }
0xf: {  	[smem:$0x3F8A] =	sst s7  }
0x10: {  	[smem:$0x3F8B] =	sst s8  }
0x11: {  	[smem:$0x3F8C] =	sst s9;
	s0 =	simm.s32 @!p0 $0x0  }
0x12: {  	s1 =	sld [smem:$0x3F72];
	s0 =	simm.s32 @p0 $0x1  }
0x13: {  	[smem:$0x3F8D] =	sst s0;
	s0 =	simm.s32 @!p1 $0x0  }
0x14: {  	s2 =	sld [smem:$0x3F71];
	s0 =	simm.s32 @p1 $0x1  }
0x15: {  	[smem:$0x3F8E] =	sst s0;
	s0 =	simm.s32 @!p2 $0x0  }
0x16: {  	s3 =	sld [smem:$0x3FDB];
	s0 =	simm.s32 @p2 $0x1  }
0x17: {  	s4 =	simm.s32 $0x1BF5;
	[smem:$0x3F90] =	sst s0  }
0x18: {  	s0 =	sld [smem:$0x3F73];
	_ =	swait.ge [sflag:s4], $0x0  }
0x19: {  	s7 =	sld [smem:$0x3F74]  }
0x1a: {  	s8 =	sadd.s32 $0xFFFFE003, lr  }
0x1b: {  	s9 =	sadd.s32 $0xFFFFFEF7, lr;
	s5 =	simm.s32 $0xFFFFFFFF;
	p2 =	slt.u32 s8, $0xFFFFF086  }
0x1c: {  	p1 =	slt.u32 s9, $0xF7A;
	s5 =	simm.s32 @!p2 $0x0  }
0x1d: {  	s5 =	simm.s32 @p1 $0x1;
	p0 =	seq.s32 s7, s2  }
0x1e: {  	s7 =	smul.u32 @!p0 $0xF7A, s2;
	p2 =	seq.s32 @!p0 s5, $0x0  }
0x1f: {  	s9 =	smul.u32 $0xF7A, s1;
	s8 =	simm.s32 @!p0 $0x1BF5;
	p2 =	por !p2, p0  }
0x20: {  	[sflag:s8] =	ssyncset.s32 @!p0 $0xFFFFF086;
	s6 =	sadd.s32 @!p0 s3, s7;
	s7 =	simm.s32 @!p0 $0x108  }
0x21: {  	s3 =	sadd.s32 s3, s9;
	s6 =	sadd.s32 @!p0 $0x88, s6;
	s7 =	simm.s32 @p2 $0x1082  }
0x22: {  	[simem:s7], [sflag:s8] =	dma.local @!p0 [hbm:s6], $0xF7A  }
0x23: {  	s9 =	sor.u32 $0xD0000000, s2;
	s6 =	simm.s32 $0x108;
	_ =	swait.ge @!p0 [sflag:s8], $0x0  }
0x24: {  	s3 =	sadd.s32 $0x88, s3;
	s6 =	simm.s32 @!p1 $0x1082;
	[sflag:s4] =	ssyncset.s32 $0xFFFFF086  }
0x25: {  	[simem:s6], [sflag:s4] =	dma.local [hbm:s3], $0xF7A  }
0x26: {  	[smem:$0x3F74] =	sst s1;
	(tag) =	ssettag s2;
	_ =	strace s9  }
0x27: {  	s1 =	sld [smem:$0x3F84]  }
0x28: {  	s2 =	sld [smem:$0x3F85]  }
0x29: {  	s4 =	sld [smem:$0x3F87]  }
0x2a: {  	p0 =	seq.s32 s5, $0x0;
	s5 =	sld [smem:$0x3F88]  }
0x2b: {  	s6 =	sld [smem:$0x3F89]  }
0x2c: {  	s7 =	sld [smem:$0x3F8A]  }
0x2d: {  	s3 =	simm.s32 $0x108;
	s8 =	sld [smem:$0x3F8B]  }
0x2e: {  	s3 =	simm.s32 @!p0 $0x1082;
	s9 =	sld [smem:$0x3F8C]  }
0x2f: {  	lr =	sadd.s32 s0, s3;
	s0 =	sld [smem:$0x3F83]  }
0x30: {  	s3 =	sld [smem:$0x3F86]  }
0x31: {  	[smem:$0x3F8F] =	sst s10  }
0x32: {  	s10 =	sld [smem:$0x3F8D];
	_ =	sdelay $0x3  }
0x33: {  	p0 =	seq.s32 s10, $0x1;
	s10 =	sld [smem:$0x3F8F];
	_ =	sdelay $0x3  }
0x34: {  	[smem:$0x3F8F] =	sst s10  }
0x35: {  	s10 =	sld [smem:$0x3F8E];
	_ =	sdelay $0x3  }
0x36: {  	p1 =	seq.s32 s10, $0x1;
	s10 =	sld [smem:$0x3F8F];
	_ =	sdelay $0x3  }
0x37: {  	[smem:$0x3F8F] =	sst s10  }
0x38: {  	s10 =	sld [smem:$0x3F90]  }
0x39: {  	_ = 	snop;
	(pc) =	sbr.ind lr, $3  }
0x3a: {  	_ = 	snop  }
0x3b: {  	_ = 	snop  }
0x3c: {  	p2 =	seq.s32 s10, $0x1;
	s10 =	sld [smem:$0x3F8F]  }
0x3d: {  	_ =	shalt  }
0x3e: {  	_ =	shalt  }
0x3f: {  	_ =	shalt  }
0x40: {  	_ =	shalt  }
0x41: {  	_ =	shalt  }
0x42: {  	_ =	shalt  }
0x43: {  	_ =	shalt  }
0x44: {  	_ =	shalt  }
0x45: {  	_ =	shalt  }
0x46: {  	_ =	shalt  }
0x47: {  	_ =	shalt  }
0x48: {  	_ =	shalt  }
0x49: {  	_ =	shalt  }
0x4a: {  	_ =	shalt  }
0x4b: {  	_ =	shalt  }
0x4c: {  	_ =	shalt  }
0x4d: {  	_ =	shalt  }
0x4e: {  	_ =	shalt  }
0x4f: {  	_ =	shalt  }
0x50: {  	_ =	shalt  }
0x51: {  	_ =	shalt  }
0x52: {  	_ =	shalt  }
0x53: {  	_ =	shalt  }
0x54: {  	_ =	shalt  }
0x55: {  	_ =	shalt  }
0x56: {  	_ =	shalt  }
0x57: {  	_ =	shalt  }
0x58: {  	_ =	shalt  }
0x59: {  	_ =	shalt  }
0x5a: {  	_ =	shalt  }
0x5b: {  	_ =	shalt  }
0x5c: {  	_ =	shalt  }
0x5d: {  	_ =	shalt  }
0x5e: {  	_ =	shalt  }
0x5f: {  	_ =	shalt  }
0x60: {  	_ =	shalt  }
0x61: {  	_ =	shalt  }
0x62: {  	_ =	shalt  }
0x63: {  	_ =	shalt  }
0x64: {  	_ =	shalt  }
0x65: {  	_ =	shalt  }
0x66: {  	_ =	shalt  }
0x67: {  	_ =	shalt  }
0x68: {  	_ =	shalt  }
0x69: {  	_ =	shalt  }
0x6a: {  	_ =	shalt  }
0x6b: {  	_ =	shalt  }
0x6c: {  	_ =	shalt  }
0x6d: {  	_ =	shalt  }
0x6e: {  	_ =	shalt  }
0x6f: {  	_ =	shalt  }
0x70: {  	_ =	shalt  }
0x71: {  	_ =	shalt  }
0x72: {  	_ =	shalt  }
0x73: {  	_ =	shalt  }
0x74: {  	_ =	shalt  }
0x75: {  	_ =	shalt  }
0x76: {  	_ =	shalt  }
0x77: {  	_ =	shalt  }
0x78: {  	_ =	shalt  }
0x79: {  	_ =	shalt  }
0x7a: {  	_ =	shalt  }
0x7b: {  	_ =	shalt  }
0x7c: {  	_ =	shalt  }
0x7d: {  	_ =	shalt  }
0x7e: {  	_ =	shalt  }
0x7f: {  	_ =	shalt  }
0x80: {  	_ =	shalt  }
0x81: {  	_ =	shalt  }
0x82: {  	_ =	shalt  }
0x83: {  	_ =	shalt  }
0x84: {  	_ =	shalt  }
0x85: {  	_ =	shalt  }
0x86: {  	_ =	shalt  }
0x87: {  	_ =	shalt  }
.Lfunc_end0:
.L_simem_size_0:
called_computation_lowered:
.L_overlay_start_0:
0x88: {  	s2 =	sld [smem:$0x3FD9]  }
0x89: {  	s3 =	sld [smem:$0x3FFE];
	_ =	sdelay $0x1  }
0x8a: {  	s1 =	srdreg.scid  }
0x8b: {  	s0 =	sand.u32 $0x1, s1  }
0x8c: {  	s14 =	sshll.u32 s0, $0xA;
	s2 =	sadd.s32 s3, s2  }
0x8d: {  	s2 =	sadd.s32 s2, s14  }
0x8e: {  	[smem:$0x3F9B] =	sst s2  }
0x8f: {  	_ = 	snop  }
0x90: {  	s2 =	sld [smem:$0x3FD0];
	_ =	sdelay $0x2  }
0x91: {  	s15 =	simm.s32 $0xA;
	s4 =	simm.s32 $0x10  }
0x92: {  	[smem:s4], [sflag:s15] =	dma.local [hbm:s2], $0x1  }
0x93: {  	_ =	swait.eq [sflag:s15], $0x1  }
0x94: {  	[sflag:s15] =	ssyncset.done $0x0  }
0x95: {  	s16 =	sld [smem:$0x12];
	[sflag:s15] =	ssyncadd.s32 $0xFFFFFFFF  }
0x96: {  	s17 =	sld [smem:$0x13];
	(tm) =	ssettm $0x1  }
0x97: {  	s18 =	sld [smem:$0x3FFB];
	_ =	sdelay $0x3  }
0x98: {  	_ =	strace s18  }
0x99: {  	s4 =	sld [smem:$0x3FFC];
	_ =	sdelay $0x3  }
0x9a: {  	_ =	strace s4  }
0x9b: {  	s4 =	sld [smem:$0x3FFD];
	_ =	sdelay $0x3  }
0x9c: {  	_ =	strace s4  }
0x9d: {  	_ =	strace $0x8FFFFFFF  }
0x9e: {  	s19 =	sld [smem:$0x3FDB];
	_ =	sdelay $0x1  }
0x9f: {  	s5 =	simm.s32 $_scs_section_size  }
0xa0: {  	s6 =	simm.s32 $_size__tile_overlayer_lowered;
	s7 =	simm.s32 $_tile_overlayer_lowered  }
0xa1: {  	s22 =	simm.s32 $0x1BFF;
	s21 =	sshll.u32 s7, $0x1;
	s4 =	sadd.s32 s5, s19  }
0xa2: {  	s8 =	simm.s32 $0x0;
	s20 =	sshll.u32 s6, $0x1;
	s6 =	sadd.s32 s21, s4  }
0xa3: {  	[timem:s8], [sflag:s22] =	dma.local [hbm:s6], s20  }
0xa4: {  	_ =	swait.ge [sflag:s22], s20  }
0xa5: {  	s5 =	ssub.s32 $0x0, s20;
	[sflag:s22] =	ssyncset.done $0x0  }
0xa6: {  	[sflag:s22] =	ssyncadd.s32 s5;
	_ =	sdelay $0x1  }
0xa7: {  	s23 =	simm.s32 $0x1B8B  }
0xa8: {  	_ =	swait.ge [sflag:s23], $0x1  }
0xa9: {  	[sflag:s23] =	ssyncset.done $0x0  }
0xaa: {  	s25 =	simm.s32 $0x1B8E;
	s24 =	sld [smem:$0x3FFE];
	[sflag:s23] =	ssyncadd.s32 $0xFFFFFFFF  }
0xab: {  	s26 =	simm.s32 $execute0_lowered;
	[smem:$0x3FD2] =	sst s25  }
0xac: {  	s6 =	sshll.u32 s26, $0x1;
	_ =	strace $0x80000046;
	[dreg:$0x1] =	wrdreg $0xFFFFFFFF  }
0xad: {  	s28 =	simm.s32 $_size_execute0_lowered;
	s4 =	sadd.s32 s4, s6;
	[dreg:$0x0] =	wrdreg $0x0  }
0xae: {  	s6 =	sshll.u32 s28, $0x1;
	[dreg:$0x2] =	wrdreg s4  }
0xaf: {  	[dreg:$0x3] =	wrdreg s6  }
0xb0: {  	[dreg:$0x4] =	wrdreg $0xC0  }
0xb1: {  	_ =	task [dreg:s8], $0x5FFFF  }
0xb2: {  	[dreg:$0x1] =	wrdreg $0xFFFFFFFF  }
0xb3: {  	[dreg:$0x0] =	wrdreg $0x60  }
0xb4: {  	[dreg:$0x2] =	wrdreg s17  }
0xb5: {  	[dreg:$0x3] =	wrdreg s16  }
0xb6: {  	[dreg:$0x4] =	wrdreg s24  }
0xb7: {  	[dreg:$0x5] =	wrdreg $0x9  }
0xb8: {  	_ =	task.clear_ibuf [dreg:s8], $0x6FFFF;
	_ =	strace $0x90000046  }
0xb9: {  	s29 =	simm.s32 $0x9;
	_ =	strace $0x80000048  }
0xba: {  	_ =	swait.ge [sflag:s29], $0x1  }
0xbb: {  	[sflag:s29] =	ssyncadd.s32 $0xFFFFFFFF  }
0xbc: {  	_ =	strace $0x90000048  }
0xbd: {  	_ =	sfence  }
0xbe: {  	s30 =	sld [smem:$0x0];
	_ =	sdelay $0x2  }
0xbf: {  	s31 =	sshll.u32 s1, $0xD;
	s1 =	sshrl.u32 s1, $0x2  }
0xc0: {  	s3 =	sand.u32 $0x4000, s31;
	s1 =	sadd.s32 s1, s30  }
0xc1: {  	s0 =	sor.u32 s3, s0;
	s1 =	sshll.u32 s1, $0x11  }
0xc2: {  	s0 =	sor.u32 s1, s0  }
0xc3: {  	s0 =	sadd.s32 $0x8F2B, s0  }
0xc4: {  	[sflag:s0] =	ssyncadd.remote.s32 $0x1  }
0xc5: {  	_ =	sfence.sel $0xFFFF  }
0xc6: {  	[dreg:$0x0] =	wrdreg $0xFFFFFFFF;
	(pc) =	sbr.abs _section_cstart, $3  }
0xc7: {  	[dreg:$0x1] =	wrdreg $0xFFFFFFFF  }
0xc8: {  	_ =	task.clear_ibuf [dreg:s8], $0x2FFFF;
	_ =	strace $0x9FFFFFFF  }
0xc9: {  	(tm) =	ssettm $0x7FFFFFFF  }
tec
execute0_lowered:
.L_overlay_start_1:
0x0: {  	(tag) =	ssettag $0x1  }
0x1: {  	s2 =	rddreg [dreg:$0x0]  }
0x2: {  	s0 =	rddreg [dreg:$0x1];
	s1 =	srdreg.scid  }
0x3: {  	s23 =	rddreg [dreg:$0x2];
	s4 =	stileid.u32;
	s31 =	sand.u32 $0x1, s1  }
0x4: {  	s3 =	simm.s32 $0x0;
	s14 =	sshll.u32 s4, $0xB;
	s15 =	sshll.u32 s31, $0xA  }
0x5: {  	[smem:$0x7FF] =	sst s3;
	s4 =	sor.u32 s15, s14  }
0x6: {  	s5 =	sadd.s32 $0x6C00, s23;
	s8 =	sadd.s32 $0x86C00, s23;
	s1 =	sshll.u32 s4, $0x4  }
0x7: {  	_ =	strace $0x80000047;
	s4 =	sshrl.u32 s4, $0x3;
	s6 =	sadd.s32 s5, s1  }
0x8: {  	s24 =	sor.u32 $0x800, s1;
	s10 =	sadd.s32 s8, s1;
	[dreg:$0x4] =	wrdreg s6  }
0x9: {  	s25 =	sor.u32 $0x1000, s1;
	s22 =	sor.u32 $0x3800, s1;
	[dreg:$0xd] =	wrdreg s10  }
0xa: {  	s4 =	sadd.s32 s0, s4;
	s16 =	sadd.s32 s5, s24;
	[dreg:$0x17] =	wrdreg s22  }
0xb: {  	[tilespmem:s3], [sflag:$0x2] =	stream.linear.gather [hbm4b:s4+s3], $0x400, $0x38;
	[tilespmem:$0x4400] =	vst v63  }
0xc: {  	s26 =	sor.u32 $0x1800, s1;
	s17 =	sadd.s32 s5, s25;
	[dreg:$0x5] =	wrdreg s16  }
0xd: {  	s28 =	sor.u32 $0x2000, s1;
	s18 =	sadd.s32 s5, s26;
	[dreg:$0x6] =	wrdreg s17  }
0xe: {  	s29 =	sor.u32 $0x2800, s1;
	s19 =	sadd.s32 s5, s28;
	[dreg:$0x7] =	wrdreg s18  }
0xf: {  	s30 =	sor.u32 $0x3000, s1;
	s20 =	sadd.s32 s5, s29;
	[dreg:$0x8] =	wrdreg s19  }
0x10: {  	s21 =	sadd.s32 s5, s30;
	[dreg:$0x9] =	wrdreg s20  }
0x11: {  	s7 =	sadd.s32 s5, s22;
	[dreg:$0xa] =	wrdreg s21  }
0x12: {  	s9 =	sadd.s32 $0x1000, s4;
	[dreg:$0xb] =	wrdreg s7  }
0x13: {  	s11 =	sadd.s32 s8, s24;
	[dreg:$0xc] =	wrdreg s9  }
0x14: {  	s12 =	sadd.s32 s8, s25;
	[dreg:$0xe] =	wrdreg s11  }
0x15: {  	s13 =	sadd.s32 s8, s26;
	[dreg:$0xf] =	wrdreg s12  }
0x16: {  	s14 =	sadd.s32 s8, s28;
	[dreg:$0x10] =	wrdreg s13  }
0x17: {  	s15 =	sadd.s32 s8, s29;
	[dreg:$0x11] =	wrdreg s14  }
0x18: {  	[dreg:$0x12] =	wrdreg s15;
	s16 =	sadd.s32 s8, s30  }
0x19: {  	s17 =	sadd.s32 s8, s22;
	[dreg:$0x13] =	wrdreg s16  }
0x1a: {  	s21 =	sadd.s32 $0x106C00, s23;
	s18 =	sadd.s32 $0x2000, s4;
	[dreg:$0x14] =	wrdreg s17  }
0x1b: {  	[dreg:$0x15] =	wrdreg s18;
	s19 =	sadd.s32 s21, s1  }
0x1c: {  	s5 =	simm.s32 $0x2;
	[dreg:$0x16] =	wrdreg s19  }
0x1d: {  	_ =	swait.ge [sflag:s5], $0x400  }
0x1e: {  	s6 =	simm.s32 $0x80;
	[sflag:s5] =	ssyncset.done $0x0  }
0x1f: {  	s7 =	simm.s32 $0x400;
	s8 =	simm.s32 $0x1;
	[sflag:s5] =	ssyncadd.s32 $0xFFFFFC00  }
0x20: {  	[tilespmem:s7], [sflag:$0x1] =	stream.indirect.gather [hbm4b:s2+s6], $0x80, s3, s6, $0xb8;
	[tilespmem:$0x4400] =	vst v63  }
0x21: {  	_ =	swait.ge [sflag:s8], $0x4000  }
0x22: {  	[sflag:s8] =	ssyncset.done $0x0  }
0x23: {  	s20 =	rddreg [dreg:$0x4];
	[sflag:s8] =	ssyncadd.s32 $0xFFFFC000  }
0x24: {  	[hbm4b:s20+s3] =	stream.linear.scatter [tilespmem:s7], [sflag:$0x2], $0x4000, $0x38;
	[tilespmem:$0x4400] =	vst v63  }
0x25: {  	_ =	swait.ge [sflag:s5], $0x4000  }
0x26: {  	[sflag:s5] =	ssyncset.done $0x0  }
0x27: {  	[sflag:s5] =	ssyncadd.s32 $0xFFFFC000  }
0x28: {  	[tilespmem:s7], [sflag:$0x1] =	stream.indirect.gather [hbm4b:s2+s6], $0x80, s6, s6, $0xb8;
	[tilespmem:$0x4400] =	vst v63  }
0x29: {  	_ =	swait.ge [sflag:s8], $0x4000  }
0x2a: {  	[sflag:s8] =	ssyncset.done $0x0  }
0x2b: {  	s9 =	rddreg [dreg:$0x5];
	[sflag:s8] =	ssyncadd.s32 $0xFFFFC000  }
0x2c: {  	[hbm4b:s9+s3] =	stream.linear.scatter [tilespmem:s7], [sflag:$0x2], $0x4000, $0x38;
	[tilespmem:$0x4400] =	vst v63  }
0x2d: {  	_ =	swait.ge [sflag:s5], $0x4000  }
0x2e: {  	[sflag:s5] =	ssyncset.done $0x0  }
0x2f: {  	s9 =	simm.s32 $0x100;
	[sflag:s5] =	ssyncadd.s32 $0xFFFFC000  }
0x30: {  	[tilespmem:s7], [sflag:$0x1] =	stream.indirect.gather [hbm4b:s2+s6], $0x80, s9, s6, $0xb8;
	[tilespmem:$0x4400] =	vst v63  }
0x31: {  	_ =	swait.ge [sflag:s8], $0x4000  }
0x32: {  	[sflag:s8] =	ssyncset.done $0x0  }
0x33: {  	s10 =	rddreg [dreg:$0x6];
	[sflag:s8] =	ssyncadd.s32 $0xFFFFC000  }
0x34: {  	[hbm4b:s10+s3] =	stream.linear.scatter [tilespmem:s7], [sflag:$0x2], $0x4000, $0x38;
	[tilespmem:$0x4400] =	vst v63  }
0x35: {  	_ =	swait.ge [sflag:s5], $0x4000  }
0x36: {  	[sflag:s5] =	ssyncset.done $0x0  }
0x37: {  	s10 =	simm.s32 $0x180;
	[sflag:s5] =	ssyncadd.s32 $0xFFFFC000  }
0x38: {  	[tilespmem:s7], [sflag:$0x1] =	stream.indirect.gather [hbm4b:s2+s6], $0x80, s10, s6, $0xb8;
	[tilespmem:$0x4400] =	vst v63  }
0x39: {  	_ =	swait.ge [sflag:s8], $0x4000  }
0x3a: {  	[sflag:s8] =	ssyncset.done $0x0  }
0x3b: {  	s11 =	rddreg [dreg:$0x7];
	[sflag:s8] =	ssyncadd.s32 $0xFFFFC000  }
0x3c: {  	[hbm4b:s11+s3] =	stream.linear.scatter [tilespmem:s7], [sflag:$0x2], $0x4000, $0x38;
	[tilespmem:$0x4400] =	vst v63  }
0x3d: {  	_ =	swait.ge [sflag:s5], $0x4000  }
0x3e: {  	[sflag:s5] =	ssyncset.done $0x0  }
0x3f: {  	s11 =	simm.s32 $0x200;
	[sflag:s5] =	ssyncadd.s32 $0xFFFFC000  }
0x40: {  	[tilespmem:s7], [sflag:$0x1] =	stream.indirect.gather [hbm4b:s2+s6], $0x80, s11, s6, $0xb8;
	[tilespmem:$0x4400] =	vst v63  }
0x41: {  	_ =	swait.ge [sflag:s8], $0x4000  }
0x42: {  	[sflag:s8] =	ssyncset.done $0x0  }
0x43: {  	s12 =	rddreg [dreg:$0x8];
	[sflag:s8] =	ssyncadd.s32 $0xFFFFC000  }
0x44: {  	[hbm4b:s12+s3] =	stream.linear.scatter [tilespmem:s7], [sflag:$0x2], $0x4000, $0x38;
	[tilespmem:$0x4400] =	vst v63  }
0x45: {  	_ =	swait.ge [sflag:s5], $0x4000  }
0x46: {  	[sflag:s5] =	ssyncset.done $0x0  }
0x47: {  	s12 =	simm.s32 $0x280;
	[sflag:s5] =	ssyncadd.s32 $0xFFFFC000  }
0x48: {  	[tilespmem:s7], [sflag:$0x1] =	stream.indirect.gather [hbm4b:s2+s6], $0x80, s12, s6, $0xb8;
	[tilespmem:$0x4400] =	vst v63  }
0x49: {  	_ =	swait.ge [sflag:s8], $0x4000  }
0x4a: {  	[sflag:s8] =	ssyncset.done $0x0  }
0x4b: {  	s13 =	rddreg [dreg:$0x9];
	[sflag:s8] =	ssyncadd.s32 $0xFFFFC000  }
0x4c: {  	[hbm4b:s13+s3] =	stream.linear.scatter [tilespmem:s7], [sflag:$0x2], $0x4000, $0x38;
	[tilespmem:$0x4400] =	vst v63  }
0x4d: {  	_ =	swait.ge [sflag:s5], $0x4000  }
0x4e: {  	[sflag:s5] =	ssyncset.done $0x0  }
0x4f: {  	s13 =	simm.s32 $0x300;
	[sflag:s5] =	ssyncadd.s32 $0xFFFFC000  }
0x50: {  	[tilespmem:s7], [sflag:$0x1] =	stream.indirect.gather [hbm4b:s2+s6], $0x80, s13, s6, $0xb8;
	[tilespmem:$0x4400] =	vst v63  }
0x51: {  	_ =	swait.ge [sflag:s8], $0x4000  }
0x52: {  	[sflag:s8] =	ssyncset.done $0x0  }
0x53: {  	s14 =	rddreg [dreg:$0xa];
	[sflag:s8] =	ssyncadd.s32 $0xFFFFC000  }
0x54: {  	[hbm4b:s14+s3] =	stream.linear.scatter [tilespmem:s7], [sflag:$0x2], $0x4000, $0x38;
	[tilespmem:$0x4400] =	vst v63  }
0x55: {  	_ =	swait.ge [sflag:s5], $0x4000  }
0x56: {  	[sflag:s5] =	ssyncset.done $0x0  }
0x57: {  	s14 =	simm.s32 $0x380;
	[sflag:s5] =	ssyncadd.s32 $0xFFFFC000  }
0x58: {  	[tilespmem:s7], [sflag:$0x1] =	stream.indirect.gather [hbm4b:s2+s6], $0x80, s14, s6, $0xb8;
	[tilespmem:$0x4400] =	vst v63  }
0x59: {  	_ =	swait.ge [sflag:s8], $0x4000  }
0x5a: {  	[sflag:s8] =	ssyncset.done $0x0  }
0x5b: {  	s15 =	rddreg [dreg:$0xb];
	[sflag:s8] =	ssyncadd.s32 $0xFFFFC000  }
0x5c: {  	[hbm4b:s15+s3] =	stream.linear.scatter [tilespmem:s7], [sflag:$0x2], $0x4000, $0x38;
	[tilespmem:$0x4400] =	vst v63  }
0x5d: {  	_ =	swait.ge [sflag:s5], $0x4000  }
0x5e: {  	[sflag:s5] =	ssyncset.done $0x0  }
0x5f: {  	s16 =	rddreg [dreg:$0xc];
	[sflag:s5] =	ssyncadd.s32 $0xFFFFC000  }
0x60: {  	[tilespmem:s3], [sflag:$0x2] =	stream.linear.gather [hbm4b:s16+s3], $0x400, $0x38;
	[tilespmem:$0x4400] =	vst v63  }
0x61: {  	_ =	swait.ge [sflag:s5], $0x400  }
0x62: {  	[sflag:s5] =	ssyncset.done $0x0  }
0x63: {  	[sflag:s5] =	ssyncadd.s32 $0xFFFFFC00  }
0x64: {  	[tilespmem:s7], [sflag:$0x1] =	stream.indirect.gather [hbm4b:s2+s6], $0x80, s3, s6, $0xb8;
	[tilespmem:$0x4400] =	vst v63  }
0x65: {  	_ =	swait.ge [sflag:s8], $0x4000  }
0x66: {  	[sflag:s8] =	ssyncset.done $0x0  }
0x67: {  	s17 =	rddreg [dreg:$0xd];
	[sflag:s8] =	ssyncadd.s32 $0xFFFFC000  }
0x68: {  	[hbm4b:s17+s3] =	stream.linear.scatter [tilespmem:s7], [sflag:$0x2], $0x4000, $0x38;
	[tilespmem:$0x4400] =	vst v63  }
0x69: {  	_ =	swait.ge [sflag:s5], $0x4000  }
0x6a: {  	[sflag:s5] =	ssyncset.done $0x0  }
0x6b: {  	[sflag:s5] =	ssyncadd.s32 $0xFFFFC000  }
0x6c: {  	[tilespmem:s7], [sflag:$0x1] =	stream.indirect.gather [hbm4b:s2+s6], $0x80, s6, s6, $0xb8;
	[tilespmem:$0x4400] =	vst v63  }
0x6d: {  	_ =	swait.ge [sflag:s8], $0x4000  }
0x6e: {  	[sflag:s8] =	ssyncset.done $0x0  }
0x6f: {  	s18 =	rddreg [dreg:$0xe];
	[sflag:s8] =	ssyncadd.s32 $0xFFFFC000  }
0x70: {  	[hbm4b:s18+s3] =	stream.linear.scatter [tilespmem:s7], [sflag:$0x2], $0x4000, $0x38;
	[tilespmem:$0x4400] =	vst v63  }
0x71: {  	_ =	swait.ge [sflag:s5], $0x4000  }
0x72: {  	[sflag:s5] =	ssyncset.done $0x0  }
0x73: {  	[sflag:s5] =	ssyncadd.s32 $0xFFFFC000  }
0x74: {  	[tilespmem:s7], [sflag:$0x1] =	stream.indirect.gather [hbm4b:s2+s6], $0x80, s9, s6, $0xb8;
	[tilespmem:$0x4400] =	vst v63  }
0x75: {  	_ =	swait.ge [sflag:s8], $0x4000  }
0x76: {  	[sflag:s8] =	ssyncset.done $0x0  }
0x77: {  	s19 =	rddreg [dreg:$0xf];
	[sflag:s8] =	ssyncadd.s32 $0xFFFFC000  }
0x78: {  	[hbm4b:s19+s3] =	stream.linear.scatter [tilespmem:s7], [sflag:$0x2], $0x4000, $0x38;
	[tilespmem:$0x4400] =	vst v63  }
0x79: {  	_ =	swait.ge [sflag:s5], $0x4000  }
0x7a: {  	[sflag:s5] =	ssyncset.done $0x0  }
0x7b: {  	[sflag:s5] =	ssyncadd.s32 $0xFFFFC000  }
0x7c: {  	[tilespmem:s7], [sflag:$0x1] =	stream.indirect.gather [hbm4b:s2+s6], $0x80, s10, s6, $0xb8;
	[tilespmem:$0x4400] =	vst v63  }
0x7d: {  	_ =	swait.ge [sflag:s8], $0x4000  }
0x7e: {  	[sflag:s8] =	ssyncset.done $0x0  }
0x7f: {  	s20 =	rddreg [dreg:$0x10];
	[sflag:s8] =	ssyncadd.s32 $0xFFFFC000  }
0x80: {  	[hbm4b:s20+s3] =	stream.linear.scatter [tilespmem:s7], [sflag:$0x2], $0x4000, $0x38;
	[tilespmem:$0x4400] =	vst v63  }
0x81: {  	_ =	swait.ge [sflag:s5], $0x4000  }
0x82: {  	[sflag:s5] =	ssyncset.done $0x0  }
0x83: {  	[sflag:s5] =	ssyncadd.s32 $0xFFFFC000  }
0x84: {  	[tilespmem:s7], [sflag:$0x1] =	stream.indirect.gather [hbm4b:s2+s6], $0x80, s11, s6, $0xb8;
	[tilespmem:$0x4400] =	vst v63  }
0x85: {  	_ =	swait.ge [sflag:s8], $0x4000  }
0x86: {  	[sflag:s8] =	ssyncset.done $0x0  }
0x87: {  	s15 =	rddreg [dreg:$0x11];
	[sflag:s8] =	ssyncadd.s32 $0xFFFFC000  }
0x88: {  	[hbm4b:s15+s3] =	stream.linear.scatter [tilespmem:s7], [sflag:$0x2], $0x4000, $0x38;
	[tilespmem:$0x4400] =	vst v63  }
0x89: {  	_ =	swait.ge [sflag:s5], $0x4000  }
0x8a: {  	[sflag:s5] =	ssyncset.done $0x0  }
0x8b: {  	[sflag:s5] =	ssyncadd.s32 $0xFFFFC000  }
0x8c: {  	[tilespmem:s7], [sflag:$0x1] =	stream.indirect.gather [hbm4b:s2+s6], $0x80, s12, s6, $0xb8;
	[tilespmem:$0x4400] =	vst v63  }
0x8d: {  	_ =	swait.ge [sflag:s8], $0x4000  }
0x8e: {  	[sflag:s8] =	ssyncset.done $0x0  }
0x8f: {  	s16 =	rddreg [dreg:$0x12];
	[sflag:s8] =	ssyncadd.s32 $0xFFFFC000  }
0x90: {  	[hbm4b:s16+s3] =	stream.linear.scatter [tilespmem:s7], [sflag:$0x2], $0x4000, $0x38;
	[tilespmem:$0x4400] =	vst v63  }
0x91: {  	_ =	swait.ge [sflag:s5], $0x4000  }
0x92: {  	[sflag:s5] =	ssyncset.done $0x0  }
0x93: {  	[sflag:s5] =	ssyncadd.s32 $0xFFFFC000  }
0x94: {  	[tilespmem:s7], [sflag:$0x1] =	stream.indirect.gather [hbm4b:s2+s6], $0x80, s13, s6, $0xb8;
	[tilespmem:$0x4400] =	vst v63  }
0x95: {  	_ =	swait.ge [sflag:s8], $0x4000  }
0x96: {  	[sflag:s8] =	ssyncset.done $0x0  }
0x97: {  	s17 =	rddreg [dreg:$0x13];
	[sflag:s8] =	ssyncadd.s32 $0xFFFFC000  }
0x98: {  	[hbm4b:s17+s3] =	stream.linear.scatter [tilespmem:s7], [sflag:$0x2], $0x4000, $0x38;
	[tilespmem:$0x4400] =	vst v63  }
0x99: {  	_ =	swait.ge [sflag:s5], $0x4000  }
0x9a: {  	[sflag:s5] =	ssyncset.done $0x0  }
0x9b: {  	[sflag:s5] =	ssyncadd.s32 $0xFFFFC000  }
0x9c: {  	[tilespmem:s7], [sflag:$0x1] =	stream.indirect.gather [hbm4b:s2+s6], $0x80, s14, s6, $0xb8;
	[tilespmem:$0x4400] =	vst v63  }
0x9d: {  	_ =	swait.ge [sflag:s8], $0x4000  }
0x9e: {  	[sflag:s8] =	ssyncset.done $0x0  }
0x9f: {  	s18 =	rddreg [dreg:$0x14];
	[sflag:s8] =	ssyncadd.s32 $0xFFFFC000  }
0xa0: {  	[hbm4b:s18+s3] =	stream.linear.scatter [tilespmem:s7], [sflag:$0x2], $0x4000, $0x38;
	[tilespmem:$0x4400] =	vst v63  }
0xa1: {  	_ =	swait.ge [sflag:s5], $0x4000  }
0xa2: {  	[sflag:s5] =	ssyncset.done $0x0  }
0xa3: {  	s19 =	rddreg [dreg:$0x15];
	[sflag:s5] =	ssyncadd.s32 $0xFFFFC000  }
0xa4: {  	[tilespmem:s3], [sflag:$0x2] =	stream.linear.gather [hbm4b:s19+s3], $0x400, $0x38;
	[tilespmem:$0x4400] =	vst v63  }
0xa5: {  	_ =	swait.ge [sflag:s5], $0x400  }
0xa6: {  	[sflag:s5] =	ssyncset.done $0x0  }
0xa7: {  	[sflag:s5] =	ssyncadd.s32 $0xFFFFFC00  }
0xa8: {  	[tilespmem:s7], [sflag:$0x1] =	stream.indirect.gather [hbm4b:s2+s6], $0x80, s3, s6, $0xb8;
	[tilespmem:$0x4400] =	vst v63  }
0xa9: {  	_ =	swait.ge [sflag:s8], $0x4000  }
0xaa: {  	[sflag:s8] =	ssyncset.done $0x0  }
0xab: {  	s20 =	rddreg [dreg:$0x16];
	[sflag:s8] =	ssyncadd.s32 $0xFFFFC000  }
0xac: {  	[hbm4b:s20+s3] =	stream.linear.scatter [tilespmem:s7], [sflag:$0x2], $0x4000, $0x38;
	[tilespmem:$0x4400] =	vst v63  }
0xad: {  	_ =	swait.ge [sflag:s5], $0x4000  }
0xae: {  	[sflag:s5] =	ssyncset.done $0x0  }
0xaf: {  	[sflag:s5] =	ssyncadd.s32 $0xFFFFC000  }
0xb0: {  	[tilespmem:s7], [sflag:$0x1] =	stream.indirect.gather [hbm4b:s2+s6], $0x80, s6, s6, $0xb8;
	[tilespmem:$0x4400] =	vst v63  }
0xb1: {  	_ =	swait.ge [sflag:s8], $0x4000  }
0xb2: {  	[sflag:s8] =	ssyncset.done $0x0  }
0xb3: {  	s15 =	sadd.s32 s21, s24;
	[sflag:s8] =	ssyncadd.s32 $0xFFFFC000  }
0xb4: {  	[hbm4b:s15+s3] =	stream.linear.scatter [tilespmem:s7], [sflag:$0x2], $0x4000, $0x38;
	[tilespmem:$0x4400] =	vst v63  }
0xb5: {  	_ =	swait.ge [sflag:s5], $0x4000  }
0xb6: {  	[sflag:s5] =	ssyncset.done $0x0  }
0xb7: {  	[sflag:s5] =	ssyncadd.s32 $0xFFFFC000  }
0xb8: {  	[tilespmem:s7], [sflag:$0x1] =	stream.indirect.gather [hbm4b:s2+s6], $0x80, s9, s6, $0xb8;
	[tilespmem:$0x4400] =	vst v63  }
0xb9: {  	_ =	swait.ge [sflag:s8], $0x4000  }
0xba: {  	[sflag:s8] =	ssyncset.done $0x0  }
0xbb: {  	s16 =	sadd.s32 s21, s25;
	[sflag:s8] =	ssyncadd.s32 $0xFFFFC000  }
0xbc: {  	[hbm4b:s16+s3] =	stream.linear.scatter [tilespmem:s7], [sflag:$0x2], $0x4000, $0x38;
	[tilespmem:$0x4400] =	vst v63  }
0xbd: {  	_ =	swait.ge [sflag:s5], $0x4000  }
0xbe: {  	[sflag:s5] =	ssyncset.done $0x0  }
0xbf: {  	[sflag:s5] =	ssyncadd.s32 $0xFFFFC000  }
0xc0: {  	[tilespmem:s7], [sflag:$0x1] =	stream.indirect.gather [hbm4b:s2+s6], $0x80, s10, s6, $0xb8;
	[tilespmem:$0x4400] =	vst v63  }
0xc1: {  	_ =	swait.ge [sflag:s8], $0x4000  }
0xc2: {  	[sflag:s8] =	ssyncset.done $0x0  }
0xc3: {  	s17 =	sadd.s32 s21, s26;
	[sflag:s8] =	ssyncadd.s32 $0xFFFFC000  }
0xc4: {  	[hbm4b:s17+s3] =	stream.linear.scatter [tilespmem:s7], [sflag:$0x2], $0x4000, $0x38;
	[tilespmem:$0x4400] =	vst v63  }
0xc5: {  	_ =	swait.ge [sflag:s5], $0x4000  }
0xc6: {  	[sflag:s5] =	ssyncset.done $0x0  }
0xc7: {  	[sflag:s5] =	ssyncadd.s32 $0xFFFFC000  }
0xc8: {  	[tilespmem:s7], [sflag:$0x1] =	stream.indirect.gather [hbm4b:s2+s6], $0x80, s11, s6, $0xb8;
	[tilespmem:$0x4400] =	vst v63  }
0xc9: {  	_ =	swait.ge [sflag:s8], $0x4000  }
0xca: {  	[sflag:s8] =	ssyncset.done $0x0  }
0xcb: {  	s18 =	sadd.s32 s21, s28;
	[sflag:s8] =	ssyncadd.s32 $0xFFFFC000  }
0xcc: {  	[hbm4b:s18+s3] =	stream.linear.scatter [tilespmem:s7], [sflag:$0x2], $0x4000, $0x38;
	[tilespmem:$0x4400] =	vst v63  }
0xcd: {  	_ =	swait.ge [sflag:s5], $0x4000  }
0xce: {  	[sflag:s5] =	ssyncset.done $0x0  }
0xcf: {  	[sflag:s5] =	ssyncadd.s32 $0xFFFFC000  }
0xd0: {  	[tilespmem:s7], [sflag:$0x1] =	stream.indirect.gather [hbm4b:s2+s6], $0x80, s12, s6, $0xb8;
	[tilespmem:$0x4400] =	vst v63  }
0xd1: {  	_ =	swait.ge [sflag:s8], $0x4000  }
0xd2: {  	[sflag:s8] =	ssyncset.done $0x0  }
0xd3: {  	s19 =	sadd.s32 s21, s29;
	[sflag:s8] =	ssyncadd.s32 $0xFFFFC000  }
0xd4: {  	[hbm4b:s19+s3] =	stream.linear.scatter [tilespmem:s7], [sflag:$0x2], $0x4000, $0x38;
	[tilespmem:$0x4400] =	vst v63  }
0xd5: {  	_ =	swait.ge [sflag:s5], $0x4000  }
0xd6: {  	[sflag:s5] =	ssyncset.done $0x0  }
0xd7: {  	[sflag:s5] =	ssyncadd.s32 $0xFFFFC000  }
0xd8: {  	[tilespmem:s7], [sflag:$0x1] =	stream.indirect.gather [hbm4b:s2+s6], $0x80, s13, s6, $0xb8;
	[tilespmem:$0x4400] =	vst v63  }
0xd9: {  	_ =	swait.ge [sflag:s8], $0x4000  }
0xda: {  	[sflag:s8] =	ssyncset.done $0x0  }
0xdb: {  	s20 =	sadd.s32 s21, s30;
	[sflag:s8] =	ssyncadd.s32 $0xFFFFC000  }
0xdc: {  	[hbm4b:s20+s3] =	stream.linear.scatter [tilespmem:s7], [sflag:$0x2], $0x4000, $0x38;
	[tilespmem:$0x4400] =	vst v63  }
0xdd: {  	_ =	swait.ge [sflag:s5], $0x4000  }
0xde: {  	[sflag:s5] =	ssyncset.done $0x0  }
0xdf: {  	[sflag:s5] =	ssyncadd.s32 $0xFFFFC000  }
0xe0: {  	[tilespmem:s7], [sflag:$0x1] =	stream.indirect.gather [hbm4b:s2+s6], $0x80, s14, s6, $0xb8;
	[tilespmem:$0x4400] =	vst v63  }
0xe1: {  	_ =	swait.ge [sflag:s8], $0x4000  }
0xe2: {  	[sflag:s8] =	ssyncset.done $0x0  }
0xe3: {  	s21 =	sadd.s32 s21, s22;
	[sflag:s8] =	ssyncadd.s32 $0xFFFFC000  }
0xe4: {  	[hbm4b:s21+s3] =	stream.linear.scatter [tilespmem:s7], [sflag:$0x2], $0x4000, $0x38;
	[tilespmem:$0x4400] =	vst v63  }
0xe5: {  	_ =	swait.ge [sflag:s5], $0x4000  }
0xe6: {  	[sflag:s5] =	ssyncset.done $0x0  }
0xe7: {  	s22 =	sadd.s32 $0x3000, s4;
	[sflag:s5] =	ssyncadd.s32 $0xFFFFC000  }
0xe8: {  	[tilespmem:s3], [sflag:$0x2] =	stream.linear.gather [hbm4b:s22+s3], $0x400, $0x38;
	[tilespmem:$0x4400] =	vst v63  }
0xe9: {  	_ =	swait.ge [sflag:s5], $0x400  }
0xea: {  	[sflag:s5] =	ssyncset.done $0x0  }
0xeb: {  	[sflag:s5] =	ssyncadd.s32 $0xFFFFFC00  }
0xec: {  	[tilespmem:s7], [sflag:$0x1] =	stream.indirect.gather [hbm4b:s2+s6], $0x80, s3, s6, $0xb8;
	[tilespmem:$0x4400] =	vst v63  }
0xed: {  	_ =	swait.ge [sflag:s8], $0x4000  }
0xee: {  	s0 =	sadd.s32 $0x186C00, s23;
	[sflag:s8] =	ssyncset.done $0x0  }
0xef: {  	s23 =	sadd.s32 s0, s1;
	[sflag:s8] =	ssyncadd.s32 $0xFFFFC000  }
0xf0: {  	[hbm4b:s23+s3] =	stream.linear.scatter [tilespmem:s7], [sflag:$0x2], $0x4000, $0x38;
	[tilespmem:$0x4400] =	vst v63  }
0xf1: {  	_ =	swait.ge [sflag:s5], $0x4000  }
0xf2: {  	[sflag:s5] =	ssyncset.done $0x0  }
0xf3: {  	[sflag:s5] =	ssyncadd.s32 $0xFFFFC000  }
0xf4: {  	[tilespmem:s7], [sflag:$0x1] =	stream.indirect.gather [hbm4b:s2+s6], $0x80, s6, s6, $0xb8;
	[tilespmem:$0x4400] =	vst v63  }
0xf5: {  	_ =	swait.ge [sflag:s8], $0x4000  }
0xf6: {  	[sflag:s8] =	ssyncset.done $0x0  }
0xf7: {  	s24 =	sadd.s32 s0, s24;
	[sflag:s8] =	ssyncadd.s32 $0xFFFFC000  }
0xf8: {  	[hbm4b:s24+s3] =	stream.linear.scatter [tilespmem:s7], [sflag:$0x2], $0x4000, $0x38;
	[tilespmem:$0x4400] =	vst v63  }
0xf9: {  	_ =	swait.ge [sflag:s5], $0x4000  }
0xfa: {  	[sflag:s5] =	ssyncset.done $0x0  }
0xfb: {  	[sflag:s5] =	ssyncadd.s32 $0xFFFFC000  }
0xfc: {  	[tilespmem:s7], [sflag:$0x1] =	stream.indirect.gather [hbm4b:s2+s6], $0x80, s9, s6, $0xb8;
	[tilespmem:$0x4400] =	vst v63  }
0xfd: {  	_ =	swait.ge [sflag:s8], $0x4000  }
0xfe: {  	[sflag:s8] =	ssyncset.done $0x0  }
0xff: {  	s25 =	sadd.s32 s0, s25;
	[sflag:s8] =	ssyncadd.s32 $0xFFFFC000  }
0x100: {  	[hbm4b:s25+s3] =	stream.linear.scatter [tilespmem:s7], [sflag:$0x2], $0x4000, $0x38;
	[tilespmem:$0x4400] =	vst v63  }
0x101: {  	_ =	swait.ge [sflag:s5], $0x4000  }
0x102: {  	[sflag:s5] =	ssyncset.done $0x0  }
0x103: {  	[sflag:s5] =	ssyncadd.s32 $0xFFFFC000  }
0x104: {  	[tilespmem:s7], [sflag:$0x1] =	stream.indirect.gather [hbm4b:s2+s6], $0x80, s10, s6, $0xb8;
	[tilespmem:$0x4400] =	vst v63  }
0x105: {  	_ =	swait.ge [sflag:s8], $0x4000  }
0x106: {  	[sflag:s8] =	ssyncset.done $0x0  }
0x107: {  	s26 =	sadd.s32 s0, s26;
	[sflag:s8] =	ssyncadd.s32 $0xFFFFC000  }
0x108: {  	[hbm4b:s26+s3] =	stream.linear.scatter [tilespmem:s7], [sflag:$0x2], $0x4000, $0x38;
	[tilespmem:$0x4400] =	vst v63  }
0x109: {  	_ =	swait.ge [sflag:s5], $0x4000  }
0x10a: {  	[sflag:s5] =	ssyncset.done $0x0  }
0x10b: {  	[sflag:s5] =	ssyncadd.s32 $0xFFFFC000  }
0x10c: {  	[tilespmem:s7], [sflag:$0x1] =	stream.indirect.gather [hbm4b:s2+s6], $0x80, s11, s6, $0xb8;
	[tilespmem:$0x4400] =	vst v63  }
0x10d: {  	_ =	swait.ge [sflag:s8], $0x4000  }
0x10e: {  	[sflag:s8] =	ssyncset.done $0x0  }
0x10f: {  	s28 =	sadd.s32 s0, s28;
	[sflag:s8] =	ssyncadd.s32 $0xFFFFC000  }
0x110: {  	[hbm4b:s28+s3] =	stream.linear.scatter [tilespmem:s7], [sflag:$0x2], $0x4000, $0x38;
	[tilespmem:$0x4400] =	vst v63  }
0x111: {  	_ =	swait.ge [sflag:s5], $0x4000  }
0x112: {  	[sflag:s5] =	ssyncset.done $0x0  }
0x113: {  	[sflag:s5] =	ssyncadd.s32 $0xFFFFC000  }
0x114: {  	[tilespmem:s7], [sflag:$0x1] =	stream.indirect.gather [hbm4b:s2+s6], $0x80, s12, s6, $0xb8;
	[tilespmem:$0x4400] =	vst v63  }
0x115: {  	_ =	swait.ge [sflag:s8], $0x4000  }
0x116: {  	[sflag:s8] =	ssyncset.done $0x0  }
0x117: {  	s29 =	sadd.s32 s0, s29;
	[sflag:s8] =	ssyncadd.s32 $0xFFFFC000  }
0x118: {  	[hbm4b:s29+s3] =	stream.linear.scatter [tilespmem:s7], [sflag:$0x2], $0x4000, $0x38;
	[tilespmem:$0x4400] =	vst v63  }
0x119: {  	_ =	swait.ge [sflag:s5], $0x4000  }
0x11a: {  	[sflag:s5] =	ssyncset.done $0x0  }
0x11b: {  	[sflag:s5] =	ssyncadd.s32 $0xFFFFC000  }
0x11c: {  	[tilespmem:s7], [sflag:$0x1] =	stream.indirect.gather [hbm4b:s2+s6], $0x80, s13, s6, $0xb8;
	[tilespmem:$0x4400] =	vst v63  }
0x11d: {  	_ =	swait.ge [sflag:s8], $0x4000  }
0x11e: {  	[sflag:s8] =	ssyncset.done $0x0  }
0x11f: {  	s1 =	ssub.s32 $0x2, s31;
	s30 =	sadd.s32 s0, s30;
	[sflag:s8] =	ssyncadd.s32 $0xFFFFC000  }
0x120: {  	[hbm4b:s30+s3] =	stream.linear.scatter [tilespmem:s7], [sflag:$0x2], $0x4000, $0x38;
	[tilespmem:$0x4400] =	vst v63  }
0x121: {  	s31 =	sshrl.u32 s1, $0x1;
	_ =	swait.ge [sflag:s5], $0x4000  }
0x122: {  	s1 =	ssub.s32 s1, s31;
	[sflag:s5] =	ssyncset.done $0x0  }
0x123: {  	s1 =	smax.u32 s1, $0x1;
	[sflag:s5] =	ssyncadd.s32 $0xFFFFC000  }
0x124: {  	[tilespmem:s7], [sflag:$0x1] =	stream.indirect.gather [hbm4b:s2+s6], $0x80, s14, s6, $0xb8;
	[tilespmem:$0x4400] =	vst v63  }
0x125: {  	p0 =	sne.s32 s1, $0x1;
	_ =	swait.ge [sflag:s8], $0x4000  }
.Ltmp0:
0x126: {  	[sflag:s8] =	ssyncset.done $0x0;
	s31 =	rddreg [dreg:$0x17];
	(pc) =	sbr.rel @!p0 .LBB2_2-.Ltmp0, $4  }
0x127: {  	s31 =	sadd.s32 s0, s31;
	[sflag:s8] =	ssyncadd.s32 $0xFFFFC000  }
0x128: {  	[hbm4b:s31+s3] =	stream.linear.scatter [tilespmem:s7], [sflag:$0x2], $0x4000, $0x38;
	[tilespmem:$0x4400] =	vst v63  }
0x129: {  	_ =	swait.ge [sflag:s5], $0x4000  }
0x12a: {  	s0 =	sadd.s32 $0xFFFFFFFF, s1;
	[sflag:s5] =	ssyncset.done $0x0  }
.LBB2_1:
0x12b: {  	[sflag:s5] =	ssyncadd.s32 $0xFFFFC000  }
0x12c: {  	[tilespmem:s3], [sflag:$0x2] =	stream.linear.gather [hbm4b:s4+s3], $0x400, $0x38;
	[tilespmem:$0x4400] =	vst v63  }
0x12d: {  	_ =	swait.ge [sflag:s5], $0x400  }
0x12e: {  	[sflag:s5] =	ssyncset.done $0x0  }
0x12f: {  	[sflag:s5] =	ssyncadd.s32 $0xFFFFFC00  }
0x130: {  	[tilespmem:s7], [sflag:$0x1] =	stream.indirect.gather [hbm4b:s2+s6], $0x80, s3, s6, $0xb8;
	[tilespmem:$0x4400] =	vst v63  }
0x131: {  	_ =	swait.ge [sflag:s8], $0x4000  }
0x132: {  	[sflag:s8] =	ssyncset.done $0x0  }
0x133: {  	s1 =	rddreg [dreg:$0x4];
	[sflag:s8] =	ssyncadd.s32 $0xFFFFC000  }
0x134: {  	[hbm4b:s1+s3] =	stream.linear.scatter [tilespmem:s7], [sflag:$0x2], $0x4000, $0x38;
	[tilespmem:$0x4400] =	vst v63  }
0x135: {  	_ =	swait.ge [sflag:s5], $0x4000  }
0x136: {  	[sflag:s5] =	ssyncset.done $0x0  }
0x137: {  	[sflag:s5] =	ssyncadd.s32 $0xFFFFC000  }
0x138: {  	[tilespmem:s7], [sflag:$0x1] =	stream.indirect.gather [hbm4b:s2+s6], $0x80, s6, s6, $0xb8;
	[tilespmem:$0x4400] =	vst v63  }
0x139: {  	_ =	swait.ge [sflag:s8], $0x4000  }
0x13a: {  	[sflag:s8] =	ssyncset.done $0x0  }
0x13b: {  	s1 =	rddreg [dreg:$0x5];
	[sflag:s8] =	ssyncadd.s32 $0xFFFFC000  }
0x13c: {  	[hbm4b:s1+s3] =	stream.linear.scatter [tilespmem:s7], [sflag:$0x2], $0x4000, $0x38;
	[tilespmem:$0x4400] =	vst v63  }
0x13d: {  	_ =	swait.ge [sflag:s5], $0x4000  }
0x13e: {  	[sflag:s5] =	ssyncset.done $0x0  }
0x13f: {  	[sflag:s5] =	ssyncadd.s32 $0xFFFFC000  }
0x140: {  	[tilespmem:s7], [sflag:$0x1] =	stream.indirect.gather [hbm4b:s2+s6], $0x80, s9, s6, $0xb8;
	[tilespmem:$0x4400] =	vst v63  }
0x141: {  	_ =	swait.ge [sflag:s8], $0x4000  }
0x142: {  	[sflag:s8] =	ssyncset.done $0x0  }
0x143: {  	s1 =	rddreg [dreg:$0x6];
	[sflag:s8] =	ssyncadd.s32 $0xFFFFC000  }
0x144: {  	[hbm4b:s1+s3] =	stream.linear.scatter [tilespmem:s7], [sflag:$0x2], $0x4000, $0x38;
	[tilespmem:$0x4400] =	vst v63  }
0x145: {  	_ =	swait.ge [sflag:s5], $0x4000  }
0x146: {  	[sflag:s5] =	ssyncset.done $0x0  }
0x147: {  	[sflag:s5] =	ssyncadd.s32 $0xFFFFC000  }
0x148: {  	[tilespmem:s7], [sflag:$0x1] =	stream.indirect.gather [hbm4b:s2+s6], $0x80, s10, s6, $0xb8;
	[tilespmem:$0x4400] =	vst v63  }
0x149: {  	_ =	swait.ge [sflag:s8], $0x4000  }
0x14a: {  	[sflag:s8] =	ssyncset.done $0x0  }
0x14b: {  	s1 =	rddreg [dreg:$0x7];
	[sflag:s8] =	ssyncadd.s32 $0xFFFFC000  }
0x14c: {  	[hbm4b:s1+s3] =	stream.linear.scatter [tilespmem:s7], [sflag:$0x2], $0x4000, $0x38;
	[tilespmem:$0x4400] =	vst v63  }
0x14d: {  	_ =	swait.ge [sflag:s5], $0x4000  }
0x14e: {  	[sflag:s5] =	ssyncset.done $0x0  }
0x14f: {  	[sflag:s5] =	ssyncadd.s32 $0xFFFFC000  }
0x150: {  	[tilespmem:s7], [sflag:$0x1] =	stream.indirect.gather [hbm4b:s2+s6], $0x80, s11, s6, $0xb8;
	[tilespmem:$0x4400] =	vst v63  }
0x151: {  	_ =	swait.ge [sflag:s8], $0x4000  }
0x152: {  	[sflag:s8] =	ssyncset.done $0x0  }
0x153: {  	s1 =	rddreg [dreg:$0x8];
	[sflag:s8] =	ssyncadd.s32 $0xFFFFC000  }
0x154: {  	[hbm4b:s1+s3] =	stream.linear.scatter [tilespmem:s7], [sflag:$0x2], $0x4000, $0x38;
	[tilespmem:$0x4400] =	vst v63  }
0x155: {  	_ =	swait.ge [sflag:s5], $0x4000  }
0x156: {  	[sflag:s5] =	ssyncset.done $0x0  }
0x157: {  	[sflag:s5] =	ssyncadd.s32 $0xFFFFC000  }
0x158: {  	[tilespmem:s7], [sflag:$0x1] =	stream.indirect.gather [hbm4b:s2+s6], $0x80, s12, s6, $0xb8;
	[tilespmem:$0x4400] =	vst v63  }
0x159: {  	_ =	swait.ge [sflag:s8], $0x4000  }
0x15a: {  	[sflag:s8] =	ssyncset.done $0x0  }
0x15b: {  	s1 =	rddreg [dreg:$0x9];
	[sflag:s8] =	ssyncadd.s32 $0xFFFFC000  }
0x15c: {  	[hbm4b:s1+s3] =	stream.linear.scatter [tilespmem:s7], [sflag:$0x2], $0x4000, $0x38;
	[tilespmem:$0x4400] =	vst v63  }
0x15d: {  	_ =	swait.ge [sflag:s5], $0x4000  }
0x15e: {  	[sflag:s5] =	ssyncset.done $0x0  }
0x15f: {  	[sflag:s5] =	ssyncadd.s32 $0xFFFFC000  }
0x160: {  	[tilespmem:s7], [sflag:$0x1] =	stream.indirect.gather [hbm4b:s2+s6], $0x80, s13, s6, $0xb8;
	[tilespmem:$0x4400] =	vst v63  }
0x161: {  	_ =	swait.ge [sflag:s8], $0x4000  }
0x162: {  	[sflag:s8] =	ssyncset.done $0x0  }
0x163: {  	s1 =	rddreg [dreg:$0xa];
	[sflag:s8] =	ssyncadd.s32 $0xFFFFC000  }
0x164: {  	[hbm4b:s1+s3] =	stream.linear.scatter [tilespmem:s7], [sflag:$0x2], $0x4000, $0x38;
	[tilespmem:$0x4400] =	vst v63  }
0x165: {  	_ =	swait.ge [sflag:s5], $0x4000  }
0x166: {  	[sflag:s5] =	ssyncset.done $0x0  }
0x167: {  	[sflag:s5] =	ssyncadd.s32 $0xFFFFC000  }
0x168: {  	[tilespmem:s7], [sflag:$0x1] =	stream.indirect.gather [hbm4b:s2+s6], $0x80, s14, s6, $0xb8;
	[tilespmem:$0x4400] =	vst v63  }
0x169: {  	_ =	swait.ge [sflag:s8], $0x4000  }
0x16a: {  	[sflag:s8] =	ssyncset.done $0x0  }
0x16b: {  	s1 =	rddreg [dreg:$0xb];
	[sflag:s8] =	ssyncadd.s32 $0xFFFFC000  }
0x16c: {  	[hbm4b:s1+s3] =	stream.linear.scatter [tilespmem:s7], [sflag:$0x2], $0x4000, $0x38;
	[tilespmem:$0x4400] =	vst v63  }
0x16d: {  	_ =	swait.ge [sflag:s5], $0x4000  }
0x16e: {  	[sflag:s5] =	ssyncset.done $0x0  }
0x16f: {  	s1 =	rddreg [dreg:$0xc];
	[sflag:s5] =	ssyncadd.s32 $0xFFFFC000  }
0x170: {  	[tilespmem:s3], [sflag:$0x2] =	stream.linear.gather [hbm4b:s1+s3], $0x400, $0x38;
	[tilespmem:$0x4400] =	vst v63  }
0x171: {  	_ =	swait.ge [sflag:s5], $0x400  }
0x172: {  	[sflag:s5] =	ssyncset.done $0x0  }
0x173: {  	[sflag:s5] =	ssyncadd.s32 $0xFFFFFC00  }
0x174: {  	[tilespmem:s7], [sflag:$0x1] =	stream.indirect.gather [hbm4b:s2+s6], $0x80, s3, s6, $0xb8;
	[tilespmem:$0x4400] =	vst v63  }
0x175: {  	_ =	swait.ge [sflag:s8], $0x4000  }
0x176: {  	[sflag:s8] =	ssyncset.done $0x0  }
0x177: {  	s1 =	rddreg [dreg:$0xd];
	[sflag:s8] =	ssyncadd.s32 $0xFFFFC000  }
0x178: {  	[hbm4b:s1+s3] =	stream.linear.scatter [tilespmem:s7], [sflag:$0x2], $0x4000, $0x38;
	[tilespmem:$0x4400] =	vst v63  }
0x179: {  	_ =	swait.ge [sflag:s5], $0x4000  }
0x17a: {  	[sflag:s5] =	ssyncset.done $0x0  }
0x17b: {  	[sflag:s5] =	ssyncadd.s32 $0xFFFFC000  }
0x17c: {  	[tilespmem:s7], [sflag:$0x1] =	stream.indirect.gather [hbm4b:s2+s6], $0x80, s6, s6, $0xb8;
	[tilespmem:$0x4400] =	vst v63  }
0x17d: {  	_ =	swait.ge [sflag:s8], $0x4000  }
0x17e: {  	[sflag:s8] =	ssyncset.done $0x0  }
0x17f: {  	s1 =	rddreg [dreg:$0xe];
	[sflag:s8] =	ssyncadd.s32 $0xFFFFC000  }
0x180: {  	[hbm4b:s1+s3] =	stream.linear.scatter [tilespmem:s7], [sflag:$0x2], $0x4000, $0x38;
	[tilespmem:$0x4400] =	vst v63  }
0x181: {  	_ =	swait.ge [sflag:s5], $0x4000  }
0x182: {  	[sflag:s5] =	ssyncset.done $0x0  }
0x183: {  	[sflag:s5] =	ssyncadd.s32 $0xFFFFC000  }
0x184: {  	[tilespmem:s7], [sflag:$0x1] =	stream.indirect.gather [hbm4b:s2+s6], $0x80, s9, s6, $0xb8;
	[tilespmem:$0x4400] =	vst v63  }
0x185: {  	_ =	swait.ge [sflag:s8], $0x4000  }
0x186: {  	[sflag:s8] =	ssyncset.done $0x0  }
0x187: {  	s1 =	rddreg [dreg:$0xf];
	[sflag:s8] =	ssyncadd.s32 $0xFFFFC000  }
0x188: {  	[hbm4b:s1+s3] =	stream.linear.scatter [tilespmem:s7], [sflag:$0x2], $0x4000, $0x38;
	[tilespmem:$0x4400] =	vst v63  }
0x189: {  	_ =	swait.ge [sflag:s5], $0x4000  }
0x18a: {  	[sflag:s5] =	ssyncset.done $0x0  }
0x18b: {  	[sflag:s5] =	ssyncadd.s32 $0xFFFFC000  }
0x18c: {  	[tilespmem:s7], [sflag:$0x1] =	stream.indirect.gather [hbm4b:s2+s6], $0x80, s10, s6, $0xb8;
	[tilespmem:$0x4400] =	vst v63  }
0x18d: {  	_ =	swait.ge [sflag:s8], $0x4000  }
0x18e: {  	[sflag:s8] =	ssyncset.done $0x0  }
0x18f: {  	s1 =	rddreg [dreg:$0x10];
	[sflag:s8] =	ssyncadd.s32 $0xFFFFC000  }
0x190: {  	[hbm4b:s1+s3] =	stream.linear.scatter [tilespmem:s7], [sflag:$0x2], $0x4000, $0x38;
	[tilespmem:$0x4400] =	vst v63  }
0x191: {  	_ =	swait.ge [sflag:s5], $0x4000  }
0x192: {  	[sflag:s5] =	ssyncset.done $0x0  }
0x193: {  	[sflag:s5] =	ssyncadd.s32 $0xFFFFC000  }
0x194: {  	[tilespmem:s7], [sflag:$0x1] =	stream.indirect.gather [hbm4b:s2+s6], $0x80, s11, s6, $0xb8;
	[tilespmem:$0x4400] =	vst v63  }
0x195: {  	_ =	swait.ge [sflag:s8], $0x4000  }
0x196: {  	[sflag:s8] =	ssyncset.done $0x0  }
0x197: {  	s1 =	rddreg [dreg:$0x11];
	[sflag:s8] =	ssyncadd.s32 $0xFFFFC000  }
0x198: {  	[hbm4b:s1+s3] =	stream.linear.scatter [tilespmem:s7], [sflag:$0x2], $0x4000, $0x38;
	[tilespmem:$0x4400] =	vst v63  }
0x199: {  	_ =	swait.ge [sflag:s5], $0x4000  }
0x19a: {  	[sflag:s5] =	ssyncset.done $0x0  }
0x19b: {  	[sflag:s5] =	ssyncadd.s32 $0xFFFFC000  }
0x19c: {  	[tilespmem:s7], [sflag:$0x1] =	stream.indirect.gather [hbm4b:s2+s6], $0x80, s12, s6, $0xb8;
	[tilespmem:$0x4400] =	vst v63  }
0x19d: {  	_ =	swait.ge [sflag:s8], $0x4000  }
0x19e: {  	[sflag:s8] =	ssyncset.done $0x0  }
0x19f: {  	s1 =	rddreg [dreg:$0x12];
	[sflag:s8] =	ssyncadd.s32 $0xFFFFC000  }
0x1a0: {  	[hbm4b:s1+s3] =	stream.linear.scatter [tilespmem:s7], [sflag:$0x2], $0x4000, $0x38;
	[tilespmem:$0x4400] =	vst v63  }
0x1a1: {  	_ =	swait.ge [sflag:s5], $0x4000  }
0x1a2: {  	[sflag:s5] =	ssyncset.done $0x0  }
0x1a3: {  	[sflag:s5] =	ssyncadd.s32 $0xFFFFC000  }
0x1a4: {  	[tilespmem:s7], [sflag:$0x1] =	stream.indirect.gather [hbm4b:s2+s6], $0x80, s13, s6, $0xb8;
	[tilespmem:$0x4400] =	vst v63  }
0x1a5: {  	_ =	swait.ge [sflag:s8], $0x4000  }
0x1a6: {  	[sflag:s8] =	ssyncset.done $0x0  }
0x1a7: {  	s1 =	rddreg [dreg:$0x13];
	[sflag:s8] =	ssyncadd.s32 $0xFFFFC000  }
0x1a8: {  	[hbm4b:s1+s3] =	stream.linear.scatter [tilespmem:s7], [sflag:$0x2], $0x4000, $0x38;
	[tilespmem:$0x4400] =	vst v63  }
0x1a9: {  	_ =	swait.ge [sflag:s5], $0x4000  }
0x1aa: {  	[sflag:s5] =	ssyncset.done $0x0  }
0x1ab: {  	[sflag:s5] =	ssyncadd.s32 $0xFFFFC000  }
0x1ac: {  	[tilespmem:s7], [sflag:$0x1] =	stream.indirect.gather [hbm4b:s2+s6], $0x80, s14, s6, $0xb8;
	[tilespmem:$0x4400] =	vst v63  }
0x1ad: {  	_ =	swait.ge [sflag:s8], $0x4000  }
0x1ae: {  	[sflag:s8] =	ssyncset.done $0x0  }
0x1af: {  	s1 =	rddreg [dreg:$0x14];
	[sflag:s8] =	ssyncadd.s32 $0xFFFFC000  }
0x1b0: {  	[hbm4b:s1+s3] =	stream.linear.scatter [tilespmem:s7], [sflag:$0x2], $0x4000, $0x38;
	[tilespmem:$0x4400] =	vst v63  }
0x1b1: {  	_ =	swait.ge [sflag:s5], $0x4000  }
0x1b2: {  	[sflag:s5] =	ssyncset.done $0x0  }
0x1b3: {  	s1 =	rddreg [dreg:$0x15];
	[sflag:s5] =	ssyncadd.s32 $0xFFFFC000  }
0x1b4: {  	[tilespmem:s3], [sflag:$0x2] =	stream.linear.gather [hbm4b:s1+s3], $0x400, $0x38;
	[tilespmem:$0x4400] =	vst v63  }
0x1b5: {  	_ =	swait.ge [sflag:s5], $0x400  }
0x1b6: {  	[sflag:s5] =	ssyncset.done $0x0  }
0x1b7: {  	[sflag:s5] =	ssyncadd.s32 $0xFFFFFC00  }
0x1b8: {  	[tilespmem:s7], [sflag:$0x1] =	stream.indirect.gather [hbm4b:s2+s6], $0x80, s3, s6, $0xb8;
	[tilespmem:$0x4400] =	vst v63  }
0x1b9: {  	_ =	swait.ge [sflag:s8], $0x4000  }
0x1ba: {  	[sflag:s8] =	ssyncset.done $0x0  }
0x1bb: {  	s1 =	rddreg [dreg:$0x16];
	[sflag:s8] =	ssyncadd.s32 $0xFFFFC000  }
0x1bc: {  	[hbm4b:s1+s3] =	stream.linear.scatter [tilespmem:s7], [sflag:$0x2], $0x4000, $0x38;
	[tilespmem:$0x4400] =	vst v63  }
0x1bd: {  	_ =	swait.ge [sflag:s5], $0x4000  }
0x1be: {  	[sflag:s5] =	ssyncset.done $0x0  }
0x1bf: {  	[sflag:s5] =	ssyncadd.s32 $0xFFFFC000  }
0x1c0: {  	[tilespmem:s7], [sflag:$0x1] =	stream.indirect.gather [hbm4b:s2+s6], $0x80, s6, s6, $0xb8;
	[tilespmem:$0x4400] =	vst v63  }
0x1c1: {  	_ =	swait.ge [sflag:s8], $0x4000  }
0x1c2: {  	[sflag:s8] =	ssyncset.done $0x0  }
0x1c3: {  	[sflag:s8] =	ssyncadd.s32 $0xFFFFC000  }
0x1c4: {  	[hbm4b:s15+s3] =	stream.linear.scatter [tilespmem:s7], [sflag:$0x2], $0x4000, $0x38;
	[tilespmem:$0x4400] =	vst v63  }
0x1c5: {  	_ =	swait.ge [sflag:s5], $0x4000  }
0x1c6: {  	[sflag:s5] =	ssyncset.done $0x0  }
0x1c7: {  	[sflag:s5] =	ssyncadd.s32 $0xFFFFC000  }
0x1c8: {  	[tilespmem:s7], [sflag:$0x1] =	stream.indirect.gather [hbm4b:s2+s6], $0x80, s9, s6, $0xb8;
	[tilespmem:$0x4400] =	vst v63  }
0x1c9: {  	_ =	swait.ge [sflag:s8], $0x4000  }
0x1ca: {  	[sflag:s8] =	ssyncset.done $0x0  }
0x1cb: {  	[sflag:s8] =	ssyncadd.s32 $0xFFFFC000  }
0x1cc: {  	[hbm4b:s16+s3] =	stream.linear.scatter [tilespmem:s7], [sflag:$0x2], $0x4000, $0x38;
	[tilespmem:$0x4400] =	vst v63  }
0x1cd: {  	_ =	swait.ge [sflag:s5], $0x4000  }
0x1ce: {  	[sflag:s5] =	ssyncset.done $0x0  }
0x1cf: {  	[sflag:s5] =	ssyncadd.s32 $0xFFFFC000  }
0x1d0: {  	[tilespmem:s7], [sflag:$0x1] =	stream.indirect.gather [hbm4b:s2+s6], $0x80, s10, s6, $0xb8;
	[tilespmem:$0x4400] =	vst v63  }
0x1d1: {  	_ =	swait.ge [sflag:s8], $0x4000  }
0x1d2: {  	[sflag:s8] =	ssyncset.done $0x0  }
0x1d3: {  	[sflag:s8] =	ssyncadd.s32 $0xFFFFC000  }
0x1d4: {  	[hbm4b:s17+s3] =	stream.linear.scatter [tilespmem:s7], [sflag:$0x2], $0x4000, $0x38;
	[tilespmem:$0x4400] =	vst v63  }
0x1d5: {  	_ =	swait.ge [sflag:s5], $0x4000  }
0x1d6: {  	[sflag:s5] =	ssyncset.done $0x0  }
0x1d7: {  	[sflag:s5] =	ssyncadd.s32 $0xFFFFC000  }
0x1d8: {  	[tilespmem:s7], [sflag:$0x1] =	stream.indirect.gather [hbm4b:s2+s6], $0x80, s11, s6, $0xb8;
	[tilespmem:$0x4400] =	vst v63  }
0x1d9: {  	_ =	swait.ge [sflag:s8], $0x4000  }
0x1da: {  	[sflag:s8] =	ssyncset.done $0x0  }
0x1db: {  	[sflag:s8] =	ssyncadd.s32 $0xFFFFC000  }
0x1dc: {  	[hbm4b:s18+s3] =	stream.linear.scatter [tilespmem:s7], [sflag:$0x2], $0x4000, $0x38;
	[tilespmem:$0x4400] =	vst v63  }
0x1dd: {  	_ =	swait.ge [sflag:s5], $0x4000  }
0x1de: {  	[sflag:s5] =	ssyncset.done $0x0  }
0x1df: {  	[sflag:s5] =	ssyncadd.s32 $0xFFFFC000  }
0x1e0: {  	[tilespmem:s7], [sflag:$0x1] =	stream.indirect.gather [hbm4b:s2+s6], $0x80, s12, s6, $0xb8;
	[tilespmem:$0x4400] =	vst v63  }
0x1e1: {  	_ =	swait.ge [sflag:s8], $0x4000  }
0x1e2: {  	[sflag:s8] =	ssyncset.done $0x0  }
0x1e3: {  	[sflag:s8] =	ssyncadd.s32 $0xFFFFC000  }
0x1e4: {  	[hbm4b:s19+s3] =	stream.linear.scatter [tilespmem:s7], [sflag:$0x2], $0x4000, $0x38;
	[tilespmem:$0x4400] =	vst v63  }
0x1e5: {  	_ =	swait.ge [sflag:s5], $0x4000  }
0x1e6: {  	[sflag:s5] =	ssyncset.done $0x0  }
0x1e7: {  	[sflag:s5] =	ssyncadd.s32 $0xFFFFC000  }
0x1e8: {  	[tilespmem:s7], [sflag:$0x1] =	stream.indirect.gather [hbm4b:s2+s6], $0x80, s13, s6, $0xb8;
	[tilespmem:$0x4400] =	vst v63  }
0x1e9: {  	_ =	swait.ge [sflag:s8], $0x4000  }
0x1ea: {  	[sflag:s8] =	ssyncset.done $0x0  }
0x1eb: {  	[sflag:s8] =	ssyncadd.s32 $0xFFFFC000  }
0x1ec: {  	[hbm4b:s20+s3] =	stream.linear.scatter [tilespmem:s7], [sflag:$0x2], $0x4000, $0x38;
	[tilespmem:$0x4400] =	vst v63  }
0x1ed: {  	_ =	swait.ge [sflag:s5], $0x4000  }
0x1ee: {  	[sflag:s5] =	ssyncset.done $0x0  }
0x1ef: {  	[sflag:s5] =	ssyncadd.s32 $0xFFFFC000  }
0x1f0: {  	[tilespmem:s7], [sflag:$0x1] =	stream.indirect.gather [hbm4b:s2+s6], $0x80, s14, s6, $0xb8;
	[tilespmem:$0x4400] =	vst v63  }
0x1f1: {  	_ =	swait.ge [sflag:s8], $0x4000  }
0x1f2: {  	[sflag:s8] =	ssyncset.done $0x0  }
0x1f3: {  	[sflag:s8] =	ssyncadd.s32 $0xFFFFC000  }
0x1f4: {  	[hbm4b:s21+s3] =	stream.linear.scatter [tilespmem:s7], [sflag:$0x2], $0x4000, $0x38;
	[tilespmem:$0x4400] =	vst v63  }
0x1f5: {  	_ =	swait.ge [sflag:s5], $0x4000  }
0x1f6: {  	[sflag:s5] =	ssyncset.done $0x0  }
0x1f7: {  	[sflag:s5] =	ssyncadd.s32 $0xFFFFC000  }
0x1f8: {  	[tilespmem:s3], [sflag:$0x2] =	stream.linear.gather [hbm4b:s22+s3], $0x400, $0x38;
	[tilespmem:$0x4400] =	vst v63  }
0x1f9: {  	_ =	swait.ge [sflag:s5], $0x400  }
0x1fa: {  	[sflag:s5] =	ssyncset.done $0x0  }
0x1fb: {  	[sflag:s5] =	ssyncadd.s32 $0xFFFFFC00  }
0x1fc: {  	[tilespmem:s7], [sflag:$0x1] =	stream.indirect.gather [hbm4b:s2+s6], $0x80, s3, s6, $0xb8;
	[tilespmem:$0x4400] =	vst v63  }
0x1fd: {  	_ =	swait.ge [sflag:s8], $0x4000  }
0x1fe: {  	[sflag:s8] =	ssyncset.done $0x0  }
0x1ff: {  	[sflag:s8] =	ssyncadd.s32 $0xFFFFC000  }
0x200: {  	[hbm4b:s23+s3] =	stream.linear.scatter [tilespmem:s7], [sflag:$0x2], $0x4000, $0x38;
	[tilespmem:$0x4400] =	vst v63  }
0x201: {  	_ =	swait.ge [sflag:s5], $0x4000  }
0x202: {  	[sflag:s5] =	ssyncset.done $0x0  }
0x203: {  	[sflag:s5] =	ssyncadd.s32 $0xFFFFC000  }
0x204: {  	[tilespmem:s7], [sflag:$0x1] =	stream.indirect.gather [hbm4b:s2+s6], $0x80, s6, s6, $0xb8;
	[tilespmem:$0x4400] =	vst v63  }
0x205: {  	_ =	swait.ge [sflag:s8], $0x4000  }
0x206: {  	[sflag:s8] =	ssyncset.done $0x0  }
0x207: {  	[sflag:s8] =	ssyncadd.s32 $0xFFFFC000  }
0x208: {  	[hbm4b:s24+s3] =	stream.linear.scatter [tilespmem:s7], [sflag:$0x2], $0x4000, $0x38;
	[tilespmem:$0x4400] =	vst v63  }
0x209: {  	_ =	swait.ge [sflag:s5], $0x4000  }
0x20a: {  	[sflag:s5] =	ssyncset.done $0x0  }
0x20b: {  	[sflag:s5] =	ssyncadd.s32 $0xFFFFC000  }
0x20c: {  	[tilespmem:s7], [sflag:$0x1] =	stream.indirect.gather [hbm4b:s2+s6], $0x80, s9, s6, $0xb8;
	[tilespmem:$0x4400] =	vst v63  }
0x20d: {  	_ =	swait.ge [sflag:s8], $0x4000  }
0x20e: {  	[sflag:s8] =	ssyncset.done $0x0  }
0x20f: {  	[sflag:s8] =	ssyncadd.s32 $0xFFFFC000  }
0x210: {  	[hbm4b:s25+s3] =	stream.linear.scatter [tilespmem:s7], [sflag:$0x2], $0x4000, $0x38;
	[tilespmem:$0x4400] =	vst v63  }
0x211: {  	_ =	swait.ge [sflag:s5], $0x4000  }
0x212: {  	[sflag:s5] =	ssyncset.done $0x0  }
0x213: {  	[sflag:s5] =	ssyncadd.s32 $0xFFFFC000  }
0x214: {  	[tilespmem:s7], [sflag:$0x1] =	stream.indirect.gather [hbm4b:s2+s6], $0x80, s10, s6, $0xb8;
	[tilespmem:$0x4400] =	vst v63  }
0x215: {  	_ =	swait.ge [sflag:s8], $0x4000  }
0x216: {  	[sflag:s8] =	ssyncset.done $0x0  }
0x217: {  	[sflag:s8] =	ssyncadd.s32 $0xFFFFC000  }
0x218: {  	[hbm4b:s26+s3] =	stream.linear.scatter [tilespmem:s7], [sflag:$0x2], $0x4000, $0x38;
	[tilespmem:$0x4400] =	vst v63  }
0x219: {  	_ =	swait.ge [sflag:s5], $0x4000  }
0x21a: {  	[sflag:s5] =	ssyncset.done $0x0  }
0x21b: {  	[sflag:s5] =	ssyncadd.s32 $0xFFFFC000  }
0x21c: {  	[tilespmem:s7], [sflag:$0x1] =	stream.indirect.gather [hbm4b:s2+s6], $0x80, s11, s6, $0xb8;
	[tilespmem:$0x4400] =	vst v63  }
0x21d: {  	_ =	swait.ge [sflag:s8], $0x4000  }
0x21e: {  	[sflag:s8] =	ssyncset.done $0x0  }
0x21f: {  	[sflag:s8] =	ssyncadd.s32 $0xFFFFC000  }
0x220: {  	[hbm4b:s28+s3] =	stream.linear.scatter [tilespmem:s7], [sflag:$0x2], $0x4000, $0x38;
	[tilespmem:$0x4400] =	vst v63  }
0x221: {  	_ =	swait.ge [sflag:s5], $0x4000  }
0x222: {  	[sflag:s5] =	ssyncset.done $0x0  }
0x223: {  	[sflag:s5] =	ssyncadd.s32 $0xFFFFC000  }
0x224: {  	[tilespmem:s7], [sflag:$0x1] =	stream.indirect.gather [hbm4b:s2+s6], $0x80, s12, s6, $0xb8;
	[tilespmem:$0x4400] =	vst v63  }
0x225: {  	_ =	swait.ge [sflag:s8], $0x4000  }
0x226: {  	[sflag:s8] =	ssyncset.done $0x0  }
0x227: {  	[sflag:s8] =	ssyncadd.s32 $0xFFFFC000  }
0x228: {  	[hbm4b:s29+s3] =	stream.linear.scatter [tilespmem:s7], [sflag:$0x2], $0x4000, $0x38;
	[tilespmem:$0x4400] =	vst v63  }
0x229: {  	_ =	swait.ge [sflag:s5], $0x4000  }
0x22a: {  	[sflag:s5] =	ssyncset.done $0x0  }
0x22b: {  	[sflag:s5] =	ssyncadd.s32 $0xFFFFC000  }
0x22c: {  	[tilespmem:s7], [sflag:$0x1] =	stream.indirect.gather [hbm4b:s2+s6], $0x80, s13, s6, $0xb8;
	[tilespmem:$0x4400] =	vst v63  }
0x22d: {  	_ =	swait.ge [sflag:s8], $0x4000  }
0x22e: {  	[sflag:s8] =	ssyncset.done $0x0  }
0x22f: {  	[sflag:s8] =	ssyncadd.s32 $0xFFFFC000  }
0x230: {  	[hbm4b:s30+s3] =	stream.linear.scatter [tilespmem:s7], [sflag:$0x2], $0x4000, $0x38;
	[tilespmem:$0x4400] =	vst v63  }
0x231: {  	_ =	swait.ge [sflag:s5], $0x4000  }
0x232: {  	[sflag:s5] =	ssyncset.done $0x0  }
0x233: {  	[sflag:s5] =	ssyncadd.s32 $0xFFFFC000  }
0x234: {  	[tilespmem:s7], [sflag:$0x1] =	stream.indirect.gather [hbm4b:s2+s6], $0x80, s14, s6, $0xb8;
	[tilespmem:$0x4400] =	vst v63  }
0x235: {  	p0 =	sne.s32 s0, $0x1;
	_ =	swait.ge [sflag:s8], $0x4000  }
.Ltmp1:
0x236: {  	[sflag:s8] =	ssyncset.done $0x0;
	(pc) =	sbr.rel @p0 .LBB2_1-.Ltmp1, $4  }
0x237: {  	[sflag:s8] =	ssyncadd.s32 $0xFFFFC000  }
0x238: {  	[hbm4b:s31+s3] =	stream.linear.scatter [tilespmem:s7], [sflag:$0x2], $0x4000, $0x38;
	[tilespmem:$0x4400] =	vst v63  }
0x239: {  	_ =	swait.ge [sflag:s5], $0x4000  }
0x23a: {  	s0 =	sadd.s32 $0xFFFFFFFF, s0;
	[sflag:s5] =	ssyncset.done $0x0  }
.LBB2_2:
0x23b: {  	[sflag:s5] =	ssyncadd.s32 $0xFFFFC000  }
0x23c: {  	_ =	sfence.sel $0x180000  }
0x23d: {  	[bflag:$0x0] =	sbarrier.arrive $0xFFFF  }
0x23e: {  	_ =	strace $0x90000047  }
0x23f: {  	s0 =	stileid.u32;
	[bflag:$0x2] =	sbarrier.arrive $0xFFFF  }
0x240: {  	p0 =	sne.s32 s0, $0x0;
	s0 =	rddreg [dreg:$0x3]  }
0x241: {  	s0 =	sadd.s32 @!p0 $0x100000, s0  }
0x242: {  	[sflag:s0] =	ssyncadd.tile.s32 @!p0 $0x1;
	_ =	shalt  }
.Lfunc_end2:
_tile_overlayer_lowered:
.L_overlay_start_2:
0x243: {  	(tag) =	ssettag $0x2  }
0x244: {  	s0 =	rddreg [dreg:$0x0];
	s2 =	stileid.u32  }
0x245: {  	s1 =	rddreg [dreg:$0x1];
	p0 =	sne.s32 s2, $0x0  }
0x246: {  	s3 =	rddreg [dreg:$0x2];
	[bflag:$0x3] =	sbarrier.arrive $0xFFFF;
	s2 =	simm.s32 @!p0 $0x1C02  }
0x247: {  	[timem:s3], [sflag:s2] =	dma.local @!p0 [hbm:s0], s1  }
0x248: {  	s0 =	simm.s32 @!p0 $0x2  }
0x249: {  	_ =	swait.ge @!p0 [sflag:s0], s1  }
0x24a: {  	s1 =	ssub.s32 @!p0 $0x0, s1;
	[sflag:s0] =	ssyncset.done @!p0 $0x0  }
0x24b: {  	[sflag:s0] =	ssyncadd.s32 @!p0 s1  }
0x24c: {  	[bflag:$0x3] =	sbarrier.arrive $0xFFFF  }
0x24d: {  	_ =	shalt  }

</sc_bundles>
